<compile_context>
chip_gen: v7x
topology: tpu7x:2x2x1
jax: 0.10.2.dev20260603
libtpu: 0.0.44.dev20260713+nightly
codegen_flags: <defaults>
</compile_context>

<pallas_src>
import functools
import math

import jax
import jax.numpy as jnp
from jax import lax
from jax.experimental import pallas as pl
from jax.experimental.pallas import tpu as pltpu
from jax.experimental.pallas import tpu_sc as plsc

VOCAB = 100000
D_MODEL = 1024
SCALE = math.sqrt(D_MODEL)
LANES = 16
VECS_PER_ROW = D_MODEL // LANES

NUM_CORES = 2
NUM_SUBCORES = 16
NW = NUM_CORES * NUM_SUBCORES

B_TOTAL = 16384
B_PER_W = B_TOTAL // NW
CHUNK = 16
NCHUNK = B_PER_W // CHUNK
NBUF = 7
QCHUNK = 16


def _emb_body(idx_hbm, table_hbm, out_hbm, idx_v, rows_v, gsems, osems):
    wid = lax.axis_index("s") * NUM_CORES + lax.axis_index("c")
    base = wid * B_PER_W
    w_per_row = 4096 // B_PER_W
    pltpu.sync_copy(
        idx_hbm.at[wid // w_per_row, pl.ds((wid % w_per_row) * B_PER_W, B_PER_W)],
        idx_v,
    )

    def start_gather(n, b):
        pltpu.async_copy(
            table_hbm.at[idx_v.at[pl.ds(n * CHUNK, CHUNK)]],
            rows_v.at[b],
            gsems.at[b],
        )

    def wait_gather(b):
        pltpu.make_async_copy(
            table_hbm.at[idx_v.at[pl.ds(0, CHUNK)]], rows_v.at[b], gsems.at[b]
        ).wait()

    def start_out(c, b):
        pltpu.async_copy(
            rows_v.at[b], out_hbm.at[pl.ds(base + c * CHUNK, CHUNK)], osems.at[b]
        )

    def wait_out(b):
        pltpu.make_async_copy(
            rows_v.at[b], out_hbm.at[pl.ds(0, CHUNK)], osems.at[b]
        ).wait()

    for n in range(NBUF - 1):
        start_gather(n, n)

    def half_step(c):
        b = c % NBUF
        bn = (c + NBUF - 1) % NBUF

        @pl.when(c + NBUF - 1 < NCHUNK)
        def _():
            @pl.when(c >= 1)
            def _():
                wait_out(bn)

            start_gather(c + NBUF - 1, bn)

        wait_gather(b)

        @plsc.parallel_loop(0, CHUNK, step=1)
        def _(r):
            for v in range(VECS_PER_ROW):
                sl = pl.ds(v * LANES, LANES)
                rows_v[b, r, sl] = rows_v[b, r, sl] * SCALE

        start_out(c, b)

    def chunk_step(i, _):
        half_step(2 * i)
        half_step(2 * i + 1)
        return 0

    lax.fori_loop(0, NCHUNK // 2, chunk_step, 0)

    for n in range(NCHUNK - NBUF, NCHUNK):
        wait_out(n % NBUF)


@jax.jit
def _embed(x, table):
    mesh = plsc.VectorSubcoreMesh(core_axis_name="c", subcore_axis_name="s")
    out = pl.kernel(
        _emb_body,
        out_type=jax.ShapeDtypeStruct((B_TOTAL, D_MODEL), jnp.float32),
        mesh=mesh,
        scratch_types=[
            pltpu.VMEM((B_PER_W,), jnp.int32),
            pltpu.VMEM((NBUF, CHUNK, D_MODEL), jnp.float32),
            pltpu.SemaphoreType.DMA((NBUF,)),
            pltpu.SemaphoreType.DMA((NBUF,)),
        ],
    )(x, table)
    return out


def kernel(x, table):
    out = _embed(x, table)
    return out.reshape(x.shape[0], x.shape[1], D_MODEL)

# --- scband reference (transcript-rebuilt; emitter-appended) ---
"""Pipeline reference for scband-token-embedding-26491358282254 (READ-ONLY COPY).

The authoritative reference and input builder live on the scoring server;
editing this copy changes nothing except your own understanding.
"""

import jax, jax.numpy as jnp
import numpy as np
import math

VOCAB = 100000
D_MODEL = 1024
BATCH = 4
SEQ = 4096


def setup_inputs(seed: int = 0) -> dict:
    key = jax.random.key(seed)
    k_idx, k_tab = jax.random.split(key)
    x = jax.random.randint(k_idx, (BATCH, SEQ), 0, VOCAB, dtype=jnp.int64 if jax.config.jax_enable_x64 else jnp.int32)
    table = jax.random.normal(k_tab, (VOCAB, D_MODEL), dtype=jnp.float32) * 0.02
    return {"x": x, "table": table}


def reference(x, table):
    # TokenEmbedding.forward: emb = embedding(x); emb = emb * sqrt(d_model) (scale=True)
    emb = jnp.take(table, x, axis=0)
    emb = emb * math.sqrt(D_MODEL)
    return emb

if __name__ == "__main__":
    import jax
    _d = setup_inputs()
    print(jax.jit(kernel)(*tuple(_d.values())))

</pallas_src>

<mosaic_0001>
#map = affine_map<(d0, d1) -> (0, 0)>
module attributes {stable_mosaic.version = 14 : i64} {
  func.func @_emb_body(%arg0: i32, %arg1: i32, %arg2: memref<4x4096xi32, #tpu.memory_space<hbm>>, %arg3: memref<100000x1024xf32, #tpu.memory_space<hbm>>, %arg4: memref<16384x1024xf32, #tpu.memory_space<hbm>>, %arg5: memref<512xi32, #tpu.memory_space<vmem>>, %arg6: memref<7x16x1024xf32, #tpu.memory_space<vmem>>, %arg7: memref<7x!tpu.dma_semaphore, #tpu.memory_space<semaphore_mem>>, %arg8: memref<7x!tpu.dma_semaphore, #tpu.memory_space<semaphore_mem>>) attributes {dimension_semantics = [#tpu.dimension_semantics<core_parallel>, #tpu.dimension_semantics<subcore_parallel>], iteration_bounds = array<i64: 2, 16>, scalar_prefetch = 0 : i64, scratch_operands = 4 : i64, tpu.core_type = #tpu.core_type<sc_vector_subcore>, window_params = [{transform_indices = #map}, {transform_indices = #map}, {transform_indices = #map}]} {
    %mul3A = arith.constant 2 : i32
    %mul3A_0 = arith.muli %arg1, %mul3A : i32
    %add3A = arith.addi %mul3A_0, %arg0 : i32
    %mul3A_1 = arith.constant 512 : i32
    %mul3A_2 = arith.muli %add3A, %mul3A_1 : i32
    %jit3A = arith.constant 8 : i32
    %div3A = arith.divsi %add3A, %jit3A : i32
    %sign3A = arith.constant 0 : i32
    %sign3A_3 = arith.cmpi sgt, %add3A, %sign3A : i32
    %sign3A_4 = arith.extui %sign3A_3 : i1 to i32
    %sign3A_5 = arith.constant 0 : i32
    %sign3A_6 = arith.cmpi slt, %add3A, %sign3A_5 : i32
    %sign3A_7 = arith.extui %sign3A_6 : i1 to i32
    %sign3A_8 = arith.subi %sign3A_4, %sign3A_7 : i32
    %sign3A_9 = arith.constant 0 : i32
    %sign3A_10 = arith.cmpi sgt, %jit3A, %sign3A_9 : i32
    %sign3A_11 = arith.extui %sign3A_10 : i1 to i32
    %sign3A_12 = arith.constant 0 : i32
    %sign3A_13 = arith.cmpi slt, %jit3A, %sign3A_12 : i32
    %sign3A_14 = arith.extui %sign3A_13 : i1 to i32
    %sign3A_15 = arith.subi %sign3A_11, %sign3A_14 : i32
    %ne3A = arith.cmpi ne, %sign3A_8, %sign3A_15 : i32
    %rem3A = arith.remsi %add3A, %jit3A : i32
    %ne3A_16 = arith.constant 0 : i32
    %ne3A_17 = arith.cmpi ne, %rem3A, %ne3A_16 : i32
    %and3A = arith.andi %ne3A, %ne3A_17 : i1
    %sub3A = arith.constant 1 : i32
    %sub3A_18 = arith.subi %div3A, %sub3A : i32
    %select_n3A = arith.select %and3A, %sub3A_18, %div3A : i32
    %jit3A_19 = arith.constant 8 : i32
    %eq3A = arith.constant 0 : i32
    %eq3A_20 = arith.cmpi eq, %jit3A_19, %eq3A : i32
    %jit3A_21 = arith.constant 1 : i32
    %select_n3A_22 = arith.select %eq3A_20, %jit3A_21, %jit3A_19 : i32
    %rem3A_23 = arith.remsi %add3A, %select_n3A_22 : i32
    %ne3A_24 = arith.constant 0 : i32
    %ne3A_25 = arith.cmpi ne, %rem3A_23, %ne3A_24 : i32
    %lt3A = arith.constant 0 : i32
    %lt3A_26 = arith.cmpi slt, %rem3A_23, %lt3A : i32
    %lt3A_27 = arith.constant 0 : i32
    %lt3A_28 = arith.cmpi slt, %select_n3A_22, %lt3A_27 : i32
    %ne3A_29 = arith.xori %lt3A_26, %lt3A_28 : i1
    %and3A_30 = arith.andi %ne3A_29, %ne3A_25 : i1
    %add3A_31 = arith.addi %rem3A_23, %select_n3A_22 : i32
    %select_n3A_32 = arith.select %and3A_30, %add3A_31, %rem3A_23 : i32
    %mul3A_33 = arith.constant 512 : i32
    %mul3A_34 = arith.muli %select_n3A_32, %mul3A_33 : i32
    "tpu.region"() ({
      %run_scoped3A = tpu.sem_alloc : memref<!tpu.dma_semaphore, #tpu.memory_space<semaphore_mem>>
      %dma_start3A_243 = tpu.memref_slice %arg2[%select_n3A, %mul3A_34] : memref<4x4096xi32, #tpu.memory_space<hbm>> -> memref<1x512xi32, #tpu.memory_space<hbm>>
      %dma_start3A_244 = tpu.memref_squeeze %dma_start3A_243 : memref<1x512xi32, #tpu.memory_space<hbm>> -> memref<512xi32, #tpu.memory_space<hbm>>
      %dma_start3A_245 = tpu.memref_slice %arg2[%select_n3A, %mul3A_34] : memref<4x4096xi32, #tpu.memory_space<hbm>> -> memref<1x512xi32, #tpu.memory_space<hbm>>
      %dma_start3A_246 = tpu.memref_squeeze %dma_start3A_245 : memref<1x512xi32, #tpu.memory_space<hbm>> -> memref<512xi32, #tpu.memory_space<hbm>>
      tpu.enqueue_dma source(%dma_start3A_246 : memref<512xi32, #tpu.memory_space<hbm>>) target(%arg5 : memref<512xi32, #tpu.memory_space<vmem>>) target_semaphore(%run_scoped3A : memref<!tpu.dma_semaphore, #tpu.memory_space<semaphore_mem>>)
      %dma_wait3A_247 = tpu.memref_slice %arg2[%select_n3A, %mul3A_34] : memref<4x4096xi32, #tpu.memory_space<hbm>> -> memref<1x512xi32, #tpu.memory_space<hbm>>
      %dma_wait3A_248 = tpu.memref_squeeze %dma_wait3A_247 : memref<1x512xi32, #tpu.memory_space<hbm>> -> memref<512xi32, #tpu.memory_space<hbm>>
      %dma_wait3A_249 = tpu.memref_slice %arg2[%select_n3A, %mul3A_34] : memref<4x4096xi32, #tpu.memory_space<hbm>> -> memref<1x512xi32, #tpu.memory_space<hbm>>
      %dma_wait3A_250 = tpu.memref_squeeze %dma_wait3A_249 : memref<1x512xi32, #tpu.memory_space<hbm>> -> memref<512xi32, #tpu.memory_space<hbm>>
      tpu.wait_dma2 semaphore(%run_scoped3A : memref<!tpu.dma_semaphore, #tpu.memory_space<semaphore_mem>>) src(%dma_wait3A_250 : memref<512xi32, #tpu.memory_space<hbm>>) dst(%arg5 : memref<512xi32, #tpu.memory_space<vmem>>)
      tpu.yield
    }) : () -> ()
    %dma_start3A = arith.constant 0 : i32
    %dma_start3A_35 = arith.constant 0 : i32
    %dma_start3A_36 = arith.constant 0 : i32
    %dma_start3A_37 = arith.constant 0 : i32
    %dma_start3A_38 = tpu.memref_slice %arg6[%dma_start3A, %dma_start3A_36, %dma_start3A_37] : memref<7x16x1024xf32, #tpu.memory_space<vmem>> -> memref<1x16x1024xf32, #tpu.memory_space<vmem>>
    %dma_start3A_39 = tpu.memref_squeeze %dma_start3A_38 : memref<1x16x1024xf32, #tpu.memory_space<vmem>> -> memref<16x1024xf32, #tpu.memory_space<vmem>>
    %dma_start3A_40 = arith.constant 0 : i32
    %dma_start3A_41 = tpu.memref_slice %arg5[%dma_start3A_40] : memref<512xi32, #tpu.memory_space<vmem>> -> memref<16xi32, #tpu.memory_space<vmem>>
    %dma_start3A_42 = arith.constant 0 : i32
    %dma_start3A_43 = arith.constant 0 : i32
    %dma_start3A_44 = tpu.memref_slice %arg3[%dma_start3A_42, %dma_start3A_43] : memref<100000x1024xf32, #tpu.memory_space<hbm>> -> memref<100000x1024xf32, #tpu.memory_space<hbm>>
    %dma_start3A_45 = tpu.memref_slice %arg7[%dma_start3A_35] : memref<7x!tpu.dma_semaphore, #tpu.memory_space<semaphore_mem>> -> memref<1x!tpu.dma_semaphore, #tpu.memory_space<semaphore_mem>>
    %dma_start3A_46 = tpu.memref_squeeze %dma_start3A_45 : memref<1x!tpu.dma_semaphore, #tpu.memory_space<semaphore_mem>> -> memref<!tpu.dma_semaphore, #tpu.memory_space<semaphore_mem>>
    tpu.enqueue_indirect_dma source(%dma_start3A_44 : memref<100000x1024xf32, #tpu.memory_space<hbm>>) target(%dma_start3A_39 : memref<16x1024xf32, #tpu.memory_space<vmem>>) offsets(%dma_start3A_41 : memref<16xi32, #tpu.memory_space<vmem>>) semaphore(%dma_start3A_46 : memref<!tpu.dma_semaphore, #tpu.memory_space<semaphore_mem>>)
    %dma_start3A_47 = arith.constant 1 : i32
    %dma_start3A_48 = arith.constant 1 : i32
    %dma_start3A_49 = arith.constant 0 : i32
    %dma_start3A_50 = arith.constant 0 : i32
    %dma_start3A_51 = tpu.memref_slice %arg6[%dma_start3A_47, %dma_start3A_49, %dma_start3A_50] : memref<7x16x1024xf32, #tpu.memory_space<vmem>> -> memref<1x16x1024xf32, #tpu.memory_space<vmem>>
    %dma_start3A_52 = tpu.memref_squeeze %dma_start3A_51 : memref<1x16x1024xf32, #tpu.memory_space<vmem>> -> memref<16x1024xf32, #tpu.memory_space<vmem>>
    %dma_start3A_53 = arith.constant 16 : i32
    %dma_start3A_54 = tpu.memref_slice %arg5[%dma_start3A_53] : memref<512xi32, #tpu.memory_space<vmem>> -> memref<16xi32, #tpu.memory_space<vmem>>
    %dma_start3A_55 = arith.constant 0 : i32
    %dma_start3A_56 = arith.constant 0 : i32
    %dma_start3A_57 = tpu.memref_slice %arg3[%dma_start3A_55, %dma_start3A_56] : memref<100000x1024xf32, #tpu.memory_space<hbm>> -> memref<100000x1024xf32, #tpu.memory_space<hbm>>
    %dma_start3A_58 = tpu.memref_slice %arg7[%dma_start3A_48] : memref<7x!tpu.dma_semaphore, #tpu.memory_space<semaphore_mem>> -> memref<1x!tpu.dma_semaphore, #tpu.memory_space<semaphore_mem>>
    %dma_start3A_59 = tpu.memref_squeeze %dma_start3A_58 : memref<1x!tpu.dma_semaphore, #tpu.memory_space<semaphore_mem>> -> memref<!tpu.dma_semaphore, #tpu.memory_space<semaphore_mem>>
    tpu.enqueue_indirect_dma source(%dma_start3A_57 : memref<100000x1024xf32, #tpu.memory_space<hbm>>) target(%dma_start3A_52 : memref<16x1024xf32, #tpu.memory_space<vmem>>) offsets(%dma_start3A_54 : memref<16xi32, #tpu.memory_space<vmem>>) semaphore(%dma_start3A_59 : memref<!tpu.dma_semaphore, #tpu.memory_space<semaphore_mem>>)
    %dma_start3A_60 = arith.constant 2 : i32
    %dma_start3A_61 = arith.constant 2 : i32
    %dma_start3A_62 = arith.constant 0 : i32
    %dma_start3A_63 = arith.constant 0 : i32
    %dma_start3A_64 = tpu.memref_slice %arg6[%dma_start3A_60, %dma_start3A_62, %dma_start3A_63] : memref<7x16x1024xf32, #tpu.memory_space<vmem>> -> memref<1x16x1024xf32, #tpu.memory_space<vmem>>
    %dma_start3A_65 = tpu.memref_squeeze %dma_start3A_64 : memref<1x16x1024xf32, #tpu.memory_space<vmem>> -> memref<16x1024xf32, #tpu.memory_space<vmem>>
    %dma_start3A_66 = arith.constant 32 : i32
    %dma_start3A_67 = tpu.memref_slice %arg5[%dma_start3A_66] : memref<512xi32, #tpu.memory_space<vmem>> -> memref<16xi32, #tpu.memory_space<vmem>>
    %dma_start3A_68 = arith.constant 0 : i32
    %dma_start3A_69 = arith.constant 0 : i32
    %dma_start3A_70 = tpu.memref_slice %arg3[%dma_start3A_68, %dma_start3A_69] : memref<100000x1024xf32, #tpu.memory_space<hbm>> -> memref<100000x1024xf32, #tpu.memory_space<hbm>>
    %dma_start3A_71 = tpu.memref_slice %arg7[%dma_start3A_61] : memref<7x!tpu.dma_semaphore, #tpu.memory_space<semaphore_mem>> -> memref<1x!tpu.dma_semaphore, #tpu.memory_space<semaphore_mem>>
    %dma_start3A_72 = tpu.memref_squeeze %dma_start3A_71 : memref<1x!tpu.dma_semaphore, #tpu.memory_space<semaphore_mem>> -> memref<!tpu.dma_semaphore, #tpu.memory_space<semaphore_mem>>
    tpu.enqueue_indirect_dma source(%dma_start3A_70 : memref<100000x1024xf32, #tpu.memory_space<hbm>>) target(%dma_start3A_65 : memref<16x1024xf32, #tpu.memory_space<vmem>>) offsets(%dma_start3A_67 : memref<16xi32, #tpu.memory_space<vmem>>) semaphore(%dma_start3A_72 : memref<!tpu.dma_semaphore, #tpu.memory_space<semaphore_mem>>)
    %dma_start3A_73 = arith.constant 3 : i32
    %dma_start3A_74 = arith.constant 3 : i32
    %dma_start3A_75 = arith.constant 0 : i32
    %dma_start3A_76 = arith.constant 0 : i32
    %dma_start3A_77 = tpu.memref_slice %arg6[%dma_start3A_73, %dma_start3A_75, %dma_start3A_76] : memref<7x16x1024xf32, #tpu.memory_space<vmem>> -> memref<1x16x1024xf32, #tpu.memory_space<vmem>>
    %dma_start3A_78 = tpu.memref_squeeze %dma_start3A_77 : memref<1x16x1024xf32, #tpu.memory_space<vmem>> -> memref<16x1024xf32, #tpu.memory_space<vmem>>
    %dma_start3A_79 = arith.constant 48 : i32
    %dma_start3A_80 = tpu.memref_slice %arg5[%dma_start3A_79] : memref<512xi32, #tpu.memory_space<vmem>> -> memref<16xi32, #tpu.memory_space<vmem>>
    %dma_start3A_81 = arith.constant 0 : i32
    %dma_start3A_82 = arith.constant 0 : i32
    %dma_start3A_83 = tpu.memref_slice %arg3[%dma_start3A_81, %dma_start3A_82] : memref<100000x1024xf32, #tpu.memory_space<hbm>> -> memref<100000x1024xf32, #tpu.memory_space<hbm>>
    %dma_start3A_84 = tpu.memref_slice %arg7[%dma_start3A_74] : memref<7x!tpu.dma_semaphore, #tpu.memory_space<semaphore_mem>> -> memref<1x!tpu.dma_semaphore, #tpu.memory_space<semaphore_mem>>
    %dma_start3A_85 = tpu.memref_squeeze %dma_start3A_84 : memref<1x!tpu.dma_semaphore, #tpu.memory_space<semaphore_mem>> -> memref<!tpu.dma_semaphore, #tpu.memory_space<semaphore_mem>>
    tpu.enqueue_indirect_dma source(%dma_start3A_83 : memref<100000x1024xf32, #tpu.memory_space<hbm>>) target(%dma_start3A_78 : memref<16x1024xf32, #tpu.memory_space<vmem>>) offsets(%dma_start3A_80 : memref<16xi32, #tpu.memory_space<vmem>>) semaphore(%dma_start3A_85 : memref<!tpu.dma_semaphore, #tpu.memory_space<semaphore_mem>>)
    %dma_start3A_86 = arith.constant 4 : i32
    %dma_start3A_87 = arith.constant 4 : i32
    %dma_start3A_88 = arith.constant 0 : i32
    %dma_start3A_89 = arith.constant 0 : i32
    %dma_start3A_90 = tpu.memref_slice %arg6[%dma_start3A_86, %dma_start3A_88, %dma_start3A_89] : memref<7x16x1024xf32, #tpu.memory_space<vmem>> -> memref<1x16x1024xf32, #tpu.memory_space<vmem>>
    %dma_start3A_91 = tpu.memref_squeeze %dma_start3A_90 : memref<1x16x1024xf32, #tpu.memory_space<vmem>> -> memref<16x1024xf32, #tpu.memory_space<vmem>>
    %dma_start3A_92 = arith.constant 64 : i32
    %dma_start3A_93 = tpu.memref_slice %arg5[%dma_start3A_92] : memref<512xi32, #tpu.memory_space<vmem>> -> memref<16xi32, #tpu.memory_space<vmem>>
    %dma_start3A_94 = arith.constant 0 : i32
    %dma_start3A_95 = arith.constant 0 : i32
    %dma_start3A_96 = tpu.memref_slice %arg3[%dma_start3A_94, %dma_start3A_95] : memref<100000x1024xf32, #tpu.memory_space<hbm>> -> memref<100000x1024xf32, #tpu.memory_space<hbm>>
    %dma_start3A_97 = tpu.memref_slice %arg7[%dma_start3A_87] : memref<7x!tpu.dma_semaphore, #tpu.memory_space<semaphore_mem>> -> memref<1x!tpu.dma_semaphore, #tpu.memory_space<semaphore_mem>>
    %dma_start3A_98 = tpu.memref_squeeze %dma_start3A_97 : memref<1x!tpu.dma_semaphore, #tpu.memory_space<semaphore_mem>> -> memref<!tpu.dma_semaphore, #tpu.memory_space<semaphore_mem>>
    tpu.enqueue_indirect_dma source(%dma_start3A_96 : memref<100000x1024xf32, #tpu.memory_space<hbm>>) target(%dma_start3A_91 : memref<16x1024xf32, #tpu.memory_space<vmem>>) offsets(%dma_start3A_93 : memref<16xi32, #tpu.memory_space<vmem>>) semaphore(%dma_start3A_98 : memref<!tpu.dma_semaphore, #tpu.memory_space<semaphore_mem>>)
    %dma_start3A_99 = arith.constant 5 : i32
    %dma_start3A_100 = arith.constant 5 : i32
    %dma_start3A_101 = arith.constant 0 : i32
    %dma_start3A_102 = arith.constant 0 : i32
    %dma_start3A_103 = tpu.memref_slice %arg6[%dma_start3A_99, %dma_start3A_101, %dma_start3A_102] : memref<7x16x1024xf32, #tpu.memory_space<vmem>> -> memref<1x16x1024xf32, #tpu.memory_space<vmem>>
    %dma_start3A_104 = tpu.memref_squeeze %dma_start3A_103 : memref<1x16x1024xf32, #tpu.memory_space<vmem>> -> memref<16x1024xf32, #tpu.memory_space<vmem>>
    %dma_start3A_105 = arith.constant 80 : i32
    %dma_start3A_106 = tpu.memref_slice %arg5[%dma_start3A_105] : memref<512xi32, #tpu.memory_space<vmem>> -> memref<16xi32, #tpu.memory_space<vmem>>
    %dma_start3A_107 = arith.constant 0 : i32
    %dma_start3A_108 = arith.constant 0 : i32
    %dma_start3A_109 = tpu.memref_slice %arg3[%dma_start3A_107, %dma_start3A_108] : memref<100000x1024xf32, #tpu.memory_space<hbm>> -> memref<100000x1024xf32, #tpu.memory_space<hbm>>
    %dma_start3A_110 = tpu.memref_slice %arg7[%dma_start3A_100] : memref<7x!tpu.dma_semaphore, #tpu.memory_space<semaphore_mem>> -> memref<1x!tpu.dma_semaphore, #tpu.memory_space<semaphore_mem>>
    %dma_start3A_111 = tpu.memref_squeeze %dma_start3A_110 : memref<1x!tpu.dma_semaphore, #tpu.memory_space<semaphore_mem>> -> memref<!tpu.dma_semaphore, #tpu.memory_space<semaphore_mem>>
    tpu.enqueue_indirect_dma source(%dma_start3A_109 : memref<100000x1024xf32, #tpu.memory_space<hbm>>) target(%dma_start3A_104 : memref<16x1024xf32, #tpu.memory_space<vmem>>) offsets(%dma_start3A_106 : memref<16xi32, #tpu.memory_space<vmem>>) semaphore(%dma_start3A_111 : memref<!tpu.dma_semaphore, #tpu.memory_space<semaphore_mem>>)
    %scan3A = arith.constant 0 : i32
    %scan3A_112 = arith.constant 0 : i32
    %scan3A_113 = arith.constant 16 : i32
    %scan3A_114 = arith.addi %scan3A_112, %scan3A_113 : i32
    %scan3A_115 = arith.constant 1 : i32
    %scan3A_116 = scf.for %scan3A_243 = %scan3A_112 to %scan3A_114 step %scan3A_115 iter_args(%scan3A_244 = %scan3A) -> (i32)  : i32 {
      %mul3A_245 = arith.constant 2 : i32
      %mul3A_246 = arith.muli %mul3A_245, %scan3A_243 : i32
      %jit3A_247 = arith.constant 7 : i32
      %eq3A_248 = arith.constant 0 : i32
      %eq3A_249 = arith.cmpi eq, %jit3A_247, %eq3A_248 : i32
      %jit3A_250 = arith.constant 1 : i32
      %select_n3A_251 = arith.select %eq3A_249, %jit3A_250, %jit3A_247 : i32
      %rem3A_252 = arith.remsi %mul3A_246, %select_n3A_251 : i32
      %ne3A_253 = arith.constant 0 : i32
      %ne3A_254 = arith.cmpi ne, %rem3A_252, %ne3A_253 : i32
      %lt3A_255 = arith.constant 0 : i32
      %lt3A_256 = arith.cmpi slt, %rem3A_252, %lt3A_255 : i32
      %lt3A_257 = arith.constant 0 : i32
      %lt3A_258 = arith.cmpi slt, %select_n3A_251, %lt3A_257 : i32
      %ne3A_259 = arith.xori %lt3A_256, %lt3A_258 : i1
      %and3A_260 = arith.andi %ne3A_259, %ne3A_254 : i1
      %add3A_261 = arith.addi %rem3A_252, %select_n3A_251 : i32
      %select_n3A_262 = arith.select %and3A_260, %add3A_261, %rem3A_252 : i32
      %add3A_263 = arith.constant 7 : i32
      %add3A_264 = arith.addi %mul3A_246, %add3A_263 : i32
      %sub3A_265 = arith.constant 1 : i32
      %sub3A_266 = arith.subi %add3A_264, %sub3A_265 : i32
      %jit3A_267 = arith.constant 7 : i32
      %eq3A_268 = arith.constant 0 : i32
      %eq3A_269 = arith.cmpi eq, %jit3A_267, %eq3A_268 : i32
      %jit3A_270 = arith.constant 1 : i32
      %select_n3A_271 = arith.select %eq3A_269, %jit3A_270, %jit3A_267 : i32
      %rem3A_272 = arith.remsi %sub3A_266, %select_n3A_271 : i32
      %ne3A_273 = arith.constant 0 : i32
      %ne3A_274 = arith.cmpi ne, %rem3A_272, %ne3A_273 : i32
      %lt3A_275 = arith.constant 0 : i32
      %lt3A_276 = arith.cmpi slt, %rem3A_272, %lt3A_275 : i32
      %lt3A_277 = arith.constant 0 : i32
      %lt3A_278 = arith.cmpi slt, %select_n3A_271, %lt3A_277 : i32
      %ne3A_279 = arith.xori %lt3A_276, %lt3A_278 : i1
      %and3A_280 = arith.andi %ne3A_279, %ne3A_274 : i1
      %add3A_281 = arith.addi %rem3A_272, %select_n3A_271 : i32
      %select_n3A_282 = arith.select %and3A_280, %add3A_281, %rem3A_272 : i32
      %add3A_283 = arith.constant 7 : i32
      %add3A_284 = arith.addi %mul3A_246, %add3A_283 : i32
      %sub3A_285 = arith.constant 1 : i32
      %sub3A_286 = arith.subi %add3A_284, %sub3A_285 : i32
      %lt3A_287 = arith.constant 32 : i32
      %lt3A_288 = arith.cmpi slt, %sub3A_286, %lt3A_287 : i32
      %convert_element_type3A = arith.extui %lt3A_288 : i1 to i32
      %cond3A = arith.constant 0 : i32
      %cond3A_289 = arith.cmpi ne, %convert_element_type3A, %cond3A : i32
      scf.if %cond3A_289 {
        %ge3A = arith.constant 1 : i32
        %ge3A_401 = arith.cmpi sge, %mul3A_246, %ge3A : i32
        %convert_element_type3A_402 = arith.extui %ge3A_401 : i1 to i32
        %cond3A_403 = arith.constant 0 : i32
        %cond3A_404 = arith.cmpi ne, %convert_element_type3A_402, %cond3A_403 : i32
        scf.if %cond3A_404 {
          %dma_wait3A_421 = arith.constant 0 : i32
          %dma_wait3A_422 = arith.constant 0 : i32
          %dma_wait3A_423 = tpu.memref_slice %arg6[%select_n3A_282, %dma_wait3A_421, %dma_wait3A_422] : memref<7x16x1024xf32, #tpu.memory_space<vmem>> -> memref<1x16x1024xf32, #tpu.memory_space<vmem>>
          %dma_wait3A_424 = tpu.memref_squeeze %dma_wait3A_423 : memref<1x16x1024xf32, #tpu.memory_space<vmem>> -> memref<16x1024xf32, #tpu.memory_space<vmem>>
          %dma_wait3A_425 = arith.constant 0 : i32
          %dma_wait3A_426 = arith.constant 0 : i32
          %dma_wait3A_427 = tpu.memref_slice %arg4[%dma_wait3A_425, %dma_wait3A_426] : memref<16384x1024xf32, #tpu.memory_space<hbm>> -> memref<16x1024xf32, #tpu.memory_space<hbm>>
          %dma_wait3A_428 = tpu.memref_slice %arg8[%select_n3A_282] : memref<7x!tpu.dma_semaphore, #tpu.memory_space<semaphore_mem>> -> memref<1x!tpu.dma_semaphore, #tpu.memory_space<semaphore_mem>>
          %dma_wait3A_429 = tpu.memref_squeeze %dma_wait3A_428 : memref<1x!tpu.dma_semaphore, #tpu.memory_space<semaphore_mem>> -> memref<!tpu.dma_semaphore, #tpu.memory_space<semaphore_mem>>
          %dma_wait3A_430 = arith.constant 0 : i32
          %dma_wait3A_431 = arith.constant 0 : i32
          %dma_wait3A_432 = tpu.memref_slice %arg4[%dma_wait3A_430, %dma_wait3A_431] : memref<16384x1024xf32, #tpu.memory_space<hbm>> -> memref<16x1024xf32, #tpu.memory_space<hbm>>
          %dma_wait3A_433 = arith.constant 0 : i32
          %dma_wait3A_434 = arith.constant 0 : i32
          %dma_wait3A_435 = tpu.memref_slice %arg6[%select_n3A_282, %dma_wait3A_433, %dma_wait3A_434] : memref<7x16x1024xf32, #tpu.memory_space<vmem>> -> memref<1x16x1024xf32, #tpu.memory_space<vmem>>
          %dma_wait3A_436 = tpu.memref_squeeze %dma_wait3A_435 : memref<1x16x1024xf32, #tpu.memory_space<vmem>> -> memref<16x1024xf32, #tpu.memory_space<vmem>>
          tpu.wait_dma2 semaphore(%dma_wait3A_429 : memref<!tpu.dma_semaphore, #tpu.memory_space<semaphore_mem>>) src(%dma_wait3A_436 : memref<16x1024xf32, #tpu.memory_space<vmem>>) dst(%dma_wait3A_432 : memref<16x1024xf32, #tpu.memory_space<hbm>>)
        } else {
        }
        %add3A_405 = arith.constant 7 : i32
        %add3A_406 = arith.addi %mul3A_246, %add3A_405 : i32
        %sub3A_407 = arith.constant 1 : i32
        %sub3A_408 = arith.subi %add3A_406, %sub3A_407 : i32
        %mul3A_409 = arith.constant 16 : i32
        %mul3A_410 = arith.muli %sub3A_408, %mul3A_409 : i32
        %dma_start3A_411 = arith.constant 0 : i32
        %dma_start3A_412 = arith.constant 0 : i32
        %dma_start3A_413 = tpu.memref_slice %arg6[%select_n3A_282, %dma_start3A_411, %dma_start3A_412] : memref<7x16x1024xf32, #tpu.memory_space<vmem>> -> memref<1x16x1024xf32, #tpu.memory_space<vmem>>
        %dma_start3A_414 = tpu.memref_squeeze %dma_start3A_413 : memref<1x16x1024xf32, #tpu.memory_space<vmem>> -> memref<16x1024xf32, #tpu.memory_space<vmem>>
        %dma_start3A_415 = tpu.memref_slice %arg5[%mul3A_410] : memref<512xi32, #tpu.memory_space<vmem>> -> memref<16xi32, #tpu.memory_space<vmem>>
        %dma_start3A_416 = arith.constant 0 : i32
        %dma_start3A_417 = arith.constant 0 : i32
        %dma_start3A_418 = tpu.memref_slice %arg3[%dma_start3A_416, %dma_start3A_417] : memref<100000x1024xf32, #tpu.memory_space<hbm>> -> memref<100000x1024xf32, #tpu.memory_space<hbm>>
        %dma_start3A_419 = tpu.memref_slice %arg7[%select_n3A_282] : memref<7x!tpu.dma_semaphore, #tpu.memory_space<semaphore_mem>> -> memref<1x!tpu.dma_semaphore, #tpu.memory_space<semaphore_mem>>
        %dma_start3A_420 = tpu.memref_squeeze %dma_start3A_419 : memref<1x!tpu.dma_semaphore, #tpu.memory_space<semaphore_mem>> -> memref<!tpu.dma_semaphore, #tpu.memory_space<semaphore_mem>>
        tpu.enqueue_indirect_dma source(%dma_start3A_418 : memref<100000x1024xf32, #tpu.memory_space<hbm>>) target(%dma_start3A_414 : memref<16x1024xf32, #tpu.memory_space<vmem>>) offsets(%dma_start3A_415 : memref<16xi32, #tpu.memory_space<vmem>>) semaphore(%dma_start3A_420 : memref<!tpu.dma_semaphore, #tpu.memory_space<semaphore_mem>>)
      } else {
      }
      %dma_wait3A_290 = arith.constant 0 : i32
      %dma_wait3A_291 = arith.constant 0 : i32
      %dma_wait3A_292 = tpu.memref_slice %arg6[%select_n3A_262, %dma_wait3A_290, %dma_wait3A_291] : memref<7x16x1024xf32, #tpu.memory_space<vmem>> -> memref<1x16x1024xf32, #tpu.memory_space<vmem>>
      %dma_wait3A_293 = tpu.memref_squeeze %dma_wait3A_292 : memref<1x16x1024xf32, #tpu.memory_space<vmem>> -> memref<16x1024xf32, #tpu.memory_space<vmem>>
      %dma_wait3A_294 = arith.constant 0 : i32
      %dma_wait3A_295 = tpu.memref_slice %arg5[%dma_wait3A_294] : memref<512xi32, #tpu.memory_space<vmem>> -> memref<16xi32, #tpu.memory_space<vmem>>
      %dma_wait3A_296 = arith.constant 0 : i32
      %dma_wait3A_297 = arith.constant 0 : i32
      %dma_wait3A_298 = tpu.memref_slice %arg3[%dma_wait3A_296, %dma_wait3A_297] : memref<100000x1024xf32, #tpu.memory_space<hbm>> -> memref<100000x1024xf32, #tpu.memory_space<hbm>>
      %dma_wait3A_299 = tpu.memref_slice %arg7[%select_n3A_262] : memref<7x!tpu.dma_semaphore, #tpu.memory_space<semaphore_mem>> -> memref<1x!tpu.dma_semaphore, #tpu.memory_space<semaphore_mem>>
      %dma_wait3A_300 = tpu.memref_squeeze %dma_wait3A_299 : memref<1x!tpu.dma_semaphore, #tpu.memory_space<semaphore_mem>> -> memref<!tpu.dma_semaphore, #tpu.memory_space<semaphore_mem>>
      tpu.wait_indirect_dma semaphore(%dma_wait3A_300 : memref<!tpu.dma_semaphore, #tpu.memory_space<semaphore_mem>>) src(%dma_wait3A_298 : memref<100000x1024xf32, #tpu.memory_space<hbm>>) dst(%dma_wait3A_293 : memref<16x1024xf32, #tpu.memory_space<vmem>>)
      %parallel_loop3A = arith.constant 0 : i32
      %parallel_loop3A_301 = arith.constant 16 : i32
      %parallel_loop3A_302 = arith.constant 1 : i32
      scf.for %parallel_loop3A_401 = %parallel_loop3A to %parallel_loop3A_301 step %parallel_loop3A_302  : i32 {
        %parallel_loop3A_402 = arith.index_cast %select_n3A_262 : i32 to index
        %parallel_loop3A_403 = arith.index_cast %parallel_loop3A_401 : i32 to index
        %parallel_loop3A_404 = arith.constant 0 : index
        %parallel_loop3A_405 = tpu.vector_load %arg6[%parallel_loop3A_402, %parallel_loop3A_403, %parallel_loop3A_404] {strides = array<i32>} : memref<7x16x1024xf32, #tpu.memory_space<vmem>>, vector<1x1x16xf32>,
        %parallel_loop3A_406 = vector.shape_cast %parallel_loop3A_405 : vector<1x1x16xf32> to vector<16xf32>
        %parallel_loop3A_407 = arith.constant 3.200000e+01 : f32
        %parallel_loop3A_408 = vector.broadcast %parallel_loop3A_407 : f32 to vector<16xf32>
        %parallel_loop3A_409 = arith.mulf %parallel_loop3A_406, %parallel_loop3A_408 : vector<16xf32>
        %parallel_loop3A_410 = arith.index_cast %select_n3A_262 : i32 to index
        %parallel_loop3A_411 = arith.index_cast %parallel_loop3A_401 : i32 to index
        %parallel_loop3A_412 = arith.constant 0 : index
        %parallel_loop3A_413 = tpu.vector_load %arg6[%parallel_loop3A_410, %parallel_loop3A_411, %parallel_loop3A_412] {strides = array<i32>} : memref<7x16x1024xf32, #tpu.memory_space<vmem>>, vector<1x1x16xf32>,
        %parallel_loop3A_414 = vector.shape_cast %parallel_loop3A_413 : vector<1x1x16xf32> to vector<16xf32>
        %parallel_loop3A_415 = vector.shape_cast %parallel_loop3A_409 : vector<16xf32> to vector<1x1x16xf32>
        tpu.vector_store %arg6[%parallel_loop3A_410, %parallel_loop3A_411, %parallel_loop3A_412], %parallel_loop3A_415 {strides = array<i32>} : memref<7x16x1024xf32, #tpu.memory_space<vmem>>, vector<1x1x16xf32>,
        %parallel_loop3A_416 = arith.index_cast %select_n3A_262 : i32 to index
        %parallel_loop3A_417 = arith.index_cast %parallel_loop3A_401 : i32 to index
        %parallel_loop3A_418 = arith.constant 16 : index
        %parallel_loop3A_419 = tpu.vector_load %arg6[%parallel_loop3A_416, %parallel_loop3A_417, %parallel_loop3A_418] {strides = array<i32>} : memref<7x16x1024xf32, #tpu.memory_space<vmem>>, vector<1x1x16xf32>,
        %parallel_loop3A_420 = vector.shape_cast %parallel_loop3A_419 : vector<1x1x16xf32> to vector<16xf32>
        %parallel_loop3A_421 = arith.constant 3.200000e+01 : f32
        %parallel_loop3A_422 = vector.broadcast %parallel_loop3A_421 : f32 to vector<16xf32>
        %parallel_loop3A_423 = arith.mulf %parallel_loop3A_420, %parallel_loop3A_422 : vector<16xf32>
        %parallel_loop3A_424 = arith.index_cast %select_n3A_262 : i32 to index
        %parallel_loop3A_425 = arith.index_cast %parallel_loop3A_401 : i32 to index
        %parallel_loop3A_426 = arith.constant 16 : index
        %parallel_loop3A_427 = tpu.vector_load %arg6[%parallel_loop3A_424, %parallel_loop3A_425, %parallel_loop3A_426] {strides = array<i32>} : memref<7x16x1024xf32, #tpu.memory_space<vmem>>, vector<1x1x16xf32>,
        %parallel_loop3A_428 = vector.shape_cast %parallel_loop3A_427 : vector<1x1x16xf32> to vector<16xf32>
        %parallel_loop3A_429 = vector.shape_cast %parallel_loop3A_423 : vector<16xf32> to vector<1x1x16xf32>
        tpu.vector_store %arg6[%parallel_loop3A_424, %parallel_loop3A_425, %parallel_loop3A_426], %parallel_loop3A_429 {strides = array<i32>} : memref<7x16x1024xf32, #tpu.memory_space<vmem>>, vector<1x1x16xf32>,
        %parallel_loop3A_430 = arith.index_cast %select_n3A_262 : i32 to index
        %parallel_loop3A_431 = arith.index_cast %parallel_loop3A_401 : i32 to index
        %parallel_loop3A_432 = arith.constant 32 : index
        %parallel_loop3A_433 = tpu.vector_load %arg6[%parallel_loop3A_430, %parallel_loop3A_431, %parallel_loop3A_432] {strides = array<i32>} : memref<7x16x1024xf32, #tpu.memory_space<vmem>>, vector<1x1x16xf32>,
        %parallel_loop3A_434 = vector.shape_cast %parallel_loop3A_433 : vector<1x1x16xf32> to vector<16xf32>
        %parallel_loop3A_435 = arith.constant 3.200000e+01 : f32
        %parallel_loop3A_436 = vector.broadcast %parallel_loop3A_435 : f32 to vector<16xf32>
        %parallel_loop3A_437 = arith.mulf %parallel_loop3A_434, %parallel_loop3A_436 : vector<16xf32>
        %parallel_loop3A_438 = arith.index_cast %select_n3A_262 : i32 to index
        %parallel_loop3A_439 = arith.index_cast %parallel_loop3A_401 : i32 to index
        %parallel_loop3A_440 = arith.constant 32 : index
        %parallel_loop3A_441 = tpu.vector_load %arg6[%parallel_loop3A_438, %parallel_loop3A_439, %parallel_loop3A_440] {strides = array<i32>} : memref<7x16x1024xf32, #tpu.memory_space<vmem>>, vector<1x1x16xf32>,
        %parallel_loop3A_442 = vector.shape_cast %parallel_loop3A_441 : vector<1x1x16xf32> to vector<16xf32>
        %parallel_loop3A_443 = vector.shape_cast %parallel_loop3A_437 : vector<16xf32> to vector<1x1x16xf32>
        tpu.vector_store %arg6[%parallel_loop3A_438, %parallel_loop3A_439, %parallel_loop3A_440], %parallel_loop3A_443 {strides = array<i32>} : memref<7x16x1024xf32, #tpu.memory_space<vmem>>, vector<1x1x16xf32>,
        %parallel_loop3A_444 = arith.index_cast %select_n3A_262 : i32 to index
        %parallel_loop3A_445 = arith.index_cast %parallel_loop3A_401 : i32 to index
        %parallel_loop3A_446 = arith.constant 48 : index
        %parallel_loop3A_447 = tpu.vector_load %arg6[%parallel_loop3A_444, %parallel_loop3A_445, %parallel_loop3A_446] {strides = array<i32>} : memref<7x16x1024xf32, #tpu.memory_space<vmem>>, vector<1x1x16xf32>,
        %parallel_loop3A_448 = vector.shape_cast %parallel_loop3A_447 : vector<1x1x16xf32> to vector<16xf32>
        %parallel_loop3A_449 = arith.constant 3.200000e+01 : f32
        %parallel_loop3A_450 = vector.broadcast %parallel_loop3A_449 : f32 to vector<16xf32>
        %parallel_loop3A_451 = arith.mulf %parallel_loop3A_448, %parallel_loop3A_450 : vector<16xf32>
        %parallel_loop3A_452 = arith.index_cast %select_n3A_262 : i32 to index
        %parallel_loop3A_453 = arith.index_cast %parallel_loop3A_401 : i32 to index
        %parallel_loop3A_454 = arith.constant 48 : index
        %parallel_loop3A_455 = tpu.vector_load %arg6[%parallel_loop3A_452, %parallel_loop3A_453, %parallel_loop3A_454] {strides = array<i32>} : memref<7x16x1024xf32, #tpu.memory_space<vmem>>, vector<1x1x16xf32>,
        %parallel_loop3A_456 = vector.shape_cast %parallel_loop3A_455 : vector<1x1x16xf32> to vector<16xf32>
        %parallel_loop3A_457 = vector.shape_cast %parallel_loop3A_451 : vector<16xf32> to vector<1x1x16xf32>
        tpu.vector_store %arg6[%parallel_loop3A_452, %parallel_loop3A_453, %parallel_loop3A_454], %parallel_loop3A_457 {strides = array<i32>} : memref<7x16x1024xf32, #tpu.memory_space<vmem>>, vector<1x1x16xf32>,
        %parallel_loop3A_458 = arith.index_cast %select_n3A_262 : i32 to index
        %parallel_loop3A_459 = arith.index_cast %parallel_loop3A_401 : i32 to index
        %parallel_loop3A_460 = arith.constant 64 : index
        %parallel_loop3A_461 = tpu.vector_load %arg6[%parallel_loop3A_458, %parallel_loop3A_459, %parallel_loop3A_460] {strides = array<i32>} : memref<7x16x1024xf32, #tpu.memory_space<vmem>>, vector<1x1x16xf32>,
        %parallel_loop3A_462 = vector.shape_cast %parallel_loop3A_461 : vector<1x1x16xf32> to vector<16xf32>
        %parallel_loop3A_463 = arith.constant 3.200000e+01 : f32
        %parallel_loop3A_464 = vector.broadcast %parallel_loop3A_463 : f32 to vector<16xf32>
        %parallel_loop3A_465 = arith.mulf %parallel_loop3A_462, %parallel_loop3A_464 : vector<16xf32>
        %parallel_loop3A_466 = arith.index_cast %select_n3A_262 : i32 to index
        %parallel_loop3A_467 = arith.index_cast %parallel_loop3A_401 : i32 to index
        %parallel_loop3A_468 = arith.constant 64 : index
        %parallel_loop3A_469 = tpu.vector_load %arg6[%parallel_loop3A_466, %parallel_loop3A_467, %parallel_loop3A_468] {strides = array<i32>} : memref<7x16x1024xf32, #tpu.memory_space<vmem>>, vector<1x1x16xf32>,
        %parallel_loop3A_470 = vector.shape_cast %parallel_loop3A_469 : vector<1x1x16xf32> to vector<16xf32>
        %parallel_loop3A_471 = vector.shape_cast %parallel_loop3A_465 : vector<16xf32> to vector<1x1x16xf32>
        tpu.vector_store %arg6[%parallel_loop3A_466, %parallel_loop3A_467, %parallel_loop3A_468], %parallel_loop3A_471 {strides = array<i32>} : memref<7x16x1024xf32, #tpu.memory_space<vmem>>, vector<1x1x16xf32>,
        %parallel_loop3A_472 = arith.index_cast %select_n3A_262 : i32 to index
        %parallel_loop3A_473 = arith.index_cast %parallel_loop3A_401 : i32 to index
        %parallel_loop3A_474 = arith.constant 80 : index
        %parallel_loop3A_475 = tpu.vector_load %arg6[%parallel_loop3A_472, %parallel_loop3A_473, %parallel_loop3A_474] {strides = array<i32>} : memref<7x16x1024xf32, #tpu.memory_space<vmem>>, vector<1x1x16xf32>,
        %parallel_loop3A_476 = vector.shape_cast %parallel_loop3A_475 : vector<1x1x16xf32> to vector<16xf32>
        %parallel_loop3A_477 = arith.constant 3.200000e+01 : f32
        %parallel_loop3A_478 = vector.broadcast %parallel_loop3A_477 : f32 to vector<16xf32>
        %parallel_loop3A_479 = arith.mulf %parallel_loop3A_476, %parallel_loop3A_478 : vector<16xf32>
        %parallel_loop3A_480 = arith.index_cast %select_n3A_262 : i32 to index
        %parallel_loop3A_481 = arith.index_cast %parallel_loop3A_401 : i32 to index
        %parallel_loop3A_482 = arith.constant 80 : index
        %parallel_loop3A_483 = tpu.vector_load %arg6[%parallel_loop3A_480, %parallel_loop3A_481, %parallel_loop3A_482] {strides = array<i32>} : memref<7x16x1024xf32, #tpu.memory_space<vmem>>, vector<1x1x16xf32>,
        %parallel_loop3A_484 = vector.shape_cast %parallel_loop3A_483 : vector<1x1x16xf32> to vector<16xf32>
        %parallel_loop3A_485 = vector.shape_cast %parallel_loop3A_479 : vector<16xf32> to vector<1x1x16xf32>
        tpu.vector_store %arg6[%parallel_loop3A_480, %parallel_loop3A_481, %parallel_loop3A_482], %parallel_loop3A_485 {strides = array<i32>} : memref<7x16x1024xf32, #tpu.memory_space<vmem>>, vector<1x1x16xf32>,
        %parallel_loop3A_486 = arith.index_cast %select_n3A_262 : i32 to index
        %parallel_loop3A_487 = arith.index_cast %parallel_loop3A_401 : i32 to index
        %parallel_loop3A_488 = arith.constant 96 : index
        %parallel_loop3A_489 = tpu.vector_load %arg6[%parallel_loop3A_486, %parallel_loop3A_487, %parallel_loop3A_488] {strides = array<i32>} : memref<7x16x1024xf32, #tpu.memory_space<vmem>>, vector<1x1x16xf32>,
        %parallel_loop3A_490 = vector.shape_cast %parallel_loop3A_489 : vector<1x1x16xf32> to vector<16xf32>
        %parallel_loop3A_491 = arith.constant 3.200000e+01 : f32
        %parallel_loop3A_492 = vector.broadcast %parallel_loop3A_491 : f32 to vector<16xf32>
        %parallel_loop3A_493 = arith.mulf %parallel_loop3A_490, %parallel_loop3A_492 : vector<16xf32>
        %parallel_loop3A_494 = arith.index_cast %select_n3A_262 : i32 to index
        %parallel_loop3A_495 = arith.index_cast %parallel_loop3A_401 : i32 to index
        %parallel_loop3A_496 = arith.constant 96 : index
        %parallel_loop3A_497 = tpu.vector_load %arg6[%parallel_loop3A_494, %parallel_loop3A_495, %parallel_loop3A_496] {strides = array<i32>} : memref<7x16x1024xf32, #tpu.memory_space<vmem>>, vector<1x1x16xf32>,
        %parallel_loop3A_498 = vector.shape_cast %parallel_loop3A_497 : vector<1x1x16xf32> to vector<16xf32>
        %parallel_loop3A_499 = vector.shape_cast %parallel_loop3A_493 : vector<16xf32> to vector<1x1x16xf32>
        tpu.vector_store %arg6[%parallel_loop3A_494, %parallel_loop3A_495, %parallel_loop3A_496], %parallel_loop3A_499 {strides = array<i32>} : memref<7x16x1024xf32, #tpu.memory_space<vmem>>, vector<1x1x16xf32>,
        %parallel_loop3A_500 = arith.index_cast %select_n3A_262 : i32 to index
        %parallel_loop3A_501 = arith.index_cast %parallel_loop3A_401 : i32 to index
        %parallel_loop3A_502 = arith.constant 112 : index
        %parallel_loop3A_503 = tpu.vector_load %arg6[%parallel_loop3A_500, %parallel_loop3A_501, %parallel_loop3A_502] {strides = array<i32>} : memref<7x16x1024xf32, #tpu.memory_space<vmem>>, vector<1x1x16xf32>,
        %parallel_loop3A_504 = vector.shape_cast %parallel_loop3A_503 : vector<1x1x16xf32> to vector<16xf32>
        %parallel_loop3A_505 = arith.constant 3.200000e+01 : f32
        %parallel_loop3A_506 = vector.broadcast %parallel_loop3A_505 : f32 to vector<16xf32>
        %parallel_loop3A_507 = arith.mulf %parallel_loop3A_504, %parallel_loop3A_506 : vector<16xf32>
        %parallel_loop3A_508 = arith.index_cast %select_n3A_262 : i32 to index
        %parallel_loop3A_509 = arith.index_cast %parallel_loop3A_401 : i32 to index
        %parallel_loop3A_510 = arith.constant 112 : index
        %parallel_loop3A_511 = tpu.vector_load %arg6[%parallel_loop3A_508, %parallel_loop3A_509, %parallel_loop3A_510] {strides = array<i32>} : memref<7x16x1024xf32, #tpu.memory_space<vmem>>, vector<1x1x16xf32>,
        %parallel_loop3A_512 = vector.shape_cast %parallel_loop3A_511 : vector<1x1x16xf32> to vector<16xf32>
        %parallel_loop3A_513 = vector.shape_cast %parallel_loop3A_507 : vector<16xf32> to vector<1x1x16xf32>
        tpu.vector_store %arg6[%parallel_loop3A_508, %parallel_loop3A_509, %parallel_loop3A_510], %parallel_loop3A_513 {strides = array<i32>} : memref<7x16x1024xf32, #tpu.memory_space<vmem>>, vector<1x1x16xf32>,
        %parallel_loop3A_514 = arith.index_cast %select_n3A_262 : i32 to index
        %parallel_loop3A_515 = arith.index_cast %parallel_loop3A_401 : i32 to index
        %parallel_loop3A_516 = arith.constant 128 : index
        %parallel_loop3A_517 = tpu.vector_load %arg6[%parallel_loop3A_514, %parallel_loop3A_515, %parallel_loop3A_516] {strides = array<i32>} : memref<7x16x1024xf32, #tpu.memory_space<vmem>>, vector<1x1x16xf32>,
        %parallel_loop3A_518 = vector.shape_cast %parallel_loop3A_517 : vector<1x1x16xf32> to vector<16xf32>
        %parallel_loop3A_519 = arith.constant 3.200000e+01 : f32
        %parallel_loop3A_520 = vector.broadcast %parallel_loop3A_519 : f32 to vector<16xf32>
        %parallel_loop3A_521 = arith.mulf %parallel_loop3A_518, %parallel_loop3A_520 : vector<16xf32>
        %parallel_loop3A_522 = arith.index_cast %select_n3A_262 : i32 to index
        %parallel_loop3A_523 = arith.index_cast %parallel_loop3A_401 : i32 to index
        %parallel_loop3A_524 = arith.constant 128 : index
        %parallel_loop3A_525 = tpu.vector_load %arg6[%parallel_loop3A_522, %parallel_loop3A_523, %parallel_loop3A_524] {strides = array<i32>} : memref<7x16x1024xf32, #tpu.memory_space<vmem>>, vector<1x1x16xf32>,
        %parallel_loop3A_526 = vector.shape_cast %parallel_loop3A_525 : vector<1x1x16xf32> to vector<16xf32>
        %parallel_loop3A_527 = vector.shape_cast %parallel_loop3A_521 : vector<16xf32> to vector<1x1x16xf32>
        tpu.vector_store %arg6[%parallel_loop3A_522, %parallel_loop3A_523, %parallel_loop3A_524], %parallel_loop3A_527 {strides = array<i32>} : memref<7x16x1024xf32, #tpu.memory_space<vmem>>, vector<1x1x16xf32>,
        %parallel_loop3A_528 = arith.index_cast %select_n3A_262 : i32 to index
        %parallel_loop3A_529 = arith.index_cast %parallel_loop3A_401 : i32 to index
        %parallel_loop3A_530 = arith.constant 144 : index
        %parallel_loop3A_531 = tpu.vector_load %arg6[%parallel_loop3A_528, %parallel_loop3A_529, %parallel_loop3A_530] {strides = array<i32>} : memref<7x16x1024xf32, #tpu.memory_space<vmem>>, vector<1x1x16xf32>,
        %parallel_loop3A_532 = vector.shape_cast %parallel_loop3A_531 : vector<1x1x16xf32> to vector<16xf32>
        %parallel_loop3A_533 = arith.constant 3.200000e+01 : f32
        %parallel_loop3A_534 = vector.broadcast %parallel_loop3A_533 : f32 to vector<16xf32>
        %parallel_loop3A_535 = arith.mulf %parallel_loop3A_532, %parallel_loop3A_534 : vector<16xf32>
        %parallel_loop3A_536 = arith.index_cast %select_n3A_262 : i32 to index
        %parallel_loop3A_537 = arith.index_cast %parallel_loop3A_401 : i32 to index
        %parallel_loop3A_538 = arith.constant 144 : index
        %parallel_loop3A_539 = tpu.vector_load %arg6[%parallel_loop3A_536, %parallel_loop3A_537, %parallel_loop3A_538] {strides = array<i32>} : memref<7x16x1024xf32, #tpu.memory_space<vmem>>, vector<1x1x16xf32>,
        %parallel_loop3A_540 = vector.shape_cast %parallel_loop3A_539 : vector<1x1x16xf32> to vector<16xf32>
        %parallel_loop3A_541 = vector.shape_cast %parallel_loop3A_535 : vector<16xf32> to vector<1x1x16xf32>
        tpu.vector_store %arg6[%parallel_loop3A_536, %parallel_loop3A_537, %parallel_loop3A_538], %parallel_loop3A_541 {strides = array<i32>} : memref<7x16x1024xf32, #tpu.memory_space<vmem>>, vector<1x1x16xf32>,
        %parallel_loop3A_542 = arith.index_cast %select_n3A_262 : i32 to index
        %parallel_loop3A_543 = arith.index_cast %parallel_loop3A_401 : i32 to index
        %parallel_loop3A_544 = arith.constant 160 : index
        %parallel_loop3A_545 = tpu.vector_load %arg6[%parallel_loop3A_542, %parallel_loop3A_543, %parallel_loop3A_544] {strides = array<i32>} : memref<7x16x1024xf32, #tpu.memory_space<vmem>>, vector<1x1x16xf32>,
        %parallel_loop3A_546 = vector.shape_cast %parallel_loop3A_545 : vector<1x1x16xf32> to vector<16xf32>
        %parallel_loop3A_547 = arith.constant 3.200000e+01 : f32
        %parallel_loop3A_548 = vector.broadcast %parallel_loop3A_547 : f32 to vector<16xf32>
        %parallel_loop3A_549 = arith.mulf %parallel_loop3A_546, %parallel_loop3A_548 : vector<16xf32>
        %parallel_loop3A_550 = arith.index_cast %select_n3A_262 : i32 to index
        %parallel_loop3A_551 = arith.index_cast %parallel_loop3A_401 : i32 to index
        %parallel_loop3A_552 = arith.constant 160 : index
        %parallel_loop3A_553 = tpu.vector_load %arg6[%parallel_loop3A_550, %parallel_loop3A_551, %parallel_loop3A_552] {strides = array<i32>} : memref<7x16x1024xf32, #tpu.memory_space<vmem>>, vector<1x1x16xf32>,
        %parallel_loop3A_554 = vector.shape_cast %parallel_loop3A_553 : vector<1x1x16xf32> to vector<16xf32>
        %parallel_loop3A_555 = vector.shape_cast %parallel_loop3A_549 : vector<16xf32> to vector<1x1x16xf32>
        tpu.vector_store %arg6[%parallel_loop3A_550, %parallel_loop3A_551, %parallel_loop3A_552], %parallel_loop3A_555 {strides = array<i32>} : memref<7x16x1024xf32, #tpu.memory_space<vmem>>, vector<1x1x16xf32>,
        %parallel_loop3A_556 = arith.index_cast %select_n3A_262 : i32 to index
        %parallel_loop3A_557 = arith.index_cast %parallel_loop3A_401 : i32 to index
        %parallel_loop3A_558 = arith.constant 176 : index
        %parallel_loop3A_559 = tpu.vector_load %arg6[%parallel_loop3A_556, %parallel_loop3A_557, %parallel_loop3A_558] {strides = array<i32>} : memref<7x16x1024xf32, #tpu.memory_space<vmem>>, vector<1x1x16xf32>,
        %parallel_loop3A_560 = vector.shape_cast %parallel_loop3A_559 : vector<1x1x16xf32> to vector<16xf32>
        %parallel_loop3A_561 = arith.constant 3.200000e+01 : f32
        %parallel_loop3A_562 = vector.broadcast %parallel_loop3A_561 : f32 to vector<16xf32>
        %parallel_loop3A_563 = arith.mulf %parallel_loop3A_560, %parallel_loop3A_562 : vector<16xf32>
        %parallel_loop3A_564 = arith.index_cast %select_n3A_262 : i32 to index
        %parallel_loop3A_565 = arith.index_cast %parallel_loop3A_401 : i32 to index
        %parallel_loop3A_566 = arith.constant 176 : index
        %parallel_loop3A_567 = tpu.vector_load %arg6[%parallel_loop3A_564, %parallel_loop3A_565, %parallel_loop3A_566] {strides = array<i32>} : memref<7x16x1024xf32, #tpu.memory_space<vmem>>, vector<1x1x16xf32>,
        %parallel_loop3A_568 = vector.shape_cast %parallel_loop3A_567 : vector<1x1x16xf32> to vector<16xf32>
        %parallel_loop3A_569 = vector.shape_cast %parallel_loop3A_563 : vector<16xf32> to vector<1x1x16xf32>
        tpu.vector_store %arg6[%parallel_loop3A_564, %parallel_loop3A_565, %parallel_loop3A_566], %parallel_loop3A_569 {strides = array<i32>} : memref<7x16x1024xf32, #tpu.memory_space<vmem>>, vector<1x1x16xf32>,
        %parallel_loop3A_570 = arith.index_cast %select_n3A_262 : i32 to index
        %parallel_loop3A_571 = arith.index_cast %parallel_loop3A_401 : i32 to index
        %parallel_loop3A_572 = arith.constant 192 : index
        %parallel_loop3A_573 = tpu.vector_load %arg6[%parallel_loop3A_570, %parallel_loop3A_571, %parallel_loop3A_572] {strides = array<i32>} : memref<7x16x1024xf32, #tpu.memory_space<vmem>>, vector<1x1x16xf32>,
        %parallel_loop3A_574 = vector.shape_cast %parallel_loop3A_573 : vector<1x1x16xf32> to vector<16xf32>
        %parallel_loop3A_575 = arith.constant 3.200000e+01 : f32
        %parallel_loop3A_576 = vector.broadcast %parallel_loop3A_575 : f32 to vector<16xf32>
        %parallel_loop3A_577 = arith.mulf %parallel_loop3A_574, %parallel_loop3A_576 : vector<16xf32>
        %parallel_loop3A_578 = arith.index_cast %select_n3A_262 : i32 to index
        %parallel_loop3A_579 = arith.index_cast %parallel_loop3A_401 : i32 to index
        %parallel_loop3A_580 = arith.constant 192 : index
        %parallel_loop3A_581 = tpu.vector_load %arg6[%parallel_loop3A_578, %parallel_loop3A_579, %parallel_loop3A_580] {strides = array<i32>} : memref<7x16x1024xf32, #tpu.memory_space<vmem>>, vector<1x1x16xf32>,
        %parallel_loop3A_582 = vector.shape_cast %parallel_loop3A_581 : vector<1x1x16xf32> to vector<16xf32>
        %parallel_loop3A_583 = vector.shape_cast %parallel_loop3A_577 : vector<16xf32> to vector<1x1x16xf32>
        tpu.vector_store %arg6[%parallel_loop3A_578, %parallel_loop3A_579, %parallel_loop3A_580], %parallel_loop3A_583 {strides = array<i32>} : memref<7x16x1024xf32, #tpu.memory_space<vmem>>, vector<1x1x16xf32>,
        %parallel_loop3A_584 = arith.index_cast %select_n3A_262 : i32 to index
        %parallel_loop3A_585 = arith.index_cast %parallel_loop3A_401 : i32 to index
        %parallel_loop3A_586 = arith.constant 208 : index
        %parallel_loop3A_587 = tpu.vector_load %arg6[%parallel_loop3A_584, %parallel_loop3A_585, %parallel_loop3A_586] {strides = array<i32>} : memref<7x16x1024xf32, #tpu.memory_space<vmem>>, vector<1x1x16xf32>,
        %parallel_loop3A_588 = vector.shape_cast %parallel_loop3A_587 : vector<1x1x16xf32> to vector<16xf32>
        %parallel_loop3A_589 = arith.constant 3.200000e+01 : f32
        %parallel_loop3A_590 = vector.broadcast %parallel_loop3A_589 : f32 to vector<16xf32>
        %parallel_loop3A_591 = arith.mulf %parallel_loop3A_588, %parallel_loop3A_590 : vector<16xf32>
        %parallel_loop3A_592 = arith.index_cast %select_n3A_262 : i32 to index
        %parallel_loop3A_593 = arith.index_cast %parallel_loop3A_401 : i32 to index
        %parallel_loop3A_594 = arith.constant 208 : index
        %parallel_loop3A_595 = tpu.vector_load %arg6[%parallel_loop3A_592, %parallel_loop3A_593, %parallel_loop3A_594] {strides = array<i32>} : memref<7x16x1024xf32, #tpu.memory_space<vmem>>, vector<1x1x16xf32>,
        %parallel_loop3A_596 = vector.shape_cast %parallel_loop3A_595 : vector<1x1x16xf32> to vector<16xf32>
        %parallel_loop3A_597 = vector.shape_cast %parallel_loop3A_591 : vector<16xf32> to vector<1x1x16xf32>
        tpu.vector_store %arg6[%parallel_loop3A_592, %parallel_loop3A_593, %parallel_loop3A_594], %parallel_loop3A_597 {strides = array<i32>} : memref<7x16x1024xf32, #tpu.memory_space<vmem>>, vector<1x1x16xf32>,
        %parallel_loop3A_598 = arith.index_cast %select_n3A_262 : i32 to index
        %parallel_loop3A_599 = arith.index_cast %parallel_loop3A_401 : i32 to index
        %parallel_loop3A_600 = arith.constant 224 : index
        %parallel_loop3A_601 = tpu.vector_load %arg6[%parallel_loop3A_598, %parallel_loop3A_599, %parallel_loop3A_600] {strides = array<i32>} : memref<7x16x1024xf32, #tpu.memory_space<vmem>>, vector<1x1x16xf32>,
        %parallel_loop3A_602 = vector.shape_cast %parallel_loop3A_601 : vector<1x1x16xf32> to vector<16xf32>
        %parallel_loop3A_603 = arith.constant 3.200000e+01 : f32
        %parallel_loop3A_604 = vector.broadcast %parallel_loop3A_603 : f32 to vector<16xf32>
        %parallel_loop3A_605 = arith.mulf %parallel_loop3A_602, %parallel_loop3A_604 : vector<16xf32>
        %parallel_loop3A_606 = arith.index_cast %select_n3A_262 : i32 to index
        %parallel_loop3A_607 = arith.index_cast %parallel_loop3A_401 : i32 to index
        %parallel_loop3A_608 = arith.constant 224 : index
        %parallel_loop3A_609 = tpu.vector_load %arg6[%parallel_loop3A_606, %parallel_loop3A_607, %parallel_loop3A_608] {strides = array<i32>} : memref<7x16x1024xf32, #tpu.memory_space<vmem>>, vector<1x1x16xf32>,
        %parallel_loop3A_610 = vector.shape_cast %parallel_loop3A_609 : vector<1x1x16xf32> to vector<16xf32>
        %parallel_loop3A_611 = vector.shape_cast %parallel_loop3A_605 : vector<16xf32> to vector<1x1x16xf32>
        tpu.vector_store %arg6[%parallel_loop3A_606, %parallel_loop3A_607, %parallel_loop3A_608], %parallel_loop3A_611 {strides = array<i32>} : memref<7x16x1024xf32, #tpu.memory_space<vmem>>, vector<1x1x16xf32>,
        %parallel_loop3A_612 = arith.index_cast %select_n3A_262 : i32 to index
        %parallel_loop3A_613 = arith.index_cast %parallel_loop3A_401 : i32 to index
        %parallel_loop3A_614 = arith.constant 240 : index
        %parallel_loop3A_615 = tpu.vector_load %arg6[%parallel_loop3A_612, %parallel_loop3A_613, %parallel_loop3A_614] {strides = array<i32>} : memref<7x16x1024xf32, #tpu.memory_space<vmem>>, vector<1x1x16xf32>,
        %parallel_loop3A_616 = vector.shape_cast %parallel_loop3A_615 : vector<1x1x16xf32> to vector<16xf32>
        %parallel_loop3A_617 = arith.constant 3.200000e+01 : f32
        %parallel_loop3A_618 = vector.broadcast %parallel_loop3A_617 : f32 to vector<16xf32>
        %parallel_loop3A_619 = arith.mulf %parallel_loop3A_616, %parallel_loop3A_618 : vector<16xf32>
        %parallel_loop3A_620 = arith.index_cast %select_n3A_262 : i32 to index
        %parallel_loop3A_621 = arith.index_cast %parallel_loop3A_401 : i32 to index
        %parallel_loop3A_622 = arith.constant 240 : index
        %parallel_loop3A_623 = tpu.vector_load %arg6[%parallel_loop3A_620, %parallel_loop3A_621, %parallel_loop3A_622] {strides = array<i32>} : memref<7x16x1024xf32, #tpu.memory_space<vmem>>, vector<1x1x16xf32>,
        %parallel_loop3A_624 = vector.shape_cast %parallel_loop3A_623 : vector<1x1x16xf32> to vector<16xf32>
        %parallel_loop3A_625 = vector.shape_cast %parallel_loop3A_619 : vector<16xf32> to vector<1x1x16xf32>
        tpu.vector_store %arg6[%parallel_loop3A_620, %parallel_loop3A_621, %parallel_loop3A_622], %parallel_loop3A_625 {strides = array<i32>} : memref<7x16x1024xf32, #tpu.memory_space<vmem>>, vector<1x1x16xf32>,
        %parallel_loop3A_626 = arith.index_cast %select_n3A_262 : i32 to index
        %parallel_loop3A_627 = arith.index_cast %parallel_loop3A_401 : i32 to index
        %parallel_loop3A_628 = arith.constant 256 : index
        %parallel_loop3A_629 = tpu.vector_load %arg6[%parallel_loop3A_626, %parallel_loop3A_627, %parallel_loop3A_628] {strides = array<i32>} : memref<7x16x1024xf32, #tpu.memory_space<vmem>>, vector<1x1x16xf32>,
        %parallel_loop3A_630 = vector.shape_cast %parallel_loop3A_629 : vector<1x1x16xf32> to vector<16xf32>
        %parallel_loop3A_631 = arith.constant 3.200000e+01 : f32
        %parallel_loop3A_632 = vector.broadcast %parallel_loop3A_631 : f32 to vector<16xf32>
        %parallel_loop3A_633 = arith.mulf %parallel_loop3A_630, %parallel_loop3A_632 : vector<16xf32>
        %parallel_loop3A_634 = arith.index_cast %select_n3A_262 : i32 to index
        %parallel_loop3A_635 = arith.index_cast %parallel_loop3A_401 : i32 to index
        %parallel_loop3A_636 = arith.constant 256 : index
        %parallel_loop3A_637 = tpu.vector_load %arg6[%parallel_loop3A_634, %parallel_loop3A_635, %parallel_loop3A_636] {strides = array<i32>} : memref<7x16x1024xf32, #tpu.memory_space<vmem>>, vector<1x1x16xf32>,
        %parallel_loop3A_638 = vector.shape_cast %parallel_loop3A_637 : vector<1x1x16xf32> to vector<16xf32>
        %parallel_loop3A_639 = vector.shape_cast %parallel_loop3A_633 : vector<16xf32> to vector<1x1x16xf32>
        tpu.vector_store %arg6[%parallel_loop3A_634, %parallel_loop3A_635, %parallel_loop3A_636], %parallel_loop3A_639 {strides = array<i32>} : memref<7x16x1024xf32, #tpu.memory_space<vmem>>, vector<1x1x16xf32>,
        %parallel_loop3A_640 = arith.index_cast %select_n3A_262 : i32 to index
        %parallel_loop3A_641 = arith.index_cast %parallel_loop3A_401 : i32 to index
        %parallel_loop3A_642 = arith.constant 272 : index
        %parallel_loop3A_643 = tpu.vector_load %arg6[%parallel_loop3A_640, %parallel_loop3A_641, %parallel_loop3A_642] {strides = array<i32>} : memref<7x16x1024xf32, #tpu.memory_space<vmem>>, vector<1x1x16xf32>,
        %parallel_loop3A_644 = vector.shape_cast %parallel_loop3A_643 : vector<1x1x16xf32> to vector<16xf32>
        %parallel_loop3A_645 = arith.constant 3.200000e+01 : f32
        %parallel_loop3A_646 = vector.broadcast %parallel_loop3A_645 : f32 to vector<16xf32>
        %parallel_loop3A_647 = arith.mulf %parallel_loop3A_644, %parallel_loop3A_646 : vector<16xf32>
        %parallel_loop3A_648 = arith.index_cast %select_n3A_262 : i32 to index
        %parallel_loop3A_649 = arith.index_cast %parallel_loop3A_401 : i32 to index
        %parallel_loop3A_650 = arith.constant 272 : index
        %parallel_loop3A_651 = tpu.vector_load %arg6[%parallel_loop3A_648, %parallel_loop3A_649, %parallel_loop3A_650] {strides = array<i32>} : memref<7x16x1024xf32, #tpu.memory_space<vmem>>, vector<1x1x16xf32>,
        %parallel_loop3A_652 = vector.shape_cast %parallel_loop3A_651 : vector<1x1x16xf32> to vector<16xf32>
        %parallel_loop3A_653 = vector.shape_cast %parallel_loop3A_647 : vector<16xf32> to vector<1x1x16xf32>
        tpu.vector_store %arg6[%parallel_loop3A_648, %parallel_loop3A_649, %parallel_loop3A_650], %parallel_loop3A_653 {strides = array<i32>} : memref<7x16x1024xf32, #tpu.memory_space<vmem>>, vector<1x1x16xf32>,
        %parallel_loop3A_654 = arith.index_cast %select_n3A_262 : i32 to index
        %parallel_loop3A_655 = arith.index_cast %parallel_loop3A_401 : i32 to index
        %parallel_loop3A_656 = arith.constant 288 : index
        %parallel_loop3A_657 = tpu.vector_load %arg6[%parallel_loop3A_654, %parallel_loop3A_655, %parallel_loop3A_656] {strides = array<i32>} : memref<7x16x1024xf32, #tpu.memory_space<vmem>>, vector<1x1x16xf32>,
        %parallel_loop3A_658 = vector.shape_cast %parallel_loop3A_657 : vector<1x1x16xf32> to vector<16xf32>
        %parallel_loop3A_659 = arith.constant 3.200000e+01 : f32
        %parallel_loop3A_660 = vector.broadcast %parallel_loop3A_659 : f32 to vector<16xf32>
        %parallel_loop3A_661 = arith.mulf %parallel_loop3A_658, %parallel_loop3A_660 : vector<16xf32>
        %parallel_loop3A_662 = arith.index_cast %select_n3A_262 : i32 to index
        %parallel_loop3A_663 = arith.index_cast %parallel_loop3A_401 : i32 to index
        %parallel_loop3A_664 = arith.constant 288 : index
        %parallel_loop3A_665 = tpu.vector_load %arg6[%parallel_loop3A_662, %parallel_loop3A_663, %parallel_loop3A_664] {strides = array<i32>} : memref<7x16x1024xf32, #tpu.memory_space<vmem>>, vector<1x1x16xf32>,
        %parallel_loop3A_666 = vector.shape_cast %parallel_loop3A_665 : vector<1x1x16xf32> to vector<16xf32>
        %parallel_loop3A_667 = vector.shape_cast %parallel_loop3A_661 : vector<16xf32> to vector<1x1x16xf32>
        tpu.vector_store %arg6[%parallel_loop3A_662, %parallel_loop3A_663, %parallel_loop3A_664], %parallel_loop3A_667 {strides = array<i32>} : memref<7x16x1024xf32, #tpu.memory_space<vmem>>, vector<1x1x16xf32>,
        %parallel_loop3A_668 = arith.index_cast %select_n3A_262 : i32 to index
        %parallel_loop3A_669 = arith.index_cast %parallel_loop3A_401 : i32 to index
        %parallel_loop3A_670 = arith.constant 304 : index
        %parallel_loop3A_671 = tpu.vector_load %arg6[%parallel_loop3A_668, %parallel_loop3A_669, %parallel_loop3A_670] {strides = array<i32>} : memref<7x16x1024xf32, #tpu.memory_space<vmem>>, vector<1x1x16xf32>,
        %parallel_loop3A_672 = vector.shape_cast %parallel_loop3A_671 : vector<1x1x16xf32> to vector<16xf32>
        %parallel_loop3A_673 = arith.constant 3.200000e+01 : f32
        %parallel_loop3A_674 = vector.broadcast %parallel_loop3A_673 : f32 to vector<16xf32>
        %parallel_loop3A_675 = arith.mulf %parallel_loop3A_672, %parallel_loop3A_674 : vector<16xf32>
        %parallel_loop3A_676 = arith.index_cast %select_n3A_262 : i32 to index
        %parallel_loop3A_677 = arith.index_cast %parallel_loop3A_401 : i32 to index
        %parallel_loop3A_678 = arith.constant 304 : index
        %parallel_loop3A_679 = tpu.vector_load %arg6[%parallel_loop3A_676, %parallel_loop3A_677, %parallel_loop3A_678] {strides = array<i32>} : memref<7x16x1024xf32, #tpu.memory_space<vmem>>, vector<1x1x16xf32>,
        %parallel_loop3A_680 = vector.shape_cast %parallel_loop3A_679 : vector<1x1x16xf32> to vector<16xf32>
        %parallel_loop3A_681 = vector.shape_cast %parallel_loop3A_675 : vector<16xf32> to vector<1x1x16xf32>
        tpu.vector_store %arg6[%parallel_loop3A_676, %parallel_loop3A_677, %parallel_loop3A_678], %parallel_loop3A_681 {strides = array<i32>} : memref<7x16x1024xf32, #tpu.memory_space<vmem>>, vector<1x1x16xf32>,
        %parallel_loop3A_682 = arith.index_cast %select_n3A_262 : i32 to index
        %parallel_loop3A_683 = arith.index_cast %parallel_loop3A_401 : i32 to index
        %parallel_loop3A_684 = arith.constant 320 : index
        %parallel_loop3A_685 = tpu.vector_load %arg6[%parallel_loop3A_682, %parallel_loop3A_683, %parallel_loop3A_684] {strides = array<i32>} : memref<7x16x1024xf32, #tpu.memory_space<vmem>>, vector<1x1x16xf32>,
        %parallel_loop3A_686 = vector.shape_cast %parallel_loop3A_685 : vector<1x1x16xf32> to vector<16xf32>
        %parallel_loop3A_687 = arith.constant 3.200000e+01 : f32
        %parallel_loop3A_688 = vector.broadcast %parallel_loop3A_687 : f32 to vector<16xf32>
        %parallel_loop3A_689 = arith.mulf %parallel_loop3A_686, %parallel_loop3A_688 : vector<16xf32>
        %parallel_loop3A_690 = arith.index_cast %select_n3A_262 : i32 to index
        %parallel_loop3A_691 = arith.index_cast %parallel_loop3A_401 : i32 to index
        %parallel_loop3A_692 = arith.constant 320 : index
        %parallel_loop3A_693 = tpu.vector_load %arg6[%parallel_loop3A_690, %parallel_loop3A_691, %parallel_loop3A_692] {strides = array<i32>} : memref<7x16x1024xf32, #tpu.memory_space<vmem>>, vector<1x1x16xf32>,
        %parallel_loop3A_694 = vector.shape_cast %parallel_loop3A_693 : vector<1x1x16xf32> to vector<16xf32>
        %parallel_loop3A_695 = vector.shape_cast %parallel_loop3A_689 : vector<16xf32> to vector<1x1x16xf32>
        tpu.vector_store %arg6[%parallel_loop3A_690, %parallel_loop3A_691, %parallel_loop3A_692], %parallel_loop3A_695 {strides = array<i32>} : memref<7x16x1024xf32, #tpu.memory_space<vmem>>, vector<1x1x16xf32>,
        %parallel_loop3A_696 = arith.index_cast %select_n3A_262 : i32 to index
        %parallel_loop3A_697 = arith.index_cast %parallel_loop3A_401 : i32 to index
        %parallel_loop3A_698 = arith.constant 336 : index
        %parallel_loop3A_699 = tpu.vector_load %arg6[%parallel_loop3A_696, %parallel_loop3A_697, %parallel_loop3A_698] {strides = array<i32>} : memref<7x16x1024xf32, #tpu.memory_space<vmem>>, vector<1x1x16xf32>,
        %parallel_loop3A_700 = vector.shape_cast %parallel_loop3A_699 : vector<1x1x16xf32> to vector<16xf32>
        %parallel_loop3A_701 = arith.constant 3.200000e+01 : f32
        %parallel_loop3A_702 = vector.broadcast %parallel_loop3A_701 : f32 to vector<16xf32>
        %parallel_loop3A_703 = arith.mulf %parallel_loop3A_700, %parallel_loop3A_702 : vector<16xf32>
        %parallel_loop3A_704 = arith.index_cast %select_n3A_262 : i32 to index
        %parallel_loop3A_705 = arith.index_cast %parallel_loop3A_401 : i32 to index
        %parallel_loop3A_706 = arith.constant 336 : index
        %parallel_loop3A_707 = tpu.vector_load %arg6[%parallel_loop3A_704, %parallel_loop3A_705, %parallel_loop3A_706] {strides = array<i32>} : memref<7x16x1024xf32, #tpu.memory_space<vmem>>, vector<1x1x16xf32>,
        %parallel_loop3A_708 = vector.shape_cast %parallel_loop3A_707 : vector<1x1x16xf32> to vector<16xf32>
        %parallel_loop3A_709 = vector.shape_cast %parallel_loop3A_703 : vector<16xf32> to vector<1x1x16xf32>
        tpu.vector_store %arg6[%parallel_loop3A_704, %parallel_loop3A_705, %parallel_loop3A_706], %parallel_loop3A_709 {strides = array<i32>} : memref<7x16x1024xf32, #tpu.memory_space<vmem>>, vector<1x1x16xf32>,
        %parallel_loop3A_710 = arith.index_cast %select_n3A_262 : i32 to index
        %parallel_loop3A_711 = arith.index_cast %parallel_loop3A_401 : i32 to index
        %parallel_loop3A_712 = arith.constant 352 : index
        %parallel_loop3A_713 = tpu.vector_load %arg6[%parallel_loop3A_710, %parallel_loop3A_711, %parallel_loop3A_712] {strides = array<i32>} : memref<7x16x1024xf32, #tpu.memory_space<vmem>>, vector<1x1x16xf32>,
        %parallel_loop3A_714 = vector.shape_cast %parallel_loop3A_713 : vector<1x1x16xf32> to vector<16xf32>
        %parallel_loop3A_715 = arith.constant 3.200000e+01 : f32
        %parallel_loop3A_716 = vector.broadcast %parallel_loop3A_715 : f32 to vector<16xf32>
        %parallel_loop3A_717 = arith.mulf %parallel_loop3A_714, %parallel_loop3A_716 : vector<16xf32>
        %parallel_loop3A_718 = arith.index_cast %select_n3A_262 : i32 to index
        %parallel_loop3A_719 = arith.index_cast %parallel_loop3A_401 : i32 to index
        %parallel_loop3A_720 = arith.constant 352 : index
        %parallel_loop3A_721 = tpu.vector_load %arg6[%parallel_loop3A_718, %parallel_loop3A_719, %parallel_loop3A_720] {strides = array<i32>} : memref<7x16x1024xf32, #tpu.memory_space<vmem>>, vector<1x1x16xf32>,
        %parallel_loop3A_722 = vector.shape_cast %parallel_loop3A_721 : vector<1x1x16xf32> to vector<16xf32>
        %parallel_loop3A_723 = vector.shape_cast %parallel_loop3A_717 : vector<16xf32> to vector<1x1x16xf32>
        tpu.vector_store %arg6[%parallel_loop3A_718, %parallel_loop3A_719, %parallel_loop3A_720], %parallel_loop3A_723 {strides = array<i32>} : memref<7x16x1024xf32, #tpu.memory_space<vmem>>, vector<1x1x16xf32>,
        %parallel_loop3A_724 = arith.index_cast %select_n3A_262 : i32 to index
        %parallel_loop3A_725 = arith.index_cast %parallel_loop3A_401 : i32 to index
        %parallel_loop3A_726 = arith.constant 368 : index
        %parallel_loop3A_727 = tpu.vector_load %arg6[%parallel_loop3A_724, %parallel_loop3A_725, %parallel_loop3A_726] {strides = array<i32>} : memref<7x16x1024xf32, #tpu.memory_space<vmem>>, vector<1x1x16xf32>,
        %parallel_loop3A_728 = vector.shape_cast %parallel_loop3A_727 : vector<1x1x16xf32> to vector<16xf32>
        %parallel_loop3A_729 = arith.constant 3.200000e+01 : f32
        %parallel_loop3A_730 = vector.broadcast %parallel_loop3A_729 : f32 to vector<16xf32>
        %parallel_loop3A_731 = arith.mulf %parallel_loop3A_728, %parallel_loop3A_730 : vector<16xf32>
        %parallel_loop3A_732 = arith.index_cast %select_n3A_262 : i32 to index
        %parallel_loop3A_733 = arith.index_cast %parallel_loop3A_401 : i32 to index
        %parallel_loop3A_734 = arith.constant 368 : index
        %parallel_loop3A_735 = tpu.vector_load %arg6[%parallel_loop3A_732, %parallel_loop3A_733, %parallel_loop3A_734] {strides = array<i32>} : memref<7x16x1024xf32, #tpu.memory_space<vmem>>, vector<1x1x16xf32>,
        %parallel_loop3A_736 = vector.shape_cast %parallel_loop3A_735 : vector<1x1x16xf32> to vector<16xf32>
        %parallel_loop3A_737 = vector.shape_cast %parallel_loop3A_731 : vector<16xf32> to vector<1x1x16xf32>
        tpu.vector_store %arg6[%parallel_loop3A_732, %parallel_loop3A_733, %parallel_loop3A_734], %parallel_loop3A_737 {strides = array<i32>} : memref<7x16x1024xf32, #tpu.memory_space<vmem>>, vector<1x1x16xf32>,
        %parallel_loop3A_738 = arith.index_cast %select_n3A_262 : i32 to index
        %parallel_loop3A_739 = arith.index_cast %parallel_loop3A_401 : i32 to index
        %parallel_loop3A_740 = arith.constant 384 : index
        %parallel_loop3A_741 = tpu.vector_load %arg6[%parallel_loop3A_738, %parallel_loop3A_739, %parallel_loop3A_740] {strides = array<i32>} : memref<7x16x1024xf32, #tpu.memory_space<vmem>>, vector<1x1x16xf32>,
        %parallel_loop3A_742 = vector.shape_cast %parallel_loop3A_741 : vector<1x1x16xf32> to vector<16xf32>
        %parallel_loop3A_743 = arith.constant 3.200000e+01 : f32
        %parallel_loop3A_744 = vector.broadcast %parallel_loop3A_743 : f32 to vector<16xf32>
        %parallel_loop3A_745 = arith.mulf %parallel_loop3A_742, %parallel_loop3A_744 : vector<16xf32>
        %parallel_loop3A_746 = arith.index_cast %select_n3A_262 : i32 to index
        %parallel_loop3A_747 = arith.index_cast %parallel_loop3A_401 : i32 to index
        %parallel_loop3A_748 = arith.constant 384 : index
        %parallel_loop3A_749 = tpu.vector_load %arg6[%parallel_loop3A_746, %parallel_loop3A_747, %parallel_loop3A_748] {strides = array<i32>} : memref<7x16x1024xf32, #tpu.memory_space<vmem>>, vector<1x1x16xf32>,
        %parallel_loop3A_750 = vector.shape_cast %parallel_loop3A_749 : vector<1x1x16xf32> to vector<16xf32>
        %parallel_loop3A_751 = vector.shape_cast %parallel_loop3A_745 : vector<16xf32> to vector<1x1x16xf32>
        tpu.vector_store %arg6[%parallel_loop3A_746, %parallel_loop3A_747, %parallel_loop3A_748], %parallel_loop3A_751 {strides = array<i32>} : memref<7x16x1024xf32, #tpu.memory_space<vmem>>, vector<1x1x16xf32>,
        %parallel_loop3A_752 = arith.index_cast %select_n3A_262 : i32 to index
        %parallel_loop3A_753 = arith.index_cast %parallel_loop3A_401 : i32 to index
        %parallel_loop3A_754 = arith.constant 400 : index
        %parallel_loop3A_755 = tpu.vector_load %arg6[%parallel_loop3A_752, %parallel_loop3A_753, %parallel_loop3A_754] {strides = array<i32>} : memref<7x16x1024xf32, #tpu.memory_space<vmem>>, vector<1x1x16xf32>,
        %parallel_loop3A_756 = vector.shape_cast %parallel_loop3A_755 : vector<1x1x16xf32> to vector<16xf32>
        %parallel_loop3A_757 = arith.constant 3.200000e+01 : f32
        %parallel_loop3A_758 = vector.broadcast %parallel_loop3A_757 : f32 to vector<16xf32>
        %parallel_loop3A_759 = arith.mulf %parallel_loop3A_756, %parallel_loop3A_758 : vector<16xf32>
        %parallel_loop3A_760 = arith.index_cast %select_n3A_262 : i32 to index
        %parallel_loop3A_761 = arith.index_cast %parallel_loop3A_401 : i32 to index
        %parallel_loop3A_762 = arith.constant 400 : index
        %parallel_loop3A_763 = tpu.vector_load %arg6[%parallel_loop3A_760, %parallel_loop3A_761, %parallel_loop3A_762] {strides = array<i32>} : memref<7x16x1024xf32, #tpu.memory_space<vmem>>, vector<1x1x16xf32>,
        %parallel_loop3A_764 = vector.shape_cast %parallel_loop3A_763 : vector<1x1x16xf32> to vector<16xf32>
        %parallel_loop3A_765 = vector.shape_cast %parallel_loop3A_759 : vector<16xf32> to vector<1x1x16xf32>
        tpu.vector_store %arg6[%parallel_loop3A_760, %parallel_loop3A_761, %parallel_loop3A_762], %parallel_loop3A_765 {strides = array<i32>} : memref<7x16x1024xf32, #tpu.memory_space<vmem>>, vector<1x1x16xf32>,
        %parallel_loop3A_766 = arith.index_cast %select_n3A_262 : i32 to index
        %parallel_loop3A_767 = arith.index_cast %parallel_loop3A_401 : i32 to index
        %parallel_loop3A_768 = arith.constant 416 : index
        %parallel_loop3A_769 = tpu.vector_load %arg6[%parallel_loop3A_766, %parallel_loop3A_767, %parallel_loop3A_768] {strides = array<i32>} : memref<7x16x1024xf32, #tpu.memory_space<vmem>>, vector<1x1x16xf32>,
        %parallel_loop3A_770 = vector.shape_cast %parallel_loop3A_769 : vector<1x1x16xf32> to vector<16xf32>
        %parallel_loop3A_771 = arith.constant 3.200000e+01 : f32
        %parallel_loop3A_772 = vector.broadcast %parallel_loop3A_771 : f32 to vector<16xf32>
        %parallel_loop3A_773 = arith.mulf %parallel_loop3A_770, %parallel_loop3A_772 : vector<16xf32>
        %parallel_loop3A_774 = arith.index_cast %select_n3A_262 : i32 to index
        %parallel_loop3A_775 = arith.index_cast %parallel_loop3A_401 : i32 to index
        %parallel_loop3A_776 = arith.constant 416 : index
        %parallel_loop3A_777 = tpu.vector_load %arg6[%parallel_loop3A_774, %parallel_loop3A_775, %parallel_loop3A_776] {strides = array<i32>} : memref<7x16x1024xf32, #tpu.memory_space<vmem>>, vector<1x1x16xf32>,
        %parallel_loop3A_778 = vector.shape_cast %parallel_loop3A_777 : vector<1x1x16xf32> to vector<16xf32>
        %parallel_loop3A_779 = vector.shape_cast %parallel_loop3A_773 : vector<16xf32> to vector<1x1x16xf32>
        tpu.vector_store %arg6[%parallel_loop3A_774, %parallel_loop3A_775, %parallel_loop3A_776], %parallel_loop3A_779 {strides = array<i32>} : memref<7x16x1024xf32, #tpu.memory_space<vmem>>, vector<1x1x16xf32>,
        %parallel_loop3A_780 = arith.index_cast %select_n3A_262 : i32 to index
        %parallel_loop3A_781 = arith.index_cast %parallel_loop3A_401 : i32 to index
        %parallel_loop3A_782 = arith.constant 432 : index
        %parallel_loop3A_783 = tpu.vector_load %arg6[%parallel_loop3A_780, %parallel_loop3A_781, %parallel_loop3A_782] {strides = array<i32>} : memref<7x16x1024xf32, #tpu.memory_space<vmem>>, vector<1x1x16xf32>,
        %parallel_loop3A_784 = vector.shape_cast %parallel_loop3A_783 : vector<1x1x16xf32> to vector<16xf32>
        %parallel_loop3A_785 = arith.constant 3.200000e+01 : f32
        %parallel_loop3A_786 = vector.broadcast %parallel_loop3A_785 : f32 to vector<16xf32>
        %parallel_loop3A_787 = arith.mulf %parallel_loop3A_784, %parallel_loop3A_786 : vector<16xf32>
        %parallel_loop3A_788 = arith.index_cast %select_n3A_262 : i32 to index
        %parallel_loop3A_789 = arith.index_cast %parallel_loop3A_401 : i32 to index
        %parallel_loop3A_790 = arith.constant 432 : index
        %parallel_loop3A_791 = tpu.vector_load %arg6[%parallel_loop3A_788, %parallel_loop3A_789, %parallel_loop3A_790] {strides = array<i32>} : memref<7x16x1024xf32, #tpu.memory_space<vmem>>, vector<1x1x16xf32>,
        %parallel_loop3A_792 = vector.shape_cast %parallel_loop3A_791 : vector<1x1x16xf32> to vector<16xf32>
        %parallel_loop3A_793 = vector.shape_cast %parallel_loop3A_787 : vector<16xf32> to vector<1x1x16xf32>
        tpu.vector_store %arg6[%parallel_loop3A_788, %parallel_loop3A_789, %parallel_loop3A_790], %parallel_loop3A_793 {strides = array<i32>} : memref<7x16x1024xf32, #tpu.memory_space<vmem>>, vector<1x1x16xf32>,
        %parallel_loop3A_794 = arith.index_cast %select_n3A_262 : i32 to index
        %parallel_loop3A_795 = arith.index_cast %parallel_loop3A_401 : i32 to index
        %parallel_loop3A_796 = arith.constant 448 : index
        %parallel_loop3A_797 = tpu.vector_load %arg6[%parallel_loop3A_794, %parallel_loop3A_795, %parallel_loop3A_796] {strides = array<i32>} : memref<7x16x1024xf32, #tpu.memory_space<vmem>>, vector<1x1x16xf32>,
        %parallel_loop3A_798 = vector.shape_cast %parallel_loop3A_797 : vector<1x1x16xf32> to vector<16xf32>
        %parallel_loop3A_799 = arith.constant 3.200000e+01 : f32
        %parallel_loop3A_800 = vector.broadcast %parallel_loop3A_799 : f32 to vector<16xf32>
        %parallel_loop3A_801 = arith.mulf %parallel_loop3A_798, %parallel_loop3A_800 : vector<16xf32>
        %parallel_loop3A_802 = arith.index_cast %select_n3A_262 : i32 to index
        %parallel_loop3A_803 = arith.index_cast %parallel_loop3A_401 : i32 to index
        %parallel_loop3A_804 = arith.constant 448 : index
        %parallel_loop3A_805 = tpu.vector_load %arg6[%parallel_loop3A_802, %parallel_loop3A_803, %parallel_loop3A_804] {strides = array<i32>} : memref<7x16x1024xf32, #tpu.memory_space<vmem>>, vector<1x1x16xf32>,
        %parallel_loop3A_806 = vector.shape_cast %parallel_loop3A_805 : vector<1x1x16xf32> to vector<16xf32>
        %parallel_loop3A_807 = vector.shape_cast %parallel_loop3A_801 : vector<16xf32> to vector<1x1x16xf32>
        tpu.vector_store %arg6[%parallel_loop3A_802, %parallel_loop3A_803, %parallel_loop3A_804], %parallel_loop3A_807 {strides = array<i32>} : memref<7x16x1024xf32, #tpu.memory_space<vmem>>, vector<1x1x16xf32>,
        %parallel_loop3A_808 = arith.index_cast %select_n3A_262 : i32 to index
        %parallel_loop3A_809 = arith.index_cast %parallel_loop3A_401 : i32 to index
        %parallel_loop3A_810 = arith.constant 464 : index
        %parallel_loop3A_811 = tpu.vector_load %arg6[%parallel_loop3A_808, %parallel_loop3A_809, %parallel_loop3A_810] {strides = array<i32>} : memref<7x16x1024xf32, #tpu.memory_space<vmem>>, vector<1x1x16xf32>,
        %parallel_loop3A_812 = vector.shape_cast %parallel_loop3A_811 : vector<1x1x16xf32> to vector<16xf32>
        %parallel_loop3A_813 = arith.constant 3.200000e+01 : f32
        %parallel_loop3A_814 = vector.broadcast %parallel_loop3A_813 : f32 to vector<16xf32>
        %parallel_loop3A_815 = arith.mulf %parallel_loop3A_812, %parallel_loop3A_814 : vector<16xf32>
        %parallel_loop3A_816 = arith.index_cast %select_n3A_262 : i32 to index
        %parallel_loop3A_817 = arith.index_cast %parallel_loop3A_401 : i32 to index
        %parallel_loop3A_818 = arith.constant 464 : index
        %parallel_loop3A_819 = tpu.vector_load %arg6[%parallel_loop3A_816, %parallel_loop3A_817, %parallel_loop3A_818] {strides = array<i32>} : memref<7x16x1024xf32, #tpu.memory_space<vmem>>, vector<1x1x16xf32>,
        %parallel_loop3A_820 = vector.shape_cast %parallel_loop3A_819 : vector<1x1x16xf32> to vector<16xf32>
        %parallel_loop3A_821 = vector.shape_cast %parallel_loop3A_815 : vector<16xf32> to vector<1x1x16xf32>
        tpu.vector_store %arg6[%parallel_loop3A_816, %parallel_loop3A_817, %parallel_loop3A_818], %parallel_loop3A_821 {strides = array<i32>} : memref<7x16x1024xf32, #tpu.memory_space<vmem>>, vector<1x1x16xf32>,
        %parallel_loop3A_822 = arith.index_cast %select_n3A_262 : i32 to index
        %parallel_loop3A_823 = arith.index_cast %parallel_loop3A_401 : i32 to index
        %parallel_loop3A_824 = arith.constant 480 : index
        %parallel_loop3A_825 = tpu.vector_load %arg6[%parallel_loop3A_822, %parallel_loop3A_823, %parallel_loop3A_824] {strides = array<i32>} : memref<7x16x1024xf32, #tpu.memory_space<vmem>>, vector<1x1x16xf32>,
        %parallel_loop3A_826 = vector.shape_cast %parallel_loop3A_825 : vector<1x1x16xf32> to vector<16xf32>
        %parallel_loop3A_827 = arith.constant 3.200000e+01 : f32
        %parallel_loop3A_828 = vector.broadcast %parallel_loop3A_827 : f32 to vector<16xf32>
        %parallel_loop3A_829 = arith.mulf %parallel_loop3A_826, %parallel_loop3A_828 : vector<16xf32>
        %parallel_loop3A_830 = arith.index_cast %select_n3A_262 : i32 to index
        %parallel_loop3A_831 = arith.index_cast %parallel_loop3A_401 : i32 to index
        %parallel_loop3A_832 = arith.constant 480 : index
        %parallel_loop3A_833 = tpu.vector_load %arg6[%parallel_loop3A_830, %parallel_loop3A_831, %parallel_loop3A_832] {strides = array<i32>} : memref<7x16x1024xf32, #tpu.memory_space<vmem>>, vector<1x1x16xf32>,
        %parallel_loop3A_834 = vector.shape_cast %parallel_loop3A_833 : vector<1x1x16xf32> to vector<16xf32>
        %parallel_loop3A_835 = vector.shape_cast %parallel_loop3A_829 : vector<16xf32> to vector<1x1x16xf32>
        tpu.vector_store %arg6[%parallel_loop3A_830, %parallel_loop3A_831, %parallel_loop3A_832], %parallel_loop3A_835 {strides = array<i32>} : memref<7x16x1024xf32, #tpu.memory_space<vmem>>, vector<1x1x16xf32>,
        %parallel_loop3A_836 = arith.index_cast %select_n3A_262 : i32 to index
        %parallel_loop3A_837 = arith.index_cast %parallel_loop3A_401 : i32 to index
        %parallel_loop3A_838 = arith.constant 496 : index
        %parallel_loop3A_839 = tpu.vector_load %arg6[%parallel_loop3A_836, %parallel_loop3A_837, %parallel_loop3A_838] {strides = array<i32>} : memref<7x16x1024xf32, #tpu.memory_space<vmem>>, vector<1x1x16xf32>,
        %parallel_loop3A_840 = vector.shape_cast %parallel_loop3A_839 : vector<1x1x16xf32> to vector<16xf32>
        %parallel_loop3A_841 = arith.constant 3.200000e+01 : f32
        %parallel_loop3A_842 = vector.broadcast %parallel_loop3A_841 : f32 to vector<16xf32>
        %parallel_loop3A_843 = arith.mulf %parallel_loop3A_840, %parallel_loop3A_842 : vector<16xf32>
        %parallel_loop3A_844 = arith.index_cast %select_n3A_262 : i32 to index
        %parallel_loop3A_845 = arith.index_cast %parallel_loop3A_401 : i32 to index
        %parallel_loop3A_846 = arith.constant 496 : index
        %parallel_loop3A_847 = tpu.vector_load %arg6[%parallel_loop3A_844, %parallel_loop3A_845, %parallel_loop3A_846] {strides = array<i32>} : memref<7x16x1024xf32, #tpu.memory_space<vmem>>, vector<1x1x16xf32>,
        %parallel_loop3A_848 = vector.shape_cast %parallel_loop3A_847 : vector<1x1x16xf32> to vector<16xf32>
        %parallel_loop3A_849 = vector.shape_cast %parallel_loop3A_843 : vector<16xf32> to vector<1x1x16xf32>
        tpu.vector_store %arg6[%parallel_loop3A_844, %parallel_loop3A_845, %parallel_loop3A_846], %parallel_loop3A_849 {strides = array<i32>} : memref<7x16x1024xf32, #tpu.memory_space<vmem>>, vector<1x1x16xf32>,
        %parallel_loop3A_850 = arith.index_cast %select_n3A_262 : i32 to index
        %parallel_loop3A_851 = arith.index_cast %parallel_loop3A_401 : i32 to index
        %parallel_loop3A_852 = arith.constant 512 : index
        %parallel_loop3A_853 = tpu.vector_load %arg6[%parallel_loop3A_850, %parallel_loop3A_851, %parallel_loop3A_852] {strides = array<i32>} : memref<7x16x1024xf32, #tpu.memory_space<vmem>>, vector<1x1x16xf32>,
        %parallel_loop3A_854 = vector.shape_cast %parallel_loop3A_853 : vector<1x1x16xf32> to vector<16xf32>
        %parallel_loop3A_855 = arith.constant 3.200000e+01 : f32
        %parallel_loop3A_856 = vector.broadcast %parallel_loop3A_855 : f32 to vector<16xf32>
        %parallel_loop3A_857 = arith.mulf %parallel_loop3A_854, %parallel_loop3A_856 : vector<16xf32>
        %parallel_loop3A_858 = arith.index_cast %select_n3A_262 : i32 to index
        %parallel_loop3A_859 = arith.index_cast %parallel_loop3A_401 : i32 to index
        %parallel_loop3A_860 = arith.constant 512 : index
        %parallel_loop3A_861 = tpu.vector_load %arg6[%parallel_loop3A_858, %parallel_loop3A_859, %parallel_loop3A_860] {strides = array<i32>} : memref<7x16x1024xf32, #tpu.memory_space<vmem>>, vector<1x1x16xf32>,
        %parallel_loop3A_862 = vector.shape_cast %parallel_loop3A_861 : vector<1x1x16xf32> to vector<16xf32>
        %parallel_loop3A_863 = vector.shape_cast %parallel_loop3A_857 : vector<16xf32> to vector<1x1x16xf32>
        tpu.vector_store %arg6[%parallel_loop3A_858, %parallel_loop3A_859, %parallel_loop3A_860], %parallel_loop3A_863 {strides = array<i32>} : memref<7x16x1024xf32, #tpu.memory_space<vmem>>, vector<1x1x16xf32>,
        %parallel_loop3A_864 = arith.index_cast %select_n3A_262 : i32 to index
        %parallel_loop3A_865 = arith.index_cast %parallel_loop3A_401 : i32 to index
        %parallel_loop3A_866 = arith.constant 528 : index
        %parallel_loop3A_867 = tpu.vector_load %arg6[%parallel_loop3A_864, %parallel_loop3A_865, %parallel_loop3A_866] {strides = array<i32>} : memref<7x16x1024xf32, #tpu.memory_space<vmem>>, vector<1x1x16xf32>,
        %parallel_loop3A_868 = vector.shape_cast %parallel_loop3A_867 : vector<1x1x16xf32> to vector<16xf32>
        %parallel_loop3A_869 = arith.constant 3.200000e+01 : f32
        %parallel_loop3A_870 = vector.broadcast %parallel_loop3A_869 : f32 to vector<16xf32>
        %parallel_loop3A_871 = arith.mulf %parallel_loop3A_868, %parallel_loop3A_870 : vector<16xf32>
        %parallel_loop3A_872 = arith.index_cast %select_n3A_262 : i32 to index
        %parallel_loop3A_873 = arith.index_cast %parallel_loop3A_401 : i32 to index
        %parallel_loop3A_874 = arith.constant 528 : index
        %parallel_loop3A_875 = tpu.vector_load %arg6[%parallel_loop3A_872, %parallel_loop3A_873, %parallel_loop3A_874] {strides = array<i32>} : memref<7x16x1024xf32, #tpu.memory_space<vmem>>, vector<1x1x16xf32>,
        %parallel_loop3A_876 = vector.shape_cast %parallel_loop3A_875 : vector<1x1x16xf32> to vector<16xf32>
        %parallel_loop3A_877 = vector.shape_cast %parallel_loop3A_871 : vector<16xf32> to vector<1x1x16xf32>
        tpu.vector_store %arg6[%parallel_loop3A_872, %parallel_loop3A_873, %parallel_loop3A_874], %parallel_loop3A_877 {strides = array<i32>} : memref<7x16x1024xf32, #tpu.memory_space<vmem>>, vector<1x1x16xf32>,
        %parallel_loop3A_878 = arith.index_cast %select_n3A_262 : i32 to index
        %parallel_loop3A_879 = arith.index_cast %parallel_loop3A_401 : i32 to index
        %parallel_loop3A_880 = arith.constant 544 : index
        %parallel_loop3A_881 = tpu.vector_load %arg6[%parallel_loop3A_878, %parallel_loop3A_879, %parallel_loop3A_880] {strides = array<i32>} : memref<7x16x1024xf32, #tpu.memory_space<vmem>>, vector<1x1x16xf32>,
        %parallel_loop3A_882 = vector.shape_cast %parallel_loop3A_881 : vector<1x1x16xf32> to vector<16xf32>
        %parallel_loop3A_883 = arith.constant 3.200000e+01 : f32
        %parallel_loop3A_884 = vector.broadcast %parallel_loop3A_883 : f32 to vector<16xf32>
        %parallel_loop3A_885 = arith.mulf %parallel_loop3A_882, %parallel_loop3A_884 : vector<16xf32>
        %parallel_loop3A_886 = arith.index_cast %select_n3A_262 : i32 to index
        %parallel_loop3A_887 = arith.index_cast %parallel_loop3A_401 : i32 to index
        %parallel_loop3A_888 = arith.constant 544 : index
        %parallel_loop3A_889 = tpu.vector_load %arg6[%parallel_loop3A_886, %parallel_loop3A_887, %parallel_loop3A_888] {strides = array<i32>} : memref<7x16x1024xf32, #tpu.memory_space<vmem>>, vector<1x1x16xf32>,
        %parallel_loop3A_890 = vector.shape_cast %parallel_loop3A_889 : vector<1x1x16xf32> to vector<16xf32>
        %parallel_loop3A_891 = vector.shape_cast %parallel_loop3A_885 : vector<16xf32> to vector<1x1x16xf32>
        tpu.vector_store %arg6[%parallel_loop3A_886, %parallel_loop3A_887, %parallel_loop3A_888], %parallel_loop3A_891 {strides = array<i32>} : memref<7x16x1024xf32, #tpu.memory_space<vmem>>, vector<1x1x16xf32>,
        %parallel_loop3A_892 = arith.index_cast %select_n3A_262 : i32 to index
        %parallel_loop3A_893 = arith.index_cast %parallel_loop3A_401 : i32 to index
        %parallel_loop3A_894 = arith.constant 560 : index
        %parallel_loop3A_895 = tpu.vector_load %arg6[%parallel_loop3A_892, %parallel_loop3A_893, %parallel_loop3A_894] {strides = array<i32>} : memref<7x16x1024xf32, #tpu.memory_space<vmem>>, vector<1x1x16xf32>,
        %parallel_loop3A_896 = vector.shape_cast %parallel_loop3A_895 : vector<1x1x16xf32> to vector<16xf32>
        %parallel_loop3A_897 = arith.constant 3.200000e+01 : f32
        %parallel_loop3A_898 = vector.broadcast %parallel_loop3A_897 : f32 to vector<16xf32>
        %parallel_loop3A_899 = arith.mulf %parallel_loop3A_896, %parallel_loop3A_898 : vector<16xf32>
        %parallel_loop3A_900 = arith.index_cast %select_n3A_262 : i32 to index
        %parallel_loop3A_901 = arith.index_cast %parallel_loop3A_401 : i32 to index
        %parallel_loop3A_902 = arith.constant 560 : index
        %parallel_loop3A_903 = tpu.vector_load %arg6[%parallel_loop3A_900, %parallel_loop3A_901, %parallel_loop3A_902] {strides = array<i32>} : memref<7x16x1024xf32, #tpu.memory_space<vmem>>, vector<1x1x16xf32>,
        %parallel_loop3A_904 = vector.shape_cast %parallel_loop3A_903 : vector<1x1x16xf32> to vector<16xf32>
        %parallel_loop3A_905 = vector.shape_cast %parallel_loop3A_899 : vector<16xf32> to vector<1x1x16xf32>
        tpu.vector_store %arg6[%parallel_loop3A_900, %parallel_loop3A_901, %parallel_loop3A_902], %parallel_loop3A_905 {strides = array<i32>} : memref<7x16x1024xf32, #tpu.memory_space<vmem>>, vector<1x1x16xf32>,
        %parallel_loop3A_906 = arith.index_cast %select_n3A_262 : i32 to index
        %parallel_loop3A_907 = arith.index_cast %parallel_loop3A_401 : i32 to index
        %parallel_loop3A_908 = arith.constant 576 : index
        %parallel_loop3A_909 = tpu.vector_load %arg6[%parallel_loop3A_906, %parallel_loop3A_907, %parallel_loop3A_908] {strides = array<i32>} : memref<7x16x1024xf32, #tpu.memory_space<vmem>>, vector<1x1x16xf32>,
        %parallel_loop3A_910 = vector.shape_cast %parallel_loop3A_909 : vector<1x1x16xf32> to vector<16xf32>
        %parallel_loop3A_911 = arith.constant 3.200000e+01 : f32
        %parallel_loop3A_912 = vector.broadcast %parallel_loop3A_911 : f32 to vector<16xf32>
        %parallel_loop3A_913 = arith.mulf %parallel_loop3A_910, %parallel_loop3A_912 : vector<16xf32>
        %parallel_loop3A_914 = arith.index_cast %select_n3A_262 : i32 to index
        %parallel_loop3A_915 = arith.index_cast %parallel_loop3A_401 : i32 to index
        %parallel_loop3A_916 = arith.constant 576 : index
        %parallel_loop3A_917 = tpu.vector_load %arg6[%parallel_loop3A_914, %parallel_loop3A_915, %parallel_loop3A_916] {strides = array<i32>} : memref<7x16x1024xf32, #tpu.memory_space<vmem>>, vector<1x1x16xf32>,
        %parallel_loop3A_918 = vector.shape_cast %parallel_loop3A_917 : vector<1x1x16xf32> to vector<16xf32>
        %parallel_loop3A_919 = vector.shape_cast %parallel_loop3A_913 : vector<16xf32> to vector<1x1x16xf32>
        tpu.vector_store %arg6[%parallel_loop3A_914, %parallel_loop3A_915, %parallel_loop3A_916], %parallel_loop3A_919 {strides = array<i32>} : memref<7x16x1024xf32, #tpu.memory_space<vmem>>, vector<1x1x16xf32>,
        %parallel_loop3A_920 = arith.index_cast %select_n3A_262 : i32 to index
        %parallel_loop3A_921 = arith.index_cast %parallel_loop3A_401 : i32 to index
        %parallel_loop3A_922 = arith.constant 592 : index
        %parallel_loop3A_923 = tpu.vector_load %arg6[%parallel_loop3A_920, %parallel_loop3A_921, %parallel_loop3A_922] {strides = array<i32>} : memref<7x16x1024xf32, #tpu.memory_space<vmem>>, vector<1x1x16xf32>,
        %parallel_loop3A_924 = vector.shape_cast %parallel_loop3A_923 : vector<1x1x16xf32> to vector<16xf32>
        %parallel_loop3A_925 = arith.constant 3.200000e+01 : f32
        %parallel_loop3A_926 = vector.broadcast %parallel_loop3A_925 : f32 to vector<16xf32>
        %parallel_loop3A_927 = arith.mulf %parallel_loop3A_924, %parallel_loop3A_926 : vector<16xf32>
        %parallel_loop3A_928 = arith.index_cast %select_n3A_262 : i32 to index
        %parallel_loop3A_929 = arith.index_cast %parallel_loop3A_401 : i32 to index
        %parallel_loop3A_930 = arith.constant 592 : index
        %parallel_loop3A_931 = tpu.vector_load %arg6[%parallel_loop3A_928, %parallel_loop3A_929, %parallel_loop3A_930] {strides = array<i32>} : memref<7x16x1024xf32, #tpu.memory_space<vmem>>, vector<1x1x16xf32>,
        %parallel_loop3A_932 = vector.shape_cast %parallel_loop3A_931 : vector<1x1x16xf32> to vector<16xf32>
        %parallel_loop3A_933 = vector.shape_cast %parallel_loop3A_927 : vector<16xf32> to vector<1x1x16xf32>
        tpu.vector_store %arg6[%parallel_loop3A_928, %parallel_loop3A_929, %parallel_loop3A_930], %parallel_loop3A_933 {strides = array<i32>} : memref<7x16x1024xf32, #tpu.memory_space<vmem>>, vector<1x1x16xf32>,
        %parallel_loop3A_934 = arith.index_cast %select_n3A_262 : i32 to index
        %parallel_loop3A_935 = arith.index_cast %parallel_loop3A_401 : i32 to index
        %parallel_loop3A_936 = arith.constant 608 : index
        %parallel_loop3A_937 = tpu.vector_load %arg6[%parallel_loop3A_934, %parallel_loop3A_935, %parallel_loop3A_936] {strides = array<i32>} : memref<7x16x1024xf32, #tpu.memory_space<vmem>>, vector<1x1x16xf32>,
        %parallel_loop3A_938 = vector.shape_cast %parallel_loop3A_937 : vector<1x1x16xf32> to vector<16xf32>
        %parallel_loop3A_939 = arith.constant 3.200000e+01 : f32
        %parallel_loop3A_940 = vector.broadcast %parallel_loop3A_939 : f32 to vector<16xf32>
        %parallel_loop3A_941 = arith.mulf %parallel_loop3A_938, %parallel_loop3A_940 : vector<16xf32>
        %parallel_loop3A_942 = arith.index_cast %select_n3A_262 : i32 to index
        %parallel_loop3A_943 = arith.index_cast %parallel_loop3A_401 : i32 to index
        %parallel_loop3A_944 = arith.constant 608 : index
        %parallel_loop3A_945 = tpu.vector_load %arg6[%parallel_loop3A_942, %parallel_loop3A_943, %parallel_loop3A_944] {strides = array<i32>} : memref<7x16x1024xf32, #tpu.memory_space<vmem>>, vector<1x1x16xf32>,
        %parallel_loop3A_946 = vector.shape_cast %parallel_loop3A_945 : vector<1x1x16xf32> to vector<16xf32>
        %parallel_loop3A_947 = vector.shape_cast %parallel_loop3A_941 : vector<16xf32> to vector<1x1x16xf32>
        tpu.vector_store %arg6[%parallel_loop3A_942, %parallel_loop3A_943, %parallel_loop3A_944], %parallel_loop3A_947 {strides = array<i32>} : memref<7x16x1024xf32, #tpu.memory_space<vmem>>, vector<1x1x16xf32>,
        %parallel_loop3A_948 = arith.index_cast %select_n3A_262 : i32 to index
        %parallel_loop3A_949 = arith.index_cast %parallel_loop3A_401 : i32 to index
        %parallel_loop3A_950 = arith.constant 624 : index
        %parallel_loop3A_951 = tpu.vector_load %arg6[%parallel_loop3A_948, %parallel_loop3A_949, %parallel_loop3A_950] {strides = array<i32>} : memref<7x16x1024xf32, #tpu.memory_space<vmem>>, vector<1x1x16xf32>,
        %parallel_loop3A_952 = vector.shape_cast %parallel_loop3A_951 : vector<1x1x16xf32> to vector<16xf32>
        %parallel_loop3A_953 = arith.constant 3.200000e+01 : f32
        %parallel_loop3A_954 = vector.broadcast %parallel_loop3A_953 : f32 to vector<16xf32>
        %parallel_loop3A_955 = arith.mulf %parallel_loop3A_952, %parallel_loop3A_954 : vector<16xf32>
        %parallel_loop3A_956 = arith.index_cast %select_n3A_262 : i32 to index
        %parallel_loop3A_957 = arith.index_cast %parallel_loop3A_401 : i32 to index
        %parallel_loop3A_958 = arith.constant 624 : index
        %parallel_loop3A_959 = tpu.vector_load %arg6[%parallel_loop3A_956, %parallel_loop3A_957, %parallel_loop3A_958] {strides = array<i32>} : memref<7x16x1024xf32, #tpu.memory_space<vmem>>, vector<1x1x16xf32>,
        %parallel_loop3A_960 = vector.shape_cast %parallel_loop3A_959 : vector<1x1x16xf32> to vector<16xf32>
        %parallel_loop3A_961 = vector.shape_cast %parallel_loop3A_955 : vector<16xf32> to vector<1x1x16xf32>
        tpu.vector_store %arg6[%parallel_loop3A_956, %parallel_loop3A_957, %parallel_loop3A_958], %parallel_loop3A_961 {strides = array<i32>} : memref<7x16x1024xf32, #tpu.memory_space<vmem>>, vector<1x1x16xf32>,
        %parallel_loop3A_962 = arith.index_cast %select_n3A_262 : i32 to index
        %parallel_loop3A_963 = arith.index_cast %parallel_loop3A_401 : i32 to index
        %parallel_loop3A_964 = arith.constant 640 : index
        %parallel_loop3A_965 = tpu.vector_load %arg6[%parallel_loop3A_962, %parallel_loop3A_963, %parallel_loop3A_964] {strides = array<i32>} : memref<7x16x1024xf32, #tpu.memory_space<vmem>>, vector<1x1x16xf32>,
        %parallel_loop3A_966 = vector.shape_cast %parallel_loop3A_965 : vector<1x1x16xf32> to vector<16xf32>
        %parallel_loop3A_967 = arith.constant 3.200000e+01 : f32
        %parallel_loop3A_968 = vector.broadcast %parallel_loop3A_967 : f32 to vector<16xf32>
        %parallel_loop3A_969 = arith.mulf %parallel_loop3A_966, %parallel_loop3A_968 : vector<16xf32>
        %parallel_loop3A_970 = arith.index_cast %select_n3A_262 : i32 to index
        %parallel_loop3A_971 = arith.index_cast %parallel_loop3A_401 : i32 to index
        %parallel_loop3A_972 = arith.constant 640 : index
        %parallel_loop3A_973 = tpu.vector_load %arg6[%parallel_loop3A_970, %parallel_loop3A_971, %parallel_loop3A_972] {strides = array<i32>} : memref<7x16x1024xf32, #tpu.memory_space<vmem>>, vector<1x1x16xf32>,
        %parallel_loop3A_974 = vector.shape_cast %parallel_loop3A_973 : vector<1x1x16xf32> to vector<16xf32>
        %parallel_loop3A_975 = vector.shape_cast %parallel_loop3A_969 : vector<16xf32> to vector<1x1x16xf32>
        tpu.vector_store %arg6[%parallel_loop3A_970, %parallel_loop3A_971, %parallel_loop3A_972], %parallel_loop3A_975 {strides = array<i32>} : memref<7x16x1024xf32, #tpu.memory_space<vmem>>, vector<1x1x16xf32>,
        %parallel_loop3A_976 = arith.index_cast %select_n3A_262 : i32 to index
        %parallel_loop3A_977 = arith.index_cast %parallel_loop3A_401 : i32 to index
        %parallel_loop3A_978 = arith.constant 656 : index
        %parallel_loop3A_979 = tpu.vector_load %arg6[%parallel_loop3A_976, %parallel_loop3A_977, %parallel_loop3A_978] {strides = array<i32>} : memref<7x16x1024xf32, #tpu.memory_space<vmem>>, vector<1x1x16xf32>,
        %parallel_loop3A_980 = vector.shape_cast %parallel_loop3A_979 : vector<1x1x16xf32> to vector<16xf32>
        %parallel_loop3A_981 = arith.constant 3.200000e+01 : f32
        %parallel_loop3A_982 = vector.broadcast %parallel_loop3A_981 : f32 to vector<16xf32>
        %parallel_loop3A_983 = arith.mulf %parallel_loop3A_980, %parallel_loop3A_982 : vector<16xf32>
        %parallel_loop3A_984 = arith.index_cast %select_n3A_262 : i32 to index
        %parallel_loop3A_985 = arith.index_cast %parallel_loop3A_401 : i32 to index
        %parallel_loop3A_986 = arith.constant 656 : index
        %parallel_loop3A_987 = tpu.vector_load %arg6[%parallel_loop3A_984, %parallel_loop3A_985, %parallel_loop3A_986] {strides = array<i32>} : memref<7x16x1024xf32, #tpu.memory_space<vmem>>, vector<1x1x16xf32>,
        %parallel_loop3A_988 = vector.shape_cast %parallel_loop3A_987 : vector<1x1x16xf32> to vector<16xf32>
        %parallel_loop3A_989 = vector.shape_cast %parallel_loop3A_983 : vector<16xf32> to vector<1x1x16xf32>
        tpu.vector_store %arg6[%parallel_loop3A_984, %parallel_loop3A_985, %parallel_loop3A_986], %parallel_loop3A_989 {strides = array<i32>} : memref<7x16x1024xf32, #tpu.memory_space<vmem>>, vector<1x1x16xf32>,
        %parallel_loop3A_990 = arith.index_cast %select_n3A_262 : i32 to index
        %parallel_loop3A_991 = arith.index_cast %parallel_loop3A_401 : i32 to index
        %parallel_loop3A_992 = arith.constant 672 : index
        %parallel_loop3A_993 = tpu.vector_load %arg6[%parallel_loop3A_990, %parallel_loop3A_991, %parallel_loop3A_992] {strides = array<i32>} : memref<7x16x1024xf32, #tpu.memory_space<vmem>>, vector<1x1x16xf32>,
        %parallel_loop3A_994 = vector.shape_cast %parallel_loop3A_993 : vector<1x1x16xf32> to vector<16xf32>
        %parallel_loop3A_995 = arith.constant 3.200000e+01 : f32
        %parallel_loop3A_996 = vector.broadcast %parallel_loop3A_995 : f32 to vector<16xf32>
        %parallel_loop3A_997 = arith.mulf %parallel_loop3A_994, %parallel_loop3A_996 : vector<16xf32>
        %parallel_loop3A_998 = arith.index_cast %select_n3A_262 : i32 to index
        %parallel_loop3A_999 = arith.index_cast %parallel_loop3A_401 : i32 to index
        %parallel_loop3A_1000 = arith.constant 672 : index
        %parallel_loop3A_1001 = tpu.vector_load %arg6[%parallel_loop3A_998, %parallel_loop3A_999, %parallel_loop3A_1000] {strides = array<i32>} : memref<7x16x1024xf32, #tpu.memory_space<vmem>>, vector<1x1x16xf32>,
        %parallel_loop3A_1002 = vector.shape_cast %parallel_loop3A_1001 : vector<1x1x16xf32> to vector<16xf32>
        %parallel_loop3A_1003 = vector.shape_cast %parallel_loop3A_997 : vector<16xf32> to vector<1x1x16xf32>
        tpu.vector_store %arg6[%parallel_loop3A_998, %parallel_loop3A_999, %parallel_loop3A_1000], %parallel_loop3A_1003 {strides = array<i32>} : memref<7x16x1024xf32, #tpu.memory_space<vmem>>, vector<1x1x16xf32>,
        %parallel_loop3A_1004 = arith.index_cast %select_n3A_262 : i32 to index
        %parallel_loop3A_1005 = arith.index_cast %parallel_loop3A_401 : i32 to index
        %parallel_loop3A_1006 = arith.constant 688 : index
        %parallel_loop3A_1007 = tpu.vector_load %arg6[%parallel_loop3A_1004, %parallel_loop3A_1005, %parallel_loop3A_1006] {strides = array<i32>} : memref<7x16x1024xf32, #tpu.memory_space<vmem>>, vector<1x1x16xf32>,
        %parallel_loop3A_1008 = vector.shape_cast %parallel_loop3A_1007 : vector<1x1x16xf32> to vector<16xf32>
        %parallel_loop3A_1009 = arith.constant 3.200000e+01 : f32
        %parallel_loop3A_1010 = vector.broadcast %parallel_loop3A_1009 : f32 to vector<16xf32>
        %parallel_loop3A_1011 = arith.mulf %parallel_loop3A_1008, %parallel_loop3A_1010 : vector<16xf32>
        %parallel_loop3A_1012 = arith.index_cast %select_n3A_262 : i32 to index
        %parallel_loop3A_1013 = arith.index_cast %parallel_loop3A_401 : i32 to index
        %parallel_loop3A_1014 = arith.constant 688 : index
        %parallel_loop3A_1015 = tpu.vector_load %arg6[%parallel_loop3A_1012, %parallel_loop3A_1013, %parallel_loop3A_1014] {strides = array<i32>} : memref<7x16x1024xf32, #tpu.memory_space<vmem>>, vector<1x1x16xf32>,
        %parallel_loop3A_1016 = vector.shape_cast %parallel_loop3A_1015 : vector<1x1x16xf32> to vector<16xf32>
        %parallel_loop3A_1017 = vector.shape_cast %parallel_loop3A_1011 : vector<16xf32> to vector<1x1x16xf32>
        tpu.vector_store %arg6[%parallel_loop3A_1012, %parallel_loop3A_1013, %parallel_loop3A_1014], %parallel_loop3A_1017 {strides = array<i32>} : memref<7x16x1024xf32, #tpu.memory_space<vmem>>, vector<1x1x16xf32>,
        %parallel_loop3A_1018 = arith.index_cast %select_n3A_262 : i32 to index
        %parallel_loop3A_1019 = arith.index_cast %parallel_loop3A_401 : i32 to index
        %parallel_loop3A_1020 = arith.constant 704 : index
        %parallel_loop3A_1021 = tpu.vector_load %arg6[%parallel_loop3A_1018, %parallel_loop3A_1019, %parallel_loop3A_1020] {strides = array<i32>} : memref<7x16x1024xf32, #tpu.memory_space<vmem>>, vector<1x1x16xf32>,
        %parallel_loop3A_1022 = vector.shape_cast %parallel_loop3A_1021 : vector<1x1x16xf32> to vector<16xf32>
        %parallel_loop3A_1023 = arith.constant 3.200000e+01 : f32
        %parallel_loop3A_1024 = vector.broadcast %parallel_loop3A_1023 : f32 to vector<16xf32>
        %parallel_loop3A_1025 = arith.mulf %parallel_loop3A_1022, %parallel_loop3A_1024 : vector<16xf32>
        %parallel_loop3A_1026 = arith.index_cast %select_n3A_262 : i32 to index
        %parallel_loop3A_1027 = arith.index_cast %parallel_loop3A_401 : i32 to index
        %parallel_loop3A_1028 = arith.constant 704 : index
        %parallel_loop3A_1029 = tpu.vector_load %arg6[%parallel_loop3A_1026, %parallel_loop3A_1027, %parallel_loop3A_1028] {strides = array<i32>} : memref<7x16x1024xf32, #tpu.memory_space<vmem>>, vector<1x1x16xf32>,
        %parallel_loop3A_1030 = vector.shape_cast %parallel_loop3A_1029 : vector<1x1x16xf32> to vector<16xf32>
        %parallel_loop3A_1031 = vector.shape_cast %parallel_loop3A_1025 : vector<16xf32> to vector<1x1x16xf32>
        tpu.vector_store %arg6[%parallel_loop3A_1026, %parallel_loop3A_1027, %parallel_loop3A_1028], %parallel_loop3A_1031 {strides = array<i32>} : memref<7x16x1024xf32, #tpu.memory_space<vmem>>, vector<1x1x16xf32>,
        %parallel_loop3A_1032 = arith.index_cast %select_n3A_262 : i32 to index
        %parallel_loop3A_1033 = arith.index_cast %parallel_loop3A_401 : i32 to index
        %parallel_loop3A_1034 = arith.constant 720 : index
        %parallel_loop3A_1035 = tpu.vector_load %arg6[%parallel_loop3A_1032, %parallel_loop3A_1033, %parallel_loop3A_1034] {strides = array<i32>} : memref<7x16x1024xf32, #tpu.memory_space<vmem>>, vector<1x1x16xf32>,
        %parallel_loop3A_1036 = vector.shape_cast %parallel_loop3A_1035 : vector<1x1x16xf32> to vector<16xf32>
        %parallel_loop3A_1037 = arith.constant 3.200000e+01 : f32
        %parallel_loop3A_1038 = vector.broadcast %parallel_loop3A_1037 : f32 to vector<16xf32>
        %parallel_loop3A_1039 = arith.mulf %parallel_loop3A_1036, %parallel_loop3A_1038 : vector<16xf32>
        %parallel_loop3A_1040 = arith.index_cast %select_n3A_262 : i32 to index
        %parallel_loop3A_1041 = arith.index_cast %parallel_loop3A_401 : i32 to index
        %parallel_loop3A_1042 = arith.constant 720 : index
        %parallel_loop3A_1043 = tpu.vector_load %arg6[%parallel_loop3A_1040, %parallel_loop3A_1041, %parallel_loop3A_1042] {strides = array<i32>} : memref<7x16x1024xf32, #tpu.memory_space<vmem>>, vector<1x1x16xf32>,
        %parallel_loop3A_1044 = vector.shape_cast %parallel_loop3A_1043 : vector<1x1x16xf32> to vector<16xf32>
        %parallel_loop3A_1045 = vector.shape_cast %parallel_loop3A_1039 : vector<16xf32> to vector<1x1x16xf32>
        tpu.vector_store %arg6[%parallel_loop3A_1040, %parallel_loop3A_1041, %parallel_loop3A_1042], %parallel_loop3A_1045 {strides = array<i32>} : memref<7x16x1024xf32, #tpu.memory_space<vmem>>, vector<1x1x16xf32>,
        %parallel_loop3A_1046 = arith.index_cast %select_n3A_262 : i32 to index
        %parallel_loop3A_1047 = arith.index_cast %parallel_loop3A_401 : i32 to index
        %parallel_loop3A_1048 = arith.constant 736 : index
        %parallel_loop3A_1049 = tpu.vector_load %arg6[%parallel_loop3A_1046, %parallel_loop3A_1047, %parallel_loop3A_1048] {strides = array<i32>} : memref<7x16x1024xf32, #tpu.memory_space<vmem>>, vector<1x1x16xf32>,
        %parallel_loop3A_1050 = vector.shape_cast %parallel_loop3A_1049 : vector<1x1x16xf32> to vector<16xf32>
        %parallel_loop3A_1051 = arith.constant 3.200000e+01 : f32
        %parallel_loop3A_1052 = vector.broadcast %parallel_loop3A_1051 : f32 to vector<16xf32>
        %parallel_loop3A_1053 = arith.mulf %parallel_loop3A_1050, %parallel_loop3A_1052 : vector<16xf32>
        %parallel_loop3A_1054 = arith.index_cast %select_n3A_262 : i32 to index
        %parallel_loop3A_1055 = arith.index_cast %parallel_loop3A_401 : i32 to index
        %parallel_loop3A_1056 = arith.constant 736 : index
        %parallel_loop3A_1057 = tpu.vector_load %arg6[%parallel_loop3A_1054, %parallel_loop3A_1055, %parallel_loop3A_1056] {strides = array<i32>} : memref<7x16x1024xf32, #tpu.memory_space<vmem>>, vector<1x1x16xf32>,
        %parallel_loop3A_1058 = vector.shape_cast %parallel_loop3A_1057 : vector<1x1x16xf32> to vector<16xf32>
        %parallel_loop3A_1059 = vector.shape_cast %parallel_loop3A_1053 : vector<16xf32> to vector<1x1x16xf32>
        tpu.vector_store %arg6[%parallel_loop3A_1054, %parallel_loop3A_1055, %parallel_loop3A_1056], %parallel_loop3A_1059 {strides = array<i32>} : memref<7x16x1024xf32, #tpu.memory_space<vmem>>, vector<1x1x16xf32>,
        %parallel_loop3A_1060 = arith.index_cast %select_n3A_262 : i32 to index
        %parallel_loop3A_1061 = arith.index_cast %parallel_loop3A_401 : i32 to index
        %parallel_loop3A_1062 = arith.constant 752 : index
        %parallel_loop3A_1063 = tpu.vector_load %arg6[%parallel_loop3A_1060, %parallel_loop3A_1061, %parallel_loop3A_1062] {strides = array<i32>} : memref<7x16x1024xf32, #tpu.memory_space<vmem>>, vector<1x1x16xf32>,
        %parallel_loop3A_1064 = vector.shape_cast %parallel_loop3A_1063 : vector<1x1x16xf32> to vector<16xf32>
        %parallel_loop3A_1065 = arith.constant 3.200000e+01 : f32
        %parallel_loop3A_1066 = vector.broadcast %parallel_loop3A_1065 : f32 to vector<16xf32>
        %parallel_loop3A_1067 = arith.mulf %parallel_loop3A_1064, %parallel_loop3A_1066 : vector<16xf32>
        %parallel_loop3A_1068 = arith.index_cast %select_n3A_262 : i32 to index
        %parallel_loop3A_1069 = arith.index_cast %parallel_loop3A_401 : i32 to index
        %parallel_loop3A_1070 = arith.constant 752 : index
        %parallel_loop3A_1071 = tpu.vector_load %arg6[%parallel_loop3A_1068, %parallel_loop3A_1069, %parallel_loop3A_1070] {strides = array<i32>} : memref<7x16x1024xf32, #tpu.memory_space<vmem>>, vector<1x1x16xf32>,
        %parallel_loop3A_1072 = vector.shape_cast %parallel_loop3A_1071 : vector<1x1x16xf32> to vector<16xf32>
        %parallel_loop3A_1073 = vector.shape_cast %parallel_loop3A_1067 : vector<16xf32> to vector<1x1x16xf32>
        tpu.vector_store %arg6[%parallel_loop3A_1068, %parallel_loop3A_1069, %parallel_loop3A_1070], %parallel_loop3A_1073 {strides = array<i32>} : memref<7x16x1024xf32, #tpu.memory_space<vmem>>, vector<1x1x16xf32>,
        %parallel_loop3A_1074 = arith.index_cast %select_n3A_262 : i32 to index
        %parallel_loop3A_1075 = arith.index_cast %parallel_loop3A_401 : i32 to index
        %parallel_loop3A_1076 = arith.constant 768 : index
        %parallel_loop3A_1077 = tpu.vector_load %arg6[%parallel_loop3A_1074, %parallel_loop3A_1075, %parallel_loop3A_1076] {strides = array<i32>} : memref<7x16x1024xf32, #tpu.memory_space<vmem>>, vector<1x1x16xf32>,
        %parallel_loop3A_1078 = vector.shape_cast %parallel_loop3A_1077 : vector<1x1x16xf32> to vector<16xf32>
        %parallel_loop3A_1079 = arith.constant 3.200000e+01 : f32
        %parallel_loop3A_1080 = vector.broadcast %parallel_loop3A_1079 : f32 to vector<16xf32>
        %parallel_loop3A_1081 = arith.mulf %parallel_loop3A_1078, %parallel_loop3A_1080 : vector<16xf32>
        %parallel_loop3A_1082 = arith.index_cast %select_n3A_262 : i32 to index
        %parallel_loop3A_1083 = arith.index_cast %parallel_loop3A_401 : i32 to index
        %parallel_loop3A_1084 = arith.constant 768 : index
        %parallel_loop3A_1085 = tpu.vector_load %arg6[%parallel_loop3A_1082, %parallel_loop3A_1083, %parallel_loop3A_1084] {strides = array<i32>} : memref<7x16x1024xf32, #tpu.memory_space<vmem>>, vector<1x1x16xf32>,
        %parallel_loop3A_1086 = vector.shape_cast %parallel_loop3A_1085 : vector<1x1x16xf32> to vector<16xf32>
        %parallel_loop3A_1087 = vector.shape_cast %parallel_loop3A_1081 : vector<16xf32> to vector<1x1x16xf32>
        tpu.vector_store %arg6[%parallel_loop3A_1082, %parallel_loop3A_1083, %parallel_loop3A_1084], %parallel_loop3A_1087 {strides = array<i32>} : memref<7x16x1024xf32, #tpu.memory_space<vmem>>, vector<1x1x16xf32>,
        %parallel_loop3A_1088 = arith.index_cast %select_n3A_262 : i32 to index
        %parallel_loop3A_1089 = arith.index_cast %parallel_loop3A_401 : i32 to index
        %parallel_loop3A_1090 = arith.constant 784 : index
        %parallel_loop3A_1091 = tpu.vector_load %arg6[%parallel_loop3A_1088, %parallel_loop3A_1089, %parallel_loop3A_1090] {strides = array<i32>} : memref<7x16x1024xf32, #tpu.memory_space<vmem>>, vector<1x1x16xf32>,
        %parallel_loop3A_1092 = vector.shape_cast %parallel_loop3A_1091 : vector<1x1x16xf32> to vector<16xf32>
        %parallel_loop3A_1093 = arith.constant 3.200000e+01 : f32
        %parallel_loop3A_1094 = vector.broadcast %parallel_loop3A_1093 : f32 to vector<16xf32>
        %parallel_loop3A_1095 = arith.mulf %parallel_loop3A_1092, %parallel_loop3A_1094 : vector<16xf32>
        %parallel_loop3A_1096 = arith.index_cast %select_n3A_262 : i32 to index
        %parallel_loop3A_1097 = arith.index_cast %parallel_loop3A_401 : i32 to index
        %parallel_loop3A_1098 = arith.constant 784 : index
        %parallel_loop3A_1099 = tpu.vector_load %arg6[%parallel_loop3A_1096, %parallel_loop3A_1097, %parallel_loop3A_1098] {strides = array<i32>} : memref<7x16x1024xf32, #tpu.memory_space<vmem>>, vector<1x1x16xf32>,
        %parallel_loop3A_1100 = vector.shape_cast %parallel_loop3A_1099 : vector<1x1x16xf32> to vector<16xf32>
        %parallel_loop3A_1101 = vector.shape_cast %parallel_loop3A_1095 : vector<16xf32> to vector<1x1x16xf32>
        tpu.vector_store %arg6[%parallel_loop3A_1096, %parallel_loop3A_1097, %parallel_loop3A_1098], %parallel_loop3A_1101 {strides = array<i32>} : memref<7x16x1024xf32, #tpu.memory_space<vmem>>, vector<1x1x16xf32>,
        %parallel_loop3A_1102 = arith.index_cast %select_n3A_262 : i32 to index
        %parallel_loop3A_1103 = arith.index_cast %parallel_loop3A_401 : i32 to index
        %parallel_loop3A_1104 = arith.constant 800 : index
        %parallel_loop3A_1105 = tpu.vector_load %arg6[%parallel_loop3A_1102, %parallel_loop3A_1103, %parallel_loop3A_1104] {strides = array<i32>} : memref<7x16x1024xf32, #tpu.memory_space<vmem>>, vector<1x1x16xf32>,
        %parallel_loop3A_1106 = vector.shape_cast %parallel_loop3A_1105 : vector<1x1x16xf32> to vector<16xf32>
        %parallel_loop3A_1107 = arith.constant 3.200000e+01 : f32
        %parallel_loop3A_1108 = vector.broadcast %parallel_loop3A_1107 : f32 to vector<16xf32>
        %parallel_loop3A_1109 = arith.mulf %parallel_loop3A_1106, %parallel_loop3A_1108 : vector<16xf32>
        %parallel_loop3A_1110 = arith.index_cast %select_n3A_262 : i32 to index
        %parallel_loop3A_1111 = arith.index_cast %parallel_loop3A_401 : i32 to index
        %parallel_loop3A_1112 = arith.constant 800 : index
        %parallel_loop3A_1113 = tpu.vector_load %arg6[%parallel_loop3A_1110, %parallel_loop3A_1111, %parallel_loop3A_1112] {strides = array<i32>} : memref<7x16x1024xf32, #tpu.memory_space<vmem>>, vector<1x1x16xf32>,
        %parallel_loop3A_1114 = vector.shape_cast %parallel_loop3A_1113 : vector<1x1x16xf32> to vector<16xf32>
        %parallel_loop3A_1115 = vector.shape_cast %parallel_loop3A_1109 : vector<16xf32> to vector<1x1x16xf32>
        tpu.vector_store %arg6[%parallel_loop3A_1110, %parallel_loop3A_1111, %parallel_loop3A_1112], %parallel_loop3A_1115 {strides = array<i32>} : memref<7x16x1024xf32, #tpu.memory_space<vmem>>, vector<1x1x16xf32>,
        %parallel_loop3A_1116 = arith.index_cast %select_n3A_262 : i32 to index
        %parallel_loop3A_1117 = arith.index_cast %parallel_loop3A_401 : i32 to index
        %parallel_loop3A_1118 = arith.constant 816 : index
        %parallel_loop3A_1119 = tpu.vector_load %arg6[%parallel_loop3A_1116, %parallel_loop3A_1117, %parallel_loop3A_1118] {strides = array<i32>} : memref<7x16x1024xf32, #tpu.memory_space<vmem>>, vector<1x1x16xf32>,
        %parallel_loop3A_1120 = vector.shape_cast %parallel_loop3A_1119 : vector<1x1x16xf32> to vector<16xf32>
        %parallel_loop3A_1121 = arith.constant 3.200000e+01 : f32
        %parallel_loop3A_1122 = vector.broadcast %parallel_loop3A_1121 : f32 to vector<16xf32>
        %parallel_loop3A_1123 = arith.mulf %parallel_loop3A_1120, %parallel_loop3A_1122 : vector<16xf32>
        %parallel_loop3A_1124 = arith.index_cast %select_n3A_262 : i32 to index
        %parallel_loop3A_1125 = arith.index_cast %parallel_loop3A_401 : i32 to index
        %parallel_loop3A_1126 = arith.constant 816 : index
        %parallel_loop3A_1127 = tpu.vector_load %arg6[%parallel_loop3A_1124, %parallel_loop3A_1125, %parallel_loop3A_1126] {strides = array<i32>} : memref<7x16x1024xf32, #tpu.memory_space<vmem>>, vector<1x1x16xf32>,
        %parallel_loop3A_1128 = vector.shape_cast %parallel_loop3A_1127 : vector<1x1x16xf32> to vector<16xf32>
        %parallel_loop3A_1129 = vector.shape_cast %parallel_loop3A_1123 : vector<16xf32> to vector<1x1x16xf32>
        tpu.vector_store %arg6[%parallel_loop3A_1124, %parallel_loop3A_1125, %parallel_loop3A_1126], %parallel_loop3A_1129 {strides = array<i32>} : memref<7x16x1024xf32, #tpu.memory_space<vmem>>, vector<1x1x16xf32>,
        %parallel_loop3A_1130 = arith.index_cast %select_n3A_262 : i32 to index
        %parallel_loop3A_1131 = arith.index_cast %parallel_loop3A_401 : i32 to index
        %parallel_loop3A_1132 = arith.constant 832 : index
        %parallel_loop3A_1133 = tpu.vector_load %arg6[%parallel_loop3A_1130, %parallel_loop3A_1131, %parallel_loop3A_1132] {strides = array<i32>} : memref<7x16x1024xf32, #tpu.memory_space<vmem>>, vector<1x1x16xf32>,
        %parallel_loop3A_1134 = vector.shape_cast %parallel_loop3A_1133 : vector<1x1x16xf32> to vector<16xf32>
        %parallel_loop3A_1135 = arith.constant 3.200000e+01 : f32
        %parallel_loop3A_1136 = vector.broadcast %parallel_loop3A_1135 : f32 to vector<16xf32>
        %parallel_loop3A_1137 = arith.mulf %parallel_loop3A_1134, %parallel_loop3A_1136 : vector<16xf32>
        %parallel_loop3A_1138 = arith.index_cast %select_n3A_262 : i32 to index
        %parallel_loop3A_1139 = arith.index_cast %parallel_loop3A_401 : i32 to index
        %parallel_loop3A_1140 = arith.constant 832 : index
        %parallel_loop3A_1141 = tpu.vector_load %arg6[%parallel_loop3A_1138, %parallel_loop3A_1139, %parallel_loop3A_1140] {strides = array<i32>} : memref<7x16x1024xf32, #tpu.memory_space<vmem>>, vector<1x1x16xf32>,
        %parallel_loop3A_1142 = vector.shape_cast %parallel_loop3A_1141 : vector<1x1x16xf32> to vector<16xf32>
        %parallel_loop3A_1143 = vector.shape_cast %parallel_loop3A_1137 : vector<16xf32> to vector<1x1x16xf32>
        tpu.vector_store %arg6[%parallel_loop3A_1138, %parallel_loop3A_1139, %parallel_loop3A_1140], %parallel_loop3A_1143 {strides = array<i32>} : memref<7x16x1024xf32, #tpu.memory_space<vmem>>, vector<1x1x16xf32>,
        %parallel_loop3A_1144 = arith.index_cast %select_n3A_262 : i32 to index
        %parallel_loop3A_1145 = arith.index_cast %parallel_loop3A_401 : i32 to index
        %parallel_loop3A_1146 = arith.constant 848 : index
        %parallel_loop3A_1147 = tpu.vector_load %arg6[%parallel_loop3A_1144, %parallel_loop3A_1145, %parallel_loop3A_1146] {strides = array<i32>} : memref<7x16x1024xf32, #tpu.memory_space<vmem>>, vector<1x1x16xf32>,
        %parallel_loop3A_1148 = vector.shape_cast %parallel_loop3A_1147 : vector<1x1x16xf32> to vector<16xf32>
        %parallel_loop3A_1149 = arith.constant 3.200000e+01 : f32
        %parallel_loop3A_1150 = vector.broadcast %parallel_loop3A_1149 : f32 to vector<16xf32>
        %parallel_loop3A_1151 = arith.mulf %parallel_loop3A_1148, %parallel_loop3A_1150 : vector<16xf32>
        %parallel_loop3A_1152 = arith.index_cast %select_n3A_262 : i32 to index
        %parallel_loop3A_1153 = arith.index_cast %parallel_loop3A_401 : i32 to index
        %parallel_loop3A_1154 = arith.constant 848 : index
        %parallel_loop3A_1155 = tpu.vector_load %arg6[%parallel_loop3A_1152, %parallel_loop3A_1153, %parallel_loop3A_1154] {strides = array<i32>} : memref<7x16x1024xf32, #tpu.memory_space<vmem>>, vector<1x1x16xf32>,
        %parallel_loop3A_1156 = vector.shape_cast %parallel_loop3A_1155 : vector<1x1x16xf32> to vector<16xf32>
        %parallel_loop3A_1157 = vector.shape_cast %parallel_loop3A_1151 : vector<16xf32> to vector<1x1x16xf32>
        tpu.vector_store %arg6[%parallel_loop3A_1152, %parallel_loop3A_1153, %parallel_loop3A_1154], %parallel_loop3A_1157 {strides = array<i32>} : memref<7x16x1024xf32, #tpu.memory_space<vmem>>, vector<1x1x16xf32>,
        %parallel_loop3A_1158 = arith.index_cast %select_n3A_262 : i32 to index
        %parallel_loop3A_1159 = arith.index_cast %parallel_loop3A_401 : i32 to index
        %parallel_loop3A_1160 = arith.constant 864 : index
        %parallel_loop3A_1161 = tpu.vector_load %arg6[%parallel_loop3A_1158, %parallel_loop3A_1159, %parallel_loop3A_1160] {strides = array<i32>} : memref<7x16x1024xf32, #tpu.memory_space<vmem>>, vector<1x1x16xf32>,
        %parallel_loop3A_1162 = vector.shape_cast %parallel_loop3A_1161 : vector<1x1x16xf32> to vector<16xf32>
        %parallel_loop3A_1163 = arith.constant 3.200000e+01 : f32
        %parallel_loop3A_1164 = vector.broadcast %parallel_loop3A_1163 : f32 to vector<16xf32>
        %parallel_loop3A_1165 = arith.mulf %parallel_loop3A_1162, %parallel_loop3A_1164 : vector<16xf32>
        %parallel_loop3A_1166 = arith.index_cast %select_n3A_262 : i32 to index
        %parallel_loop3A_1167 = arith.index_cast %parallel_loop3A_401 : i32 to index
        %parallel_loop3A_1168 = arith.constant 864 : index
        %parallel_loop3A_1169 = tpu.vector_load %arg6[%parallel_loop3A_1166, %parallel_loop3A_1167, %parallel_loop3A_1168] {strides = array<i32>} : memref<7x16x1024xf32, #tpu.memory_space<vmem>>, vector<1x1x16xf32>,
        %parallel_loop3A_1170 = vector.shape_cast %parallel_loop3A_1169 : vector<1x1x16xf32> to vector<16xf32>
        %parallel_loop3A_1171 = vector.shape_cast %parallel_loop3A_1165 : vector<16xf32> to vector<1x1x16xf32>
        tpu.vector_store %arg6[%parallel_loop3A_1166, %parallel_loop3A_1167, %parallel_loop3A_1168], %parallel_loop3A_1171 {strides = array<i32>} : memref<7x16x1024xf32, #tpu.memory_space<vmem>>, vector<1x1x16xf32>,
        %parallel_loop3A_1172 = arith.index_cast %select_n3A_262 : i32 to index
        %parallel_loop3A_1173 = arith.index_cast %parallel_loop3A_401 : i32 to index
        %parallel_loop3A_1174 = arith.constant 880 : index
        %parallel_loop3A_1175 = tpu.vector_load %arg6[%parallel_loop3A_1172, %parallel_loop3A_1173, %parallel_loop3A_1174] {strides = array<i32>} : memref<7x16x1024xf32, #tpu.memory_space<vmem>>, vector<1x1x16xf32>,
        %parallel_loop3A_1176 = vector.shape_cast %parallel_loop3A_1175 : vector<1x1x16xf32> to vector<16xf32>
        %parallel_loop3A_1177 = arith.constant 3.200000e+01 : f32
        %parallel_loop3A_1178 = vector.broadcast %parallel_loop3A_1177 : f32 to vector<16xf32>
        %parallel_loop3A_1179 = arith.mulf %parallel_loop3A_1176, %parallel_loop3A_1178 : vector<16xf32>
        %parallel_loop3A_1180 = arith.index_cast %select_n3A_262 : i32 to index
        %parallel_loop3A_1181 = arith.index_cast %parallel_loop3A_401 : i32 to index
        %parallel_loop3A_1182 = arith.constant 880 : index
        %parallel_loop3A_1183 = tpu.vector_load %arg6[%parallel_loop3A_1180, %parallel_loop3A_1181, %parallel_loop3A_1182] {strides = array<i32>} : memref<7x16x1024xf32, #tpu.memory_space<vmem>>, vector<1x1x16xf32>,
        %parallel_loop3A_1184 = vector.shape_cast %parallel_loop3A_1183 : vector<1x1x16xf32> to vector<16xf32>
        %parallel_loop3A_1185 = vector.shape_cast %parallel_loop3A_1179 : vector<16xf32> to vector<1x1x16xf32>
        tpu.vector_store %arg6[%parallel_loop3A_1180, %parallel_loop3A_1181, %parallel_loop3A_1182], %parallel_loop3A_1185 {strides = array<i32>} : memref<7x16x1024xf32, #tpu.memory_space<vmem>>, vector<1x1x16xf32>,
        %parallel_loop3A_1186 = arith.index_cast %select_n3A_262 : i32 to index
        %parallel_loop3A_1187 = arith.index_cast %parallel_loop3A_401 : i32 to index
        %parallel_loop3A_1188 = arith.constant 896 : index
        %parallel_loop3A_1189 = tpu.vector_load %arg6[%parallel_loop3A_1186, %parallel_loop3A_1187, %parallel_loop3A_1188] {strides = array<i32>} : memref<7x16x1024xf32, #tpu.memory_space<vmem>>, vector<1x1x16xf32>,
        %parallel_loop3A_1190 = vector.shape_cast %parallel_loop3A_1189 : vector<1x1x16xf32> to vector<16xf32>
        %parallel_loop3A_1191 = arith.constant 3.200000e+01 : f32
        %parallel_loop3A_1192 = vector.broadcast %parallel_loop3A_1191 : f32 to vector<16xf32>
        %parallel_loop3A_1193 = arith.mulf %parallel_loop3A_1190, %parallel_loop3A_1192 : vector<16xf32>
        %parallel_loop3A_1194 = arith.index_cast %select_n3A_262 : i32 to index
        %parallel_loop3A_1195 = arith.index_cast %parallel_loop3A_401 : i32 to index
        %parallel_loop3A_1196 = arith.constant 896 : index
        %parallel_loop3A_1197 = tpu.vector_load %arg6[%parallel_loop3A_1194, %parallel_loop3A_1195, %parallel_loop3A_1196] {strides = array<i32>} : memref<7x16x1024xf32, #tpu.memory_space<vmem>>, vector<1x1x16xf32>,
        %parallel_loop3A_1198 = vector.shape_cast %parallel_loop3A_1197 : vector<1x1x16xf32> to vector<16xf32>
        %parallel_loop3A_1199 = vector.shape_cast %parallel_loop3A_1193 : vector<16xf32> to vector<1x1x16xf32>
        tpu.vector_store %arg6[%parallel_loop3A_1194, %parallel_loop3A_1195, %parallel_loop3A_1196], %parallel_loop3A_1199 {strides = array<i32>} : memref<7x16x1024xf32, #tpu.memory_space<vmem>>, vector<1x1x16xf32>,
        %parallel_loop3A_1200 = arith.index_cast %select_n3A_262 : i32 to index
        %parallel_loop3A_1201 = arith.index_cast %parallel_loop3A_401 : i32 to index
        %parallel_loop3A_1202 = arith.constant 912 : index
        %parallel_loop3A_1203 = tpu.vector_load %arg6[%parallel_loop3A_1200, %parallel_loop3A_1201, %parallel_loop3A_1202] {strides = array<i32>} : memref<7x16x1024xf32, #tpu.memory_space<vmem>>, vector<1x1x16xf32>,
        %parallel_loop3A_1204 = vector.shape_cast %parallel_loop3A_1203 : vector<1x1x16xf32> to vector<16xf32>
        %parallel_loop3A_1205 = arith.constant 3.200000e+01 : f32
        %parallel_loop3A_1206 = vector.broadcast %parallel_loop3A_1205 : f32 to vector<16xf32>
        %parallel_loop3A_1207 = arith.mulf %parallel_loop3A_1204, %parallel_loop3A_1206 : vector<16xf32>
        %parallel_loop3A_1208 = arith.index_cast %select_n3A_262 : i32 to index
        %parallel_loop3A_1209 = arith.index_cast %parallel_loop3A_401 : i32 to index
        %parallel_loop3A_1210 = arith.constant 912 : index
        %parallel_loop3A_1211 = tpu.vector_load %arg6[%parallel_loop3A_1208, %parallel_loop3A_1209, %parallel_loop3A_1210] {strides = array<i32>} : memref<7x16x1024xf32, #tpu.memory_space<vmem>>, vector<1x1x16xf32>,
        %parallel_loop3A_1212 = vector.shape_cast %parallel_loop3A_1211 : vector<1x1x16xf32> to vector<16xf32>
        %parallel_loop3A_1213 = vector.shape_cast %parallel_loop3A_1207 : vector<16xf32> to vector<1x1x16xf32>
        tpu.vector_store %arg6[%parallel_loop3A_1208, %parallel_loop3A_1209, %parallel_loop3A_1210], %parallel_loop3A_1213 {strides = array<i32>} : memref<7x16x1024xf32, #tpu.memory_space<vmem>>, vector<1x1x16xf32>,
        %parallel_loop3A_1214 = arith.index_cast %select_n3A_262 : i32 to index
        %parallel_loop3A_1215 = arith.index_cast %parallel_loop3A_401 : i32 to index
        %parallel_loop3A_1216 = arith.constant 928 : index
        %parallel_loop3A_1217 = tpu.vector_load %arg6[%parallel_loop3A_1214, %parallel_loop3A_1215, %parallel_loop3A_1216] {strides = array<i32>} : memref<7x16x1024xf32, #tpu.memory_space<vmem>>, vector<1x1x16xf32>,
        %parallel_loop3A_1218 = vector.shape_cast %parallel_loop3A_1217 : vector<1x1x16xf32> to vector<16xf32>
        %parallel_loop3A_1219 = arith.constant 3.200000e+01 : f32
        %parallel_loop3A_1220 = vector.broadcast %parallel_loop3A_1219 : f32 to vector<16xf32>
        %parallel_loop3A_1221 = arith.mulf %parallel_loop3A_1218, %parallel_loop3A_1220 : vector<16xf32>
        %parallel_loop3A_1222 = arith.index_cast %select_n3A_262 : i32 to index
        %parallel_loop3A_1223 = arith.index_cast %parallel_loop3A_401 : i32 to index
        %parallel_loop3A_1224 = arith.constant 928 : index
        %parallel_loop3A_1225 = tpu.vector_load %arg6[%parallel_loop3A_1222, %parallel_loop3A_1223, %parallel_loop3A_1224] {strides = array<i32>} : memref<7x16x1024xf32, #tpu.memory_space<vmem>>, vector<1x1x16xf32>,
        %parallel_loop3A_1226 = vector.shape_cast %parallel_loop3A_1225 : vector<1x1x16xf32> to vector<16xf32>
        %parallel_loop3A_1227 = vector.shape_cast %parallel_loop3A_1221 : vector<16xf32> to vector<1x1x16xf32>
        tpu.vector_store %arg6[%parallel_loop3A_1222, %parallel_loop3A_1223, %parallel_loop3A_1224], %parallel_loop3A_1227 {strides = array<i32>} : memref<7x16x1024xf32, #tpu.memory_space<vmem>>, vector<1x1x16xf32>,
        %parallel_loop3A_1228 = arith.index_cast %select_n3A_262 : i32 to index
        %parallel_loop3A_1229 = arith.index_cast %parallel_loop3A_401 : i32 to index
        %parallel_loop3A_1230 = arith.constant 944 : index
        %parallel_loop3A_1231 = tpu.vector_load %arg6[%parallel_loop3A_1228, %parallel_loop3A_1229, %parallel_loop3A_1230] {strides = array<i32>} : memref<7x16x1024xf32, #tpu.memory_space<vmem>>, vector<1x1x16xf32>,
        %parallel_loop3A_1232 = vector.shape_cast %parallel_loop3A_1231 : vector<1x1x16xf32> to vector<16xf32>
        %parallel_loop3A_1233 = arith.constant 3.200000e+01 : f32
        %parallel_loop3A_1234 = vector.broadcast %parallel_loop3A_1233 : f32 to vector<16xf32>
        %parallel_loop3A_1235 = arith.mulf %parallel_loop3A_1232, %parallel_loop3A_1234 : vector<16xf32>
        %parallel_loop3A_1236 = arith.index_cast %select_n3A_262 : i32 to index
        %parallel_loop3A_1237 = arith.index_cast %parallel_loop3A_401 : i32 to index
        %parallel_loop3A_1238 = arith.constant 944 : index
        %parallel_loop3A_1239 = tpu.vector_load %arg6[%parallel_loop3A_1236, %parallel_loop3A_1237, %parallel_loop3A_1238] {strides = array<i32>} : memref<7x16x1024xf32, #tpu.memory_space<vmem>>, vector<1x1x16xf32>,
        %parallel_loop3A_1240 = vector.shape_cast %parallel_loop3A_1239 : vector<1x1x16xf32> to vector<16xf32>
        %parallel_loop3A_1241 = vector.shape_cast %parallel_loop3A_1235 : vector<16xf32> to vector<1x1x16xf32>
        tpu.vector_store %arg6[%parallel_loop3A_1236, %parallel_loop3A_1237, %parallel_loop3A_1238], %parallel_loop3A_1241 {strides = array<i32>} : memref<7x16x1024xf32, #tpu.memory_space<vmem>>, vector<1x1x16xf32>,
        %parallel_loop3A_1242 = arith.index_cast %select_n3A_262 : i32 to index
        %parallel_loop3A_1243 = arith.index_cast %parallel_loop3A_401 : i32 to index
        %parallel_loop3A_1244 = arith.constant 960 : index
        %parallel_loop3A_1245 = tpu.vector_load %arg6[%parallel_loop3A_1242, %parallel_loop3A_1243, %parallel_loop3A_1244] {strides = array<i32>} : memref<7x16x1024xf32, #tpu.memory_space<vmem>>, vector<1x1x16xf32>,
        %parallel_loop3A_1246 = vector.shape_cast %parallel_loop3A_1245 : vector<1x1x16xf32> to vector<16xf32>
        %parallel_loop3A_1247 = arith.constant 3.200000e+01 : f32
        %parallel_loop3A_1248 = vector.broadcast %parallel_loop3A_1247 : f32 to vector<16xf32>
        %parallel_loop3A_1249 = arith.mulf %parallel_loop3A_1246, %parallel_loop3A_1248 : vector<16xf32>
        %parallel_loop3A_1250 = arith.index_cast %select_n3A_262 : i32 to index
        %parallel_loop3A_1251 = arith.index_cast %parallel_loop3A_401 : i32 to index
        %parallel_loop3A_1252 = arith.constant 960 : index
        %parallel_loop3A_1253 = tpu.vector_load %arg6[%parallel_loop3A_1250, %parallel_loop3A_1251, %parallel_loop3A_1252] {strides = array<i32>} : memref<7x16x1024xf32, #tpu.memory_space<vmem>>, vector<1x1x16xf32>,
        %parallel_loop3A_1254 = vector.shape_cast %parallel_loop3A_1253 : vector<1x1x16xf32> to vector<16xf32>
        %parallel_loop3A_1255 = vector.shape_cast %parallel_loop3A_1249 : vector<16xf32> to vector<1x1x16xf32>
        tpu.vector_store %arg6[%parallel_loop3A_1250, %parallel_loop3A_1251, %parallel_loop3A_1252], %parallel_loop3A_1255 {strides = array<i32>} : memref<7x16x1024xf32, #tpu.memory_space<vmem>>, vector<1x1x16xf32>,
        %parallel_loop3A_1256 = arith.index_cast %select_n3A_262 : i32 to index
        %parallel_loop3A_1257 = arith.index_cast %parallel_loop3A_401 : i32 to index
        %parallel_loop3A_1258 = arith.constant 976 : index
        %parallel_loop3A_1259 = tpu.vector_load %arg6[%parallel_loop3A_1256, %parallel_loop3A_1257, %parallel_loop3A_1258] {strides = array<i32>} : memref<7x16x1024xf32, #tpu.memory_space<vmem>>, vector<1x1x16xf32>,
        %parallel_loop3A_1260 = vector.shape_cast %parallel_loop3A_1259 : vector<1x1x16xf32> to vector<16xf32>
        %parallel_loop3A_1261 = arith.constant 3.200000e+01 : f32
        %parallel_loop3A_1262 = vector.broadcast %parallel_loop3A_1261 : f32 to vector<16xf32>
        %parallel_loop3A_1263 = arith.mulf %parallel_loop3A_1260, %parallel_loop3A_1262 : vector<16xf32>
        %parallel_loop3A_1264 = arith.index_cast %select_n3A_262 : i32 to index
        %parallel_loop3A_1265 = arith.index_cast %parallel_loop3A_401 : i32 to index
        %parallel_loop3A_1266 = arith.constant 976 : index
        %parallel_loop3A_1267 = tpu.vector_load %arg6[%parallel_loop3A_1264, %parallel_loop3A_1265, %parallel_loop3A_1266] {strides = array<i32>} : memref<7x16x1024xf32, #tpu.memory_space<vmem>>, vector<1x1x16xf32>,
        %parallel_loop3A_1268 = vector.shape_cast %parallel_loop3A_1267 : vector<1x1x16xf32> to vector<16xf32>
        %parallel_loop3A_1269 = vector.shape_cast %parallel_loop3A_1263 : vector<16xf32> to vector<1x1x16xf32>
        tpu.vector_store %arg6[%parallel_loop3A_1264, %parallel_loop3A_1265, %parallel_loop3A_1266], %parallel_loop3A_1269 {strides = array<i32>} : memref<7x16x1024xf32, #tpu.memory_space<vmem>>, vector<1x1x16xf32>,
        %parallel_loop3A_1270 = arith.index_cast %select_n3A_262 : i32 to index
        %parallel_loop3A_1271 = arith.index_cast %parallel_loop3A_401 : i32 to index
        %parallel_loop3A_1272 = arith.constant 992 : index
        %parallel_loop3A_1273 = tpu.vector_load %arg6[%parallel_loop3A_1270, %parallel_loop3A_1271, %parallel_loop3A_1272] {strides = array<i32>} : memref<7x16x1024xf32, #tpu.memory_space<vmem>>, vector<1x1x16xf32>,
        %parallel_loop3A_1274 = vector.shape_cast %parallel_loop3A_1273 : vector<1x1x16xf32> to vector<16xf32>
        %parallel_loop3A_1275 = arith.constant 3.200000e+01 : f32
        %parallel_loop3A_1276 = vector.broadcast %parallel_loop3A_1275 : f32 to vector<16xf32>
        %parallel_loop3A_1277 = arith.mulf %parallel_loop3A_1274, %parallel_loop3A_1276 : vector<16xf32>
        %parallel_loop3A_1278 = arith.index_cast %select_n3A_262 : i32 to index
        %parallel_loop3A_1279 = arith.index_cast %parallel_loop3A_401 : i32 to index
        %parallel_loop3A_1280 = arith.constant 992 : index
        %parallel_loop3A_1281 = tpu.vector_load %arg6[%parallel_loop3A_1278, %parallel_loop3A_1279, %parallel_loop3A_1280] {strides = array<i32>} : memref<7x16x1024xf32, #tpu.memory_space<vmem>>, vector<1x1x16xf32>,
        %parallel_loop3A_1282 = vector.shape_cast %parallel_loop3A_1281 : vector<1x1x16xf32> to vector<16xf32>
        %parallel_loop3A_1283 = vector.shape_cast %parallel_loop3A_1277 : vector<16xf32> to vector<1x1x16xf32>
        tpu.vector_store %arg6[%parallel_loop3A_1278, %parallel_loop3A_1279, %parallel_loop3A_1280], %parallel_loop3A_1283 {strides = array<i32>} : memref<7x16x1024xf32, #tpu.memory_space<vmem>>, vector<1x1x16xf32>,
        %parallel_loop3A_1284 = arith.index_cast %select_n3A_262 : i32 to index
        %parallel_loop3A_1285 = arith.index_cast %parallel_loop3A_401 : i32 to index
        %parallel_loop3A_1286 = arith.constant 1008 : index
        %parallel_loop3A_1287 = tpu.vector_load %arg6[%parallel_loop3A_1284, %parallel_loop3A_1285, %parallel_loop3A_1286] {strides = array<i32>} : memref<7x16x1024xf32, #tpu.memory_space<vmem>>, vector<1x1x16xf32>,
        %parallel_loop3A_1288 = vector.shape_cast %parallel_loop3A_1287 : vector<1x1x16xf32> to vector<16xf32>
        %parallel_loop3A_1289 = arith.constant 3.200000e+01 : f32
        %parallel_loop3A_1290 = vector.broadcast %parallel_loop3A_1289 : f32 to vector<16xf32>
        %parallel_loop3A_1291 = arith.mulf %parallel_loop3A_1288, %parallel_loop3A_1290 : vector<16xf32>
        %parallel_loop3A_1292 = arith.index_cast %select_n3A_262 : i32 to index
        %parallel_loop3A_1293 = arith.index_cast %parallel_loop3A_401 : i32 to index
        %parallel_loop3A_1294 = arith.constant 1008 : index
        %parallel_loop3A_1295 = tpu.vector_load %arg6[%parallel_loop3A_1292, %parallel_loop3A_1293, %parallel_loop3A_1294] {strides = array<i32>} : memref<7x16x1024xf32, #tpu.memory_space<vmem>>, vector<1x1x16xf32>,
        %parallel_loop3A_1296 = vector.shape_cast %parallel_loop3A_1295 : vector<1x1x16xf32> to vector<16xf32>
        %parallel_loop3A_1297 = vector.shape_cast %parallel_loop3A_1291 : vector<16xf32> to vector<1x1x16xf32>
        tpu.vector_store %arg6[%parallel_loop3A_1292, %parallel_loop3A_1293, %parallel_loop3A_1294], %parallel_loop3A_1297 {strides = array<i32>} : memref<7x16x1024xf32, #tpu.memory_space<vmem>>, vector<1x1x16xf32>,
      } {sc.loop_unroll_factor = 1 : i64, sc.parallel_access}
      %mul3A_303 = arith.constant 16 : i32
      %mul3A_304 = arith.muli %mul3A_246, %mul3A_303 : i32
      %add3A_305 = arith.addi %mul3A_2, %mul3A_304 : i32
      %dma_start3A_306 = arith.constant 0 : i32
      %dma_start3A_307 = arith.constant 0 : i32
      %dma_start3A_308 = tpu.memref_slice %arg6[%select_n3A_262, %dma_start3A_306, %dma_start3A_307] : memref<7x16x1024xf32, #tpu.memory_space<vmem>> -> memref<1x16x1024xf32, #tpu.memory_space<vmem>>
      %dma_start3A_309 = tpu.memref_squeeze %dma_start3A_308 : memref<1x16x1024xf32, #tpu.memory_space<vmem>> -> memref<16x1024xf32, #tpu.memory_space<vmem>>
      %dma_start3A_310 = arith.constant 0 : i32
      %dma_start3A_311 = tpu.memref_slice %arg4[%add3A_305, %dma_start3A_310] : memref<16384x1024xf32, #tpu.memory_space<hbm>> -> memref<16x1024xf32, #tpu.memory_space<hbm>>
      %dma_start3A_312 = tpu.memref_slice %arg8[%select_n3A_262] : memref<7x!tpu.dma_semaphore, #tpu.memory_space<semaphore_mem>> -> memref<1x!tpu.dma_semaphore, #tpu.memory_space<semaphore_mem>>
      %dma_start3A_313 = tpu.memref_squeeze %dma_start3A_312 : memref<1x!tpu.dma_semaphore, #tpu.memory_space<semaphore_mem>> -> memref<!tpu.dma_semaphore, #tpu.memory_space<semaphore_mem>>
      %dma_start3A_314 = arith.constant 0 : i32
      %dma_start3A_315 = tpu.memref_slice %arg4[%add3A_305, %dma_start3A_314] : memref<16384x1024xf32, #tpu.memory_space<hbm>> -> memref<16x1024xf32, #tpu.memory_space<hbm>>
      %dma_start3A_316 = arith.constant 0 : i32
      %dma_start3A_317 = arith.constant 0 : i32
      %dma_start3A_318 = tpu.memref_slice %arg6[%select_n3A_262, %dma_start3A_316, %dma_start3A_317] : memref<7x16x1024xf32, #tpu.memory_space<vmem>> -> memref<1x16x1024xf32, #tpu.memory_space<vmem>>
      %dma_start3A_319 = tpu.memref_squeeze %dma_start3A_318 : memref<1x16x1024xf32, #tpu.memory_space<vmem>> -> memref<16x1024xf32, #tpu.memory_space<vmem>>
      tpu.enqueue_dma source(%dma_start3A_319 : memref<16x1024xf32, #tpu.memory_space<vmem>>) target(%dma_start3A_315 : memref<16x1024xf32, #tpu.memory_space<hbm>>) target_semaphore(%dma_start3A_313 : memref<!tpu.dma_semaphore, #tpu.memory_space<semaphore_mem>>)
      %mul3A_320 = arith.constant 2 : i32
      %mul3A_321 = arith.muli %mul3A_320, %scan3A_243 : i32
      %add3A_322 = arith.constant 1 : i32
      %add3A_323 = arith.addi %mul3A_321, %add3A_322 : i32
      %jit3A_324 = arith.constant 7 : i32
      %eq3A_325 = arith.constant 0 : i32
      %eq3A_326 = arith.cmpi eq, %jit3A_324, %eq3A_325 : i32
      %jit3A_327 = arith.constant 1 : i32
      %select_n3A_328 = arith.select %eq3A_326, %jit3A_327, %jit3A_324 : i32
      %rem3A_329 = arith.remsi %add3A_323, %select_n3A_328 : i32
      %ne3A_330 = arith.constant 0 : i32
      %ne3A_331 = arith.cmpi ne, %rem3A_329, %ne3A_330 : i32
      %lt3A_332 = arith.constant 0 : i32
      %lt3A_333 = arith.cmpi slt, %rem3A_329, %lt3A_332 : i32
      %lt3A_334 = arith.constant 0 : i32
      %lt3A_335 = arith.cmpi slt, %select_n3A_328, %lt3A_334 : i32
      %ne3A_336 = arith.xori %lt3A_333, %lt3A_335 : i1
      %and3A_337 = arith.andi %ne3A_336, %ne3A_331 : i1
      %add3A_338 = arith.addi %rem3A_329, %select_n3A_328 : i32
      %select_n3A_339 = arith.select %and3A_337, %add3A_338, %rem3A_329 : i32
      %add3A_340 = arith.constant 7 : i32
      %add3A_341 = arith.addi %add3A_323, %add3A_340 : i32
      %sub3A_342 = arith.constant 1 : i32
      %sub3A_343 = arith.subi %add3A_341, %sub3A_342 : i32
      %jit3A_344 = arith.constant 7 : i32
      %eq3A_345 = arith.constant 0 : i32
      %eq3A_346 = arith.cmpi eq, %jit3A_344, %eq3A_345 : i32
      %jit3A_347 = arith.constant 1 : i32
      %select_n3A_348 = arith.select %eq3A_346, %jit3A_347, %jit3A_344 : i32
      %rem3A_349 = arith.remsi %sub3A_343, %select_n3A_348 : i32
      %ne3A_350 = arith.constant 0 : i32
      %ne3A_351 = arith.cmpi ne, %rem3A_349, %ne3A_350 : i32
      %lt3A_352 = arith.constant 0 : i32
      %lt3A_353 = arith.cmpi slt, %rem3A_349, %lt3A_352 : i32
      %lt3A_354 = arith.constant 0 : i32
      %lt3A_355 = arith.cmpi slt, %select_n3A_348, %lt3A_354 : i32
      %ne3A_356 = arith.xori %lt3A_353, %lt3A_355 : i1
      %and3A_357 = arith.andi %ne3A_356, %ne3A_351 : i1
      %add3A_358 = arith.addi %rem3A_349, %select_n3A_348 : i32
      %select_n3A_359 = arith.select %and3A_357, %add3A_358, %rem3A_349 : i32
      %add3A_360 = arith.constant 7 : i32
      %add3A_361 = arith.addi %add3A_323, %add3A_360 : i32
      %sub3A_362 = arith.constant 1 : i32
      %sub3A_363 = arith.subi %add3A_361, %sub3A_362 : i32
      %lt3A_364 = arith.constant 32 : i32
      %lt3A_365 = arith.cmpi slt, %sub3A_363, %lt3A_364 : i32
      %convert_element_type3A_366 = arith.extui %lt3A_365 : i1 to i32
      %cond3A_367 = arith.constant 0 : i32
      %cond3A_368 = arith.cmpi ne, %convert_element_type3A_366, %cond3A_367 : i32
      scf.if %cond3A_368 {
        %ge3A = arith.constant 1 : i32
        %ge3A_401 = arith.cmpi sge, %add3A_323, %ge3A : i32
        %convert_element_type3A_402 = arith.extui %ge3A_401 : i1 to i32
        %cond3A_403 = arith.constant 0 : i32
        %cond3A_404 = arith.cmpi ne, %convert_element_type3A_402, %cond3A_403 : i32
        scf.if %cond3A_404 {
          %dma_wait3A_421 = arith.constant 0 : i32
          %dma_wait3A_422 = arith.constant 0 : i32
          %dma_wait3A_423 = tpu.memref_slice %arg6[%select_n3A_359, %dma_wait3A_421, %dma_wait3A_422] : memref<7x16x1024xf32, #tpu.memory_space<vmem>> -> memref<1x16x1024xf32, #tpu.memory_space<vmem>>
          %dma_wait3A_424 = tpu.memref_squeeze %dma_wait3A_423 : memref<1x16x1024xf32, #tpu.memory_space<vmem>> -> memref<16x1024xf32, #tpu.memory_space<vmem>>
          %dma_wait3A_425 = arith.constant 0 : i32
          %dma_wait3A_426 = arith.constant 0 : i32
          %dma_wait3A_427 = tpu.memref_slice %arg4[%dma_wait3A_425, %dma_wait3A_426] : memref<16384x1024xf32, #tpu.memory_space<hbm>> -> memref<16x1024xf32, #tpu.memory_space<hbm>>
          %dma_wait3A_428 = tpu.memref_slice %arg8[%select_n3A_359] : memref<7x!tpu.dma_semaphore, #tpu.memory_space<semaphore_mem>> -> memref<1x!tpu.dma_semaphore, #tpu.memory_space<semaphore_mem>>
          %dma_wait3A_429 = tpu.memref_squeeze %dma_wait3A_428 : memref<1x!tpu.dma_semaphore, #tpu.memory_space<semaphore_mem>> -> memref<!tpu.dma_semaphore, #tpu.memory_space<semaphore_mem>>
          %dma_wait3A_430 = arith.constant 0 : i32
          %dma_wait3A_431 = arith.constant 0 : i32
          %dma_wait3A_432 = tpu.memref_slice %arg4[%dma_wait3A_430, %dma_wait3A_431] : memref<16384x1024xf32, #tpu.memory_space<hbm>> -> memref<16x1024xf32, #tpu.memory_space<hbm>>
          %dma_wait3A_433 = arith.constant 0 : i32
          %dma_wait3A_434 = arith.constant 0 : i32
          %dma_wait3A_435 = tpu.memref_slice %arg6[%select_n3A_359, %dma_wait3A_433, %dma_wait3A_434] : memref<7x16x1024xf32, #tpu.memory_space<vmem>> -> memref<1x16x1024xf32, #tpu.memory_space<vmem>>
          %dma_wait3A_436 = tpu.memref_squeeze %dma_wait3A_435 : memref<1x16x1024xf32, #tpu.memory_space<vmem>> -> memref<16x1024xf32, #tpu.memory_space<vmem>>
          tpu.wait_dma2 semaphore(%dma_wait3A_429 : memref<!tpu.dma_semaphore, #tpu.memory_space<semaphore_mem>>) src(%dma_wait3A_436 : memref<16x1024xf32, #tpu.memory_space<vmem>>) dst(%dma_wait3A_432 : memref<16x1024xf32, #tpu.memory_space<hbm>>)
        } else {
        }
        %add3A_405 = arith.constant 7 : i32
        %add3A_406 = arith.addi %add3A_323, %add3A_405 : i32
        %sub3A_407 = arith.constant 1 : i32
        %sub3A_408 = arith.subi %add3A_406, %sub3A_407 : i32
        %mul3A_409 = arith.constant 16 : i32
        %mul3A_410 = arith.muli %sub3A_408, %mul3A_409 : i32
        %dma_start3A_411 = arith.constant 0 : i32
        %dma_start3A_412 = arith.constant 0 : i32
        %dma_start3A_413 = tpu.memref_slice %arg6[%select_n3A_359, %dma_start3A_411, %dma_start3A_412] : memref<7x16x1024xf32, #tpu.memory_space<vmem>> -> memref<1x16x1024xf32, #tpu.memory_space<vmem>>
        %dma_start3A_414 = tpu.memref_squeeze %dma_start3A_413 : memref<1x16x1024xf32, #tpu.memory_space<vmem>> -> memref<16x1024xf32, #tpu.memory_space<vmem>>
        %dma_start3A_415 = tpu.memref_slice %arg5[%mul3A_410] : memref<512xi32, #tpu.memory_space<vmem>> -> memref<16xi32, #tpu.memory_space<vmem>>
        %dma_start3A_416 = arith.constant 0 : i32
        %dma_start3A_417 = arith.constant 0 : i32
        %dma_start3A_418 = tpu.memref_slice %arg3[%dma_start3A_416, %dma_start3A_417] : memref<100000x1024xf32, #tpu.memory_space<hbm>> -> memref<100000x1024xf32, #tpu.memory_space<hbm>>
        %dma_start3A_419 = tpu.memref_slice %arg7[%select_n3A_359] : memref<7x!tpu.dma_semaphore, #tpu.memory_space<semaphore_mem>> -> memref<1x!tpu.dma_semaphore, #tpu.memory_space<semaphore_mem>>
        %dma_start3A_420 = tpu.memref_squeeze %dma_start3A_419 : memref<1x!tpu.dma_semaphore, #tpu.memory_space<semaphore_mem>> -> memref<!tpu.dma_semaphore, #tpu.memory_space<semaphore_mem>>
        tpu.enqueue_indirect_dma source(%dma_start3A_418 : memref<100000x1024xf32, #tpu.memory_space<hbm>>) target(%dma_start3A_414 : memref<16x1024xf32, #tpu.memory_space<vmem>>) offsets(%dma_start3A_415 : memref<16xi32, #tpu.memory_space<vmem>>) semaphore(%dma_start3A_420 : memref<!tpu.dma_semaphore, #tpu.memory_space<semaphore_mem>>)
      } else {
      }
      %dma_wait3A_369 = arith.constant 0 : i32
      %dma_wait3A_370 = arith.constant 0 : i32
      %dma_wait3A_371 = tpu.memref_slice %arg6[%select_n3A_339, %dma_wait3A_369, %dma_wait3A_370] : memref<7x16x1024xf32, #tpu.memory_space<vmem>> -> memref<1x16x1024xf32, #tpu.memory_space<vmem>>
      %dma_wait3A_372 = tpu.memref_squeeze %dma_wait3A_371 : memref<1x16x1024xf32, #tpu.memory_space<vmem>> -> memref<16x1024xf32, #tpu.memory_space<vmem>>
      %dma_wait3A_373 = arith.constant 0 : i32
      %dma_wait3A_374 = tpu.memref_slice %arg5[%dma_wait3A_373] : memref<512xi32, #tpu.memory_space<vmem>> -> memref<16xi32, #tpu.memory_space<vmem>>
      %dma_wait3A_375 = arith.constant 0 : i32
      %dma_wait3A_376 = arith.constant 0 : i32
      %dma_wait3A_377 = tpu.memref_slice %arg3[%dma_wait3A_375, %dma_wait3A_376] : memref<100000x1024xf32, #tpu.memory_space<hbm>> -> memref<100000x1024xf32, #tpu.memory_space<hbm>>
      %dma_wait3A_378 = tpu.memref_slice %arg7[%select_n3A_339] : memref<7x!tpu.dma_semaphore, #tpu.memory_space<semaphore_mem>> -> memref<1x!tpu.dma_semaphore, #tpu.memory_space<semaphore_mem>>
      %dma_wait3A_379 = tpu.memref_squeeze %dma_wait3A_378 : memref<1x!tpu.dma_semaphore, #tpu.memory_space<semaphore_mem>> -> memref<!tpu.dma_semaphore, #tpu.memory_space<semaphore_mem>>
      tpu.wait_indirect_dma semaphore(%dma_wait3A_379 : memref<!tpu.dma_semaphore, #tpu.memory_space<semaphore_mem>>) src(%dma_wait3A_377 : memref<100000x1024xf32, #tpu.memory_space<hbm>>) dst(%dma_wait3A_372 : memref<16x1024xf32, #tpu.memory_space<vmem>>)
      %parallel_loop3A_380 = arith.constant 0 : i32
      %parallel_loop3A_381 = arith.constant 16 : i32
      %parallel_loop3A_382 = arith.constant 1 : i32
      scf.for %parallel_loop3A_401 = %parallel_loop3A_380 to %parallel_loop3A_381 step %parallel_loop3A_382  : i32 {
        %parallel_loop3A_402 = arith.index_cast %select_n3A_339 : i32 to index
        %parallel_loop3A_403 = arith.index_cast %parallel_loop3A_401 : i32 to index
        %parallel_loop3A_404 = arith.constant 0 : index
        %parallel_loop3A_405 = tpu.vector_load %arg6[%parallel_loop3A_402, %parallel_loop3A_403, %parallel_loop3A_404] {strides = array<i32>} : memref<7x16x1024xf32, #tpu.memory_space<vmem>>, vector<1x1x16xf32>,
        %parallel_loop3A_406 = vector.shape_cast %parallel_loop3A_405 : vector<1x1x16xf32> to vector<16xf32>
        %parallel_loop3A_407 = arith.constant 3.200000e+01 : f32
        %parallel_loop3A_408 = vector.broadcast %parallel_loop3A_407 : f32 to vector<16xf32>
        %parallel_loop3A_409 = arith.mulf %parallel_loop3A_406, %parallel_loop3A_408 : vector<16xf32>
        %parallel_loop3A_410 = arith.index_cast %select_n3A_339 : i32 to index
        %parallel_loop3A_411 = arith.index_cast %parallel_loop3A_401 : i32 to index
        %parallel_loop3A_412 = arith.constant 0 : index
        %parallel_loop3A_413 = tpu.vector_load %arg6[%parallel_loop3A_410, %parallel_loop3A_411, %parallel_loop3A_412] {strides = array<i32>} : memref<7x16x1024xf32, #tpu.memory_space<vmem>>, vector<1x1x16xf32>,
        %parallel_loop3A_414 = vector.shape_cast %parallel_loop3A_413 : vector<1x1x16xf32> to vector<16xf32>
        %parallel_loop3A_415 = vector.shape_cast %parallel_loop3A_409 : vector<16xf32> to vector<1x1x16xf32>
        tpu.vector_store %arg6[%parallel_loop3A_410, %parallel_loop3A_411, %parallel_loop3A_412], %parallel_loop3A_415 {strides = array<i32>} : memref<7x16x1024xf32, #tpu.memory_space<vmem>>, vector<1x1x16xf32>,
        %parallel_loop3A_416 = arith.index_cast %select_n3A_339 : i32 to index
        %parallel_loop3A_417 = arith.index_cast %parallel_loop3A_401 : i32 to index
        %parallel_loop3A_418 = arith.constant 16 : index
        %parallel_loop3A_419 = tpu.vector_load %arg6[%parallel_loop3A_416, %parallel_loop3A_417, %parallel_loop3A_418] {strides = array<i32>} : memref<7x16x1024xf32, #tpu.memory_space<vmem>>, vector<1x1x16xf32>,
        %parallel_loop3A_420 = vector.shape_cast %parallel_loop3A_419 : vector<1x1x16xf32> to vector<16xf32>
        %parallel_loop3A_421 = arith.constant 3.200000e+01 : f32
        %parallel_loop3A_422 = vector.broadcast %parallel_loop3A_421 : f32 to vector<16xf32>
        %parallel_loop3A_423 = arith.mulf %parallel_loop3A_420, %parallel_loop3A_422 : vector<16xf32>
        %parallel_loop3A_424 = arith.index_cast %select_n3A_339 : i32 to index
        %parallel_loop3A_425 = arith.index_cast %parallel_loop3A_401 : i32 to index
        %parallel_loop3A_426 = arith.constant 16 : index
        %parallel_loop3A_427 = tpu.vector_load %arg6[%parallel_loop3A_424, %parallel_loop3A_425, %parallel_loop3A_426] {strides = array<i32>} : memref<7x16x1024xf32, #tpu.memory_space<vmem>>, vector<1x1x16xf32>,
        %parallel_loop3A_428 = vector.shape_cast %parallel_loop3A_427 : vector<1x1x16xf32> to vector<16xf32>
        %parallel_loop3A_429 = vector.shape_cast %parallel_loop3A_423 : vector<16xf32> to vector<1x1x16xf32>
        tpu.vector_store %arg6[%parallel_loop3A_424, %parallel_loop3A_425, %parallel_loop3A_426], %parallel_loop3A_429 {strides = array<i32>} : memref<7x16x1024xf32, #tpu.memory_space<vmem>>, vector<1x1x16xf32>,
        %parallel_loop3A_430 = arith.index_cast %select_n3A_339 : i32 to index
        %parallel_loop3A_431 = arith.index_cast %parallel_loop3A_401 : i32 to index
        %parallel_loop3A_432 = arith.constant 32 : index
        %parallel_loop3A_433 = tpu.vector_load %arg6[%parallel_loop3A_430, %parallel_loop3A_431, %parallel_loop3A_432] {strides = array<i32>} : memref<7x16x1024xf32, #tpu.memory_space<vmem>>, vector<1x1x16xf32>,
        %parallel_loop3A_434 = vector.shape_cast %parallel_loop3A_433 : vector<1x1x16xf32> to vector<16xf32>
        %parallel_loop3A_435 = arith.constant 3.200000e+01 : f32
        %parallel_loop3A_436 = vector.broadcast %parallel_loop3A_435 : f32 to vector<16xf32>
        %parallel_loop3A_437 = arith.mulf %parallel_loop3A_434, %parallel_loop3A_436 : vector<16xf32>
        %parallel_loop3A_438 = arith.index_cast %select_n3A_339 : i32 to index
        %parallel_loop3A_439 = arith.index_cast %parallel_loop3A_401 : i32 to index
        %parallel_loop3A_440 = arith.constant 32 : index
        %parallel_loop3A_441 = tpu.vector_load %arg6[%parallel_loop3A_438, %parallel_loop3A_439, %parallel_loop3A_440] {strides = array<i32>} : memref<7x16x1024xf32, #tpu.memory_space<vmem>>, vector<1x1x16xf32>,
        %parallel_loop3A_442 = vector.shape_cast %parallel_loop3A_441 : vector<1x1x16xf32> to vector<16xf32>
        %parallel_loop3A_443 = vector.shape_cast %parallel_loop3A_437 : vector<16xf32> to vector<1x1x16xf32>
        tpu.vector_store %arg6[%parallel_loop3A_438, %parallel_loop3A_439, %parallel_loop3A_440], %parallel_loop3A_443 {strides = array<i32>} : memref<7x16x1024xf32, #tpu.memory_space<vmem>>, vector<1x1x16xf32>,
        %parallel_loop3A_444 = arith.index_cast %select_n3A_339 : i32 to index
        %parallel_loop3A_445 = arith.index_cast %parallel_loop3A_401 : i32 to index
        %parallel_loop3A_446 = arith.constant 48 : index
        %parallel_loop3A_447 = tpu.vector_load %arg6[%parallel_loop3A_444, %parallel_loop3A_445, %parallel_loop3A_446] {strides = array<i32>} : memref<7x16x1024xf32, #tpu.memory_space<vmem>>, vector<1x1x16xf32>,
        %parallel_loop3A_448 = vector.shape_cast %parallel_loop3A_447 : vector<1x1x16xf32> to vector<16xf32>
        %parallel_loop3A_449 = arith.constant 3.200000e+01 : f32
        %parallel_loop3A_450 = vector.broadcast %parallel_loop3A_449 : f32 to vector<16xf32>
        %parallel_loop3A_451 = arith.mulf %parallel_loop3A_448, %parallel_loop3A_450 : vector<16xf32>
        %parallel_loop3A_452 = arith.index_cast %select_n3A_339 : i32 to index
        %parallel_loop3A_453 = arith.index_cast %parallel_loop3A_401 : i32 to index
        %parallel_loop3A_454 = arith.constant 48 : index
        %parallel_loop3A_455 = tpu.vector_load %arg6[%parallel_loop3A_452, %parallel_loop3A_453, %parallel_loop3A_454] {strides = array<i32>} : memref<7x16x1024xf32, #tpu.memory_space<vmem>>, vector<1x1x16xf32>,
        %parallel_loop3A_456 = vector.shape_cast %parallel_loop3A_455 : vector<1x1x16xf32> to vector<16xf32>
        %parallel_loop3A_457 = vector.shape_cast %parallel_loop3A_451 : vector<16xf32> to vector<1x1x16xf32>
        tpu.vector_store %arg6[%parallel_loop3A_452, %parallel_loop3A_453, %parallel_loop3A_454], %parallel_loop3A_457 {strides = array<i32>} : memref<7x16x1024xf32, #tpu.memory_space<vmem>>, vector<1x1x16xf32>,
        %parallel_loop3A_458 = arith.index_cast %select_n3A_339 : i32 to index
        %parallel_loop3A_459 = arith.index_cast %parallel_loop3A_401 : i32 to index
        %parallel_loop3A_460 = arith.constant 64 : index
        %parallel_loop3A_461 = tpu.vector_load %arg6[%parallel_loop3A_458, %parallel_loop3A_459, %parallel_loop3A_460] {strides = array<i32>} : memref<7x16x1024xf32, #tpu.memory_space<vmem>>, vector<1x1x16xf32>,
        %parallel_loop3A_462 = vector.shape_cast %parallel_loop3A_461 : vector<1x1x16xf32> to vector<16xf32>
        %parallel_loop3A_463 = arith.constant 3.200000e+01 : f32
        %parallel_loop3A_464 = vector.broadcast %parallel_loop3A_463 : f32 to vector<16xf32>
        %parallel_loop3A_465 = arith.mulf %parallel_loop3A_462, %parallel_loop3A_464 : vector<16xf32>
        %parallel_loop3A_466 = arith.index_cast %select_n3A_339 : i32 to index
        %parallel_loop3A_467 = arith.index_cast %parallel_loop3A_401 : i32 to index
        %parallel_loop3A_468 = arith.constant 64 : index
        %parallel_loop3A_469 = tpu.vector_load %arg6[%parallel_loop3A_466, %parallel_loop3A_467, %parallel_loop3A_468] {strides = array<i32>} : memref<7x16x1024xf32, #tpu.memory_space<vmem>>, vector<1x1x16xf32>,
        %parallel_loop3A_470 = vector.shape_cast %parallel_loop3A_469 : vector<1x1x16xf32> to vector<16xf32>
        %parallel_loop3A_471 = vector.shape_cast %parallel_loop3A_465 : vector<16xf32> to vector<1x1x16xf32>
        tpu.vector_store %arg6[%parallel_loop3A_466, %parallel_loop3A_467, %parallel_loop3A_468], %parallel_loop3A_471 {strides = array<i32>} : memref<7x16x1024xf32, #tpu.memory_space<vmem>>, vector<1x1x16xf32>,
        %parallel_loop3A_472 = arith.index_cast %select_n3A_339 : i32 to index
        %parallel_loop3A_473 = arith.index_cast %parallel_loop3A_401 : i32 to index
        %parallel_loop3A_474 = arith.constant 80 : index
        %parallel_loop3A_475 = tpu.vector_load %arg6[%parallel_loop3A_472, %parallel_loop3A_473, %parallel_loop3A_474] {strides = array<i32>} : memref<7x16x1024xf32, #tpu.memory_space<vmem>>, vector<1x1x16xf32>,
        %parallel_loop3A_476 = vector.shape_cast %parallel_loop3A_475 : vector<1x1x16xf32> to vector<16xf32>
        %parallel_loop3A_477 = arith.constant 3.200000e+01 : f32
        %parallel_loop3A_478 = vector.broadcast %parallel_loop3A_477 : f32 to vector<16xf32>
        %parallel_loop3A_479 = arith.mulf %parallel_loop3A_476, %parallel_loop3A_478 : vector<16xf32>
        %parallel_loop3A_480 = arith.index_cast %select_n3A_339 : i32 to index
        %parallel_loop3A_481 = arith.index_cast %parallel_loop3A_401 : i32 to index
        %parallel_loop3A_482 = arith.constant 80 : index
        %parallel_loop3A_483 = tpu.vector_load %arg6[%parallel_loop3A_480, %parallel_loop3A_481, %parallel_loop3A_482] {strides = array<i32>} : memref<7x16x1024xf32, #tpu.memory_space<vmem>>, vector<1x1x16xf32>,
        %parallel_loop3A_484 = vector.shape_cast %parallel_loop3A_483 : vector<1x1x16xf32> to vector<16xf32>
        %parallel_loop3A_485 = vector.shape_cast %parallel_loop3A_479 : vector<16xf32> to vector<1x1x16xf32>
        tpu.vector_store %arg6[%parallel_loop3A_480, %parallel_loop3A_481, %parallel_loop3A_482], %parallel_loop3A_485 {strides = array<i32>} : memref<7x16x1024xf32, #tpu.memory_space<vmem>>, vector<1x1x16xf32>,
        %parallel_loop3A_486 = arith.index_cast %select_n3A_339 : i32 to index
        %parallel_loop3A_487 = arith.index_cast %parallel_loop3A_401 : i32 to index
        %parallel_loop3A_488 = arith.constant 96 : index
        %parallel_loop3A_489 = tpu.vector_load %arg6[%parallel_loop3A_486, %parallel_loop3A_487, %parallel_loop3A_488] {strides = array<i32>} : memref<7x16x1024xf32, #tpu.memory_space<vmem>>, vector<1x1x16xf32>,
        %parallel_loop3A_490 = vector.shape_cast %parallel_loop3A_489 : vector<1x1x16xf32> to vector<16xf32>
        %parallel_loop3A_491 = arith.constant 3.200000e+01 : f32
        %parallel_loop3A_492 = vector.broadcast %parallel_loop3A_491 : f32 to vector<16xf32>
        %parallel_loop3A_493 = arith.mulf %parallel_loop3A_490, %parallel_loop3A_492 : vector<16xf32>
        %parallel_loop3A_494 = arith.index_cast %select_n3A_339 : i32 to index
        %parallel_loop3A_495 = arith.index_cast %parallel_loop3A_401 : i32 to index
        %parallel_loop3A_496 = arith.constant 96 : index
        %parallel_loop3A_497 = tpu.vector_load %arg6[%parallel_loop3A_494, %parallel_loop3A_495, %parallel_loop3A_496] {strides = array<i32>} : memref<7x16x1024xf32, #tpu.memory_space<vmem>>, vector<1x1x16xf32>,
        %parallel_loop3A_498 = vector.shape_cast %parallel_loop3A_497 : vector<1x1x16xf32> to vector<16xf32>
        %parallel_loop3A_499 = vector.shape_cast %parallel_loop3A_493 : vector<16xf32> to vector<1x1x16xf32>
        tpu.vector_store %arg6[%parallel_loop3A_494, %parallel_loop3A_495, %parallel_loop3A_496], %parallel_loop3A_499 {strides = array<i32>} : memref<7x16x1024xf32, #tpu.memory_space<vmem>>, vector<1x1x16xf32>,
        %parallel_loop3A_500 = arith.index_cast %select_n3A_339 : i32 to index
        %parallel_loop3A_501 = arith.index_cast %parallel_loop3A_401 : i32 to index
        %parallel_loop3A_502 = arith.constant 112 : index
        %parallel_loop3A_503 = tpu.vector_load %arg6[%parallel_loop3A_500, %parallel_loop3A_501, %parallel_loop3A_502] {strides = array<i32>} : memref<7x16x1024xf32, #tpu.memory_space<vmem>>, vector<1x1x16xf32>,
        %parallel_loop3A_504 = vector.shape_cast %parallel_loop3A_503 : vector<1x1x16xf32> to vector<16xf32>
        %parallel_loop3A_505 = arith.constant 3.200000e+01 : f32
        %parallel_loop3A_506 = vector.broadcast %parallel_loop3A_505 : f32 to vector<16xf32>
        %parallel_loop3A_507 = arith.mulf %parallel_loop3A_504, %parallel_loop3A_506 : vector<16xf32>
        %parallel_loop3A_508 = arith.index_cast %select_n3A_339 : i32 to index
        %parallel_loop3A_509 = arith.index_cast %parallel_loop3A_401 : i32 to index
        %parallel_loop3A_510 = arith.constant 112 : index
        %parallel_loop3A_511 = tpu.vector_load %arg6[%parallel_loop3A_508, %parallel_loop3A_509, %parallel_loop3A_510] {strides = array<i32>} : memref<7x16x1024xf32, #tpu.memory_space<vmem>>, vector<1x1x16xf32>,
        %parallel_loop3A_512 = vector.shape_cast %parallel_loop3A_511 : vector<1x1x16xf32> to vector<16xf32>
        %parallel_loop3A_513 = vector.shape_cast %parallel_loop3A_507 : vector<16xf32> to vector<1x1x16xf32>
        tpu.vector_store %arg6[%parallel_loop3A_508, %parallel_loop3A_509, %parallel_loop3A_510], %parallel_loop3A_513 {strides = array<i32>} : memref<7x16x1024xf32, #tpu.memory_space<vmem>>, vector<1x1x16xf32>,
        %parallel_loop3A_514 = arith.index_cast %select_n3A_339 : i32 to index
        %parallel_loop3A_515 = arith.index_cast %parallel_loop3A_401 : i32 to index
        %parallel_loop3A_516 = arith.constant 128 : index
        %parallel_loop3A_517 = tpu.vector_load %arg6[%parallel_loop3A_514, %parallel_loop3A_515, %parallel_loop3A_516] {strides = array<i32>} : memref<7x16x1024xf32, #tpu.memory_space<vmem>>, vector<1x1x16xf32>,
        %parallel_loop3A_518 = vector.shape_cast %parallel_loop3A_517 : vector<1x1x16xf32> to vector<16xf32>
        %parallel_loop3A_519 = arith.constant 3.200000e+01 : f32
        %parallel_loop3A_520 = vector.broadcast %parallel_loop3A_519 : f32 to vector<16xf32>
        %parallel_loop3A_521 = arith.mulf %parallel_loop3A_518, %parallel_loop3A_520 : vector<16xf32>
        %parallel_loop3A_522 = arith.index_cast %select_n3A_339 : i32 to index
        %parallel_loop3A_523 = arith.index_cast %parallel_loop3A_401 : i32 to index
        %parallel_loop3A_524 = arith.constant 128 : index
        %parallel_loop3A_525 = tpu.vector_load %arg6[%parallel_loop3A_522, %parallel_loop3A_523, %parallel_loop3A_524] {strides = array<i32>} : memref<7x16x1024xf32, #tpu.memory_space<vmem>>, vector<1x1x16xf32>,
        %parallel_loop3A_526 = vector.shape_cast %parallel_loop3A_525 : vector<1x1x16xf32> to vector<16xf32>
        %parallel_loop3A_527 = vector.shape_cast %parallel_loop3A_521 : vector<16xf32> to vector<1x1x16xf32>
        tpu.vector_store %arg6[%parallel_loop3A_522, %parallel_loop3A_523, %parallel_loop3A_524], %parallel_loop3A_527 {strides = array<i32>} : memref<7x16x1024xf32, #tpu.memory_space<vmem>>, vector<1x1x16xf32>,
        %parallel_loop3A_528 = arith.index_cast %select_n3A_339 : i32 to index
        %parallel_loop3A_529 = arith.index_cast %parallel_loop3A_401 : i32 to index
        %parallel_loop3A_530 = arith.constant 144 : index
        %parallel_loop3A_531 = tpu.vector_load %arg6[%parallel_loop3A_528, %parallel_loop3A_529, %parallel_loop3A_530] {strides = array<i32>} : memref<7x16x1024xf32, #tpu.memory_space<vmem>>, vector<1x1x16xf32>,
        %parallel_loop3A_532 = vector.shape_cast %parallel_loop3A_531 : vector<1x1x16xf32> to vector<16xf32>
        %parallel_loop3A_533 = arith.constant 3.200000e+01 : f32
        %parallel_loop3A_534 = vector.broadcast %parallel_loop3A_533 : f32 to vector<16xf32>
        %parallel_loop3A_535 = arith.mulf %parallel_loop3A_532, %parallel_loop3A_534 : vector<16xf32>
        %parallel_loop3A_536 = arith.index_cast %select_n3A_339 : i32 to index
        %parallel_loop3A_537 = arith.index_cast %parallel_loop3A_401 : i32 to index
        %parallel_loop3A_538 = arith.constant 144 : index
        %parallel_loop3A_539 = tpu.vector_load %arg6[%parallel_loop3A_536, %parallel_loop3A_537, %parallel_loop3A_538] {strides = array<i32>} : memref<7x16x1024xf32, #tpu.memory_space<vmem>>, vector<1x1x16xf32>,
        %parallel_loop3A_540 = vector.shape_cast %parallel_loop3A_539 : vector<1x1x16xf32> to vector<16xf32>
        %parallel_loop3A_541 = vector.shape_cast %parallel_loop3A_535 : vector<16xf32> to vector<1x1x16xf32>
        tpu.vector_store %arg6[%parallel_loop3A_536, %parallel_loop3A_537, %parallel_loop3A_538], %parallel_loop3A_541 {strides = array<i32>} : memref<7x16x1024xf32, #tpu.memory_space<vmem>>, vector<1x1x16xf32>,
        %parallel_loop3A_542 = arith.index_cast %select_n3A_339 : i32 to index
        %parallel_loop3A_543 = arith.index_cast %parallel_loop3A_401 : i32 to index
        %parallel_loop3A_544 = arith.constant 160 : index
        %parallel_loop3A_545 = tpu.vector_load %arg6[%parallel_loop3A_542, %parallel_loop3A_543, %parallel_loop3A_544] {strides = array<i32>} : memref<7x16x1024xf32, #tpu.memory_space<vmem>>, vector<1x1x16xf32>,
        %parallel_loop3A_546 = vector.shape_cast %parallel_loop3A_545 : vector<1x1x16xf32> to vector<16xf32>
        %parallel_loop3A_547 = arith.constant 3.200000e+01 : f32
        %parallel_loop3A_548 = vector.broadcast %parallel_loop3A_547 : f32 to vector<16xf32>
        %parallel_loop3A_549 = arith.mulf %parallel_loop3A_546, %parallel_loop3A_548 : vector<16xf32>
        %parallel_loop3A_550 = arith.index_cast %select_n3A_339 : i32 to index
        %parallel_loop3A_551 = arith.index_cast %parallel_loop3A_401 : i32 to index
        %parallel_loop3A_552 = arith.constant 160 : index
        %parallel_loop3A_553 = tpu.vector_load %arg6[%parallel_loop3A_550, %parallel_loop3A_551, %parallel_loop3A_552] {strides = array<i32>} : memref<7x16x1024xf32, #tpu.memory_space<vmem>>, vector<1x1x16xf32>,
        %parallel_loop3A_554 = vector.shape_cast %parallel_loop3A_553 : vector<1x1x16xf32> to vector<16xf32>
        %parallel_loop3A_555 = vector.shape_cast %parallel_loop3A_549 : vector<16xf32> to vector<1x1x16xf32>
        tpu.vector_store %arg6[%parallel_loop3A_550, %parallel_loop3A_551, %parallel_loop3A_552], %parallel_loop3A_555 {strides = array<i32>} : memref<7x16x1024xf32, #tpu.memory_space<vmem>>, vector<1x1x16xf32>,
        %parallel_loop3A_556 = arith.index_cast %select_n3A_339 : i32 to index
        %parallel_loop3A_557 = arith.index_cast %parallel_loop3A_401 : i32 to index
        %parallel_loop3A_558 = arith.constant 176 : index
        %parallel_loop3A_559 = tpu.vector_load %arg6[%parallel_loop3A_556, %parallel_loop3A_557, %parallel_loop3A_558] {strides = array<i32>} : memref<7x16x1024xf32, #tpu.memory_space<vmem>>, vector<1x1x16xf32>,
        %parallel_loop3A_560 = vector.shape_cast %parallel_loop3A_559 : vector<1x1x16xf32> to vector<16xf32>
        %parallel_loop3A_561 = arith.constant 3.200000e+01 : f32
        %parallel_loop3A_562 = vector.broadcast %parallel_loop3A_561 : f32 to vector<16xf32>
        %parallel_loop3A_563 = arith.mulf %parallel_loop3A_560, %parallel_loop3A_562 : vector<16xf32>
        %parallel_loop3A_564 = arith.index_cast %select_n3A_339 : i32 to index
        %parallel_loop3A_565 = arith.index_cast %parallel_loop3A_401 : i32 to index
        %parallel_loop3A_566 = arith.constant 176 : index
        %parallel_loop3A_567 = tpu.vector_load %arg6[%parallel_loop3A_564, %parallel_loop3A_565, %parallel_loop3A_566] {strides = array<i32>} : memref<7x16x1024xf32, #tpu.memory_space<vmem>>, vector<1x1x16xf32>,
        %parallel_loop3A_568 = vector.shape_cast %parallel_loop3A_567 : vector<1x1x16xf32> to vector<16xf32>
        %parallel_loop3A_569 = vector.shape_cast %parallel_loop3A_563 : vector<16xf32> to vector<1x1x16xf32>
        tpu.vector_store %arg6[%parallel_loop3A_564, %parallel_loop3A_565, %parallel_loop3A_566], %parallel_loop3A_569 {strides = array<i32>} : memref<7x16x1024xf32, #tpu.memory_space<vmem>>, vector<1x1x16xf32>,
        %parallel_loop3A_570 = arith.index_cast %select_n3A_339 : i32 to index
        %parallel_loop3A_571 = arith.index_cast %parallel_loop3A_401 : i32 to index
        %parallel_loop3A_572 = arith.constant 192 : index
        %parallel_loop3A_573 = tpu.vector_load %arg6[%parallel_loop3A_570, %parallel_loop3A_571, %parallel_loop3A_572] {strides = array<i32>} : memref<7x16x1024xf32, #tpu.memory_space<vmem>>, vector<1x1x16xf32>,
        %parallel_loop3A_574 = vector.shape_cast %parallel_loop3A_573 : vector<1x1x16xf32> to vector<16xf32>
        %parallel_loop3A_575 = arith.constant 3.200000e+01 : f32
        %parallel_loop3A_576 = vector.broadcast %parallel_loop3A_575 : f32 to vector<16xf32>
        %parallel_loop3A_577 = arith.mulf %parallel_loop3A_574, %parallel_loop3A_576 : vector<16xf32>
        %parallel_loop3A_578 = arith.index_cast %select_n3A_339 : i32 to index
        %parallel_loop3A_579 = arith.index_cast %parallel_loop3A_401 : i32 to index
        %parallel_loop3A_580 = arith.constant 192 : index
        %parallel_loop3A_581 = tpu.vector_load %arg6[%parallel_loop3A_578, %parallel_loop3A_579, %parallel_loop3A_580] {strides = array<i32>} : memref<7x16x1024xf32, #tpu.memory_space<vmem>>, vector<1x1x16xf32>,
        %parallel_loop3A_582 = vector.shape_cast %parallel_loop3A_581 : vector<1x1x16xf32> to vector<16xf32>
        %parallel_loop3A_583 = vector.shape_cast %parallel_loop3A_577 : vector<16xf32> to vector<1x1x16xf32>
        tpu.vector_store %arg6[%parallel_loop3A_578, %parallel_loop3A_579, %parallel_loop3A_580], %parallel_loop3A_583 {strides = array<i32>} : memref<7x16x1024xf32, #tpu.memory_space<vmem>>, vector<1x1x16xf32>,
        %parallel_loop3A_584 = arith.index_cast %select_n3A_339 : i32 to index
        %parallel_loop3A_585 = arith.index_cast %parallel_loop3A_401 : i32 to index
        %parallel_loop3A_586 = arith.constant 208 : index
        %parallel_loop3A_587 = tpu.vector_load %arg6[%parallel_loop3A_584, %parallel_loop3A_585, %parallel_loop3A_586] {strides = array<i32>} : memref<7x16x1024xf32, #tpu.memory_space<vmem>>, vector<1x1x16xf32>,
        %parallel_loop3A_588 = vector.shape_cast %parallel_loop3A_587 : vector<1x1x16xf32> to vector<16xf32>
        %parallel_loop3A_589 = arith.constant 3.200000e+01 : f32
        %parallel_loop3A_590 = vector.broadcast %parallel_loop3A_589 : f32 to vector<16xf32>
        %parallel_loop3A_591 = arith.mulf %parallel_loop3A_588, %parallel_loop3A_590 : vector<16xf32>
        %parallel_loop3A_592 = arith.index_cast %select_n3A_339 : i32 to index
        %parallel_loop3A_593 = arith.index_cast %parallel_loop3A_401 : i32 to index
        %parallel_loop3A_594 = arith.constant 208 : index
        %parallel_loop3A_595 = tpu.vector_load %arg6[%parallel_loop3A_592, %parallel_loop3A_593, %parallel_loop3A_594] {strides = array<i32>} : memref<7x16x1024xf32, #tpu.memory_space<vmem>>, vector<1x1x16xf32>,
        %parallel_loop3A_596 = vector.shape_cast %parallel_loop3A_595 : vector<1x1x16xf32> to vector<16xf32>
        %parallel_loop3A_597 = vector.shape_cast %parallel_loop3A_591 : vector<16xf32> to vector<1x1x16xf32>
        tpu.vector_store %arg6[%parallel_loop3A_592, %parallel_loop3A_593, %parallel_loop3A_594], %parallel_loop3A_597 {strides = array<i32>} : memref<7x16x1024xf32, #tpu.memory_space<vmem>>, vector<1x1x16xf32>,
        %parallel_loop3A_598 = arith.index_cast %select_n3A_339 : i32 to index
        %parallel_loop3A_599 = arith.index_cast %parallel_loop3A_401 : i32 to index
        %parallel_loop3A_600 = arith.constant 224 : index
        %parallel_loop3A_601 = tpu.vector_load %arg6[%parallel_loop3A_598, %parallel_loop3A_599, %parallel_loop3A_600] {strides = array<i32>} : memref<7x16x1024xf32, #tpu.memory_space<vmem>>, vector<1x1x16xf32>,
        %parallel_loop3A_602 = vector.shape_cast %parallel_loop3A_601 : vector<1x1x16xf32> to vector<16xf32>
        %parallel_loop3A_603 = arith.constant 3.200000e+01 : f32
        %parallel_loop3A_604 = vector.broadcast %parallel_loop3A_603 : f32 to vector<16xf32>
        %parallel_loop3A_605 = arith.mulf %parallel_loop3A_602, %parallel_loop3A_604 : vector<16xf32>
        %parallel_loop3A_606 = arith.index_cast %select_n3A_339 : i32 to index
        %parallel_loop3A_607 = arith.index_cast %parallel_loop3A_401 : i32 to index
        %parallel_loop3A_608 = arith.constant 224 : index
        %parallel_loop3A_609 = tpu.vector_load %arg6[%parallel_loop3A_606, %parallel_loop3A_607, %parallel_loop3A_608] {strides = array<i32>} : memref<7x16x1024xf32, #tpu.memory_space<vmem>>, vector<1x1x16xf32>,
        %parallel_loop3A_610 = vector.shape_cast %parallel_loop3A_609 : vector<1x1x16xf32> to vector<16xf32>
        %parallel_loop3A_611 = vector.shape_cast %parallel_loop3A_605 : vector<16xf32> to vector<1x1x16xf32>
        tpu.vector_store %arg6[%parallel_loop3A_606, %parallel_loop3A_607, %parallel_loop3A_608], %parallel_loop3A_611 {strides = array<i32>} : memref<7x16x1024xf32, #tpu.memory_space<vmem>>, vector<1x1x16xf32>,
        %parallel_loop3A_612 = arith.index_cast %select_n3A_339 : i32 to index
        %parallel_loop3A_613 = arith.index_cast %parallel_loop3A_401 : i32 to index
        %parallel_loop3A_614 = arith.constant 240 : index
        %parallel_loop3A_615 = tpu.vector_load %arg6[%parallel_loop3A_612, %parallel_loop3A_613, %parallel_loop3A_614] {strides = array<i32>} : memref<7x16x1024xf32, #tpu.memory_space<vmem>>, vector<1x1x16xf32>,
        %parallel_loop3A_616 = vector.shape_cast %parallel_loop3A_615 : vector<1x1x16xf32> to vector<16xf32>
        %parallel_loop3A_617 = arith.constant 3.200000e+01 : f32
        %parallel_loop3A_618 = vector.broadcast %parallel_loop3A_617 : f32 to vector<16xf32>
        %parallel_loop3A_619 = arith.mulf %parallel_loop3A_616, %parallel_loop3A_618 : vector<16xf32>
        %parallel_loop3A_620 = arith.index_cast %select_n3A_339 : i32 to index
        %parallel_loop3A_621 = arith.index_cast %parallel_loop3A_401 : i32 to index
        %parallel_loop3A_622 = arith.constant 240 : index
        %parallel_loop3A_623 = tpu.vector_load %arg6[%parallel_loop3A_620, %parallel_loop3A_621, %parallel_loop3A_622] {strides = array<i32>} : memref<7x16x1024xf32, #tpu.memory_space<vmem>>, vector<1x1x16xf32>,
        %parallel_loop3A_624 = vector.shape_cast %parallel_loop3A_623 : vector<1x1x16xf32> to vector<16xf32>
        %parallel_loop3A_625 = vector.shape_cast %parallel_loop3A_619 : vector<16xf32> to vector<1x1x16xf32>
        tpu.vector_store %arg6[%parallel_loop3A_620, %parallel_loop3A_621, %parallel_loop3A_622], %parallel_loop3A_625 {strides = array<i32>} : memref<7x16x1024xf32, #tpu.memory_space<vmem>>, vector<1x1x16xf32>,
        %parallel_loop3A_626 = arith.index_cast %select_n3A_339 : i32 to index
        %parallel_loop3A_627 = arith.index_cast %parallel_loop3A_401 : i32 to index
        %parallel_loop3A_628 = arith.constant 256 : index
        %parallel_loop3A_629 = tpu.vector_load %arg6[%parallel_loop3A_626, %parallel_loop3A_627, %parallel_loop3A_628] {strides = array<i32>} : memref<7x16x1024xf32, #tpu.memory_space<vmem>>, vector<1x1x16xf32>,
        %parallel_loop3A_630 = vector.shape_cast %parallel_loop3A_629 : vector<1x1x16xf32> to vector<16xf32>
        %parallel_loop3A_631 = arith.constant 3.200000e+01 : f32
        %parallel_loop3A_632 = vector.broadcast %parallel_loop3A_631 : f32 to vector<16xf32>
        %parallel_loop3A_633 = arith.mulf %parallel_loop3A_630, %parallel_loop3A_632 : vector<16xf32>
        %parallel_loop3A_634 = arith.index_cast %select_n3A_339 : i32 to index
        %parallel_loop3A_635 = arith.index_cast %parallel_loop3A_401 : i32 to index
        %parallel_loop3A_636 = arith.constant 256 : index
        %parallel_loop3A_637 = tpu.vector_load %arg6[%parallel_loop3A_634, %parallel_loop3A_635, %parallel_loop3A_636] {strides = array<i32>} : memref<7x16x1024xf32, #tpu.memory_space<vmem>>, vector<1x1x16xf32>,
        %parallel_loop3A_638 = vector.shape_cast %parallel_loop3A_637 : vector<1x1x16xf32> to vector<16xf32>
        %parallel_loop3A_639 = vector.shape_cast %parallel_loop3A_633 : vector<16xf32> to vector<1x1x16xf32>
        tpu.vector_store %arg6[%parallel_loop3A_634, %parallel_loop3A_635, %parallel_loop3A_636], %parallel_loop3A_639 {strides = array<i32>} : memref<7x16x1024xf32, #tpu.memory_space<vmem>>, vector<1x1x16xf32>,
        %parallel_loop3A_640 = arith.index_cast %select_n3A_339 : i32 to index
        %parallel_loop3A_641 = arith.index_cast %parallel_loop3A_401 : i32 to index
        %parallel_loop3A_642 = arith.constant 272 : index
        %parallel_loop3A_643 = tpu.vector_load %arg6[%parallel_loop3A_640, %parallel_loop3A_641, %parallel_loop3A_642] {strides = array<i32>} : memref<7x16x1024xf32, #tpu.memory_space<vmem>>, vector<1x1x16xf32>,
        %parallel_loop3A_644 = vector.shape_cast %parallel_loop3A_643 : vector<1x1x16xf32> to vector<16xf32>
        %parallel_loop3A_645 = arith.constant 3.200000e+01 : f32
        %parallel_loop3A_646 = vector.broadcast %parallel_loop3A_645 : f32 to vector<16xf32>
        %parallel_loop3A_647 = arith.mulf %parallel_loop3A_644, %parallel_loop3A_646 : vector<16xf32>
        %parallel_loop3A_648 = arith.index_cast %select_n3A_339 : i32 to index
        %parallel_loop3A_649 = arith.index_cast %parallel_loop3A_401 : i32 to index
        %parallel_loop3A_650 = arith.constant 272 : index
        %parallel_loop3A_651 = tpu.vector_load %arg6[%parallel_loop3A_648, %parallel_loop3A_649, %parallel_loop3A_650] {strides = array<i32>} : memref<7x16x1024xf32, #tpu.memory_space<vmem>>, vector<1x1x16xf32>,
        %parallel_loop3A_652 = vector.shape_cast %parallel_loop3A_651 : vector<1x1x16xf32> to vector<16xf32>
        %parallel_loop3A_653 = vector.shape_cast %parallel_loop3A_647 : vector<16xf32> to vector<1x1x16xf32>
        tpu.vector_store %arg6[%parallel_loop3A_648, %parallel_loop3A_649, %parallel_loop3A_650], %parallel_loop3A_653 {strides = array<i32>} : memref<7x16x1024xf32, #tpu.memory_space<vmem>>, vector<1x1x16xf32>,
        %parallel_loop3A_654 = arith.index_cast %select_n3A_339 : i32 to index
        %parallel_loop3A_655 = arith.index_cast %parallel_loop3A_401 : i32 to index
        %parallel_loop3A_656 = arith.constant 288 : index
        %parallel_loop3A_657 = tpu.vector_load %arg6[%parallel_loop3A_654, %parallel_loop3A_655, %parallel_loop3A_656] {strides = array<i32>} : memref<7x16x1024xf32, #tpu.memory_space<vmem>>, vector<1x1x16xf32>,
        %parallel_loop3A_658 = vector.shape_cast %parallel_loop3A_657 : vector<1x1x16xf32> to vector<16xf32>
        %parallel_loop3A_659 = arith.constant 3.200000e+01 : f32
        %parallel_loop3A_660 = vector.broadcast %parallel_loop3A_659 : f32 to vector<16xf32>
        %parallel_loop3A_661 = arith.mulf %parallel_loop3A_658, %parallel_loop3A_660 : vector<16xf32>
        %parallel_loop3A_662 = arith.index_cast %select_n3A_339 : i32 to index
        %parallel_loop3A_663 = arith.index_cast %parallel_loop3A_401 : i32 to index
        %parallel_loop3A_664 = arith.constant 288 : index
        %parallel_loop3A_665 = tpu.vector_load %arg6[%parallel_loop3A_662, %parallel_loop3A_663, %parallel_loop3A_664] {strides = array<i32>} : memref<7x16x1024xf32, #tpu.memory_space<vmem>>, vector<1x1x16xf32>,
        %parallel_loop3A_666 = vector.shape_cast %parallel_loop3A_665 : vector<1x1x16xf32> to vector<16xf32>
        %parallel_loop3A_667 = vector.shape_cast %parallel_loop3A_661 : vector<16xf32> to vector<1x1x16xf32>
        tpu.vector_store %arg6[%parallel_loop3A_662, %parallel_loop3A_663, %parallel_loop3A_664], %parallel_loop3A_667 {strides = array<i32>} : memref<7x16x1024xf32, #tpu.memory_space<vmem>>, vector<1x1x16xf32>,
        %parallel_loop3A_668 = arith.index_cast %select_n3A_339 : i32 to index
        %parallel_loop3A_669 = arith.index_cast %parallel_loop3A_401 : i32 to index
        %parallel_loop3A_670 = arith.constant 304 : index
        %parallel_loop3A_671 = tpu.vector_load %arg6[%parallel_loop3A_668, %parallel_loop3A_669, %parallel_loop3A_670] {strides = array<i32>} : memref<7x16x1024xf32, #tpu.memory_space<vmem>>, vector<1x1x16xf32>,
        %parallel_loop3A_672 = vector.shape_cast %parallel_loop3A_671 : vector<1x1x16xf32> to vector<16xf32>
        %parallel_loop3A_673 = arith.constant 3.200000e+01 : f32
        %parallel_loop3A_674 = vector.broadcast %parallel_loop3A_673 : f32 to vector<16xf32>
        %parallel_loop3A_675 = arith.mulf %parallel_loop3A_672, %parallel_loop3A_674 : vector<16xf32>
        %parallel_loop3A_676 = arith.index_cast %select_n3A_339 : i32 to index
        %parallel_loop3A_677 = arith.index_cast %parallel_loop3A_401 : i32 to index
        %parallel_loop3A_678 = arith.constant 304 : index
        %parallel_loop3A_679 = tpu.vector_load %arg6[%parallel_loop3A_676, %parallel_loop3A_677, %parallel_loop3A_678] {strides = array<i32>} : memref<7x16x1024xf32, #tpu.memory_space<vmem>>, vector<1x1x16xf32>,
        %parallel_loop3A_680 = vector.shape_cast %parallel_loop3A_679 : vector<1x1x16xf32> to vector<16xf32>
        %parallel_loop3A_681 = vector.shape_cast %parallel_loop3A_675 : vector<16xf32> to vector<1x1x16xf32>
        tpu.vector_store %arg6[%parallel_loop3A_676, %parallel_loop3A_677, %parallel_loop3A_678], %parallel_loop3A_681 {strides = array<i32>} : memref<7x16x1024xf32, #tpu.memory_space<vmem>>, vector<1x1x16xf32>,
        %parallel_loop3A_682 = arith.index_cast %select_n3A_339 : i32 to index
        %parallel_loop3A_683 = arith.index_cast %parallel_loop3A_401 : i32 to index
        %parallel_loop3A_684 = arith.constant 320 : index
        %parallel_loop3A_685 = tpu.vector_load %arg6[%parallel_loop3A_682, %parallel_loop3A_683, %parallel_loop3A_684] {strides = array<i32>} : memref<7x16x1024xf32, #tpu.memory_space<vmem>>, vector<1x1x16xf32>,
        %parallel_loop3A_686 = vector.shape_cast %parallel_loop3A_685 : vector<1x1x16xf32> to vector<16xf32>
        %parallel_loop3A_687 = arith.constant 3.200000e+01 : f32
        %parallel_loop3A_688 = vector.broadcast %parallel_loop3A_687 : f32 to vector<16xf32>
        %parallel_loop3A_689 = arith.mulf %parallel_loop3A_686, %parallel_loop3A_688 : vector<16xf32>
        %parallel_loop3A_690 = arith.index_cast %select_n3A_339 : i32 to index
        %parallel_loop3A_691 = arith.index_cast %parallel_loop3A_401 : i32 to index
        %parallel_loop3A_692 = arith.constant 320 : index
        %parallel_loop3A_693 = tpu.vector_load %arg6[%parallel_loop3A_690, %parallel_loop3A_691, %parallel_loop3A_692] {strides = array<i32>} : memref<7x16x1024xf32, #tpu.memory_space<vmem>>, vector<1x1x16xf32>,
        %parallel_loop3A_694 = vector.shape_cast %parallel_loop3A_693 : vector<1x1x16xf32> to vector<16xf32>
        %parallel_loop3A_695 = vector.shape_cast %parallel_loop3A_689 : vector<16xf32> to vector<1x1x16xf32>
        tpu.vector_store %arg6[%parallel_loop3A_690, %parallel_loop3A_691, %parallel_loop3A_692], %parallel_loop3A_695 {strides = array<i32>} : memref<7x16x1024xf32, #tpu.memory_space<vmem>>, vector<1x1x16xf32>,
        %parallel_loop3A_696 = arith.index_cast %select_n3A_339 : i32 to index
        %parallel_loop3A_697 = arith.index_cast %parallel_loop3A_401 : i32 to index
        %parallel_loop3A_698 = arith.constant 336 : index
        %parallel_loop3A_699 = tpu.vector_load %arg6[%parallel_loop3A_696, %parallel_loop3A_697, %parallel_loop3A_698] {strides = array<i32>} : memref<7x16x1024xf32, #tpu.memory_space<vmem>>, vector<1x1x16xf32>,
        %parallel_loop3A_700 = vector.shape_cast %parallel_loop3A_699 : vector<1x1x16xf32> to vector<16xf32>
        %parallel_loop3A_701 = arith.constant 3.200000e+01 : f32
        %parallel_loop3A_702 = vector.broadcast %parallel_loop3A_701 : f32 to vector<16xf32>
        %parallel_loop3A_703 = arith.mulf %parallel_loop3A_700, %parallel_loop3A_702 : vector<16xf32>
        %parallel_loop3A_704 = arith.index_cast %select_n3A_339 : i32 to index
        %parallel_loop3A_705 = arith.index_cast %parallel_loop3A_401 : i32 to index
        %parallel_loop3A_706 = arith.constant 336 : index
        %parallel_loop3A_707 = tpu.vector_load %arg6[%parallel_loop3A_704, %parallel_loop3A_705, %parallel_loop3A_706] {strides = array<i32>} : memref<7x16x1024xf32, #tpu.memory_space<vmem>>, vector<1x1x16xf32>,
        %parallel_loop3A_708 = vector.shape_cast %parallel_loop3A_707 : vector<1x1x16xf32> to vector<16xf32>
        %parallel_loop3A_709 = vector.shape_cast %parallel_loop3A_703 : vector<16xf32> to vector<1x1x16xf32>
        tpu.vector_store %arg6[%parallel_loop3A_704, %parallel_loop3A_705, %parallel_loop3A_706], %parallel_loop3A_709 {strides = array<i32>} : memref<7x16x1024xf32, #tpu.memory_space<vmem>>, vector<1x1x16xf32>,
        %parallel_loop3A_710 = arith.index_cast %select_n3A_339 : i32 to index
        %parallel_loop3A_711 = arith.index_cast %parallel_loop3A_401 : i32 to index
        %parallel_loop3A_712 = arith.constant 352 : index
        %parallel_loop3A_713 = tpu.vector_load %arg6[%parallel_loop3A_710, %parallel_loop3A_711, %parallel_loop3A_712] {strides = array<i32>} : memref<7x16x1024xf32, #tpu.memory_space<vmem>>, vector<1x1x16xf32>,
        %parallel_loop3A_714 = vector.shape_cast %parallel_loop3A_713 : vector<1x1x16xf32> to vector<16xf32>
        %parallel_loop3A_715 = arith.constant 3.200000e+01 : f32
        %parallel_loop3A_716 = vector.broadcast %parallel_loop3A_715 : f32 to vector<16xf32>
        %parallel_loop3A_717 = arith.mulf %parallel_loop3A_714, %parallel_loop3A_716 : vector<16xf32>
        %parallel_loop3A_718 = arith.index_cast %select_n3A_339 : i32 to index
        %parallel_loop3A_719 = arith.index_cast %parallel_loop3A_401 : i32 to index
        %parallel_loop3A_720 = arith.constant 352 : index
        %parallel_loop3A_721 = tpu.vector_load %arg6[%parallel_loop3A_718, %parallel_loop3A_719, %parallel_loop3A_720] {strides = array<i32>} : memref<7x16x1024xf32, #tpu.memory_space<vmem>>, vector<1x1x16xf32>,
        %parallel_loop3A_722 = vector.shape_cast %parallel_loop3A_721 : vector<1x1x16xf32> to vector<16xf32>
        %parallel_loop3A_723 = vector.shape_cast %parallel_loop3A_717 : vector<16xf32> to vector<1x1x16xf32>
        tpu.vector_store %arg6[%parallel_loop3A_718, %parallel_loop3A_719, %parallel_loop3A_720], %parallel_loop3A_723 {strides = array<i32>} : memref<7x16x1024xf32, #tpu.memory_space<vmem>>, vector<1x1x16xf32>,
        %parallel_loop3A_724 = arith.index_cast %select_n3A_339 : i32 to index
        %parallel_loop3A_725 = arith.index_cast %parallel_loop3A_401 : i32 to index
        %parallel_loop3A_726 = arith.constant 368 : index
        %parallel_loop3A_727 = tpu.vector_load %arg6[%parallel_loop3A_724, %parallel_loop3A_725, %parallel_loop3A_726] {strides = array<i32>} : memref<7x16x1024xf32, #tpu.memory_space<vmem>>, vector<1x1x16xf32>,
        %parallel_loop3A_728 = vector.shape_cast %parallel_loop3A_727 : vector<1x1x16xf32> to vector<16xf32>
        %parallel_loop3A_729 = arith.constant 3.200000e+01 : f32
        %parallel_loop3A_730 = vector.broadcast %parallel_loop3A_729 : f32 to vector<16xf32>
        %parallel_loop3A_731 = arith.mulf %parallel_loop3A_728, %parallel_loop3A_730 : vector<16xf32>
        %parallel_loop3A_732 = arith.index_cast %select_n3A_339 : i32 to index
        %parallel_loop3A_733 = arith.index_cast %parallel_loop3A_401 : i32 to index
        %parallel_loop3A_734 = arith.constant 368 : index
        %parallel_loop3A_735 = tpu.vector_load %arg6[%parallel_loop3A_732, %parallel_loop3A_733, %parallel_loop3A_734] {strides = array<i32>} : memref<7x16x1024xf32, #tpu.memory_space<vmem>>, vector<1x1x16xf32>,
        %parallel_loop3A_736 = vector.shape_cast %parallel_loop3A_735 : vector<1x1x16xf32> to vector<16xf32>
        %parallel_loop3A_737 = vector.shape_cast %parallel_loop3A_731 : vector<16xf32> to vector<1x1x16xf32>
        tpu.vector_store %arg6[%parallel_loop3A_732, %parallel_loop3A_733, %parallel_loop3A_734], %parallel_loop3A_737 {strides = array<i32>} : memref<7x16x1024xf32, #tpu.memory_space<vmem>>, vector<1x1x16xf32>,
        %parallel_loop3A_738 = arith.index_cast %select_n3A_339 : i32 to index
        %parallel_loop3A_739 = arith.index_cast %parallel_loop3A_401 : i32 to index
        %parallel_loop3A_740 = arith.constant 384 : index
        %parallel_loop3A_741 = tpu.vector_load %arg6[%parallel_loop3A_738, %parallel_loop3A_739, %parallel_loop3A_740] {strides = array<i32>} : memref<7x16x1024xf32, #tpu.memory_space<vmem>>, vector<1x1x16xf32>,
        %parallel_loop3A_742 = vector.shape_cast %parallel_loop3A_741 : vector<1x1x16xf32> to vector<16xf32>
        %parallel_loop3A_743 = arith.constant 3.200000e+01 : f32
        %parallel_loop3A_744 = vector.broadcast %parallel_loop3A_743 : f32 to vector<16xf32>
        %parallel_loop3A_745 = arith.mulf %parallel_loop3A_742, %parallel_loop3A_744 : vector<16xf32>
        %parallel_loop3A_746 = arith.index_cast %select_n3A_339 : i32 to index
        %parallel_loop3A_747 = arith.index_cast %parallel_loop3A_401 : i32 to index
        %parallel_loop3A_748 = arith.constant 384 : index
        %parallel_loop3A_749 = tpu.vector_load %arg6[%parallel_loop3A_746, %parallel_loop3A_747, %parallel_loop3A_748] {strides = array<i32>} : memref<7x16x1024xf32, #tpu.memory_space<vmem>>, vector<1x1x16xf32>,
        %parallel_loop3A_750 = vector.shape_cast %parallel_loop3A_749 : vector<1x1x16xf32> to vector<16xf32>
        %parallel_loop3A_751 = vector.shape_cast %parallel_loop3A_745 : vector<16xf32> to vector<1x1x16xf32>
        tpu.vector_store %arg6[%parallel_loop3A_746, %parallel_loop3A_747, %parallel_loop3A_748], %parallel_loop3A_751 {strides = array<i32>} : memref<7x16x1024xf32, #tpu.memory_space<vmem>>, vector<1x1x16xf32>,
        %parallel_loop3A_752 = arith.index_cast %select_n3A_339 : i32 to index
        %parallel_loop3A_753 = arith.index_cast %parallel_loop3A_401 : i32 to index
        %parallel_loop3A_754 = arith.constant 400 : index
        %parallel_loop3A_755 = tpu.vector_load %arg6[%parallel_loop3A_752, %parallel_loop3A_753, %parallel_loop3A_754] {strides = array<i32>} : memref<7x16x1024xf32, #tpu.memory_space<vmem>>, vector<1x1x16xf32>,
        %parallel_loop3A_756 = vector.shape_cast %parallel_loop3A_755 : vector<1x1x16xf32> to vector<16xf32>
        %parallel_loop3A_757 = arith.constant 3.200000e+01 : f32
        %parallel_loop3A_758 = vector.broadcast %parallel_loop3A_757 : f32 to vector<16xf32>
        %parallel_loop3A_759 = arith.mulf %parallel_loop3A_756, %parallel_loop3A_758 : vector<16xf32>
        %parallel_loop3A_760 = arith.index_cast %select_n3A_339 : i32 to index
        %parallel_loop3A_761 = arith.index_cast %parallel_loop3A_401 : i32 to index
        %parallel_loop3A_762 = arith.constant 400 : index
        %parallel_loop3A_763 = tpu.vector_load %arg6[%parallel_loop3A_760, %parallel_loop3A_761, %parallel_loop3A_762] {strides = array<i32>} : memref<7x16x1024xf32, #tpu.memory_space<vmem>>, vector<1x1x16xf32>,
        %parallel_loop3A_764 = vector.shape_cast %parallel_loop3A_763 : vector<1x1x16xf32> to vector<16xf32>
        %parallel_loop3A_765 = vector.shape_cast %parallel_loop3A_759 : vector<16xf32> to vector<1x1x16xf32>
        tpu.vector_store %arg6[%parallel_loop3A_760, %parallel_loop3A_761, %parallel_loop3A_762], %parallel_loop3A_765 {strides = array<i32>} : memref<7x16x1024xf32, #tpu.memory_space<vmem>>, vector<1x1x16xf32>,
        %parallel_loop3A_766 = arith.index_cast %select_n3A_339 : i32 to index
        %parallel_loop3A_767 = arith.index_cast %parallel_loop3A_401 : i32 to index
        %parallel_loop3A_768 = arith.constant 416 : index
        %parallel_loop3A_769 = tpu.vector_load %arg6[%parallel_loop3A_766, %parallel_loop3A_767, %parallel_loop3A_768] {strides = array<i32>} : memref<7x16x1024xf32, #tpu.memory_space<vmem>>, vector<1x1x16xf32>,
        %parallel_loop3A_770 = vector.shape_cast %parallel_loop3A_769 : vector<1x1x16xf32> to vector<16xf32>
        %parallel_loop3A_771 = arith.constant 3.200000e+01 : f32
        %parallel_loop3A_772 = vector.broadcast %parallel_loop3A_771 : f32 to vector<16xf32>
        %parallel_loop3A_773 = arith.mulf %parallel_loop3A_770, %parallel_loop3A_772 : vector<16xf32>
        %parallel_loop3A_774 = arith.index_cast %select_n3A_339 : i32 to index
        %parallel_loop3A_775 = arith.index_cast %parallel_loop3A_401 : i32 to index
        %parallel_loop3A_776 = arith.constant 416 : index
        %parallel_loop3A_777 = tpu.vector_load %arg6[%parallel_loop3A_774, %parallel_loop3A_775, %parallel_loop3A_776] {strides = array<i32>} : memref<7x16x1024xf32, #tpu.memory_space<vmem>>, vector<1x1x16xf32>,
        %parallel_loop3A_778 = vector.shape_cast %parallel_loop3A_777 : vector<1x1x16xf32> to vector<16xf32>
        %parallel_loop3A_779 = vector.shape_cast %parallel_loop3A_773 : vector<16xf32> to vector<1x1x16xf32>
        tpu.vector_store %arg6[%parallel_loop3A_774, %parallel_loop3A_775, %parallel_loop3A_776], %parallel_loop3A_779 {strides = array<i32>} : memref<7x16x1024xf32, #tpu.memory_space<vmem>>, vector<1x1x16xf32>,
        %parallel_loop3A_780 = arith.index_cast %select_n3A_339 : i32 to index
        %parallel_loop3A_781 = arith.index_cast %parallel_loop3A_401 : i32 to index
        %parallel_loop3A_782 = arith.constant 432 : index
        %parallel_loop3A_783 = tpu.vector_load %arg6[%parallel_loop3A_780, %parallel_loop3A_781, %parallel_loop3A_782] {strides = array<i32>} : memref<7x16x1024xf32, #tpu.memory_space<vmem>>, vector<1x1x16xf32>,
        %parallel_loop3A_784 = vector.shape_cast %parallel_loop3A_783 : vector<1x1x16xf32> to vector<16xf32>
        %parallel_loop3A_785 = arith.constant 3.200000e+01 : f32
        %parallel_loop3A_786 = vector.broadcast %parallel_loop3A_785 : f32 to vector<16xf32>
        %parallel_loop3A_787 = arith.mulf %parallel_loop3A_784, %parallel_loop3A_786 : vector<16xf32>
        %parallel_loop3A_788 = arith.index_cast %select_n3A_339 : i32 to index
        %parallel_loop3A_789 = arith.index_cast %parallel_loop3A_401 : i32 to index
        %parallel_loop3A_790 = arith.constant 432 : index
        %parallel_loop3A_791 = tpu.vector_load %arg6[%parallel_loop3A_788, %parallel_loop3A_789, %parallel_loop3A_790] {strides = array<i32>} : memref<7x16x1024xf32, #tpu.memory_space<vmem>>, vector<1x1x16xf32>,
        %parallel_loop3A_792 = vector.shape_cast %parallel_loop3A_791 : vector<1x1x16xf32> to vector<16xf32>
        %parallel_loop3A_793 = vector.shape_cast %parallel_loop3A_787 : vector<16xf32> to vector<1x1x16xf32>
        tpu.vector_store %arg6[%parallel_loop3A_788, %parallel_loop3A_789, %parallel_loop3A_790], %parallel_loop3A_793 {strides = array<i32>} : memref<7x16x1024xf32, #tpu.memory_space<vmem>>, vector<1x1x16xf32>,
        %parallel_loop3A_794 = arith.index_cast %select_n3A_339 : i32 to index
        %parallel_loop3A_795 = arith.index_cast %parallel_loop3A_401 : i32 to index
        %parallel_loop3A_796 = arith.constant 448 : index
        %parallel_loop3A_797 = tpu.vector_load %arg6[%parallel_loop3A_794, %parallel_loop3A_795, %parallel_loop3A_796] {strides = array<i32>} : memref<7x16x1024xf32, #tpu.memory_space<vmem>>, vector<1x1x16xf32>,
        %parallel_loop3A_798 = vector.shape_cast %parallel_loop3A_797 : vector<1x1x16xf32> to vector<16xf32>
        %parallel_loop3A_799 = arith.constant 3.200000e+01 : f32
        %parallel_loop3A_800 = vector.broadcast %parallel_loop3A_799 : f32 to vector<16xf32>
        %parallel_loop3A_801 = arith.mulf %parallel_loop3A_798, %parallel_loop3A_800 : vector<16xf32>
        %parallel_loop3A_802 = arith.index_cast %select_n3A_339 : i32 to index
        %parallel_loop3A_803 = arith.index_cast %parallel_loop3A_401 : i32 to index
        %parallel_loop3A_804 = arith.constant 448 : index
        %parallel_loop3A_805 = tpu.vector_load %arg6[%parallel_loop3A_802, %parallel_loop3A_803, %parallel_loop3A_804] {strides = array<i32>} : memref<7x16x1024xf32, #tpu.memory_space<vmem>>, vector<1x1x16xf32>,
        %parallel_loop3A_806 = vector.shape_cast %parallel_loop3A_805 : vector<1x1x16xf32> to vector<16xf32>
        %parallel_loop3A_807 = vector.shape_cast %parallel_loop3A_801 : vector<16xf32> to vector<1x1x16xf32>
        tpu.vector_store %arg6[%parallel_loop3A_802, %parallel_loop3A_803, %parallel_loop3A_804], %parallel_loop3A_807 {strides = array<i32>} : memref<7x16x1024xf32, #tpu.memory_space<vmem>>, vector<1x1x16xf32>,
        %parallel_loop3A_808 = arith.index_cast %select_n3A_339 : i32 to index
        %parallel_loop3A_809 = arith.index_cast %parallel_loop3A_401 : i32 to index
        %parallel_loop3A_810 = arith.constant 464 : index
        %parallel_loop3A_811 = tpu.vector_load %arg6[%parallel_loop3A_808, %parallel_loop3A_809, %parallel_loop3A_810] {strides = array<i32>} : memref<7x16x1024xf32, #tpu.memory_space<vmem>>, vector<1x1x16xf32>,
        %parallel_loop3A_812 = vector.shape_cast %parallel_loop3A_811 : vector<1x1x16xf32> to vector<16xf32>
        %parallel_loop3A_813 = arith.constant 3.200000e+01 : f32
        %parallel_loop3A_814 = vector.broadcast %parallel_loop3A_813 : f32 to vector<16xf32>
        %parallel_loop3A_815 = arith.mulf %parallel_loop3A_812, %parallel_loop3A_814 : vector<16xf32>
        %parallel_loop3A_816 = arith.index_cast %select_n3A_339 : i32 to index
        %parallel_loop3A_817 = arith.index_cast %parallel_loop3A_401 : i32 to index
        %parallel_loop3A_818 = arith.constant 464 : index
        %parallel_loop3A_819 = tpu.vector_load %arg6[%parallel_loop3A_816, %parallel_loop3A_817, %parallel_loop3A_818] {strides = array<i32>} : memref<7x16x1024xf32, #tpu.memory_space<vmem>>, vector<1x1x16xf32>,
        %parallel_loop3A_820 = vector.shape_cast %parallel_loop3A_819 : vector<1x1x16xf32> to vector<16xf32>
        %parallel_loop3A_821 = vector.shape_cast %parallel_loop3A_815 : vector<16xf32> to vector<1x1x16xf32>
        tpu.vector_store %arg6[%parallel_loop3A_816, %parallel_loop3A_817, %parallel_loop3A_818], %parallel_loop3A_821 {strides = array<i32>} : memref<7x16x1024xf32, #tpu.memory_space<vmem>>, vector<1x1x16xf32>,
        %parallel_loop3A_822 = arith.index_cast %select_n3A_339 : i32 to index
        %parallel_loop3A_823 = arith.index_cast %parallel_loop3A_401 : i32 to index
        %parallel_loop3A_824 = arith.constant 480 : index
        %parallel_loop3A_825 = tpu.vector_load %arg6[%parallel_loop3A_822, %parallel_loop3A_823, %parallel_loop3A_824] {strides = array<i32>} : memref<7x16x1024xf32, #tpu.memory_space<vmem>>, vector<1x1x16xf32>,
        %parallel_loop3A_826 = vector.shape_cast %parallel_loop3A_825 : vector<1x1x16xf32> to vector<16xf32>
        %parallel_loop3A_827 = arith.constant 3.200000e+01 : f32
        %parallel_loop3A_828 = vector.broadcast %parallel_loop3A_827 : f32 to vector<16xf32>
        %parallel_loop3A_829 = arith.mulf %parallel_loop3A_826, %parallel_loop3A_828 : vector<16xf32>
        %parallel_loop3A_830 = arith.index_cast %select_n3A_339 : i32 to index
        %parallel_loop3A_831 = arith.index_cast %parallel_loop3A_401 : i32 to index
        %parallel_loop3A_832 = arith.constant 480 : index
        %parallel_loop3A_833 = tpu.vector_load %arg6[%parallel_loop3A_830, %parallel_loop3A_831, %parallel_loop3A_832] {strides = array<i32>} : memref<7x16x1024xf32, #tpu.memory_space<vmem>>, vector<1x1x16xf32>,
        %parallel_loop3A_834 = vector.shape_cast %parallel_loop3A_833 : vector<1x1x16xf32> to vector<16xf32>
        %parallel_loop3A_835 = vector.shape_cast %parallel_loop3A_829 : vector<16xf32> to vector<1x1x16xf32>
        tpu.vector_store %arg6[%parallel_loop3A_830, %parallel_loop3A_831, %parallel_loop3A_832], %parallel_loop3A_835 {strides = array<i32>} : memref<7x16x1024xf32, #tpu.memory_space<vmem>>, vector<1x1x16xf32>,
        %parallel_loop3A_836 = arith.index_cast %select_n3A_339 : i32 to index
        %parallel_loop3A_837 = arith.index_cast %parallel_loop3A_401 : i32 to index
        %parallel_loop3A_838 = arith.constant 496 : index
        %parallel_loop3A_839 = tpu.vector_load %arg6[%parallel_loop3A_836, %parallel_loop3A_837, %parallel_loop3A_838] {strides = array<i32>} : memref<7x16x1024xf32, #tpu.memory_space<vmem>>, vector<1x1x16xf32>,
        %parallel_loop3A_840 = vector.shape_cast %parallel_loop3A_839 : vector<1x1x16xf32> to vector<16xf32>
        %parallel_loop3A_841 = arith.constant 3.200000e+01 : f32
        %parallel_loop3A_842 = vector.broadcast %parallel_loop3A_841 : f32 to vector<16xf32>
        %parallel_loop3A_843 = arith.mulf %parallel_loop3A_840, %parallel_loop3A_842 : vector<16xf32>
        %parallel_loop3A_844 = arith.index_cast %select_n3A_339 : i32 to index
        %parallel_loop3A_845 = arith.index_cast %parallel_loop3A_401 : i32 to index
        %parallel_loop3A_846 = arith.constant 496 : index
        %parallel_loop3A_847 = tpu.vector_load %arg6[%parallel_loop3A_844, %parallel_loop3A_845, %parallel_loop3A_846] {strides = array<i32>} : memref<7x16x1024xf32, #tpu.memory_space<vmem>>, vector<1x1x16xf32>,
        %parallel_loop3A_848 = vector.shape_cast %parallel_loop3A_847 : vector<1x1x16xf32> to vector<16xf32>
        %parallel_loop3A_849 = vector.shape_cast %parallel_loop3A_843 : vector<16xf32> to vector<1x1x16xf32>
        tpu.vector_store %arg6[%parallel_loop3A_844, %parallel_loop3A_845, %parallel_loop3A_846], %parallel_loop3A_849 {strides = array<i32>} : memref<7x16x1024xf32, #tpu.memory_space<vmem>>, vector<1x1x16xf32>,
        %parallel_loop3A_850 = arith.index_cast %select_n3A_339 : i32 to index
        %parallel_loop3A_851 = arith.index_cast %parallel_loop3A_401 : i32 to index
        %parallel_loop3A_852 = arith.constant 512 : index
        %parallel_loop3A_853 = tpu.vector_load %arg6[%parallel_loop3A_850, %parallel_loop3A_851, %parallel_loop3A_852] {strides = array<i32>} : memref<7x16x1024xf32, #tpu.memory_space<vmem>>, vector<1x1x16xf32>,
        %parallel_loop3A_854 = vector.shape_cast %parallel_loop3A_853 : vector<1x1x16xf32> to vector<16xf32>
        %parallel_loop3A_855 = arith.constant 3.200000e+01 : f32
        %parallel_loop3A_856 = vector.broadcast %parallel_loop3A_855 : f32 to vector<16xf32>
        %parallel_loop3A_857 = arith.mulf %parallel_loop3A_854, %parallel_loop3A_856 : vector<16xf32>
        %parallel_loop3A_858 = arith.index_cast %select_n3A_339 : i32 to index
        %parallel_loop3A_859 = arith.index_cast %parallel_loop3A_401 : i32 to index
        %parallel_loop3A_860 = arith.constant 512 : index
        %parallel_loop3A_861 = tpu.vector_load %arg6[%parallel_loop3A_858, %parallel_loop3A_859, %parallel_loop3A_860] {strides = array<i32>} : memref<7x16x1024xf32, #tpu.memory_space<vmem>>, vector<1x1x16xf32>,
        %parallel_loop3A_862 = vector.shape_cast %parallel_loop3A_861 : vector<1x1x16xf32> to vector<16xf32>
        %parallel_loop3A_863 = vector.shape_cast %parallel_loop3A_857 : vector<16xf32> to vector<1x1x16xf32>
        tpu.vector_store %arg6[%parallel_loop3A_858, %parallel_loop3A_859, %parallel_loop3A_860], %parallel_loop3A_863 {strides = array<i32>} : memref<7x16x1024xf32, #tpu.memory_space<vmem>>, vector<1x1x16xf32>,
        %parallel_loop3A_864 = arith.index_cast %select_n3A_339 : i32 to index
        %parallel_loop3A_865 = arith.index_cast %parallel_loop3A_401 : i32 to index
        %parallel_loop3A_866 = arith.constant 528 : index
        %parallel_loop3A_867 = tpu.vector_load %arg6[%parallel_loop3A_864, %parallel_loop3A_865, %parallel_loop3A_866] {strides = array<i32>} : memref<7x16x1024xf32, #tpu.memory_space<vmem>>, vector<1x1x16xf32>,
        %parallel_loop3A_868 = vector.shape_cast %parallel_loop3A_867 : vector<1x1x16xf32> to vector<16xf32>
        %parallel_loop3A_869 = arith.constant 3.200000e+01 : f32
        %parallel_loop3A_870 = vector.broadcast %parallel_loop3A_869 : f32 to vector<16xf32>
        %parallel_loop3A_871 = arith.mulf %parallel_loop3A_868, %parallel_loop3A_870 : vector<16xf32>
        %parallel_loop3A_872 = arith.index_cast %select_n3A_339 : i32 to index
        %parallel_loop3A_873 = arith.index_cast %parallel_loop3A_401 : i32 to index
        %parallel_loop3A_874 = arith.constant 528 : index
        %parallel_loop3A_875 = tpu.vector_load %arg6[%parallel_loop3A_872, %parallel_loop3A_873, %parallel_loop3A_874] {strides = array<i32>} : memref<7x16x1024xf32, #tpu.memory_space<vmem>>, vector<1x1x16xf32>,
        %parallel_loop3A_876 = vector.shape_cast %parallel_loop3A_875 : vector<1x1x16xf32> to vector<16xf32>
        %parallel_loop3A_877 = vector.shape_cast %parallel_loop3A_871 : vector<16xf32> to vector<1x1x16xf32>
        tpu.vector_store %arg6[%parallel_loop3A_872, %parallel_loop3A_873, %parallel_loop3A_874], %parallel_loop3A_877 {strides = array<i32>} : memref<7x16x1024xf32, #tpu.memory_space<vmem>>, vector<1x1x16xf32>,
        %parallel_loop3A_878 = arith.index_cast %select_n3A_339 : i32 to index
        %parallel_loop3A_879 = arith.index_cast %parallel_loop3A_401 : i32 to index
        %parallel_loop3A_880 = arith.constant 544 : index
        %parallel_loop3A_881 = tpu.vector_load %arg6[%parallel_loop3A_878, %parallel_loop3A_879, %parallel_loop3A_880] {strides = array<i32>} : memref<7x16x1024xf32, #tpu.memory_space<vmem>>, vector<1x1x16xf32>,
        %parallel_loop3A_882 = vector.shape_cast %parallel_loop3A_881 : vector<1x1x16xf32> to vector<16xf32>
        %parallel_loop3A_883 = arith.constant 3.200000e+01 : f32
        %parallel_loop3A_884 = vector.broadcast %parallel_loop3A_883 : f32 to vector<16xf32>
        %parallel_loop3A_885 = arith.mulf %parallel_loop3A_882, %parallel_loop3A_884 : vector<16xf32>
        %parallel_loop3A_886 = arith.index_cast %select_n3A_339 : i32 to index
        %parallel_loop3A_887 = arith.index_cast %parallel_loop3A_401 : i32 to index
        %parallel_loop3A_888 = arith.constant 544 : index
        %parallel_loop3A_889 = tpu.vector_load %arg6[%parallel_loop3A_886, %parallel_loop3A_887, %parallel_loop3A_888] {strides = array<i32>} : memref<7x16x1024xf32, #tpu.memory_space<vmem>>, vector<1x1x16xf32>,
        %parallel_loop3A_890 = vector.shape_cast %parallel_loop3A_889 : vector<1x1x16xf32> to vector<16xf32>
        %parallel_loop3A_891 = vector.shape_cast %parallel_loop3A_885 : vector<16xf32> to vector<1x1x16xf32>
        tpu.vector_store %arg6[%parallel_loop3A_886, %parallel_loop3A_887, %parallel_loop3A_888], %parallel_loop3A_891 {strides = array<i32>} : memref<7x16x1024xf32, #tpu.memory_space<vmem>>, vector<1x1x16xf32>,
        %parallel_loop3A_892 = arith.index_cast %select_n3A_339 : i32 to index
        %parallel_loop3A_893 = arith.index_cast %parallel_loop3A_401 : i32 to index
        %parallel_loop3A_894 = arith.constant 560 : index
        %parallel_loop3A_895 = tpu.vector_load %arg6[%parallel_loop3A_892, %parallel_loop3A_893, %parallel_loop3A_894] {strides = array<i32>} : memref<7x16x1024xf32, #tpu.memory_space<vmem>>, vector<1x1x16xf32>,
        %parallel_loop3A_896 = vector.shape_cast %parallel_loop3A_895 : vector<1x1x16xf32> to vector<16xf32>
        %parallel_loop3A_897 = arith.constant 3.200000e+01 : f32
        %parallel_loop3A_898 = vector.broadcast %parallel_loop3A_897 : f32 to vector<16xf32>
        %parallel_loop3A_899 = arith.mulf %parallel_loop3A_896, %parallel_loop3A_898 : vector<16xf32>
        %parallel_loop3A_900 = arith.index_cast %select_n3A_339 : i32 to index
        %parallel_loop3A_901 = arith.index_cast %parallel_loop3A_401 : i32 to index
        %parallel_loop3A_902 = arith.constant 560 : index
        %parallel_loop3A_903 = tpu.vector_load %arg6[%parallel_loop3A_900, %parallel_loop3A_901, %parallel_loop3A_902] {strides = array<i32>} : memref<7x16x1024xf32, #tpu.memory_space<vmem>>, vector<1x1x16xf32>,
        %parallel_loop3A_904 = vector.shape_cast %parallel_loop3A_903 : vector<1x1x16xf32> to vector<16xf32>
        %parallel_loop3A_905 = vector.shape_cast %parallel_loop3A_899 : vector<16xf32> to vector<1x1x16xf32>
        tpu.vector_store %arg6[%parallel_loop3A_900, %parallel_loop3A_901, %parallel_loop3A_902], %parallel_loop3A_905 {strides = array<i32>} : memref<7x16x1024xf32, #tpu.memory_space<vmem>>, vector<1x1x16xf32>,
        %parallel_loop3A_906 = arith.index_cast %select_n3A_339 : i32 to index
        %parallel_loop3A_907 = arith.index_cast %parallel_loop3A_401 : i32 to index
        %parallel_loop3A_908 = arith.constant 576 : index
        %parallel_loop3A_909 = tpu.vector_load %arg6[%parallel_loop3A_906, %parallel_loop3A_907, %parallel_loop3A_908] {strides = array<i32>} : memref<7x16x1024xf32, #tpu.memory_space<vmem>>, vector<1x1x16xf32>,
        %parallel_loop3A_910 = vector.shape_cast %parallel_loop3A_909 : vector<1x1x16xf32> to vector<16xf32>
        %parallel_loop3A_911 = arith.constant 3.200000e+01 : f32
        %parallel_loop3A_912 = vector.broadcast %parallel_loop3A_911 : f32 to vector<16xf32>
        %parallel_loop3A_913 = arith.mulf %parallel_loop3A_910, %parallel_loop3A_912 : vector<16xf32>
        %parallel_loop3A_914 = arith.index_cast %select_n3A_339 : i32 to index
        %parallel_loop3A_915 = arith.index_cast %parallel_loop3A_401 : i32 to index
        %parallel_loop3A_916 = arith.constant 576 : index
        %parallel_loop3A_917 = tpu.vector_load %arg6[%parallel_loop3A_914, %parallel_loop3A_915, %parallel_loop3A_916] {strides = array<i32>} : memref<7x16x1024xf32, #tpu.memory_space<vmem>>, vector<1x1x16xf32>,
        %parallel_loop3A_918 = vector.shape_cast %parallel_loop3A_917 : vector<1x1x16xf32> to vector<16xf32>
        %parallel_loop3A_919 = vector.shape_cast %parallel_loop3A_913 : vector<16xf32> to vector<1x1x16xf32>
        tpu.vector_store %arg6[%parallel_loop3A_914, %parallel_loop3A_915, %parallel_loop3A_916], %parallel_loop3A_919 {strides = array<i32>} : memref<7x16x1024xf32, #tpu.memory_space<vmem>>, vector<1x1x16xf32>,
        %parallel_loop3A_920 = arith.index_cast %select_n3A_339 : i32 to index
        %parallel_loop3A_921 = arith.index_cast %parallel_loop3A_401 : i32 to index
        %parallel_loop3A_922 = arith.constant 592 : index
        %parallel_loop3A_923 = tpu.vector_load %arg6[%parallel_loop3A_920, %parallel_loop3A_921, %parallel_loop3A_922] {strides = array<i32>} : memref<7x16x1024xf32, #tpu.memory_space<vmem>>, vector<1x1x16xf32>,
        %parallel_loop3A_924 = vector.shape_cast %parallel_loop3A_923 : vector<1x1x16xf32> to vector<16xf32>
        %parallel_loop3A_925 = arith.constant 3.200000e+01 : f32
        %parallel_loop3A_926 = vector.broadcast %parallel_loop3A_925 : f32 to vector<16xf32>
        %parallel_loop3A_927 = arith.mulf %parallel_loop3A_924, %parallel_loop3A_926 : vector<16xf32>
        %parallel_loop3A_928 = arith.index_cast %select_n3A_339 : i32 to index
        %parallel_loop3A_929 = arith.index_cast %parallel_loop3A_401 : i32 to index
        %parallel_loop3A_930 = arith.constant 592 : index
        %parallel_loop3A_931 = tpu.vector_load %arg6[%parallel_loop3A_928, %parallel_loop3A_929, %parallel_loop3A_930] {strides = array<i32>} : memref<7x16x1024xf32, #tpu.memory_space<vmem>>, vector<1x1x16xf32>,
        %parallel_loop3A_932 = vector.shape_cast %parallel_loop3A_931 : vector<1x1x16xf32> to vector<16xf32>
        %parallel_loop3A_933 = vector.shape_cast %parallel_loop3A_927 : vector<16xf32> to vector<1x1x16xf32>
        tpu.vector_store %arg6[%parallel_loop3A_928, %parallel_loop3A_929, %parallel_loop3A_930], %parallel_loop3A_933 {strides = array<i32>} : memref<7x16x1024xf32, #tpu.memory_space<vmem>>, vector<1x1x16xf32>,
        %parallel_loop3A_934 = arith.index_cast %select_n3A_339 : i32 to index
        %parallel_loop3A_935 = arith.index_cast %parallel_loop3A_401 : i32 to index
        %parallel_loop3A_936 = arith.constant 608 : index
        %parallel_loop3A_937 = tpu.vector_load %arg6[%parallel_loop3A_934, %parallel_loop3A_935, %parallel_loop3A_936] {strides = array<i32>} : memref<7x16x1024xf32, #tpu.memory_space<vmem>>, vector<1x1x16xf32>,
        %parallel_loop3A_938 = vector.shape_cast %parallel_loop3A_937 : vector<1x1x16xf32> to vector<16xf32>
        %parallel_loop3A_939 = arith.constant 3.200000e+01 : f32
        %parallel_loop3A_940 = vector.broadcast %parallel_loop3A_939 : f32 to vector<16xf32>
        %parallel_loop3A_941 = arith.mulf %parallel_loop3A_938, %parallel_loop3A_940 : vector<16xf32>
        %parallel_loop3A_942 = arith.index_cast %select_n3A_339 : i32 to index
        %parallel_loop3A_943 = arith.index_cast %parallel_loop3A_401 : i32 to index
        %parallel_loop3A_944 = arith.constant 608 : index
        %parallel_loop3A_945 = tpu.vector_load %arg6[%parallel_loop3A_942, %parallel_loop3A_943, %parallel_loop3A_944] {strides = array<i32>} : memref<7x16x1024xf32, #tpu.memory_space<vmem>>, vector<1x1x16xf32>,
        %parallel_loop3A_946 = vector.shape_cast %parallel_loop3A_945 : vector<1x1x16xf32> to vector<16xf32>
        %parallel_loop3A_947 = vector.shape_cast %parallel_loop3A_941 : vector<16xf32> to vector<1x1x16xf32>
        tpu.vector_store %arg6[%parallel_loop3A_942, %parallel_loop3A_943, %parallel_loop3A_944], %parallel_loop3A_947 {strides = array<i32>} : memref<7x16x1024xf32, #tpu.memory_space<vmem>>, vector<1x1x16xf32>,
        %parallel_loop3A_948 = arith.index_cast %select_n3A_339 : i32 to index
        %parallel_loop3A_949 = arith.index_cast %parallel_loop3A_401 : i32 to index
        %parallel_loop3A_950 = arith.constant 624 : index
        %parallel_loop3A_951 = tpu.vector_load %arg6[%parallel_loop3A_948, %parallel_loop3A_949, %parallel_loop3A_950] {strides = array<i32>} : memref<7x16x1024xf32, #tpu.memory_space<vmem>>, vector<1x1x16xf32>,
        %parallel_loop3A_952 = vector.shape_cast %parallel_loop3A_951 : vector<1x1x16xf32> to vector<16xf32>
        %parallel_loop3A_953 = arith.constant 3.200000e+01 : f32
        %parallel_loop3A_954 = vector.broadcast %parallel_loop3A_953 : f32 to vector<16xf32>
        %parallel_loop3A_955 = arith.mulf %parallel_loop3A_952, %parallel_loop3A_954 : vector<16xf32>
        %parallel_loop3A_956 = arith.index_cast %select_n3A_339 : i32 to index
        %parallel_loop3A_957 = arith.index_cast %parallel_loop3A_401 : i32 to index
        %parallel_loop3A_958 = arith.constant 624 : index
        %parallel_loop3A_959 = tpu.vector_load %arg6[%parallel_loop3A_956, %parallel_loop3A_957, %parallel_loop3A_958] {strides = array<i32>} : memref<7x16x1024xf32, #tpu.memory_space<vmem>>, vector<1x1x16xf32>,
        %parallel_loop3A_960 = vector.shape_cast %parallel_loop3A_959 : vector<1x1x16xf32> to vector<16xf32>
        %parallel_loop3A_961 = vector.shape_cast %parallel_loop3A_955 : vector<16xf32> to vector<1x1x16xf32>
        tpu.vector_store %arg6[%parallel_loop3A_956, %parallel_loop3A_957, %parallel_loop3A_958], %parallel_loop3A_961 {strides = array<i32>} : memref<7x16x1024xf32, #tpu.memory_space<vmem>>, vector<1x1x16xf32>,
        %parallel_loop3A_962 = arith.index_cast %select_n3A_339 : i32 to index
        %parallel_loop3A_963 = arith.index_cast %parallel_loop3A_401 : i32 to index
        %parallel_loop3A_964 = arith.constant 640 : index
        %parallel_loop3A_965 = tpu.vector_load %arg6[%parallel_loop3A_962, %parallel_loop3A_963, %parallel_loop3A_964] {strides = array<i32>} : memref<7x16x1024xf32, #tpu.memory_space<vmem>>, vector<1x1x16xf32>,
        %parallel_loop3A_966 = vector.shape_cast %parallel_loop3A_965 : vector<1x1x16xf32> to vector<16xf32>
        %parallel_loop3A_967 = arith.constant 3.200000e+01 : f32
        %parallel_loop3A_968 = vector.broadcast %parallel_loop3A_967 : f32 to vector<16xf32>
        %parallel_loop3A_969 = arith.mulf %parallel_loop3A_966, %parallel_loop3A_968 : vector<16xf32>
        %parallel_loop3A_970 = arith.index_cast %select_n3A_339 : i32 to index
        %parallel_loop3A_971 = arith.index_cast %parallel_loop3A_401 : i32 to index
        %parallel_loop3A_972 = arith.constant 640 : index
        %parallel_loop3A_973 = tpu.vector_load %arg6[%parallel_loop3A_970, %parallel_loop3A_971, %parallel_loop3A_972] {strides = array<i32>} : memref<7x16x1024xf32, #tpu.memory_space<vmem>>, vector<1x1x16xf32>,
        %parallel_loop3A_974 = vector.shape_cast %parallel_loop3A_973 : vector<1x1x16xf32> to vector<16xf32>
        %parallel_loop3A_975 = vector.shape_cast %parallel_loop3A_969 : vector<16xf32> to vector<1x1x16xf32>
        tpu.vector_store %arg6[%parallel_loop3A_970, %parallel_loop3A_971, %parallel_loop3A_972], %parallel_loop3A_975 {strides = array<i32>} : memref<7x16x1024xf32, #tpu.memory_space<vmem>>, vector<1x1x16xf32>,
        %parallel_loop3A_976 = arith.index_cast %select_n3A_339 : i32 to index
        %parallel_loop3A_977 = arith.index_cast %parallel_loop3A_401 : i32 to index
        %parallel_loop3A_978 = arith.constant 656 : index
        %parallel_loop3A_979 = tpu.vector_load %arg6[%parallel_loop3A_976, %parallel_loop3A_977, %parallel_loop3A_978] {strides = array<i32>} : memref<7x16x1024xf32, #tpu.memory_space<vmem>>, vector<1x1x16xf32>,
        %parallel_loop3A_980 = vector.shape_cast %parallel_loop3A_979 : vector<1x1x16xf32> to vector<16xf32>
        %parallel_loop3A_981 = arith.constant 3.200000e+01 : f32
        %parallel_loop3A_982 = vector.broadcast %parallel_loop3A_981 : f32 to vector<16xf32>
        %parallel_loop3A_983 = arith.mulf %parallel_loop3A_980, %parallel_loop3A_982 : vector<16xf32>
        %parallel_loop3A_984 = arith.index_cast %select_n3A_339 : i32 to index
        %parallel_loop3A_985 = arith.index_cast %parallel_loop3A_401 : i32 to index
        %parallel_loop3A_986 = arith.constant 656 : index
        %parallel_loop3A_987 = tpu.vector_load %arg6[%parallel_loop3A_984, %parallel_loop3A_985, %parallel_loop3A_986] {strides = array<i32>} : memref<7x16x1024xf32, #tpu.memory_space<vmem>>, vector<1x1x16xf32>,
        %parallel_loop3A_988 = vector.shape_cast %parallel_loop3A_987 : vector<1x1x16xf32> to vector<16xf32>
        %parallel_loop3A_989 = vector.shape_cast %parallel_loop3A_983 : vector<16xf32> to vector<1x1x16xf32>
        tpu.vector_store %arg6[%parallel_loop3A_984, %parallel_loop3A_985, %parallel_loop3A_986], %parallel_loop3A_989 {strides = array<i32>} : memref<7x16x1024xf32, #tpu.memory_space<vmem>>, vector<1x1x16xf32>,
        %parallel_loop3A_990 = arith.index_cast %select_n3A_339 : i32 to index
        %parallel_loop3A_991 = arith.index_cast %parallel_loop3A_401 : i32 to index
        %parallel_loop3A_992 = arith.constant 672 : index
        %parallel_loop3A_993 = tpu.vector_load %arg6[%parallel_loop3A_990, %parallel_loop3A_991, %parallel_loop3A_992] {strides = array<i32>} : memref<7x16x1024xf32, #tpu.memory_space<vmem>>, vector<1x1x16xf32>,
        %parallel_loop3A_994 = vector.shape_cast %parallel_loop3A_993 : vector<1x1x16xf32> to vector<16xf32>
        %parallel_loop3A_995 = arith.constant 3.200000e+01 : f32
        %parallel_loop3A_996 = vector.broadcast %parallel_loop3A_995 : f32 to vector<16xf32>
        %parallel_loop3A_997 = arith.mulf %parallel_loop3A_994, %parallel_loop3A_996 : vector<16xf32>
        %parallel_loop3A_998 = arith.index_cast %select_n3A_339 : i32 to index
        %parallel_loop3A_999 = arith.index_cast %parallel_loop3A_401 : i32 to index
        %parallel_loop3A_1000 = arith.constant 672 : index
        %parallel_loop3A_1001 = tpu.vector_load %arg6[%parallel_loop3A_998, %parallel_loop3A_999, %parallel_loop3A_1000] {strides = array<i32>} : memref<7x16x1024xf32, #tpu.memory_space<vmem>>, vector<1x1x16xf32>,
        %parallel_loop3A_1002 = vector.shape_cast %parallel_loop3A_1001 : vector<1x1x16xf32> to vector<16xf32>
        %parallel_loop3A_1003 = vector.shape_cast %parallel_loop3A_997 : vector<16xf32> to vector<1x1x16xf32>
        tpu.vector_store %arg6[%parallel_loop3A_998, %parallel_loop3A_999, %parallel_loop3A_1000], %parallel_loop3A_1003 {strides = array<i32>} : memref<7x16x1024xf32, #tpu.memory_space<vmem>>, vector<1x1x16xf32>,
        %parallel_loop3A_1004 = arith.index_cast %select_n3A_339 : i32 to index
        %parallel_loop3A_1005 = arith.index_cast %parallel_loop3A_401 : i32 to index
        %parallel_loop3A_1006 = arith.constant 688 : index
        %parallel_loop3A_1007 = tpu.vector_load %arg6[%parallel_loop3A_1004, %parallel_loop3A_1005, %parallel_loop3A_1006] {strides = array<i32>} : memref<7x16x1024xf32, #tpu.memory_space<vmem>>, vector<1x1x16xf32>,
        %parallel_loop3A_1008 = vector.shape_cast %parallel_loop3A_1007 : vector<1x1x16xf32> to vector<16xf32>
        %parallel_loop3A_1009 = arith.constant 3.200000e+01 : f32
        %parallel_loop3A_1010 = vector.broadcast %parallel_loop3A_1009 : f32 to vector<16xf32>
        %parallel_loop3A_1011 = arith.mulf %parallel_loop3A_1008, %parallel_loop3A_1010 : vector<16xf32>
        %parallel_loop3A_1012 = arith.index_cast %select_n3A_339 : i32 to index
        %parallel_loop3A_1013 = arith.index_cast %parallel_loop3A_401 : i32 to index
        %parallel_loop3A_1014 = arith.constant 688 : index
        %parallel_loop3A_1015 = tpu.vector_load %arg6[%parallel_loop3A_1012, %parallel_loop3A_1013, %parallel_loop3A_1014] {strides = array<i32>} : memref<7x16x1024xf32, #tpu.memory_space<vmem>>, vector<1x1x16xf32>,
        %parallel_loop3A_1016 = vector.shape_cast %parallel_loop3A_1015 : vector<1x1x16xf32> to vector<16xf32>
        %parallel_loop3A_1017 = vector.shape_cast %parallel_loop3A_1011 : vector<16xf32> to vector<1x1x16xf32>
        tpu.vector_store %arg6[%parallel_loop3A_1012, %parallel_loop3A_1013, %parallel_loop3A_1014], %parallel_loop3A_1017 {strides = array<i32>} : memref<7x16x1024xf32, #tpu.memory_space<vmem>>, vector<1x1x16xf32>,
        %parallel_loop3A_1018 = arith.index_cast %select_n3A_339 : i32 to index
        %parallel_loop3A_1019 = arith.index_cast %parallel_loop3A_401 : i32 to index
        %parallel_loop3A_1020 = arith.constant 704 : index
        %parallel_loop3A_1021 = tpu.vector_load %arg6[%parallel_loop3A_1018, %parallel_loop3A_1019, %parallel_loop3A_1020] {strides = array<i32>} : memref<7x16x1024xf32, #tpu.memory_space<vmem>>, vector<1x1x16xf32>,
        %parallel_loop3A_1022 = vector.shape_cast %parallel_loop3A_1021 : vector<1x1x16xf32> to vector<16xf32>
        %parallel_loop3A_1023 = arith.constant 3.200000e+01 : f32
        %parallel_loop3A_1024 = vector.broadcast %parallel_loop3A_1023 : f32 to vector<16xf32>
        %parallel_loop3A_1025 = arith.mulf %parallel_loop3A_1022, %parallel_loop3A_1024 : vector<16xf32>
        %parallel_loop3A_1026 = arith.index_cast %select_n3A_339 : i32 to index
        %parallel_loop3A_1027 = arith.index_cast %parallel_loop3A_401 : i32 to index
        %parallel_loop3A_1028 = arith.constant 704 : index
        %parallel_loop3A_1029 = tpu.vector_load %arg6[%parallel_loop3A_1026, %parallel_loop3A_1027, %parallel_loop3A_1028] {strides = array<i32>} : memref<7x16x1024xf32, #tpu.memory_space<vmem>>, vector<1x1x16xf32>,
        %parallel_loop3A_1030 = vector.shape_cast %parallel_loop3A_1029 : vector<1x1x16xf32> to vector<16xf32>
        %parallel_loop3A_1031 = vector.shape_cast %parallel_loop3A_1025 : vector<16xf32> to vector<1x1x16xf32>
        tpu.vector_store %arg6[%parallel_loop3A_1026, %parallel_loop3A_1027, %parallel_loop3A_1028], %parallel_loop3A_1031 {strides = array<i32>} : memref<7x16x1024xf32, #tpu.memory_space<vmem>>, vector<1x1x16xf32>,
        %parallel_loop3A_1032 = arith.index_cast %select_n3A_339 : i32 to index
        %parallel_loop3A_1033 = arith.index_cast %parallel_loop3A_401 : i32 to index
        %parallel_loop3A_1034 = arith.constant 720 : index
        %parallel_loop3A_1035 = tpu.vector_load %arg6[%parallel_loop3A_1032, %parallel_loop3A_1033, %parallel_loop3A_1034] {strides = array<i32>} : memref<7x16x1024xf32, #tpu.memory_space<vmem>>, vector<1x1x16xf32>,
        %parallel_loop3A_1036 = vector.shape_cast %parallel_loop3A_1035 : vector<1x1x16xf32> to vector<16xf32>
        %parallel_loop3A_1037 = arith.constant 3.200000e+01 : f32
        %parallel_loop3A_1038 = vector.broadcast %parallel_loop3A_1037 : f32 to vector<16xf32>
        %parallel_loop3A_1039 = arith.mulf %parallel_loop3A_1036, %parallel_loop3A_1038 : vector<16xf32>
        %parallel_loop3A_1040 = arith.index_cast %select_n3A_339 : i32 to index
        %parallel_loop3A_1041 = arith.index_cast %parallel_loop3A_401 : i32 to index
        %parallel_loop3A_1042 = arith.constant 720 : index
        %parallel_loop3A_1043 = tpu.vector_load %arg6[%parallel_loop3A_1040, %parallel_loop3A_1041, %parallel_loop3A_1042] {strides = array<i32>} : memref<7x16x1024xf32, #tpu.memory_space<vmem>>, vector<1x1x16xf32>,
        %parallel_loop3A_1044 = vector.shape_cast %parallel_loop3A_1043 : vector<1x1x16xf32> to vector<16xf32>
        %parallel_loop3A_1045 = vector.shape_cast %parallel_loop3A_1039 : vector<16xf32> to vector<1x1x16xf32>
        tpu.vector_store %arg6[%parallel_loop3A_1040, %parallel_loop3A_1041, %parallel_loop3A_1042], %parallel_loop3A_1045 {strides = array<i32>} : memref<7x16x1024xf32, #tpu.memory_space<vmem>>, vector<1x1x16xf32>,
        %parallel_loop3A_1046 = arith.index_cast %select_n3A_339 : i32 to index
        %parallel_loop3A_1047 = arith.index_cast %parallel_loop3A_401 : i32 to index
        %parallel_loop3A_1048 = arith.constant 736 : index
        %parallel_loop3A_1049 = tpu.vector_load %arg6[%parallel_loop3A_1046, %parallel_loop3A_1047, %parallel_loop3A_1048] {strides = array<i32>} : memref<7x16x1024xf32, #tpu.memory_space<vmem>>, vector<1x1x16xf32>,
        %parallel_loop3A_1050 = vector.shape_cast %parallel_loop3A_1049 : vector<1x1x16xf32> to vector<16xf32>
        %parallel_loop3A_1051 = arith.constant 3.200000e+01 : f32
        %parallel_loop3A_1052 = vector.broadcast %parallel_loop3A_1051 : f32 to vector<16xf32>
        %parallel_loop3A_1053 = arith.mulf %parallel_loop3A_1050, %parallel_loop3A_1052 : vector<16xf32>
        %parallel_loop3A_1054 = arith.index_cast %select_n3A_339 : i32 to index
        %parallel_loop3A_1055 = arith.index_cast %parallel_loop3A_401 : i32 to index
        %parallel_loop3A_1056 = arith.constant 736 : index
        %parallel_loop3A_1057 = tpu.vector_load %arg6[%parallel_loop3A_1054, %parallel_loop3A_1055, %parallel_loop3A_1056] {strides = array<i32>} : memref<7x16x1024xf32, #tpu.memory_space<vmem>>, vector<1x1x16xf32>,
        %parallel_loop3A_1058 = vector.shape_cast %parallel_loop3A_1057 : vector<1x1x16xf32> to vector<16xf32>
        %parallel_loop3A_1059 = vector.shape_cast %parallel_loop3A_1053 : vector<16xf32> to vector<1x1x16xf32>
        tpu.vector_store %arg6[%parallel_loop3A_1054, %parallel_loop3A_1055, %parallel_loop3A_1056], %parallel_loop3A_1059 {strides = array<i32>} : memref<7x16x1024xf32, #tpu.memory_space<vmem>>, vector<1x1x16xf32>,
        %parallel_loop3A_1060 = arith.index_cast %select_n3A_339 : i32 to index
        %parallel_loop3A_1061 = arith.index_cast %parallel_loop3A_401 : i32 to index
        %parallel_loop3A_1062 = arith.constant 752 : index
        %parallel_loop3A_1063 = tpu.vector_load %arg6[%parallel_loop3A_1060, %parallel_loop3A_1061, %parallel_loop3A_1062] {strides = array<i32>} : memref<7x16x1024xf32, #tpu.memory_space<vmem>>, vector<1x1x16xf32>,
        %parallel_loop3A_1064 = vector.shape_cast %parallel_loop3A_1063 : vector<1x1x16xf32> to vector<16xf32>
        %parallel_loop3A_1065 = arith.constant 3.200000e+01 : f32
        %parallel_loop3A_1066 = vector.broadcast %parallel_loop3A_1065 : f32 to vector<16xf32>
        %parallel_loop3A_1067 = arith.mulf %parallel_loop3A_1064, %parallel_loop3A_1066 : vector<16xf32>
        %parallel_loop3A_1068 = arith.index_cast %select_n3A_339 : i32 to index
        %parallel_loop3A_1069 = arith.index_cast %parallel_loop3A_401 : i32 to index
        %parallel_loop3A_1070 = arith.constant 752 : index
        %parallel_loop3A_1071 = tpu.vector_load %arg6[%parallel_loop3A_1068, %parallel_loop3A_1069, %parallel_loop3A_1070] {strides = array<i32>} : memref<7x16x1024xf32, #tpu.memory_space<vmem>>, vector<1x1x16xf32>,
        %parallel_loop3A_1072 = vector.shape_cast %parallel_loop3A_1071 : vector<1x1x16xf32> to vector<16xf32>
        %parallel_loop3A_1073 = vector.shape_cast %parallel_loop3A_1067 : vector<16xf32> to vector<1x1x16xf32>
        tpu.vector_store %arg6[%parallel_loop3A_1068, %parallel_loop3A_1069, %parallel_loop3A_1070], %parallel_loop3A_1073 {strides = array<i32>} : memref<7x16x1024xf32, #tpu.memory_space<vmem>>, vector<1x1x16xf32>,
        %parallel_loop3A_1074 = arith.index_cast %select_n3A_339 : i32 to index
        %parallel_loop3A_1075 = arith.index_cast %parallel_loop3A_401 : i32 to index
        %parallel_loop3A_1076 = arith.constant 768 : index
        %parallel_loop3A_1077 = tpu.vector_load %arg6[%parallel_loop3A_1074, %parallel_loop3A_1075, %parallel_loop3A_1076] {strides = array<i32>} : memref<7x16x1024xf32, #tpu.memory_space<vmem>>, vector<1x1x16xf32>,
        %parallel_loop3A_1078 = vector.shape_cast %parallel_loop3A_1077 : vector<1x1x16xf32> to vector<16xf32>
        %parallel_loop3A_1079 = arith.constant 3.200000e+01 : f32
        %parallel_loop3A_1080 = vector.broadcast %parallel_loop3A_1079 : f32 to vector<16xf32>
        %parallel_loop3A_1081 = arith.mulf %parallel_loop3A_1078, %parallel_loop3A_1080 : vector<16xf32>
        %parallel_loop3A_1082 = arith.index_cast %select_n3A_339 : i32 to index
        %parallel_loop3A_1083 = arith.index_cast %parallel_loop3A_401 : i32 to index
        %parallel_loop3A_1084 = arith.constant 768 : index
        %parallel_loop3A_1085 = tpu.vector_load %arg6[%parallel_loop3A_1082, %parallel_loop3A_1083, %parallel_loop3A_1084] {strides = array<i32>} : memref<7x16x1024xf32, #tpu.memory_space<vmem>>, vector<1x1x16xf32>,
        %parallel_loop3A_1086 = vector.shape_cast %parallel_loop3A_1085 : vector<1x1x16xf32> to vector<16xf32>
        %parallel_loop3A_1087 = vector.shape_cast %parallel_loop3A_1081 : vector<16xf32> to vector<1x1x16xf32>
        tpu.vector_store %arg6[%parallel_loop3A_1082, %parallel_loop3A_1083, %parallel_loop3A_1084], %parallel_loop3A_1087 {strides = array<i32>} : memref<7x16x1024xf32, #tpu.memory_space<vmem>>, vector<1x1x16xf32>,
        %parallel_loop3A_1088 = arith.index_cast %select_n3A_339 : i32 to index
        %parallel_loop3A_1089 = arith.index_cast %parallel_loop3A_401 : i32 to index
        %parallel_loop3A_1090 = arith.constant 784 : index
        %parallel_loop3A_1091 = tpu.vector_load %arg6[%parallel_loop3A_1088, %parallel_loop3A_1089, %parallel_loop3A_1090] {strides = array<i32>} : memref<7x16x1024xf32, #tpu.memory_space<vmem>>, vector<1x1x16xf32>,
        %parallel_loop3A_1092 = vector.shape_cast %parallel_loop3A_1091 : vector<1x1x16xf32> to vector<16xf32>
        %parallel_loop3A_1093 = arith.constant 3.200000e+01 : f32
        %parallel_loop3A_1094 = vector.broadcast %parallel_loop3A_1093 : f32 to vector<16xf32>
        %parallel_loop3A_1095 = arith.mulf %parallel_loop3A_1092, %parallel_loop3A_1094 : vector<16xf32>
        %parallel_loop3A_1096 = arith.index_cast %select_n3A_339 : i32 to index
        %parallel_loop3A_1097 = arith.index_cast %parallel_loop3A_401 : i32 to index
        %parallel_loop3A_1098 = arith.constant 784 : index
        %parallel_loop3A_1099 = tpu.vector_load %arg6[%parallel_loop3A_1096, %parallel_loop3A_1097, %parallel_loop3A_1098] {strides = array<i32>} : memref<7x16x1024xf32, #tpu.memory_space<vmem>>, vector<1x1x16xf32>,
        %parallel_loop3A_1100 = vector.shape_cast %parallel_loop3A_1099 : vector<1x1x16xf32> to vector<16xf32>
        %parallel_loop3A_1101 = vector.shape_cast %parallel_loop3A_1095 : vector<16xf32> to vector<1x1x16xf32>
        tpu.vector_store %arg6[%parallel_loop3A_1096, %parallel_loop3A_1097, %parallel_loop3A_1098], %parallel_loop3A_1101 {strides = array<i32>} : memref<7x16x1024xf32, #tpu.memory_space<vmem>>, vector<1x1x16xf32>,
        %parallel_loop3A_1102 = arith.index_cast %select_n3A_339 : i32 to index
        %parallel_loop3A_1103 = arith.index_cast %parallel_loop3A_401 : i32 to index
        %parallel_loop3A_1104 = arith.constant 800 : index
        %parallel_loop3A_1105 = tpu.vector_load %arg6[%parallel_loop3A_1102, %parallel_loop3A_1103, %parallel_loop3A_1104] {strides = array<i32>} : memref<7x16x1024xf32, #tpu.memory_space<vmem>>, vector<1x1x16xf32>,
        %parallel_loop3A_1106 = vector.shape_cast %parallel_loop3A_1105 : vector<1x1x16xf32> to vector<16xf32>
        %parallel_loop3A_1107 = arith.constant 3.200000e+01 : f32
        %parallel_loop3A_1108 = vector.broadcast %parallel_loop3A_1107 : f32 to vector<16xf32>
        %parallel_loop3A_1109 = arith.mulf %parallel_loop3A_1106, %parallel_loop3A_1108 : vector<16xf32>
        %parallel_loop3A_1110 = arith.index_cast %select_n3A_339 : i32 to index
        %parallel_loop3A_1111 = arith.index_cast %parallel_loop3A_401 : i32 to index
        %parallel_loop3A_1112 = arith.constant 800 : index
        %parallel_loop3A_1113 = tpu.vector_load %arg6[%parallel_loop3A_1110, %parallel_loop3A_1111, %parallel_loop3A_1112] {strides = array<i32>} : memref<7x16x1024xf32, #tpu.memory_space<vmem>>, vector<1x1x16xf32>,
        %parallel_loop3A_1114 = vector.shape_cast %parallel_loop3A_1113 : vector<1x1x16xf32> to vector<16xf32>
        %parallel_loop3A_1115 = vector.shape_cast %parallel_loop3A_1109 : vector<16xf32> to vector<1x1x16xf32>
        tpu.vector_store %arg6[%parallel_loop3A_1110, %parallel_loop3A_1111, %parallel_loop3A_1112], %parallel_loop3A_1115 {strides = array<i32>} : memref<7x16x1024xf32, #tpu.memory_space<vmem>>, vector<1x1x16xf32>,
        %parallel_loop3A_1116 = arith.index_cast %select_n3A_339 : i32 to index
        %parallel_loop3A_1117 = arith.index_cast %parallel_loop3A_401 : i32 to index
        %parallel_loop3A_1118 = arith.constant 816 : index
        %parallel_loop3A_1119 = tpu.vector_load %arg6[%parallel_loop3A_1116, %parallel_loop3A_1117, %parallel_loop3A_1118] {strides = array<i32>} : memref<7x16x1024xf32, #tpu.memory_space<vmem>>, vector<1x1x16xf32>,
        %parallel_loop3A_1120 = vector.shape_cast %parallel_loop3A_1119 : vector<1x1x16xf32> to vector<16xf32>
        %parallel_loop3A_1121 = arith.constant 3.200000e+01 : f32
        %parallel_loop3A_1122 = vector.broadcast %parallel_loop3A_1121 : f32 to vector<16xf32>
        %parallel_loop3A_1123 = arith.mulf %parallel_loop3A_1120, %parallel_loop3A_1122 : vector<16xf32>
        %parallel_loop3A_1124 = arith.index_cast %select_n3A_339 : i32 to index
        %parallel_loop3A_1125 = arith.index_cast %parallel_loop3A_401 : i32 to index
        %parallel_loop3A_1126 = arith.constant 816 : index
        %parallel_loop3A_1127 = tpu.vector_load %arg6[%parallel_loop3A_1124, %parallel_loop3A_1125, %parallel_loop3A_1126] {strides = array<i32>} : memref<7x16x1024xf32, #tpu.memory_space<vmem>>, vector<1x1x16xf32>,
        %parallel_loop3A_1128 = vector.shape_cast %parallel_loop3A_1127 : vector<1x1x16xf32> to vector<16xf32>
        %parallel_loop3A_1129 = vector.shape_cast %parallel_loop3A_1123 : vector<16xf32> to vector<1x1x16xf32>
        tpu.vector_store %arg6[%parallel_loop3A_1124, %parallel_loop3A_1125, %parallel_loop3A_1126], %parallel_loop3A_1129 {strides = array<i32>} : memref<7x16x1024xf32, #tpu.memory_space<vmem>>, vector<1x1x16xf32>,
        %parallel_loop3A_1130 = arith.index_cast %select_n3A_339 : i32 to index
        %parallel_loop3A_1131 = arith.index_cast %parallel_loop3A_401 : i32 to index
        %parallel_loop3A_1132 = arith.constant 832 : index
        %parallel_loop3A_1133 = tpu.vector_load %arg6[%parallel_loop3A_1130, %parallel_loop3A_1131, %parallel_loop3A_1132] {strides = array<i32>} : memref<7x16x1024xf32, #tpu.memory_space<vmem>>, vector<1x1x16xf32>,
        %parallel_loop3A_1134 = vector.shape_cast %parallel_loop3A_1133 : vector<1x1x16xf32> to vector<16xf32>
        %parallel_loop3A_1135 = arith.constant 3.200000e+01 : f32
        %parallel_loop3A_1136 = vector.broadcast %parallel_loop3A_1135 : f32 to vector<16xf32>
        %parallel_loop3A_1137 = arith.mulf %parallel_loop3A_1134, %parallel_loop3A_1136 : vector<16xf32>
        %parallel_loop3A_1138 = arith.index_cast %select_n3A_339 : i32 to index
        %parallel_loop3A_1139 = arith.index_cast %parallel_loop3A_401 : i32 to index
        %parallel_loop3A_1140 = arith.constant 832 : index
        %parallel_loop3A_1141 = tpu.vector_load %arg6[%parallel_loop3A_1138, %parallel_loop3A_1139, %parallel_loop3A_1140] {strides = array<i32>} : memref<7x16x1024xf32, #tpu.memory_space<vmem>>, vector<1x1x16xf32>,
        %parallel_loop3A_1142 = vector.shape_cast %parallel_loop3A_1141 : vector<1x1x16xf32> to vector<16xf32>
        %parallel_loop3A_1143 = vector.shape_cast %parallel_loop3A_1137 : vector<16xf32> to vector<1x1x16xf32>
        tpu.vector_store %arg6[%parallel_loop3A_1138, %parallel_loop3A_1139, %parallel_loop3A_1140], %parallel_loop3A_1143 {strides = array<i32>} : memref<7x16x1024xf32, #tpu.memory_space<vmem>>, vector<1x1x16xf32>,
        %parallel_loop3A_1144 = arith.index_cast %select_n3A_339 : i32 to index
        %parallel_loop3A_1145 = arith.index_cast %parallel_loop3A_401 : i32 to index
        %parallel_loop3A_1146 = arith.constant 848 : index
        %parallel_loop3A_1147 = tpu.vector_load %arg6[%parallel_loop3A_1144, %parallel_loop3A_1145, %parallel_loop3A_1146] {strides = array<i32>} : memref<7x16x1024xf32, #tpu.memory_space<vmem>>, vector<1x1x16xf32>,
        %parallel_loop3A_1148 = vector.shape_cast %parallel_loop3A_1147 : vector<1x1x16xf32> to vector<16xf32>
        %parallel_loop3A_1149 = arith.constant 3.200000e+01 : f32
        %parallel_loop3A_1150 = vector.broadcast %parallel_loop3A_1149 : f32 to vector<16xf32>
        %parallel_loop3A_1151 = arith.mulf %parallel_loop3A_1148, %parallel_loop3A_1150 : vector<16xf32>
        %parallel_loop3A_1152 = arith.index_cast %select_n3A_339 : i32 to index
        %parallel_loop3A_1153 = arith.index_cast %parallel_loop3A_401 : i32 to index
        %parallel_loop3A_1154 = arith.constant 848 : index
        %parallel_loop3A_1155 = tpu.vector_load %arg6[%parallel_loop3A_1152, %parallel_loop3A_1153, %parallel_loop3A_1154] {strides = array<i32>} : memref<7x16x1024xf32, #tpu.memory_space<vmem>>, vector<1x1x16xf32>,
        %parallel_loop3A_1156 = vector.shape_cast %parallel_loop3A_1155 : vector<1x1x16xf32> to vector<16xf32>
        %parallel_loop3A_1157 = vector.shape_cast %parallel_loop3A_1151 : vector<16xf32> to vector<1x1x16xf32>
        tpu.vector_store %arg6[%parallel_loop3A_1152, %parallel_loop3A_1153, %parallel_loop3A_1154], %parallel_loop3A_1157 {strides = array<i32>} : memref<7x16x1024xf32, #tpu.memory_space<vmem>>, vector<1x1x16xf32>,
        %parallel_loop3A_1158 = arith.index_cast %select_n3A_339 : i32 to index
        %parallel_loop3A_1159 = arith.index_cast %parallel_loop3A_401 : i32 to index
        %parallel_loop3A_1160 = arith.constant 864 : index
        %parallel_loop3A_1161 = tpu.vector_load %arg6[%parallel_loop3A_1158, %parallel_loop3A_1159, %parallel_loop3A_1160] {strides = array<i32>} : memref<7x16x1024xf32, #tpu.memory_space<vmem>>, vector<1x1x16xf32>,
        %parallel_loop3A_1162 = vector.shape_cast %parallel_loop3A_1161 : vector<1x1x16xf32> to vector<16xf32>
        %parallel_loop3A_1163 = arith.constant 3.200000e+01 : f32
        %parallel_loop3A_1164 = vector.broadcast %parallel_loop3A_1163 : f32 to vector<16xf32>
        %parallel_loop3A_1165 = arith.mulf %parallel_loop3A_1162, %parallel_loop3A_1164 : vector<16xf32>
        %parallel_loop3A_1166 = arith.index_cast %select_n3A_339 : i32 to index
        %parallel_loop3A_1167 = arith.index_cast %parallel_loop3A_401 : i32 to index
        %parallel_loop3A_1168 = arith.constant 864 : index
        %parallel_loop3A_1169 = tpu.vector_load %arg6[%parallel_loop3A_1166, %parallel_loop3A_1167, %parallel_loop3A_1168] {strides = array<i32>} : memref<7x16x1024xf32, #tpu.memory_space<vmem>>, vector<1x1x16xf32>,
        %parallel_loop3A_1170 = vector.shape_cast %parallel_loop3A_1169 : vector<1x1x16xf32> to vector<16xf32>
        %parallel_loop3A_1171 = vector.shape_cast %parallel_loop3A_1165 : vector<16xf32> to vector<1x1x16xf32>
        tpu.vector_store %arg6[%parallel_loop3A_1166, %parallel_loop3A_1167, %parallel_loop3A_1168], %parallel_loop3A_1171 {strides = array<i32>} : memref<7x16x1024xf32, #tpu.memory_space<vmem>>, vector<1x1x16xf32>,
        %parallel_loop3A_1172 = arith.index_cast %select_n3A_339 : i32 to index
        %parallel_loop3A_1173 = arith.index_cast %parallel_loop3A_401 : i32 to index
        %parallel_loop3A_1174 = arith.constant 880 : index
        %parallel_loop3A_1175 = tpu.vector_load %arg6[%parallel_loop3A_1172, %parallel_loop3A_1173, %parallel_loop3A_1174] {strides = array<i32>} : memref<7x16x1024xf32, #tpu.memory_space<vmem>>, vector<1x1x16xf32>,
        %parallel_loop3A_1176 = vector.shape_cast %parallel_loop3A_1175 : vector<1x1x16xf32> to vector<16xf32>
        %parallel_loop3A_1177 = arith.constant 3.200000e+01 : f32
        %parallel_loop3A_1178 = vector.broadcast %parallel_loop3A_1177 : f32 to vector<16xf32>
        %parallel_loop3A_1179 = arith.mulf %parallel_loop3A_1176, %parallel_loop3A_1178 : vector<16xf32>
        %parallel_loop3A_1180 = arith.index_cast %select_n3A_339 : i32 to index
        %parallel_loop3A_1181 = arith.index_cast %parallel_loop3A_401 : i32 to index
        %parallel_loop3A_1182 = arith.constant 880 : index
        %parallel_loop3A_1183 = tpu.vector_load %arg6[%parallel_loop3A_1180, %parallel_loop3A_1181, %parallel_loop3A_1182] {strides = array<i32>} : memref<7x16x1024xf32, #tpu.memory_space<vmem>>, vector<1x1x16xf32>,
        %parallel_loop3A_1184 = vector.shape_cast %parallel_loop3A_1183 : vector<1x1x16xf32> to vector<16xf32>
        %parallel_loop3A_1185 = vector.shape_cast %parallel_loop3A_1179 : vector<16xf32> to vector<1x1x16xf32>
        tpu.vector_store %arg6[%parallel_loop3A_1180, %parallel_loop3A_1181, %parallel_loop3A_1182], %parallel_loop3A_1185 {strides = array<i32>} : memref<7x16x1024xf32, #tpu.memory_space<vmem>>, vector<1x1x16xf32>,
        %parallel_loop3A_1186 = arith.index_cast %select_n3A_339 : i32 to index
        %parallel_loop3A_1187 = arith.index_cast %parallel_loop3A_401 : i32 to index
        %parallel_loop3A_1188 = arith.constant 896 : index
        %parallel_loop3A_1189 = tpu.vector_load %arg6[%parallel_loop3A_1186, %parallel_loop3A_1187, %parallel_loop3A_1188] {strides = array<i32>} : memref<7x16x1024xf32, #tpu.memory_space<vmem>>, vector<1x1x16xf32>,
        %parallel_loop3A_1190 = vector.shape_cast %parallel_loop3A_1189 : vector<1x1x16xf32> to vector<16xf32>
        %parallel_loop3A_1191 = arith.constant 3.200000e+01 : f32
        %parallel_loop3A_1192 = vector.broadcast %parallel_loop3A_1191 : f32 to vector<16xf32>
        %parallel_loop3A_1193 = arith.mulf %parallel_loop3A_1190, %parallel_loop3A_1192 : vector<16xf32>
        %parallel_loop3A_1194 = arith.index_cast %select_n3A_339 : i32 to index
        %parallel_loop3A_1195 = arith.index_cast %parallel_loop3A_401 : i32 to index
        %parallel_loop3A_1196 = arith.constant 896 : index
        %parallel_loop3A_1197 = tpu.vector_load %arg6[%parallel_loop3A_1194, %parallel_loop3A_1195, %parallel_loop3A_1196] {strides = array<i32>} : memref<7x16x1024xf32, #tpu.memory_space<vmem>>, vector<1x1x16xf32>,
        %parallel_loop3A_1198 = vector.shape_cast %parallel_loop3A_1197 : vector<1x1x16xf32> to vector<16xf32>
        %parallel_loop3A_1199 = vector.shape_cast %parallel_loop3A_1193 : vector<16xf32> to vector<1x1x16xf32>
        tpu.vector_store %arg6[%parallel_loop3A_1194, %parallel_loop3A_1195, %parallel_loop3A_1196], %parallel_loop3A_1199 {strides = array<i32>} : memref<7x16x1024xf32, #tpu.memory_space<vmem>>, vector<1x1x16xf32>,
        %parallel_loop3A_1200 = arith.index_cast %select_n3A_339 : i32 to index
        %parallel_loop3A_1201 = arith.index_cast %parallel_loop3A_401 : i32 to index
        %parallel_loop3A_1202 = arith.constant 912 : index
        %parallel_loop3A_1203 = tpu.vector_load %arg6[%parallel_loop3A_1200, %parallel_loop3A_1201, %parallel_loop3A_1202] {strides = array<i32>} : memref<7x16x1024xf32, #tpu.memory_space<vmem>>, vector<1x1x16xf32>,
        %parallel_loop3A_1204 = vector.shape_cast %parallel_loop3A_1203 : vector<1x1x16xf32> to vector<16xf32>
        %parallel_loop3A_1205 = arith.constant 3.200000e+01 : f32
        %parallel_loop3A_1206 = vector.broadcast %parallel_loop3A_1205 : f32 to vector<16xf32>
        %parallel_loop3A_1207 = arith.mulf %parallel_loop3A_1204, %parallel_loop3A_1206 : vector<16xf32>
        %parallel_loop3A_1208 = arith.index_cast %select_n3A_339 : i32 to index
        %parallel_loop3A_1209 = arith.index_cast %parallel_loop3A_401 : i32 to index
        %parallel_loop3A_1210 = arith.constant 912 : index
        %parallel_loop3A_1211 = tpu.vector_load %arg6[%parallel_loop3A_1208, %parallel_loop3A_1209, %parallel_loop3A_1210] {strides = array<i32>} : memref<7x16x1024xf32, #tpu.memory_space<vmem>>, vector<1x1x16xf32>,
        %parallel_loop3A_1212 = vector.shape_cast %parallel_loop3A_1211 : vector<1x1x16xf32> to vector<16xf32>
        %parallel_loop3A_1213 = vector.shape_cast %parallel_loop3A_1207 : vector<16xf32> to vector<1x1x16xf32>
        tpu.vector_store %arg6[%parallel_loop3A_1208, %parallel_loop3A_1209, %parallel_loop3A_1210], %parallel_loop3A_1213 {strides = array<i32>} : memref<7x16x1024xf32, #tpu.memory_space<vmem>>, vector<1x1x16xf32>,
        %parallel_loop3A_1214 = arith.index_cast %select_n3A_339 : i32 to index
        %parallel_loop3A_1215 = arith.index_cast %parallel_loop3A_401 : i32 to index
        %parallel_loop3A_1216 = arith.constant 928 : index
        %parallel_loop3A_1217 = tpu.vector_load %arg6[%parallel_loop3A_1214, %parallel_loop3A_1215, %parallel_loop3A_1216] {strides = array<i32>} : memref<7x16x1024xf32, #tpu.memory_space<vmem>>, vector<1x1x16xf32>,
        %parallel_loop3A_1218 = vector.shape_cast %parallel_loop3A_1217 : vector<1x1x16xf32> to vector<16xf32>
        %parallel_loop3A_1219 = arith.constant 3.200000e+01 : f32
        %parallel_loop3A_1220 = vector.broadcast %parallel_loop3A_1219 : f32 to vector<16xf32>
        %parallel_loop3A_1221 = arith.mulf %parallel_loop3A_1218, %parallel_loop3A_1220 : vector<16xf32>
        %parallel_loop3A_1222 = arith.index_cast %select_n3A_339 : i32 to index
        %parallel_loop3A_1223 = arith.index_cast %parallel_loop3A_401 : i32 to index
        %parallel_loop3A_1224 = arith.constant 928 : index
        %parallel_loop3A_1225 = tpu.vector_load %arg6[%parallel_loop3A_1222, %parallel_loop3A_1223, %parallel_loop3A_1224] {strides = array<i32>} : memref<7x16x1024xf32, #tpu.memory_space<vmem>>, vector<1x1x16xf32>,
        %parallel_loop3A_1226 = vector.shape_cast %parallel_loop3A_1225 : vector<1x1x16xf32> to vector<16xf32>
        %parallel_loop3A_1227 = vector.shape_cast %parallel_loop3A_1221 : vector<16xf32> to vector<1x1x16xf32>
        tpu.vector_store %arg6[%parallel_loop3A_1222, %parallel_loop3A_1223, %parallel_loop3A_1224], %parallel_loop3A_1227 {strides = array<i32>} : memref<7x16x1024xf32, #tpu.memory_space<vmem>>, vector<1x1x16xf32>,
        %parallel_loop3A_1228 = arith.index_cast %select_n3A_339 : i32 to index
        %parallel_loop3A_1229 = arith.index_cast %parallel_loop3A_401 : i32 to index
        %parallel_loop3A_1230 = arith.constant 944 : index
        %parallel_loop3A_1231 = tpu.vector_load %arg6[%parallel_loop3A_1228, %parallel_loop3A_1229, %parallel_loop3A_1230] {strides = array<i32>} : memref<7x16x1024xf32, #tpu.memory_space<vmem>>, vector<1x1x16xf32>,
        %parallel_loop3A_1232 = vector.shape_cast %parallel_loop3A_1231 : vector<1x1x16xf32> to vector<16xf32>
        %parallel_loop3A_1233 = arith.constant 3.200000e+01 : f32
        %parallel_loop3A_1234 = vector.broadcast %parallel_loop3A_1233 : f32 to vector<16xf32>
        %parallel_loop3A_1235 = arith.mulf %parallel_loop3A_1232, %parallel_loop3A_1234 : vector<16xf32>
        %parallel_loop3A_1236 = arith.index_cast %select_n3A_339 : i32 to index
        %parallel_loop3A_1237 = arith.index_cast %parallel_loop3A_401 : i32 to index
        %parallel_loop3A_1238 = arith.constant 944 : index
        %parallel_loop3A_1239 = tpu.vector_load %arg6[%parallel_loop3A_1236, %parallel_loop3A_1237, %parallel_loop3A_1238] {strides = array<i32>} : memref<7x16x1024xf32, #tpu.memory_space<vmem>>, vector<1x1x16xf32>,
        %parallel_loop3A_1240 = vector.shape_cast %parallel_loop3A_1239 : vector<1x1x16xf32> to vector<16xf32>
        %parallel_loop3A_1241 = vector.shape_cast %parallel_loop3A_1235 : vector<16xf32> to vector<1x1x16xf32>
        tpu.vector_store %arg6[%parallel_loop3A_1236, %parallel_loop3A_1237, %parallel_loop3A_1238], %parallel_loop3A_1241 {strides = array<i32>} : memref<7x16x1024xf32, #tpu.memory_space<vmem>>, vector<1x1x16xf32>,
        %parallel_loop3A_1242 = arith.index_cast %select_n3A_339 : i32 to index
        %parallel_loop3A_1243 = arith.index_cast %parallel_loop3A_401 : i32 to index
        %parallel_loop3A_1244 = arith.constant 960 : index
        %parallel_loop3A_1245 = tpu.vector_load %arg6[%parallel_loop3A_1242, %parallel_loop3A_1243, %parallel_loop3A_1244] {strides = array<i32>} : memref<7x16x1024xf32, #tpu.memory_space<vmem>>, vector<1x1x16xf32>,
        %parallel_loop3A_1246 = vector.shape_cast %parallel_loop3A_1245 : vector<1x1x16xf32> to vector<16xf32>
        %parallel_loop3A_1247 = arith.constant 3.200000e+01 : f32
        %parallel_loop3A_1248 = vector.broadcast %parallel_loop3A_1247 : f32 to vector<16xf32>
        %parallel_loop3A_1249 = arith.mulf %parallel_loop3A_1246, %parallel_loop3A_1248 : vector<16xf32>
        %parallel_loop3A_1250 = arith.index_cast %select_n3A_339 : i32 to index
        %parallel_loop3A_1251 = arith.index_cast %parallel_loop3A_401 : i32 to index
        %parallel_loop3A_1252 = arith.constant 960 : index
        %parallel_loop3A_1253 = tpu.vector_load %arg6[%parallel_loop3A_1250, %parallel_loop3A_1251, %parallel_loop3A_1252] {strides = array<i32>} : memref<7x16x1024xf32, #tpu.memory_space<vmem>>, vector<1x1x16xf32>,
        %parallel_loop3A_1254 = vector.shape_cast %parallel_loop3A_1253 : vector<1x1x16xf32> to vector<16xf32>
        %parallel_loop3A_1255 = vector.shape_cast %parallel_loop3A_1249 : vector<16xf32> to vector<1x1x16xf32>
        tpu.vector_store %arg6[%parallel_loop3A_1250, %parallel_loop3A_1251, %parallel_loop3A_1252], %parallel_loop3A_1255 {strides = array<i32>} : memref<7x16x1024xf32, #tpu.memory_space<vmem>>, vector<1x1x16xf32>,
        %parallel_loop3A_1256 = arith.index_cast %select_n3A_339 : i32 to index
        %parallel_loop3A_1257 = arith.index_cast %parallel_loop3A_401 : i32 to index
        %parallel_loop3A_1258 = arith.constant 976 : index
        %parallel_loop3A_1259 = tpu.vector_load %arg6[%parallel_loop3A_1256, %parallel_loop3A_1257, %parallel_loop3A_1258] {strides = array<i32>} : memref<7x16x1024xf32, #tpu.memory_space<vmem>>, vector<1x1x16xf32>,
        %parallel_loop3A_1260 = vector.shape_cast %parallel_loop3A_1259 : vector<1x1x16xf32> to vector<16xf32>
        %parallel_loop3A_1261 = arith.constant 3.200000e+01 : f32
        %parallel_loop3A_1262 = vector.broadcast %parallel_loop3A_1261 : f32 to vector<16xf32>
        %parallel_loop3A_1263 = arith.mulf %parallel_loop3A_1260, %parallel_loop3A_1262 : vector<16xf32>
        %parallel_loop3A_1264 = arith.index_cast %select_n3A_339 : i32 to index
        %parallel_loop3A_1265 = arith.index_cast %parallel_loop3A_401 : i32 to index
        %parallel_loop3A_1266 = arith.constant 976 : index
        %parallel_loop3A_1267 = tpu.vector_load %arg6[%parallel_loop3A_1264, %parallel_loop3A_1265, %parallel_loop3A_1266] {strides = array<i32>} : memref<7x16x1024xf32, #tpu.memory_space<vmem>>, vector<1x1x16xf32>,
        %parallel_loop3A_1268 = vector.shape_cast %parallel_loop3A_1267 : vector<1x1x16xf32> to vector<16xf32>
        %parallel_loop3A_1269 = vector.shape_cast %parallel_loop3A_1263 : vector<16xf32> to vector<1x1x16xf32>
        tpu.vector_store %arg6[%parallel_loop3A_1264, %parallel_loop3A_1265, %parallel_loop3A_1266], %parallel_loop3A_1269 {strides = array<i32>} : memref<7x16x1024xf32, #tpu.memory_space<vmem>>, vector<1x1x16xf32>,
        %parallel_loop3A_1270 = arith.index_cast %select_n3A_339 : i32 to index
        %parallel_loop3A_1271 = arith.index_cast %parallel_loop3A_401 : i32 to index
        %parallel_loop3A_1272 = arith.constant 992 : index
        %parallel_loop3A_1273 = tpu.vector_load %arg6[%parallel_loop3A_1270, %parallel_loop3A_1271, %parallel_loop3A_1272] {strides = array<i32>} : memref<7x16x1024xf32, #tpu.memory_space<vmem>>, vector<1x1x16xf32>,
        %parallel_loop3A_1274 = vector.shape_cast %parallel_loop3A_1273 : vector<1x1x16xf32> to vector<16xf32>
        %parallel_loop3A_1275 = arith.constant 3.200000e+01 : f32
        %parallel_loop3A_1276 = vector.broadcast %parallel_loop3A_1275 : f32 to vector<16xf32>
        %parallel_loop3A_1277 = arith.mulf %parallel_loop3A_1274, %parallel_loop3A_1276 : vector<16xf32>
        %parallel_loop3A_1278 = arith.index_cast %select_n3A_339 : i32 to index
        %parallel_loop3A_1279 = arith.index_cast %parallel_loop3A_401 : i32 to index
        %parallel_loop3A_1280 = arith.constant 992 : index
        %parallel_loop3A_1281 = tpu.vector_load %arg6[%parallel_loop3A_1278, %parallel_loop3A_1279, %parallel_loop3A_1280] {strides = array<i32>} : memref<7x16x1024xf32, #tpu.memory_space<vmem>>, vector<1x1x16xf32>,
        %parallel_loop3A_1282 = vector.shape_cast %parallel_loop3A_1281 : vector<1x1x16xf32> to vector<16xf32>
        %parallel_loop3A_1283 = vector.shape_cast %parallel_loop3A_1277 : vector<16xf32> to vector<1x1x16xf32>
        tpu.vector_store %arg6[%parallel_loop3A_1278, %parallel_loop3A_1279, %parallel_loop3A_1280], %parallel_loop3A_1283 {strides = array<i32>} : memref<7x16x1024xf32, #tpu.memory_space<vmem>>, vector<1x1x16xf32>,
        %parallel_loop3A_1284 = arith.index_cast %select_n3A_339 : i32 to index
        %parallel_loop3A_1285 = arith.index_cast %parallel_loop3A_401 : i32 to index
        %parallel_loop3A_1286 = arith.constant 1008 : index
        %parallel_loop3A_1287 = tpu.vector_load %arg6[%parallel_loop3A_1284, %parallel_loop3A_1285, %parallel_loop3A_1286] {strides = array<i32>} : memref<7x16x1024xf32, #tpu.memory_space<vmem>>, vector<1x1x16xf32>,
        %parallel_loop3A_1288 = vector.shape_cast %parallel_loop3A_1287 : vector<1x1x16xf32> to vector<16xf32>
        %parallel_loop3A_1289 = arith.constant 3.200000e+01 : f32
        %parallel_loop3A_1290 = vector.broadcast %parallel_loop3A_1289 : f32 to vector<16xf32>
        %parallel_loop3A_1291 = arith.mulf %parallel_loop3A_1288, %parallel_loop3A_1290 : vector<16xf32>
        %parallel_loop3A_1292 = arith.index_cast %select_n3A_339 : i32 to index
        %parallel_loop3A_1293 = arith.index_cast %parallel_loop3A_401 : i32 to index
        %parallel_loop3A_1294 = arith.constant 1008 : index
        %parallel_loop3A_1295 = tpu.vector_load %arg6[%parallel_loop3A_1292, %parallel_loop3A_1293, %parallel_loop3A_1294] {strides = array<i32>} : memref<7x16x1024xf32, #tpu.memory_space<vmem>>, vector<1x1x16xf32>,
        %parallel_loop3A_1296 = vector.shape_cast %parallel_loop3A_1295 : vector<1x1x16xf32> to vector<16xf32>
        %parallel_loop3A_1297 = vector.shape_cast %parallel_loop3A_1291 : vector<16xf32> to vector<1x1x16xf32>
        tpu.vector_store %arg6[%parallel_loop3A_1292, %parallel_loop3A_1293, %parallel_loop3A_1294], %parallel_loop3A_1297 {strides = array<i32>} : memref<7x16x1024xf32, #tpu.memory_space<vmem>>, vector<1x1x16xf32>,
      } {sc.loop_unroll_factor = 1 : i64, sc.parallel_access}
      %mul3A_383 = arith.constant 16 : i32
      %mul3A_384 = arith.muli %add3A_323, %mul3A_383 : i32
      %add3A_385 = arith.addi %mul3A_2, %mul3A_384 : i32
      %dma_start3A_386 = arith.constant 0 : i32
      %dma_start3A_387 = arith.constant 0 : i32
      %dma_start3A_388 = tpu.memref_slice %arg6[%select_n3A_339, %dma_start3A_386, %dma_start3A_387] : memref<7x16x1024xf32, #tpu.memory_space<vmem>> -> memref<1x16x1024xf32, #tpu.memory_space<vmem>>
      %dma_start3A_389 = tpu.memref_squeeze %dma_start3A_388 : memref<1x16x1024xf32, #tpu.memory_space<vmem>> -> memref<16x1024xf32, #tpu.memory_space<vmem>>
      %dma_start3A_390 = arith.constant 0 : i32
      %dma_start3A_391 = tpu.memref_slice %arg4[%add3A_385, %dma_start3A_390] : memref<16384x1024xf32, #tpu.memory_space<hbm>> -> memref<16x1024xf32, #tpu.memory_space<hbm>>
      %dma_start3A_392 = tpu.memref_slice %arg8[%select_n3A_339] : memref<7x!tpu.dma_semaphore, #tpu.memory_space<semaphore_mem>> -> memref<1x!tpu.dma_semaphore, #tpu.memory_space<semaphore_mem>>
      %dma_start3A_393 = tpu.memref_squeeze %dma_start3A_392 : memref<1x!tpu.dma_semaphore, #tpu.memory_space<semaphore_mem>> -> memref<!tpu.dma_semaphore, #tpu.memory_space<semaphore_mem>>
      %dma_start3A_394 = arith.constant 0 : i32
      %dma_start3A_395 = tpu.memref_slice %arg4[%add3A_385, %dma_start3A_394] : memref<16384x1024xf32, #tpu.memory_space<hbm>> -> memref<16x1024xf32, #tpu.memory_space<hbm>>
      %dma_start3A_396 = arith.constant 0 : i32
      %dma_start3A_397 = arith.constant 0 : i32
      %dma_start3A_398 = tpu.memref_slice %arg6[%select_n3A_339, %dma_start3A_396, %dma_start3A_397] : memref<7x16x1024xf32, #tpu.memory_space<vmem>> -> memref<1x16x1024xf32, #tpu.memory_space<vmem>>
      %dma_start3A_399 = tpu.memref_squeeze %dma_start3A_398 : memref<1x16x1024xf32, #tpu.memory_space<vmem>> -> memref<16x1024xf32, #tpu.memory_space<vmem>>
      tpu.enqueue_dma source(%dma_start3A_399 : memref<16x1024xf32, #tpu.memory_space<vmem>>) target(%dma_start3A_395 : memref<16x1024xf32, #tpu.memory_space<hbm>>) target_semaphore(%dma_start3A_393 : memref<!tpu.dma_semaphore, #tpu.memory_space<semaphore_mem>>)
      %scan3A_400 = arith.constant 0 : i32
      scf.yield %scan3A_400 : i32
    }
    %scan3A_117 = arith.constant 16 : i32
    %dma_wait3A = arith.constant 4 : i32
    %dma_wait3A_118 = arith.constant 4 : i32
    %dma_wait3A_119 = arith.constant 0 : i32
    %dma_wait3A_120 = arith.constant 0 : i32
    %dma_wait3A_121 = tpu.memref_slice %arg6[%dma_wait3A, %dma_wait3A_119, %dma_wait3A_120] : memref<7x16x1024xf32, #tpu.memory_space<vmem>> -> memref<1x16x1024xf32, #tpu.memory_space<vmem>>
    %dma_wait3A_122 = tpu.memref_squeeze %dma_wait3A_121 : memref<1x16x1024xf32, #tpu.memory_space<vmem>> -> memref<16x1024xf32, #tpu.memory_space<vmem>>
    %dma_wait3A_123 = arith.constant 0 : i32
    %dma_wait3A_124 = arith.constant 0 : i32
    %dma_wait3A_125 = tpu.memref_slice %arg4[%dma_wait3A_123, %dma_wait3A_124] : memref<16384x1024xf32, #tpu.memory_space<hbm>> -> memref<16x1024xf32, #tpu.memory_space<hbm>>
    %dma_wait3A_126 = tpu.memref_slice %arg8[%dma_wait3A_118] : memref<7x!tpu.dma_semaphore, #tpu.memory_space<semaphore_mem>> -> memref<1x!tpu.dma_semaphore, #tpu.memory_space<semaphore_mem>>
    %dma_wait3A_127 = tpu.memref_squeeze %dma_wait3A_126 : memref<1x!tpu.dma_semaphore, #tpu.memory_space<semaphore_mem>> -> memref<!tpu.dma_semaphore, #tpu.memory_space<semaphore_mem>>
    %dma_wait3A_128 = arith.constant 0 : i32
    %dma_wait3A_129 = arith.constant 0 : i32
    %dma_wait3A_130 = tpu.memref_slice %arg4[%dma_wait3A_128, %dma_wait3A_129] : memref<16384x1024xf32, #tpu.memory_space<hbm>> -> memref<16x1024xf32, #tpu.memory_space<hbm>>
    %dma_wait3A_131 = arith.constant 0 : i32
    %dma_wait3A_132 = arith.constant 0 : i32
    %dma_wait3A_133 = tpu.memref_slice %arg6[%dma_wait3A, %dma_wait3A_131, %dma_wait3A_132] : memref<7x16x1024xf32, #tpu.memory_space<vmem>> -> memref<1x16x1024xf32, #tpu.memory_space<vmem>>
    %dma_wait3A_134 = tpu.memref_squeeze %dma_wait3A_133 : memref<1x16x1024xf32, #tpu.memory_space<vmem>> -> memref<16x1024xf32, #tpu.memory_space<vmem>>
    tpu.wait_dma2 semaphore(%dma_wait3A_127 : memref<!tpu.dma_semaphore, #tpu.memory_space<semaphore_mem>>) src(%dma_wait3A_134 : memref<16x1024xf32, #tpu.memory_space<vmem>>) dst(%dma_wait3A_130 : memref<16x1024xf32, #tpu.memory_space<hbm>>)
    %dma_wait3A_135 = arith.constant 5 : i32
    %dma_wait3A_136 = arith.constant 5 : i32
    %dma_wait3A_137 = arith.constant 0 : i32
    %dma_wait3A_138 = arith.constant 0 : i32
    %dma_wait3A_139 = tpu.memref_slice %arg6[%dma_wait3A_135, %dma_wait3A_137, %dma_wait3A_138] : memref<7x16x1024xf32, #tpu.memory_space<vmem>> -> memref<1x16x1024xf32, #tpu.memory_space<vmem>>
    %dma_wait3A_140 = tpu.memref_squeeze %dma_wait3A_139 : memref<1x16x1024xf32, #tpu.memory_space<vmem>> -> memref<16x1024xf32, #tpu.memory_space<vmem>>
    %dma_wait3A_141 = arith.constant 0 : i32
    %dma_wait3A_142 = arith.constant 0 : i32
    %dma_wait3A_143 = tpu.memref_slice %arg4[%dma_wait3A_141, %dma_wait3A_142] : memref<16384x1024xf32, #tpu.memory_space<hbm>> -> memref<16x1024xf32, #tpu.memory_space<hbm>>
    %dma_wait3A_144 = tpu.memref_slice %arg8[%dma_wait3A_136] : memref<7x!tpu.dma_semaphore, #tpu.memory_space<semaphore_mem>> -> memref<1x!tpu.dma_semaphore, #tpu.memory_space<semaphore_mem>>
    %dma_wait3A_145 = tpu.memref_squeeze %dma_wait3A_144 : memref<1x!tpu.dma_semaphore, #tpu.memory_space<semaphore_mem>> -> memref<!tpu.dma_semaphore, #tpu.memory_space<semaphore_mem>>
    %dma_wait3A_146 = arith.constant 0 : i32
    %dma_wait3A_147 = arith.constant 0 : i32
    %dma_wait3A_148 = tpu.memref_slice %arg4[%dma_wait3A_146, %dma_wait3A_147] : memref<16384x1024xf32, #tpu.memory_space<hbm>> -> memref<16x1024xf32, #tpu.memory_space<hbm>>
    %dma_wait3A_149 = arith.constant 0 : i32
    %dma_wait3A_150 = arith.constant 0 : i32
    %dma_wait3A_151 = tpu.memref_slice %arg6[%dma_wait3A_135, %dma_wait3A_149, %dma_wait3A_150] : memref<7x16x1024xf32, #tpu.memory_space<vmem>> -> memref<1x16x1024xf32, #tpu.memory_space<vmem>>
    %dma_wait3A_152 = tpu.memref_squeeze %dma_wait3A_151 : memref<1x16x1024xf32, #tpu.memory_space<vmem>> -> memref<16x1024xf32, #tpu.memory_space<vmem>>
    tpu.wait_dma2 semaphore(%dma_wait3A_145 : memref<!tpu.dma_semaphore, #tpu.memory_space<semaphore_mem>>) src(%dma_wait3A_152 : memref<16x1024xf32, #tpu.memory_space<vmem>>) dst(%dma_wait3A_148 : memref<16x1024xf32, #tpu.memory_space<hbm>>)
    %dma_wait3A_153 = arith.constant 6 : i32
    %dma_wait3A_154 = arith.constant 6 : i32
    %dma_wait3A_155 = arith.constant 0 : i32
    %dma_wait3A_156 = arith.constant 0 : i32
    %dma_wait3A_157 = tpu.memref_slice %arg6[%dma_wait3A_153, %dma_wait3A_155, %dma_wait3A_156] : memref<7x16x1024xf32, #tpu.memory_space<vmem>> -> memref<1x16x1024xf32, #tpu.memory_space<vmem>>
    %dma_wait3A_158 = tpu.memref_squeeze %dma_wait3A_157 : memref<1x16x1024xf32, #tpu.memory_space<vmem>> -> memref<16x1024xf32, #tpu.memory_space<vmem>>
    %dma_wait3A_159 = arith.constant 0 : i32
    %dma_wait3A_160 = arith.constant 0 : i32
    %dma_wait3A_161 = tpu.memref_slice %arg4[%dma_wait3A_159, %dma_wait3A_160] : memref<16384x1024xf32, #tpu.memory_space<hbm>> -> memref<16x1024xf32, #tpu.memory_space<hbm>>
    %dma_wait3A_162 = tpu.memref_slice %arg8[%dma_wait3A_154] : memref<7x!tpu.dma_semaphore, #tpu.memory_space<semaphore_mem>> -> memref<1x!tpu.dma_semaphore, #tpu.memory_space<semaphore_mem>>
    %dma_wait3A_163 = tpu.memref_squeeze %dma_wait3A_162 : memref<1x!tpu.dma_semaphore, #tpu.memory_space<semaphore_mem>> -> memref<!tpu.dma_semaphore, #tpu.memory_space<semaphore_mem>>
    %dma_wait3A_164 = arith.constant 0 : i32
    %dma_wait3A_165 = arith.constant 0 : i32
    %dma_wait3A_166 = tpu.memref_slice %arg4[%dma_wait3A_164, %dma_wait3A_165] : memref<16384x1024xf32, #tpu.memory_space<hbm>> -> memref<16x1024xf32, #tpu.memory_space<hbm>>
    %dma_wait3A_167 = arith.constant 0 : i32
    %dma_wait3A_168 = arith.constant 0 : i32
    %dma_wait3A_169 = tpu.memref_slice %arg6[%dma_wait3A_153, %dma_wait3A_167, %dma_wait3A_168] : memref<7x16x1024xf32, #tpu.memory_space<vmem>> -> memref<1x16x1024xf32, #tpu.memory_space<vmem>>
    %dma_wait3A_170 = tpu.memref_squeeze %dma_wait3A_169 : memref<1x16x1024xf32, #tpu.memory_space<vmem>> -> memref<16x1024xf32, #tpu.memory_space<vmem>>
    tpu.wait_dma2 semaphore(%dma_wait3A_163 : memref<!tpu.dma_semaphore, #tpu.memory_space<semaphore_mem>>) src(%dma_wait3A_170 : memref<16x1024xf32, #tpu.memory_space<vmem>>) dst(%dma_wait3A_166 : memref<16x1024xf32, #tpu.memory_space<hbm>>)
    %dma_wait3A_171 = arith.constant 0 : i32
    %dma_wait3A_172 = arith.constant 0 : i32
    %dma_wait3A_173 = arith.constant 0 : i32
    %dma_wait3A_174 = arith.constant 0 : i32
    %dma_wait3A_175 = tpu.memref_slice %arg6[%dma_wait3A_171, %dma_wait3A_173, %dma_wait3A_174] : memref<7x16x1024xf32, #tpu.memory_space<vmem>> -> memref<1x16x1024xf32, #tpu.memory_space<vmem>>
    %dma_wait3A_176 = tpu.memref_squeeze %dma_wait3A_175 : memref<1x16x1024xf32, #tpu.memory_space<vmem>> -> memref<16x1024xf32, #tpu.memory_space<vmem>>
    %dma_wait3A_177 = arith.constant 0 : i32
    %dma_wait3A_178 = arith.constant 0 : i32
    %dma_wait3A_179 = tpu.memref_slice %arg4[%dma_wait3A_177, %dma_wait3A_178] : memref<16384x1024xf32, #tpu.memory_space<hbm>> -> memref<16x1024xf32, #tpu.memory_space<hbm>>
    %dma_wait3A_180 = tpu.memref_slice %arg8[%dma_wait3A_172] : memref<7x!tpu.dma_semaphore, #tpu.memory_space<semaphore_mem>> -> memref<1x!tpu.dma_semaphore, #tpu.memory_space<semaphore_mem>>
    %dma_wait3A_181 = tpu.memref_squeeze %dma_wait3A_180 : memref<1x!tpu.dma_semaphore, #tpu.memory_space<semaphore_mem>> -> memref<!tpu.dma_semaphore, #tpu.memory_space<semaphore_mem>>
    %dma_wait3A_182 = arith.constant 0 : i32
    %dma_wait3A_183 = arith.constant 0 : i32
    %dma_wait3A_184 = tpu.memref_slice %arg4[%dma_wait3A_182, %dma_wait3A_183] : memref<16384x1024xf32, #tpu.memory_space<hbm>> -> memref<16x1024xf32, #tpu.memory_space<hbm>>
    %dma_wait3A_185 = arith.constant 0 : i32
    %dma_wait3A_186 = arith.constant 0 : i32
    %dma_wait3A_187 = tpu.memref_slice %arg6[%dma_wait3A_171, %dma_wait3A_185, %dma_wait3A_186] : memref<7x16x1024xf32, #tpu.memory_space<vmem>> -> memref<1x16x1024xf32, #tpu.memory_space<vmem>>
    %dma_wait3A_188 = tpu.memref_squeeze %dma_wait3A_187 : memref<1x16x1024xf32, #tpu.memory_space<vmem>> -> memref<16x1024xf32, #tpu.memory_space<vmem>>
    tpu.wait_dma2 semaphore(%dma_wait3A_181 : memref<!tpu.dma_semaphore, #tpu.memory_space<semaphore_mem>>) src(%dma_wait3A_188 : memref<16x1024xf32, #tpu.memory_space<vmem>>) dst(%dma_wait3A_184 : memref<16x1024xf32, #tpu.memory_space<hbm>>)
    %dma_wait3A_189 = arith.constant 1 : i32
    %dma_wait3A_190 = arith.constant 1 : i32
    %dma_wait3A_191 = arith.constant 0 : i32
    %dma_wait3A_192 = arith.constant 0 : i32
    %dma_wait3A_193 = tpu.memref_slice %arg6[%dma_wait3A_189, %dma_wait3A_191, %dma_wait3A_192] : memref<7x16x1024xf32, #tpu.memory_space<vmem>> -> memref<1x16x1024xf32, #tpu.memory_space<vmem>>
    %dma_wait3A_194 = tpu.memref_squeeze %dma_wait3A_193 : memref<1x16x1024xf32, #tpu.memory_space<vmem>> -> memref<16x1024xf32, #tpu.memory_space<vmem>>
    %dma_wait3A_195 = arith.constant 0 : i32
    %dma_wait3A_196 = arith.constant 0 : i32
    %dma_wait3A_197 = tpu.memref_slice %arg4[%dma_wait3A_195, %dma_wait3A_196] : memref<16384x1024xf32, #tpu.memory_space<hbm>> -> memref<16x1024xf32, #tpu.memory_space<hbm>>
    %dma_wait3A_198 = tpu.memref_slice %arg8[%dma_wait3A_190] : memref<7x!tpu.dma_semaphore, #tpu.memory_space<semaphore_mem>> -> memref<1x!tpu.dma_semaphore, #tpu.memory_space<semaphore_mem>>
    %dma_wait3A_199 = tpu.memref_squeeze %dma_wait3A_198 : memref<1x!tpu.dma_semaphore, #tpu.memory_space<semaphore_mem>> -> memref<!tpu.dma_semaphore, #tpu.memory_space<semaphore_mem>>
    %dma_wait3A_200 = arith.constant 0 : i32
    %dma_wait3A_201 = arith.constant 0 : i32
    %dma_wait3A_202 = tpu.memref_slice %arg4[%dma_wait3A_200, %dma_wait3A_201] : memref<16384x1024xf32, #tpu.memory_space<hbm>> -> memref<16x1024xf32, #tpu.memory_space<hbm>>
    %dma_wait3A_203 = arith.constant 0 : i32
    %dma_wait3A_204 = arith.constant 0 : i32
    %dma_wait3A_205 = tpu.memref_slice %arg6[%dma_wait3A_189, %dma_wait3A_203, %dma_wait3A_204] : memref<7x16x1024xf32, #tpu.memory_space<vmem>> -> memref<1x16x1024xf32, #tpu.memory_space<vmem>>
    %dma_wait3A_206 = tpu.memref_squeeze %dma_wait3A_205 : memref<1x16x1024xf32, #tpu.memory_space<vmem>> -> memref<16x1024xf32, #tpu.memory_space<vmem>>
    tpu.wait_dma2 semaphore(%dma_wait3A_199 : memref<!tpu.dma_semaphore, #tpu.memory_space<semaphore_mem>>) src(%dma_wait3A_206 : memref<16x1024xf32, #tpu.memory_space<vmem>>) dst(%dma_wait3A_202 : memref<16x1024xf32, #tpu.memory_space<hbm>>)
    %dma_wait3A_207 = arith.constant 2 : i32
    %dma_wait3A_208 = arith.constant 2 : i32
    %dma_wait3A_209 = arith.constant 0 : i32
    %dma_wait3A_210 = arith.constant 0 : i32
    %dma_wait3A_211 = tpu.memref_slice %arg6[%dma_wait3A_207, %dma_wait3A_209, %dma_wait3A_210] : memref<7x16x1024xf32, #tpu.memory_space<vmem>> -> memref<1x16x1024xf32, #tpu.memory_space<vmem>>
    %dma_wait3A_212 = tpu.memref_squeeze %dma_wait3A_211 : memref<1x16x1024xf32, #tpu.memory_space<vmem>> -> memref<16x1024xf32, #tpu.memory_space<vmem>>
    %dma_wait3A_213 = arith.constant 0 : i32
    %dma_wait3A_214 = arith.constant 0 : i32
    %dma_wait3A_215 = tpu.memref_slice %arg4[%dma_wait3A_213, %dma_wait3A_214] : memref<16384x1024xf32, #tpu.memory_space<hbm>> -> memref<16x1024xf32, #tpu.memory_space<hbm>>
    %dma_wait3A_216 = tpu.memref_slice %arg8[%dma_wait3A_208] : memref<7x!tpu.dma_semaphore, #tpu.memory_space<semaphore_mem>> -> memref<1x!tpu.dma_semaphore, #tpu.memory_space<semaphore_mem>>
    %dma_wait3A_217 = tpu.memref_squeeze %dma_wait3A_216 : memref<1x!tpu.dma_semaphore, #tpu.memory_space<semaphore_mem>> -> memref<!tpu.dma_semaphore, #tpu.memory_space<semaphore_mem>>
    %dma_wait3A_218 = arith.constant 0 : i32
    %dma_wait3A_219 = arith.constant 0 : i32
    %dma_wait3A_220 = tpu.memref_slice %arg4[%dma_wait3A_218, %dma_wait3A_219] : memref<16384x1024xf32, #tpu.memory_space<hbm>> -> memref<16x1024xf32, #tpu.memory_space<hbm>>
    %dma_wait3A_221 = arith.constant 0 : i32
    %dma_wait3A_222 = arith.constant 0 : i32
    %dma_wait3A_223 = tpu.memref_slice %arg6[%dma_wait3A_207, %dma_wait3A_221, %dma_wait3A_222] : memref<7x16x1024xf32, #tpu.memory_space<vmem>> -> memref<1x16x1024xf32, #tpu.memory_space<vmem>>
    %dma_wait3A_224 = tpu.memref_squeeze %dma_wait3A_223 : memref<1x16x1024xf32, #tpu.memory_space<vmem>> -> memref<16x1024xf32, #tpu.memory_space<vmem>>
    tpu.wait_dma2 semaphore(%dma_wait3A_217 : memref<!tpu.dma_semaphore, #tpu.memory_space<semaphore_mem>>) src(%dma_wait3A_224 : memref<16x1024xf32, #tpu.memory_space<vmem>>) dst(%dma_wait3A_220 : memref<16x1024xf32, #tpu.memory_space<hbm>>)
    %dma_wait3A_225 = arith.constant 3 : i32
    %dma_wait3A_226 = arith.constant 3 : i32
    %dma_wait3A_227 = arith.constant 0 : i32
    %dma_wait3A_228 = arith.constant 0 : i32
    %dma_wait3A_229 = tpu.memref_slice %arg6[%dma_wait3A_225, %dma_wait3A_227, %dma_wait3A_228] : memref<7x16x1024xf32, #tpu.memory_space<vmem>> -> memref<1x16x1024xf32, #tpu.memory_space<vmem>>
    %dma_wait3A_230 = tpu.memref_squeeze %dma_wait3A_229 : memref<1x16x1024xf32, #tpu.memory_space<vmem>> -> memref<16x1024xf32, #tpu.memory_space<vmem>>
    %dma_wait3A_231 = arith.constant 0 : i32
    %dma_wait3A_232 = arith.constant 0 : i32
    %dma_wait3A_233 = tpu.memref_slice %arg4[%dma_wait3A_231, %dma_wait3A_232] : memref<16384x1024xf32, #tpu.memory_space<hbm>> -> memref<16x1024xf32, #tpu.memory_space<hbm>>
    %dma_wait3A_234 = tpu.memref_slice %arg8[%dma_wait3A_226] : memref<7x!tpu.dma_semaphore, #tpu.memory_space<semaphore_mem>> -> memref<1x!tpu.dma_semaphore, #tpu.memory_space<semaphore_mem>>
    %dma_wait3A_235 = tpu.memref_squeeze %dma_wait3A_234 : memref<1x!tpu.dma_semaphore, #tpu.memory_space<semaphore_mem>> -> memref<!tpu.dma_semaphore, #tpu.memory_space<semaphore_mem>>
    %dma_wait3A_236 = arith.constant 0 : i32
    %dma_wait3A_237 = arith.constant 0 : i32
    %dma_wait3A_238 = tpu.memref_slice %arg4[%dma_wait3A_236, %dma_wait3A_237] : memref<16384x1024xf32, #tpu.memory_space<hbm>> -> memref<16x1024xf32, #tpu.memory_space<hbm>>
    %dma_wait3A_239 = arith.constant 0 : i32
    %dma_wait3A_240 = arith.constant 0 : i32
    %dma_wait3A_241 = tpu.memref_slice %arg6[%dma_wait3A_225, %dma_wait3A_239, %dma_wait3A_240] : memref<7x16x1024xf32, #tpu.memory_space<vmem>> -> memref<1x16x1024xf32, #tpu.memory_space<vmem>>
    %dma_wait3A_242 = tpu.memref_squeeze %dma_wait3A_241 : memref<1x16x1024xf32, #tpu.memory_space<vmem>> -> memref<16x1024xf32, #tpu.memory_space<vmem>>
    tpu.wait_dma2 semaphore(%dma_wait3A_235 : memref<!tpu.dma_semaphore, #tpu.memory_space<semaphore_mem>>) src(%dma_wait3A_242 : memref<16x1024xf32, #tpu.memory_space<vmem>>) dst(%dma_wait3A_238 : memref<16x1024xf32, #tpu.memory_space<hbm>>)
    return
  }
}

</mosaic_0001>

<sc_bundles>
// kernel: _embed.3.cloned.1.call-start
scs
__scs_entry_jumppad:
0x0: {  	(pc) =	sbr.rel $0x88, $3  }
0x1: {  	(tag) =	ssettag $0x0;
	lr =	simm.s32 $0x1  }
0x2: {  	[smem:$0x3F9F] =	sst lr;
	_ =	strace $0xD0000000  }
0x3: {  	_ = 	snop  }
0x4: {  	_ = 	snop  }
0x5: {  	_ = 	snop  }
0x6: {  	_ = 	snop  }
0x7: {  	_ = 	snop  }
__scs_overlays_trampoline_lowered:
0x8: {  	[smem:$0x3FAE] =	sst s0  }
0x9: {  	[smem:$0x3FAF] =	sst s1  }
0xa: {  	[smem:$0x3FB0] =	sst s2  }
0xb: {  	[smem:$0x3FB1] =	sst s3  }
0xc: {  	[smem:$0x3FB2] =	sst s4  }
0xd: {  	[smem:$0x3FB3] =	sst s5  }
0xe: {  	[smem:$0x3FB4] =	sst s6  }
0xf: {  	[smem:$0x3FB5] =	sst s7  }
0x10: {  	[smem:$0x3FB6] =	sst s8  }
0x11: {  	[smem:$0x3FB7] =	sst s9;
	s0 =	simm.s32 @!p0 $0x0  }
0x12: {  	s1 =	sld [smem:$0x3F9D];
	s0 =	simm.s32 @p0 $0x1  }
0x13: {  	[smem:$0x3FB8] =	sst s0;
	s0 =	simm.s32 @!p1 $0x0  }
0x14: {  	s2 =	sld [smem:$0x3F9C];
	s0 =	simm.s32 @p1 $0x1  }
0x15: {  	[smem:$0x3FB9] =	sst s0;
	s0 =	simm.s32 @!p2 $0x0  }
0x16: {  	s3 =	sld [smem:$0x3FDB];
	s0 =	simm.s32 @p2 $0x1  }
0x17: {  	s4 =	simm.s32 $0x1BF5;
	[smem:$0x3FBB] =	sst s0  }
0x18: {  	s0 =	sld [smem:$0x3F9E];
	_ =	swait.ge [sflag:s4], $0x0  }
0x19: {  	s7 =	sld [smem:$0x3F9F]  }
0x1a: {  	s8 =	sadd.s32 $0xFFFFE003, lr  }
0x1b: {  	s9 =	sadd.s32 $0xFFFFFEF7, lr;
	s5 =	simm.s32 $0xFFFFFFFF;
	p2 =	slt.u32 s8, $0xFFFFF086  }
0x1c: {  	p1 =	slt.u32 s9, $0xF7A;
	s5 =	simm.s32 @!p2 $0x0  }
0x1d: {  	s5 =	simm.s32 @p1 $0x1;
	p0 =	seq.s32 s7, s2  }
0x1e: {  	s7 =	smul.u32 @!p0 $0xF7A, s2;
	p2 =	seq.s32 @!p0 s5, $0x0  }
0x1f: {  	s9 =	smul.u32 $0xF7A, s1;
	s8 =	simm.s32 @!p0 $0x1BF5;
	p2 =	por !p2, p0  }
0x20: {  	[sflag:s8] =	ssyncset.s32 @!p0 $0xFFFFF086;
	s6 =	sadd.s32 @!p0 s3, s7;
	s7 =	simm.s32 @!p0 $0x108  }
0x21: {  	s3 =	sadd.s32 s3, s9;
	s6 =	sadd.s32 @!p0 $0x88, s6;
	s7 =	simm.s32 @p2 $0x1082  }
0x22: {  	[simem:s7], [sflag:s8] =	dma.local @!p0 [hbm:s6], $0xF7A  }
0x23: {  	s9 =	sor.u32 $0xD0000000, s2;
	s6 =	simm.s32 $0x108;
	_ =	swait.ge @!p0 [sflag:s8], $0x0  }
0x24: {  	s3 =	sadd.s32 $0x88, s3;
	s6 =	simm.s32 @!p1 $0x1082;
	[sflag:s4] =	ssyncset.s32 $0xFFFFF086  }
0x25: {  	[simem:s6], [sflag:s4] =	dma.local [hbm:s3], $0xF7A  }
0x26: {  	[smem:$0x3F9F] =	sst s1;
	(tag) =	ssettag s2;
	_ =	strace s9  }
0x27: {  	s1 =	sld [smem:$0x3FAF]  }
0x28: {  	s2 =	sld [smem:$0x3FB0]  }
0x29: {  	s4 =	sld [smem:$0x3FB2]  }
0x2a: {  	p0 =	seq.s32 s5, $0x0;
	s5 =	sld [smem:$0x3FB3]  }
0x2b: {  	s6 =	sld [smem:$0x3FB4]  }
0x2c: {  	s7 =	sld [smem:$0x3FB5]  }
0x2d: {  	s3 =	simm.s32 $0x108;
	s8 =	sld [smem:$0x3FB6]  }
0x2e: {  	s3 =	simm.s32 @!p0 $0x1082;
	s9 =	sld [smem:$0x3FB7]  }
0x2f: {  	lr =	sadd.s32 s0, s3;
	s0 =	sld [smem:$0x3FAE]  }
0x30: {  	s3 =	sld [smem:$0x3FB1]  }
0x31: {  	[smem:$0x3FBA] =	sst s10  }
0x32: {  	s10 =	sld [smem:$0x3FB8];
	_ =	sdelay $0x3  }
0x33: {  	p0 =	seq.s32 s10, $0x1;
	s10 =	sld [smem:$0x3FBA];
	_ =	sdelay $0x3  }
0x34: {  	[smem:$0x3FBA] =	sst s10  }
0x35: {  	s10 =	sld [smem:$0x3FB9];
	_ =	sdelay $0x3  }
0x36: {  	p1 =	seq.s32 s10, $0x1;
	s10 =	sld [smem:$0x3FBA];
	_ =	sdelay $0x3  }
0x37: {  	[smem:$0x3FBA] =	sst s10  }
0x38: {  	s10 =	sld [smem:$0x3FBB]  }
0x39: {  	_ = 	snop;
	(pc) =	sbr.ind lr, $3  }
0x3a: {  	_ = 	snop  }
0x3b: {  	_ = 	snop  }
0x3c: {  	p2 =	seq.s32 s10, $0x1;
	s10 =	sld [smem:$0x3FBA]  }
0x3d: {  	_ =	shalt  }
0x3e: {  	_ =	shalt  }
0x3f: {  	_ =	shalt  }
0x40: {  	_ =	shalt  }
0x41: {  	_ =	shalt  }
0x42: {  	_ =	shalt  }
0x43: {  	_ =	shalt  }
0x44: {  	_ =	shalt  }
0x45: {  	_ =	shalt  }
0x46: {  	_ =	shalt  }
0x47: {  	_ =	shalt  }
0x48: {  	_ =	shalt  }
0x49: {  	_ =	shalt  }
0x4a: {  	_ =	shalt  }
0x4b: {  	_ =	shalt  }
0x4c: {  	_ =	shalt  }
0x4d: {  	_ =	shalt  }
0x4e: {  	_ =	shalt  }
0x4f: {  	_ =	shalt  }
0x50: {  	_ =	shalt  }
0x51: {  	_ =	shalt  }
0x52: {  	_ =	shalt  }
0x53: {  	_ =	shalt  }
0x54: {  	_ =	shalt  }
0x55: {  	_ =	shalt  }
0x56: {  	_ =	shalt  }
0x57: {  	_ =	shalt  }
0x58: {  	_ =	shalt  }
0x59: {  	_ =	shalt  }
0x5a: {  	_ =	shalt  }
0x5b: {  	_ =	shalt  }
0x5c: {  	_ =	shalt  }
0x5d: {  	_ =	shalt  }
0x5e: {  	_ =	shalt  }
0x5f: {  	_ =	shalt  }
0x60: {  	_ =	shalt  }
0x61: {  	_ =	shalt  }
0x62: {  	_ =	shalt  }
0x63: {  	_ =	shalt  }
0x64: {  	_ =	shalt  }
0x65: {  	_ =	shalt  }
0x66: {  	_ =	shalt  }
0x67: {  	_ =	shalt  }
0x68: {  	_ =	shalt  }
0x69: {  	_ =	shalt  }
0x6a: {  	_ =	shalt  }
0x6b: {  	_ =	shalt  }
0x6c: {  	_ =	shalt  }
0x6d: {  	_ =	shalt  }
0x6e: {  	_ =	shalt  }
0x6f: {  	_ =	shalt  }
0x70: {  	_ =	shalt  }
0x71: {  	_ =	shalt  }
0x72: {  	_ =	shalt  }
0x73: {  	_ =	shalt  }
0x74: {  	_ =	shalt  }
0x75: {  	_ =	shalt  }
0x76: {  	_ =	shalt  }
0x77: {  	_ =	shalt  }
0x78: {  	_ =	shalt  }
0x79: {  	_ =	shalt  }
0x7a: {  	_ =	shalt  }
0x7b: {  	_ =	shalt  }
0x7c: {  	_ =	shalt  }
0x7d: {  	_ =	shalt  }
0x7e: {  	_ =	shalt  }
0x7f: {  	_ =	shalt  }
0x80: {  	_ =	shalt  }
0x81: {  	_ =	shalt  }
0x82: {  	_ =	shalt  }
0x83: {  	_ =	shalt  }
0x84: {  	_ =	shalt  }
0x85: {  	_ =	shalt  }
0x86: {  	_ =	shalt  }
0x87: {  	_ =	shalt  }
.Lfunc_end0:
.L_simem_size_0:
called_computation_lowered:
.L_overlay_start_0:
0x88: {  	s2 =	sld [smem:$0x3FD9]  }
0x89: {  	s3 =	sld [smem:$0x3FFE];
	_ =	sdelay $0x1  }
0x8a: {  	s1 =	srdreg.scid  }
0x8b: {  	s0 =	sand.u32 $0x1, s1  }
0x8c: {  	s18 =	sshll.u32 s0, $0xA;
	s2 =	sadd.s32 s3, s2  }
0x8d: {  	s2 =	sadd.s32 s2, s18  }
0x8e: {  	[smem:$0x3FC6] =	sst s2  }
0x8f: {  	_ = 	snop  }
0x90: {  	s2 =	sld [smem:$0x3FC9]  }
0x91: {  	s19 =	sld [smem:$0x3FC8]  }
0x92: {  	s4 =	sld [smem:$0x3FD0];
	(tm) =	ssettm $0x1  }
0x93: {  	s5 =	sld [smem:$0x3FFB];
	_ =	sdelay $0x3  }
0x94: {  	_ =	strace s5  }
0x95: {  	s5 =	sld [smem:$0x3FFC];
	_ =	sdelay $0x3  }
0x96: {  	_ =	strace s5  }
0x97: {  	s5 =	sld [smem:$0x3FFD];
	_ =	sdelay $0x3  }
0x98: {  	_ =	strace s5  }
0x99: {  	_ =	strace $0x8FFFFFFF  }
0x9a: {  	s20 =	sld [smem:$0x3FDB];
	_ =	sdelay $0x1  }
0x9b: {  	s6 =	simm.s32 $_scs_section_size  }
0x9c: {  	s7 =	simm.s32 $_size__tile_overlayer_lowered;
	s8 =	simm.s32 $_tile_overlayer_lowered  }
0x9d: {  	s23 =	simm.s32 $0x1BFF;
	s22 =	sshll.u32 s8, $0x1;
	s5 =	sadd.s32 s6, s20  }
0x9e: {  	s9 =	simm.s32 $0x0;
	s21 =	sshll.u32 s7, $0x1;
	s7 =	sadd.s32 s22, s5  }
0x9f: {  	[timem:s9], [sflag:s23] =	dma.local [hbm:s7], s21  }
0xa0: {  	_ =	swait.ge [sflag:s23], s21  }
0xa1: {  	s6 =	ssub.s32 $0x0, s21;
	[sflag:s23] =	ssyncset.done $0x0  }
0xa2: {  	[sflag:s23] =	ssyncadd.s32 s6;
	_ =	sdelay $0x1  }
0xa3: {  	s24 =	simm.s32 $0x1B8B  }
0xa4: {  	_ =	swait.ge [sflag:s24], $0x1  }
0xa5: {  	[sflag:s24] =	ssyncset.done $0x0  }
0xa6: {  	s25 =	simm.s32 $0x1B8E;
	[sflag:s24] =	ssyncadd.s32 $0xFFFFFFFF  }
0xa7: {  	s26 =	simm.s32 $execute0_lowered;
	[smem:$0x3FD2] =	sst s25  }
0xa8: {  	s6 =	sshll.u32 s26, $0x1;
	_ =	strace $0x80000046;
	[dreg:$0x1] =	wrdreg $0xFFFFFFFF  }
0xa9: {  	s28 =	simm.s32 $_size_execute0_lowered;
	s5 =	sadd.s32 s5, s6;
	[dreg:$0x0] =	wrdreg $0x0  }
0xaa: {  	s6 =	sshll.u32 s28, $0x1;
	[dreg:$0x2] =	wrdreg s5  }
0xab: {  	[dreg:$0x3] =	wrdreg s6  }
0xac: {  	[dreg:$0x4] =	wrdreg $0xC0  }
0xad: {  	_ =	task [dreg:s9], $0x5FFFF  }
0xae: {  	[dreg:$0x1] =	wrdreg $0xFFFFFFFF  }
0xaf: {  	[dreg:$0x0] =	wrdreg $0x60  }
0xb0: {  	[dreg:$0x2] =	wrdreg s2  }
0xb1: {  	[dreg:$0x3] =	wrdreg s19  }
0xb2: {  	[dreg:$0x4] =	wrdreg s4  }
0xb3: {  	[dreg:$0x5] =	wrdreg $0x9  }
0xb4: {  	_ =	task.clear_ibuf [dreg:s9], $0x6FFFF;
	_ =	strace $0x90000046  }
0xb5: {  	s29 =	simm.s32 $0x9;
	_ =	strace $0x80000048  }
0xb6: {  	_ =	swait.ge [sflag:s29], $0x1  }
0xb7: {  	[sflag:s29] =	ssyncadd.s32 $0xFFFFFFFF  }
0xb8: {  	_ =	strace $0x90000048  }
0xb9: {  	_ =	sfence  }
0xba: {  	s30 =	sld [smem:$0x0];
	_ =	sdelay $0x2  }
0xbb: {  	s31 =	sshll.u32 s1, $0xD;
	s1 =	sshrl.u32 s1, $0x2  }
0xbc: {  	s3 =	sand.u32 $0x4000, s31;
	s1 =	sadd.s32 s1, s30  }
0xbd: {  	s0 =	sor.u32 s3, s0;
	s1 =	sshll.u32 s1, $0x11  }
0xbe: {  	s0 =	sor.u32 s1, s0  }
0xbf: {  	s0 =	sadd.s32 $0x8F2B, s0  }
0xc0: {  	[sflag:s0] =	ssyncadd.remote.s32 $0x1  }
0xc1: {  	_ =	sfence.sel $0xFFFF  }
0xc2: {  	[dreg:$0x0] =	wrdreg $0xFFFFFFFF;
	(pc) =	sbr.abs _section_cstart, $3  }
0xc3: {  	[dreg:$0x1] =	wrdreg $0xFFFFFFFF  }
0xc4: {  	_ =	task.clear_ibuf [dreg:s9], $0x2FFFF;
	_ =	strace $0x9FFFFFFF  }
0xc5: {  	(tm) =	ssettm $0x7FFFFFFF  }
tec
execute0_lowered:
.L_overlay_start_1:
0x0: {  	(tag) =	ssettag $0x1  }
0x1: {  	s0 =	rddreg [dreg:$0x0]  }
0x2: {  	s1 =	rddreg [dreg:$0x1]  }
0x3: {  	s2 =	rddreg [dreg:$0x2]  }
0x4: {  	s3 =	simm.s32 $0x0;
	s4 =	srdreg.scid;
	s6 =	stileid.u32  }
0x5: {  	s11 =	simm.s32 $0x200;
	s12 =	simm.s32 $0xF;
	s15 =	simm.s32 $0x16A00  }
0x6: {  	s16 =	simm.s32 $0x17200;
	s17 =	simm.s32 $0x17A00;
	s18 =	simm.s32 $0xC  }
0x7: {  	s19 =	simm.s32 $0xD;
	s20 =	simm.s32 $0xE;
	s21 =	simm.s32 $0x8  }
0x8: {  	s22 =	simm.s32 $0x9;
	s23 =	simm.s32 $0xA;
	s24 =	simm.s32 $0xB  }
0x9: {  	s25 =	simm.s32 $0x0;
	[smem:$0x7FF] =	sst s3;
	s4 =	sand.u32 $0x1, s4  }
0xa: {  	s5 =	sshll.u32 s6, $0x1;
	s6 =	sshll.u32 s6, $0x2;
	_ =	strace $0x80000047  }
0xb: {  	s5 =	sor.u32 s4, s5;
	s4 =	ssub.s32 $0x2, s4;
	s6 =	sand.u32 $0x30, s6  }
0xc: {  	s7 =	sshll.u32 s5, $0x8;
	s8 =	sshrl.u32 s4, $0x1;
	s0 =	sadd.s32 s0, s6  }
0xd: {  	v2 =	vlaneseq.u32;
	s31 =	sshll.u32 s5, $0x10;
	s5 =	sadd.s32 $0x100, s1;
	s6 =	sadd.s32 $0x200, s1  }
0xe: {  	vm0 =	vmmov $0xffff;
	v1 =	vshrl.u32 v2, $0x3;
	s7 =	sand.u32 $0x700, s7;
	s9 =	ssub.s32 s4, s8;
	s8 =	sadd.s32 s2, s31  }
0xf: {  	v0 =	vand.u32 $0x7, v2;
	v2 =	vor.u32 $0x8, v2;
	v1 =	vmul.u32 $0x8, v1;
	s4 =	sadd.s32 s7, s0;
	s7 =	sadd.s32 $0x300, s1;
	s9 =	smax.u32 s9, $0x1  }
.LBB2_1:
0x10: {  	s0 =	simm.s32 $0x80  }
0x11: {  	[tilespmem:s3], [sflag:$0xF] =	stream.strided.gather [hbm4b:s4+s0], $0x200, s11, s0, $0x38;
	[tilespmem:$0x1C200] =	vst v63  }
0x12: {  	_ =	swait.ge [sflag:s12], $0x200  }
0x13: {  	[sflag:s12] =	ssyncset.done $0x0  }
0x14: {  	[sflag:s12] =	ssyncadd.s32 $0xFFFFFE00  }
0x15: {  	v3 =	vld [tilespmem:$0x0];
	_ =	sdelay $0x4  }
0x16: {  	v4 =	vshll.u32 v3, $0x3  }
0x17: {  	v3 =	vand.u32 $0x7, v3;
	v4 =	vand.u32 $0xFFFFFFC0, v4  }
0x18: {  	v3 =	vor.u32 v3, v4  }
0x19: {  	v4 =	vperm.xlane v3, v0;
	_ =	sdelay $0x1  }
0x1a: {  	v4 =	vadd.s32 v1, v4;
	_ =	sdelay $0x4  }
0x1b: {  	[tilespmem:s11], [sflag:$0x1] =	stream.indirect_vreg.gather [hbm4b:s1+s3], $0x80, v4, vm0, $0xb8;
	[tilespmem:$0x1C200] =	vst v63  }
0x1c: {  	s10 =	simm.s32 $0xA00;
	v3 =	vperm.xlane v3, v2  }
0x1d: {  	[tilespmem:s10], [sflag:$0x1] =	stream.indirect_vreg.gather [hbm4b:s5+s3], $0x80, v4, vm0, $0xb8;
	[tilespmem:$0x1C200] =	vst v63  }
0x1e: {  	s13 =	simm.s32 $0x1200;
	v3 =	vadd.s32 v1, v3  }
0x1f: {  	[tilespmem:s13], [sflag:$0x1] =	stream.indirect_vreg.gather [hbm4b:s6+s3], $0x80, v4, vm0, $0xb8;
	[tilespmem:$0x1C200] =	vst v63  }
0x20: {  	s14 =	simm.s32 $0x1A00  }
0x21: {  	[tilespmem:s14], [sflag:$0x1] =	stream.indirect_vreg.gather [hbm4b:s7+s3], $0x80, v4, vm0, $0xb8;
	[tilespmem:$0x1C200] =	vst v63  }
0x22: {  	s26 =	simm.s32 $0x2200  }
0x23: {  	[tilespmem:s26], [sflag:$0x1] =	stream.indirect_vreg.gather [hbm4b:s1+s3], $0x80, v3, vm0, $0xb8;
	[tilespmem:$0x1C200] =	vst v63  }
0x24: {  	s28 =	simm.s32 $0x2A00  }
0x25: {  	[tilespmem:s28], [sflag:$0x1] =	stream.indirect_vreg.gather [hbm4b:s5+s3], $0x80, v3, vm0, $0xb8;
	[tilespmem:$0x1C200] =	vst v63  }
0x26: {  	s29 =	simm.s32 $0x3200  }
0x27: {  	[tilespmem:s29], [sflag:$0x1] =	stream.indirect_vreg.gather [hbm4b:s6+s3], $0x80, v3, vm0, $0xb8;
	[tilespmem:$0x1C200] =	vst v63  }
0x28: {  	s30 =	simm.s32 $0x3A00  }
0x29: {  	[tilespmem:s30], [sflag:$0x1] =	stream.indirect_vreg.gather [hbm4b:s7+s3], $0x80, v3, vm0, $0xb8;
	[tilespmem:$0x1C200] =	vst v63  }
0x2a: {  	v3 =	vld [tilespmem:$0x10];
	_ =	sdelay $0x4  }
0x2b: {  	v59 =	vshll.u32 v3, $0x3  }
0x2c: {  	v3 =	vand.u32 $0x7, v3;
	v4 =	vand.u32 $0xFFFFFFC0, v59  }
0x2d: {  	v3 =	vor.u32 v3, v4  }
0x2e: {  	v4 =	vperm.xlane v3, v0;
	_ =	sdelay $0x1  }
0x2f: {  	v4 =	vadd.s32 v1, v4;
	_ =	sdelay $0x3  }
0x30: {  	s31 =	simm.s32 $0x4200  }
0x31: {  	[tilespmem:s31], [sflag:$0x2] =	stream.indirect_vreg.gather [hbm4b:s1+s3], $0x80, v4, vm0, $0xb8;
	[tilespmem:$0x1C200] =	vst v63  }
0x32: {  	s2 =	simm.s32 $0x4A00;
	v3 =	vperm.xlane v3, v2  }
0x33: {  	[tilespmem:s2], [sflag:$0x2] =	stream.indirect_vreg.gather [hbm4b:s5+s3], $0x80, v4, vm0, $0xb8;
	[tilespmem:$0x1C200] =	vst v63  }
0x34: {  	s10 =	simm.s32 $0x5200;
	v3 =	vadd.s32 v1, v3  }
0x35: {  	[tilespmem:s10], [sflag:$0x2] =	stream.indirect_vreg.gather [hbm4b:s6+s3], $0x80, v4, vm0, $0xb8;
	[tilespmem:$0x1C200] =	vst v63  }
0x36: {  	s13 =	simm.s32 $0x5A00  }
0x37: {  	[tilespmem:s13], [sflag:$0x2] =	stream.indirect_vreg.gather [hbm4b:s7+s3], $0x80, v4, vm0, $0xb8;
	[tilespmem:$0x1C200] =	vst v63  }
0x38: {  	s14 =	simm.s32 $0x6200  }
0x39: {  	[tilespmem:s14], [sflag:$0x2] =	stream.indirect_vreg.gather [hbm4b:s1+s3], $0x80, v3, vm0, $0xb8;
	[tilespmem:$0x1C200] =	vst v63  }
0x3a: {  	s26 =	simm.s32 $0x6A00  }
0x3b: {  	[tilespmem:s26], [sflag:$0x2] =	stream.indirect_vreg.gather [hbm4b:s5+s3], $0x80, v3, vm0, $0xb8;
	[tilespmem:$0x1C200] =	vst v63  }
0x3c: {  	s28 =	simm.s32 $0x7200  }
0x3d: {  	[tilespmem:s28], [sflag:$0x2] =	stream.indirect_vreg.gather [hbm4b:s6+s3], $0x80, v3, vm0, $0xb8;
	[tilespmem:$0x1C200] =	vst v63  }
0x3e: {  	s29 =	simm.s32 $0x7A00  }
0x3f: {  	[tilespmem:s29], [sflag:$0x2] =	stream.indirect_vreg.gather [hbm4b:s7+s3], $0x80, v3, vm0, $0xb8;
	[tilespmem:$0x1C200] =	vst v63  }
0x40: {  	v3 =	vld [tilespmem:$0x20];
	_ =	sdelay $0x4  }
0x41: {  	v60 =	vshll.u32 v3, $0x3  }
0x42: {  	v3 =	vand.u32 $0x7, v3;
	v4 =	vand.u32 $0xFFFFFFC0, v60  }
0x43: {  	v3 =	vor.u32 v3, v4  }
0x44: {  	v4 =	vperm.xlane v3, v0;
	_ =	sdelay $0x1  }
0x45: {  	v4 =	vadd.s32 v1, v4;
	_ =	sdelay $0x3  }
0x46: {  	s30 =	simm.s32 $0x8200  }
0x47: {  	[tilespmem:s30], [sflag:$0x3] =	stream.indirect_vreg.gather [hbm4b:s1+s3], $0x80, v4, vm0, $0xb8;
	[tilespmem:$0x1C200] =	vst v63  }
0x48: {  	s31 =	simm.s32 $0x8A00;
	v3 =	vperm.xlane v3, v2  }
0x49: {  	[tilespmem:s31], [sflag:$0x3] =	stream.indirect_vreg.gather [hbm4b:s5+s3], $0x80, v4, vm0, $0xb8;
	[tilespmem:$0x1C200] =	vst v63  }
0x4a: {  	s2 =	simm.s32 $0x9200;
	v3 =	vadd.s32 v1, v3  }
0x4b: {  	[tilespmem:s2], [sflag:$0x3] =	stream.indirect_vreg.gather [hbm4b:s6+s3], $0x80, v4, vm0, $0xb8;
	[tilespmem:$0x1C200] =	vst v63  }
0x4c: {  	s10 =	simm.s32 $0x9A00  }
0x4d: {  	[tilespmem:s10], [sflag:$0x3] =	stream.indirect_vreg.gather [hbm4b:s7+s3], $0x80, v4, vm0, $0xb8;
	[tilespmem:$0x1C200] =	vst v63  }
0x4e: {  	s13 =	simm.s32 $0xA200  }
0x4f: {  	[tilespmem:s13], [sflag:$0x3] =	stream.indirect_vreg.gather [hbm4b:s1+s3], $0x80, v3, vm0, $0xb8;
	[tilespmem:$0x1C200] =	vst v63  }
0x50: {  	s14 =	simm.s32 $0xAA00  }
0x51: {  	[tilespmem:s14], [sflag:$0x3] =	stream.indirect_vreg.gather [hbm4b:s5+s3], $0x80, v3, vm0, $0xb8;
	[tilespmem:$0x1C200] =	vst v63  }
0x52: {  	s26 =	simm.s32 $0xB200  }
0x53: {  	[tilespmem:s26], [sflag:$0x3] =	stream.indirect_vreg.gather [hbm4b:s6+s3], $0x80, v3, vm0, $0xb8;
	[tilespmem:$0x1C200] =	vst v63  }
0x54: {  	s28 =	simm.s32 $0xBA00  }
0x55: {  	[tilespmem:s28], [sflag:$0x3] =	stream.indirect_vreg.gather [hbm4b:s7+s3], $0x80, v3, vm0, $0xb8;
	[tilespmem:$0x1C200] =	vst v63  }
0x56: {  	v3 =	vld [tilespmem:$0x30];
	_ =	sdelay $0x4  }
0x57: {  	v61 =	vshll.u32 v3, $0x3  }
0x58: {  	v3 =	vand.u32 $0x7, v3;
	v4 =	vand.u32 $0xFFFFFFC0, v61  }
0x59: {  	v3 =	vor.u32 v3, v4  }
0x5a: {  	v4 =	vperm.xlane v3, v0;
	_ =	sdelay $0x1  }
0x5b: {  	v4 =	vadd.s32 v1, v4;
	_ =	sdelay $0x3  }
0x5c: {  	s29 =	simm.s32 $0xC200  }
0x5d: {  	[tilespmem:s29], [sflag:$0x4] =	stream.indirect_vreg.gather [hbm4b:s1+s3], $0x80, v4, vm0, $0xb8;
	[tilespmem:$0x1C200] =	vst v63  }
0x5e: {  	s30 =	simm.s32 $0xCA00;
	v3 =	vperm.xlane v3, v2  }
0x5f: {  	[tilespmem:s30], [sflag:$0x4] =	stream.indirect_vreg.gather [hbm4b:s5+s3], $0x80, v4, vm0, $0xb8;
	[tilespmem:$0x1C200] =	vst v63  }
0x60: {  	s31 =	simm.s32 $0xD200;
	v3 =	vadd.s32 v1, v3  }
0x61: {  	[tilespmem:s31], [sflag:$0x4] =	stream.indirect_vreg.gather [hbm4b:s6+s3], $0x80, v4, vm0, $0xb8;
	[tilespmem:$0x1C200] =	vst v63  }
0x62: {  	s2 =	simm.s32 $0xDA00  }
0x63: {  	[tilespmem:s2], [sflag:$0x4] =	stream.indirect_vreg.gather [hbm4b:s7+s3], $0x80, v4, vm0, $0xb8;
	[tilespmem:$0x1C200] =	vst v63  }
0x64: {  	s10 =	simm.s32 $0xE200  }
0x65: {  	[tilespmem:s10], [sflag:$0x4] =	stream.indirect_vreg.gather [hbm4b:s1+s3], $0x80, v3, vm0, $0xb8;
	[tilespmem:$0x1C200] =	vst v63  }
0x66: {  	s13 =	simm.s32 $0xEA00  }
0x67: {  	[tilespmem:s13], [sflag:$0x4] =	stream.indirect_vreg.gather [hbm4b:s5+s3], $0x80, v3, vm0, $0xb8;
	[tilespmem:$0x1C200] =	vst v63  }
0x68: {  	s14 =	simm.s32 $0xF200  }
0x69: {  	[tilespmem:s14], [sflag:$0x4] =	stream.indirect_vreg.gather [hbm4b:s6+s3], $0x80, v3, vm0, $0xb8;
	[tilespmem:$0x1C200] =	vst v63  }
0x6a: {  	s26 =	simm.s32 $0xFA00  }
0x6b: {  	[tilespmem:s26], [sflag:$0x4] =	stream.indirect_vreg.gather [hbm4b:s7+s3], $0x80, v3, vm0, $0xb8;
	[tilespmem:$0x1C200] =	vst v63  }
0x6c: {  	v3 =	vld [tilespmem:$0x40];
	_ =	sdelay $0x4  }
0x6d: {  	v62 =	vshll.u32 v3, $0x3  }
0x6e: {  	v3 =	vand.u32 $0x7, v3;
	v4 =	vand.u32 $0xFFFFFFC0, v62  }
0x6f: {  	v3 =	vor.u32 v3, v4  }
0x70: {  	v4 =	vperm.xlane v3, v0;
	_ =	sdelay $0x1  }
0x71: {  	v4 =	vadd.s32 v1, v4;
	_ =	sdelay $0x3  }
0x72: {  	s28 =	simm.s32 $0x10200  }
0x73: {  	[tilespmem:s28], [sflag:$0x5] =	stream.indirect_vreg.gather [hbm4b:s1+s3], $0x80, v4, vm0, $0xb8;
	[tilespmem:$0x1C200] =	vst v63  }
0x74: {  	s29 =	simm.s32 $0x10A00;
	v3 =	vperm.xlane v3, v2  }
0x75: {  	[tilespmem:s29], [sflag:$0x5] =	stream.indirect_vreg.gather [hbm4b:s5+s3], $0x80, v4, vm0, $0xb8;
	[tilespmem:$0x1C200] =	vst v63  }
0x76: {  	s30 =	simm.s32 $0x11200;
	v3 =	vadd.s32 v1, v3  }
0x77: {  	[tilespmem:s30], [sflag:$0x5] =	stream.indirect_vreg.gather [hbm4b:s6+s3], $0x80, v4, vm0, $0xb8;
	[tilespmem:$0x1C200] =	vst v63  }
0x78: {  	s31 =	simm.s32 $0x11A00  }
0x79: {  	[tilespmem:s31], [sflag:$0x5] =	stream.indirect_vreg.gather [hbm4b:s7+s3], $0x80, v4, vm0, $0xb8;
	[tilespmem:$0x1C200] =	vst v63  }
0x7a: {  	s2 =	simm.s32 $0x12200  }
0x7b: {  	[tilespmem:s2], [sflag:$0x5] =	stream.indirect_vreg.gather [hbm4b:s1+s3], $0x80, v3, vm0, $0xb8;
	[tilespmem:$0x1C200] =	vst v63  }
0x7c: {  	s10 =	simm.s32 $0x12A00  }
0x7d: {  	[tilespmem:s10], [sflag:$0x5] =	stream.indirect_vreg.gather [hbm4b:s5+s3], $0x80, v3, vm0, $0xb8;
	[tilespmem:$0x1C200] =	vst v63  }
0x7e: {  	s13 =	simm.s32 $0x13200  }
0x7f: {  	[tilespmem:s13], [sflag:$0x5] =	stream.indirect_vreg.gather [hbm4b:s6+s3], $0x80, v3, vm0, $0xb8;
	[tilespmem:$0x1C200] =	vst v63  }
0x80: {  	s14 =	simm.s32 $0x13A00  }
0x81: {  	[tilespmem:s14], [sflag:$0x5] =	stream.indirect_vreg.gather [hbm4b:s7+s3], $0x80, v3, vm0, $0xb8;
	[tilespmem:$0x1C200] =	vst v63  }
0x82: {  	v3 =	vld [tilespmem:$0x50];
	_ =	sdelay $0x4  }
0x83: {  	v63 =	vshll.u32 v3, $0x3  }
0x84: {  	v3 =	vand.u32 $0x7, v3;
	v4 =	vand.u32 $0xFFFFFFC0, v63  }
0x85: {  	v3 =	vor.u32 v3, v4  }
0x86: {  	v4 =	vperm.xlane v3, v0;
	_ =	sdelay $0x1  }
0x87: {  	v4 =	vadd.s32 v1, v4;
	_ =	sdelay $0x3  }
0x88: {  	s26 =	simm.s32 $0x14200  }
0x89: {  	[tilespmem:s26], [sflag:$0x6] =	stream.indirect_vreg.gather [hbm4b:s1+s3], $0x80, v4, vm0, $0xb8;
	[tilespmem:$0x1C200] =	vst v63  }
0x8a: {  	s28 =	simm.s32 $0x14A00;
	v3 =	vperm.xlane v3, v2  }
0x8b: {  	[tilespmem:s28], [sflag:$0x6] =	stream.indirect_vreg.gather [hbm4b:s5+s3], $0x80, v4, vm0, $0xb8;
	[tilespmem:$0x1C200] =	vst v63  }
0x8c: {  	s29 =	simm.s32 $0x15200;
	v3 =	vadd.s32 v1, v3  }
0x8d: {  	[tilespmem:s29], [sflag:$0x6] =	stream.indirect_vreg.gather [hbm4b:s6+s3], $0x80, v4, vm0, $0xb8;
	[tilespmem:$0x1C200] =	vst v63  }
0x8e: {  	s30 =	simm.s32 $0x15A00  }
0x8f: {  	[tilespmem:s30], [sflag:$0x6] =	stream.indirect_vreg.gather [hbm4b:s7+s3], $0x80, v4, vm0, $0xb8;
	[tilespmem:$0x1C200] =	vst v63  }
0x90: {  	s31 =	simm.s32 $0x16200  }
0x91: {  	[tilespmem:s31], [sflag:$0x6] =	stream.indirect_vreg.gather [hbm4b:s1+s3], $0x80, v3, vm0, $0xb8;
	[tilespmem:$0x1C200] =	vst v63  }
0x92: {  	_ = 	snop  }
0x93: {  	[tilespmem:s15], [sflag:$0x6] =	stream.indirect_vreg.gather [hbm4b:s5+s3], $0x80, v3, vm0, $0xb8;
	[tilespmem:$0x1C200] =	vst v63  }
0x94: {  	_ = 	snop  }
0x95: {  	[tilespmem:s16], [sflag:$0x6] =	stream.indirect_vreg.gather [hbm4b:s6+s3], $0x80, v3, vm0, $0xb8;
	[tilespmem:$0x1C200] =	vst v63  }
0x96: {  	s26 =	simm.s32 $0x0  }
0x97: {  	[tilespmem:s17], [sflag:$0x6] =	stream.indirect_vreg.gather [hbm4b:s7+s3], $0x80, v3, vm0, $0xb8;
	[tilespmem:$0x1C200] =	vst v63  }
.LBB2_2:
0x98: {  	s28 =	sshll.u32 s26, $0x1  }
0x99: {  	s0 =	sadd.s32 $0x6, s28  }
0x9a: {  	s2 =	smul.u32 $0x25, s0;
	_ =	sdelay $0x1  }
0x9b: {  	s2 =	sshrl.u32 s2, $0x8  }
0x9c: {  	s10 =	ssub.s32 s0, s2  }
0x9d: {  	s10 =	sand.u32 $0xFE, s10  }
0x9e: {  	s10 =	sshrl.u32 s10, $0x1  }
0x9f: {  	s2 =	sadd.s32 s2, s10  }
0xa0: {  	s2 =	sand.u32 $0xFC, s2  }
0xa1: {  	s2 =	sshrl.u32 s2, $0x2  }
0xa2: {  	s2 =	smul.u32 $0x7, s2  }
0xa3: {  	p0 =	sgt.u32 s26, $0xC  }
0xa4: {  	p1 =	seq.s32 @!p0 s26, $0x0;
	s2 =	ssub.s32 s0, s2  }
0xa5: {  	p1 =	por p1, p0;
	s2 =	sand.u32 $0xFF, s2  }
0xa6: {  	s10 =	sadd.s32 @!p1 $0x8, s2  }
0xa7: {  	_ =	swait.ge @!p1 [sflag:s10], $0x4000  }
0xa8: {  	s0 =	sshll.u32 @!p0 s0, $0x4;
	[sflag:s10] =	ssyncset.done @!p1 $0x0  }
0xa9: {  	s0 =	sand.u32 @!p0 $0x3FFFFFF0, s0;
	[sflag:s10] =	ssyncadd.s32 @!p1 $0xFFFFC000  }
0xaa: {  	v3 =	vld @!p0 [tilespmem:s0+$0x0];
	_ =	sdelay $0x4  }
0xab: {  	v4 =	vshll.u32 @!p0 v3, $0x3  }
0xac: {  	v5 =	vlaneseq.u32 @!p0;
	v3 =	vand.u32 @!p0 $0x7, v3;
	v4 =	vand.u32 @!p0 $0xFFFFFFC0, v4  }
0xad: {  	v6 =	vshrl.u32 @!p0 v5, $0x3;
	v3 =	vor.u32 @!p0 v3, v4;
	v4 =	vand.u32 @!p0 $0x7, v5  }
0xae: {  	v6 =	vmul.u32 @!p0 $0x8, v6;
	v4 =	vperm.xlane @!p0 v3, v4  }
0xaf: {  	s13 =	smul.u32 $0x4A, s26  }
0xb0: {  	v4 =	vadd.s32 @!p0 v6, v4  }
0xb1: {  	s0 =	sshrl.u32 s13, $0x8  }
0xb2: {  	s14 =	ssub.s32 s28, s0  }
0xb3: {  	s31 =	simm.s32 @!p0 $0x0;
	s13 =	sshll.u32 @!p0 s2, $0xE;
	s10 =	sand.u32 $0xFE, s14  }
0xb4: {  	vm1 =	vmmov @!p0 $0xffff;
	s2 =	sadd.s32 @!p0 $0x1, s2;
	s14 =	sor.u32 @!p0 $0x200, s13;
	s10 =	sshrl.u32 s10, $0x1  }
0xb5: {  	v5 =	vor.u32 @!p0 $0x8, v5;
	[tilespmem:s14], [sflag:s2] =	stream.indirect_vreg.gather @!p0 [hbm4b:s1+s31], $0x80, v4, vm1, $0xb8;
	[tilespmem:$0x1C200] =	vst v63  }
0xb6: {  	s0 =	sadd.s32 s0, s10;
	s10 =	sor.u32 @!p0 $0xA00, s13;
	v3 =	vperm.xlane @!p0 v3, v5  }
0xb7: {  	[tilespmem:s10], [sflag:s2] =	stream.indirect_vreg.gather @!p0 [hbm4b:s5+s31], $0x80, v4, vm1, $0xb8;
	[tilespmem:$0x1C200] =	vst v63  }
0xb8: {  	s0 =	sand.u32 $0xFC, s0;
	v3 =	vadd.s32 @!p0 v6, v3;
	s10 =	sor.u32 @!p0 $0x1200, s13  }
0xb9: {  	[tilespmem:s10], [sflag:s2] =	stream.indirect_vreg.gather @!p0 [hbm4b:s6+s31], $0x80, v4, vm1, $0xb8;
	[tilespmem:$0x1C200] =	vst v63  }
0xba: {  	s0 =	sshrl.u32 s0, $0x2;
	s10 =	sor.u32 @!p0 $0x1A00, s13  }
0xbb: {  	[tilespmem:s10], [sflag:s2] =	stream.indirect_vreg.gather @!p0 [hbm4b:s7+s31], $0x80, v4, vm1, $0xb8;
	[tilespmem:$0x1C200] =	vst v63  }
0xbc: {  	s0 =	smul.u32 $0x7, s0;
	s10 =	sor.u32 @!p0 $0x2200, s13  }
0xbd: {  	[tilespmem:s10], [sflag:s2] =	stream.indirect_vreg.gather @!p0 [hbm4b:s1+s31], $0x80, v3, vm1, $0xb8;
	[tilespmem:$0x1C200] =	vst v63  }
0xbe: {  	s0 =	ssub.s32 s28, s0;
	s10 =	sor.u32 @!p0 $0x2A00, s13  }
0xbf: {  	[tilespmem:s10], [sflag:s2] =	stream.indirect_vreg.gather @!p0 [hbm4b:s5+s31], $0x80, v3, vm1, $0xb8;
	[tilespmem:$0x1C200] =	vst v63  }
0xc0: {  	s29 =	sand.u32 $0xFF, s0;
	s0 =	sor.u32 @!p0 $0x3200, s13  }
0xc1: {  	[tilespmem:s0], [sflag:s2] =	stream.indirect_vreg.gather @!p0 [hbm4b:s6+s31], $0x80, v3, vm1, $0xb8;
	[tilespmem:$0x1C200] =	vst v63  }
0xc2: {  	s30 =	sshll.u32 s29, $0xE;
	s0 =	sor.u32 @!p0 $0x3A00, s13  }
0xc3: {  	[tilespmem:s0], [sflag:s2] =	stream.indirect_vreg.gather @!p0 [hbm4b:s7+s31], $0x80, v3, vm1, $0xb8;
	v3 =	vmov s30;
	[tilespmem:$0x1C200] =	vst v63  }
0xc4: {  	s10 =	sadd.s32 $0x1, s29  }
0xc5: {  	s13 =	simm.s32 $0x0;
	_ =	swait.ge [sflag:s10], $0x4000  }
0xc6: {  	s14 =	sand.u32 $0x2000, s13;
	s2 =	sand.u32 $0x380, s13;
	[sflag:s10] =	ssyncset.done $0x0  }
0xc7: {  	s31 =	sor.u32 s2, s14;
	[sflag:s10] =	ssyncadd.s32 $0xFFFFC000  }
0xc8: {  	v4 =	vld.idx.msk [tilespmem:v3+s31+$0x1E00 ss:$0x1], $0xffff  }
0xc9: {  	v5 =	vld.idx.msk [tilespmem:v3+s31+$0x200 ss:$0x1], $0xffff  }
0xca: {  	v6 =	vld.idx.msk [tilespmem:v3+s31+$0x600 ss:$0x1], $0xffff  }
0xcb: {  	v7 =	vld.idx.msk [tilespmem:v3+s31+$0xA00 ss:$0x1], $0xffff  }
0xcc: {  	v8 =	vld.idx.msk [tilespmem:v3+s31+$0xE00 ss:$0x1], $0xffff  }
0xcd: {  	s13 =	simm.s32 $0x80;
	s10 =	simm.s32 $0x400;
	v9 =	vld.idx.msk [tilespmem:v3+s31+$0x1200 ss:$0x1], $0xffff  }
0xce: {  	s2 =	sand.u32 $0x380, s13;
	s0 =	sand.u32 $0x2000, s10;
	v10 =	vld.idx.msk [tilespmem:v3+s31+$0x1600 ss:$0x1], $0xffff  }
0xcf: {  	v11 =	vld.idx.msk [tilespmem:v3+s31+$0x1A00 ss:$0x1], $0xffff;
	s0 =	sor.u32 s2, s0;
	v4 =	vmul.f32 $3.200000000e+01, v4  }
0xd0: {  	v12 =	vld.idx.msk [tilespmem:v3+s0+$0x1E00 ss:$0x1], $0xffff;
	v5 =	vmul.f32 $3.200000000e+01, v5  }
0xd1: {  	v13 =	vld.idx.msk [tilespmem:v3+s0+$0x200 ss:$0x1], $0xffff;
	[tilespmem:v3+s31+$0x1E00 ss:$0x1] =	vst.idx.msk $0xffff, v4  }
0xd2: {  	v14 =	vld.idx.msk [tilespmem:v3+s0+$0x600 ss:$0x1], $0xffff;
	v4 =	vmul.f32 $3.200000000e+01, v6;
	[tilespmem:v3+s31+$0x200 ss:$0x1] =	vst.idx.msk $0xffff, v5  }
0xd3: {  	v7 =	vmul.f32 $3.200000000e+01, v7;
	v5 =	vld.idx.msk [tilespmem:v3+s31+$0x1E10 ss:$0x1], $0xffff  }
0xd4: {  	v8 =	vmul.f32 $3.200000000e+01, v8;
	v6 =	vld.idx.msk [tilespmem:v3+s31+$0x210 ss:$0x1], $0xffff;
	[tilespmem:v3+s31+$0x600 ss:$0x1] =	vst.idx.msk $0xffff, v4  }
0xd5: {  	v9 =	vmul.f32 $3.200000000e+01, v9;
	v4 =	vld.idx.msk [tilespmem:v3+s31+$0x610 ss:$0x1], $0xffff;
	[tilespmem:v3+s31+$0xA00 ss:$0x1] =	vst.idx.msk $0xffff, v7  }
0xd6: {  	v10 =	vmul.f32 $3.200000000e+01, v10;
	v7 =	vld.idx.msk [tilespmem:v3+s31+$0xA10 ss:$0x1], $0xffff;
	[tilespmem:v3+s31+$0xE00 ss:$0x1] =	vst.idx.msk $0xffff, v8  }
0xd7: {  	v11 =	vmul.f32 $3.200000000e+01, v11;
	v8 =	vld.idx.msk [tilespmem:v3+s31+$0xE10 ss:$0x1], $0xffff;
	[tilespmem:v3+s31+$0x1200 ss:$0x1] =	vst.idx.msk $0xffff, v9  }
0xd8: {  	v9 =	vld.idx.msk [tilespmem:v3+s31+$0x1210 ss:$0x1], $0xffff;
	[tilespmem:v3+s31+$0x1600 ss:$0x1] =	vst.idx.msk $0xffff, v10;
	v5 =	vmul.f32 $3.200000000e+01, v5  }
0xd9: {  	v10 =	vld.idx.msk [tilespmem:v3+s31+$0x1610 ss:$0x1], $0xffff;
	[tilespmem:v3+s31+$0x1A00 ss:$0x1] =	vst.idx.msk $0xffff, v11;
	v6 =	vmul.f32 $3.200000000e+01, v6  }
0xda: {  	v11 =	vld.idx.msk [tilespmem:v3+s31+$0x1A10 ss:$0x1], $0xffff;
	[tilespmem:v3+s31+$0x1E10 ss:$0x1] =	vst.idx.msk $0xffff, v5  }
0xdb: {  	v15 =	vld.idx.msk [tilespmem:v3+s0+$0xA00 ss:$0x1], $0xffff;
	v4 =	vmul.f32 $3.200000000e+01, v4;
	[tilespmem:v3+s31+$0x210 ss:$0x1] =	vst.idx.msk $0xffff, v6  }
0xdc: {  	v7 =	vmul.f32 $3.200000000e+01, v7;
	v5 =	vld.idx.msk [tilespmem:v3+s31+$0x1E20 ss:$0x1], $0xffff  }
0xdd: {  	v8 =	vmul.f32 $3.200000000e+01, v8;
	v6 =	vld.idx.msk [tilespmem:v3+s31+$0x220 ss:$0x1], $0xffff;
	[tilespmem:v3+s31+$0x610 ss:$0x1] =	vst.idx.msk $0xffff, v4  }
0xde: {  	v9 =	vmul.f32 $3.200000000e+01, v9;
	v4 =	vld.idx.msk [tilespmem:v3+s31+$0x620 ss:$0x1], $0xffff;
	[tilespmem:v3+s31+$0xA10 ss:$0x1] =	vst.idx.msk $0xffff, v7  }
0xdf: {  	v10 =	vmul.f32 $3.200000000e+01, v10;
	v7 =	vld.idx.msk [tilespmem:v3+s31+$0xA20 ss:$0x1], $0xffff;
	[tilespmem:v3+s31+$0xE10 ss:$0x1] =	vst.idx.msk $0xffff, v8  }
0xe0: {  	v11 =	vmul.f32 $3.200000000e+01, v11;
	v8 =	vld.idx.msk [tilespmem:v3+s31+$0xE20 ss:$0x1], $0xffff;
	[tilespmem:v3+s31+$0x1210 ss:$0x1] =	vst.idx.msk $0xffff, v9  }
0xe1: {  	v9 =	vld.idx.msk [tilespmem:v3+s31+$0x1220 ss:$0x1], $0xffff;
	[tilespmem:v3+s31+$0x1610 ss:$0x1] =	vst.idx.msk $0xffff, v10;
	v5 =	vmul.f32 $3.200000000e+01, v5  }
0xe2: {  	v10 =	vld.idx.msk [tilespmem:v3+s31+$0x1620 ss:$0x1], $0xffff;
	[tilespmem:v3+s31+$0x1A10 ss:$0x1] =	vst.idx.msk $0xffff, v11;
	v6 =	vmul.f32 $3.200000000e+01, v6  }
0xe3: {  	v11 =	vld.idx.msk [tilespmem:v3+s31+$0x1A20 ss:$0x1], $0xffff;
	[tilespmem:v3+s31+$0x1E20 ss:$0x1] =	vst.idx.msk $0xffff, v5  }
0xe4: {  	v16 =	vld.idx.msk [tilespmem:v3+s0+$0xE00 ss:$0x1], $0xffff;
	v4 =	vmul.f32 $3.200000000e+01, v4;
	[tilespmem:v3+s31+$0x220 ss:$0x1] =	vst.idx.msk $0xffff, v6  }
0xe5: {  	v7 =	vmul.f32 $3.200000000e+01, v7;
	v5 =	vld.idx.msk [tilespmem:v3+s31+$0x1E30 ss:$0x1], $0xffff  }
0xe6: {  	v8 =	vmul.f32 $3.200000000e+01, v8;
	v6 =	vld.idx.msk [tilespmem:v3+s31+$0x230 ss:$0x1], $0xffff;
	[tilespmem:v3+s31+$0x620 ss:$0x1] =	vst.idx.msk $0xffff, v4  }
0xe7: {  	v9 =	vmul.f32 $3.200000000e+01, v9;
	v4 =	vld.idx.msk [tilespmem:v3+s31+$0x630 ss:$0x1], $0xffff;
	[tilespmem:v3+s31+$0xA20 ss:$0x1] =	vst.idx.msk $0xffff, v7  }
0xe8: {  	v10 =	vmul.f32 $3.200000000e+01, v10;
	v7 =	vld.idx.msk [tilespmem:v3+s31+$0xA30 ss:$0x1], $0xffff;
	[tilespmem:v3+s31+$0xE20 ss:$0x1] =	vst.idx.msk $0xffff, v8  }
0xe9: {  	v11 =	vmul.f32 $3.200000000e+01, v11;
	v8 =	vld.idx.msk [tilespmem:v3+s31+$0xE30 ss:$0x1], $0xffff;
	[tilespmem:v3+s31+$0x1220 ss:$0x1] =	vst.idx.msk $0xffff, v9  }
0xea: {  	v9 =	vld.idx.msk [tilespmem:v3+s31+$0x1230 ss:$0x1], $0xffff;
	[tilespmem:v3+s31+$0x1620 ss:$0x1] =	vst.idx.msk $0xffff, v10;
	v5 =	vmul.f32 $3.200000000e+01, v5  }
0xeb: {  	v10 =	vld.idx.msk [tilespmem:v3+s31+$0x1630 ss:$0x1], $0xffff;
	[tilespmem:v3+s31+$0x1A20 ss:$0x1] =	vst.idx.msk $0xffff, v11;
	v6 =	vmul.f32 $3.200000000e+01, v6  }
0xec: {  	v11 =	vld.idx.msk [tilespmem:v3+s31+$0x1A30 ss:$0x1], $0xffff;
	[tilespmem:v3+s31+$0x1E30 ss:$0x1] =	vst.idx.msk $0xffff, v5  }
0xed: {  	v17 =	vld.idx.msk [tilespmem:v3+s0+$0x1200 ss:$0x1], $0xffff;
	v4 =	vmul.f32 $3.200000000e+01, v4;
	[tilespmem:v3+s31+$0x230 ss:$0x1] =	vst.idx.msk $0xffff, v6  }
0xee: {  	v7 =	vmul.f32 $3.200000000e+01, v7;
	v5 =	vld.idx.msk [tilespmem:v3+s31+$0x1E40 ss:$0x1], $0xffff  }
0xef: {  	v8 =	vmul.f32 $3.200000000e+01, v8;
	v6 =	vld.idx.msk [tilespmem:v3+s31+$0x240 ss:$0x1], $0xffff;
	[tilespmem:v3+s31+$0x630 ss:$0x1] =	vst.idx.msk $0xffff, v4  }
0xf0: {  	v9 =	vmul.f32 $3.200000000e+01, v9;
	v4 =	vld.idx.msk [tilespmem:v3+s31+$0x640 ss:$0x1], $0xffff;
	[tilespmem:v3+s31+$0xA30 ss:$0x1] =	vst.idx.msk $0xffff, v7  }
0xf1: {  	v10 =	vmul.f32 $3.200000000e+01, v10;
	v7 =	vld.idx.msk [tilespmem:v3+s31+$0xA40 ss:$0x1], $0xffff;
	[tilespmem:v3+s31+$0xE30 ss:$0x1] =	vst.idx.msk $0xffff, v8  }
0xf2: {  	v11 =	vmul.f32 $3.200000000e+01, v11;
	v8 =	vld.idx.msk [tilespmem:v3+s31+$0xE40 ss:$0x1], $0xffff;
	[tilespmem:v3+s31+$0x1230 ss:$0x1] =	vst.idx.msk $0xffff, v9  }
0xf3: {  	v9 =	vld.idx.msk [tilespmem:v3+s31+$0x1240 ss:$0x1], $0xffff;
	[tilespmem:v3+s31+$0x1630 ss:$0x1] =	vst.idx.msk $0xffff, v10;
	v5 =	vmul.f32 $3.200000000e+01, v5  }
0xf4: {  	v10 =	vld.idx.msk [tilespmem:v3+s31+$0x1640 ss:$0x1], $0xffff;
	[tilespmem:v3+s31+$0x1A30 ss:$0x1] =	vst.idx.msk $0xffff, v11;
	v6 =	vmul.f32 $3.200000000e+01, v6  }
0xf5: {  	v11 =	vld.idx.msk [tilespmem:v3+s31+$0x1A40 ss:$0x1], $0xffff;
	[tilespmem:v3+s31+$0x1E40 ss:$0x1] =	vst.idx.msk $0xffff, v5  }
0xf6: {  	v18 =	vld.idx.msk [tilespmem:v3+s0+$0x1600 ss:$0x1], $0xffff;
	v4 =	vmul.f32 $3.200000000e+01, v4;
	[tilespmem:v3+s31+$0x240 ss:$0x1] =	vst.idx.msk $0xffff, v6  }
0xf7: {  	v7 =	vmul.f32 $3.200000000e+01, v7;
	v5 =	vld.idx.msk [tilespmem:v3+s31+$0x1E50 ss:$0x1], $0xffff  }
0xf8: {  	v8 =	vmul.f32 $3.200000000e+01, v8;
	v6 =	vld.idx.msk [tilespmem:v3+s31+$0x250 ss:$0x1], $0xffff;
	[tilespmem:v3+s31+$0x640 ss:$0x1] =	vst.idx.msk $0xffff, v4  }
0xf9: {  	v12 =	vmul.f32 $3.200000000e+01, v12;
	v4 =	vld.idx.msk [tilespmem:v3+s31+$0x650 ss:$0x1], $0xffff;
	[tilespmem:v3+s31+$0xA40 ss:$0x1] =	vst.idx.msk $0xffff, v7  }
0xfa: {  	v7 =	vld.idx.msk [tilespmem:v3+s31+$0xA50 ss:$0x1], $0xffff;
	[tilespmem:v3+s31+$0xE40 ss:$0x1] =	vst.idx.msk $0xffff, v8;
	v8 =	vmul.f32 $3.200000000e+01, v13  }
0xfb: {  	v42 =	vld.idx.msk [tilespmem:v3+s0+$0x1A00 ss:$0x1], $0xffff;
	[tilespmem:v3+s0+$0x1E00 ss:$0x1] =	vst.idx.msk $0xffff, v12;
	v9 =	vmul.f32 $3.200000000e+01, v9  }
0xfc: {  	v43 =	vld.idx.msk [tilespmem:v3+s31+$0xE50 ss:$0x1], $0xffff;
	[tilespmem:v3+s0+$0x200 ss:$0x1] =	vst.idx.msk $0xffff, v8;
	v8 =	vmul.f32 $3.200000000e+01, v14  }
0xfd: {  	v10 =	vmul.f32 $3.200000000e+01, v10;
	[tilespmem:v3+s31+$0x1240 ss:$0x1] =	vst.idx.msk $0xffff, v9;
	v44 =	vld.idx.msk [tilespmem:v3+s0+$0x1E10 ss:$0x1], $0xffff  }
0xfe: {  	v15 =	vmul.f32 $3.200000000e+01, v15;
	v9 =	vld.idx.msk [tilespmem:v3+s0+$0x210 ss:$0x1], $0xffff;
	[tilespmem:v3+s0+$0x600 ss:$0x1] =	vst.idx.msk $0xffff, v8  }
0xff: {  	v11 =	vmul.f32 $3.200000000e+01, v11;
	v8 =	vld.idx.msk [tilespmem:v3+s31+$0x1250 ss:$0x1], $0xffff;
	[tilespmem:v3+s31+$0x1640 ss:$0x1] =	vst.idx.msk $0xffff, v10  }
0x100: {  	v16 =	vmul.f32 $3.200000000e+01, v16;
	v10 =	vld.idx.msk [tilespmem:v3+s0+$0x610 ss:$0x1], $0xffff;
	[tilespmem:v3+s0+$0xA00 ss:$0x1] =	vst.idx.msk $0xffff, v15  }
0x101: {  	v5 =	vmul.f32 $3.200000000e+01, v5;
	v45 =	vld.idx.msk [tilespmem:v3+s31+$0x1650 ss:$0x1], $0xffff;
	[tilespmem:v3+s31+$0x1A40 ss:$0x1] =	vst.idx.msk $0xffff, v11  }
0x102: {  	v17 =	vmul.f32 $3.200000000e+01, v17;
	v11 =	vld.idx.msk [tilespmem:v3+s0+$0xA10 ss:$0x1], $0xffff;
	[tilespmem:v3+s0+$0xE00 ss:$0x1] =	vst.idx.msk $0xffff, v16  }
0x103: {  	v6 =	vmul.f32 $3.200000000e+01, v6;
	v46 =	vld.idx.msk [tilespmem:v3+s31+$0x1A50 ss:$0x1], $0xffff;
	[tilespmem:v3+s31+$0x1E50 ss:$0x1] =	vst.idx.msk $0xffff, v5  }
0x104: {  	v18 =	vmul.f32 $3.200000000e+01, v18;
	v5 =	vld.idx.msk [tilespmem:v3+s0+$0xE10 ss:$0x1], $0xffff;
	[tilespmem:v3+s0+$0x1200 ss:$0x1] =	vst.idx.msk $0xffff, v17  }
0x105: {  	v4 =	vmul.f32 $3.200000000e+01, v4;
	[tilespmem:v3+s31+$0x250 ss:$0x1] =	vst.idx.msk $0xffff, v6;
	v6 =	vld.idx.msk [tilespmem:v3+s0+$0x1210 ss:$0x1], $0xffff  }
0x106: {  	v13 =	vmul.f32 $3.200000000e+01, v42;
	v47 =	vld.idx.msk [tilespmem:v3+s31+$0x1E60 ss:$0x1], $0xffff;
	[tilespmem:v3+s0+$0x1600 ss:$0x1] =	vst.idx.msk $0xffff, v18  }
0x107: {  	v48 =	vld.idx.msk [tilespmem:v3+s31+$0x260 ss:$0x1], $0xffff;
	v14 =	vmul.f32 $3.200000000e+01, v44;
	[tilespmem:v3+s31+$0x650 ss:$0x1] =	vst.idx.msk $0xffff, v4  }
0x108: {  	v4 =	vmul.f32 $3.200000000e+01, v9;
	v18 =	vld.idx.msk [tilespmem:v3+s0+$0x1610 ss:$0x1], $0xffff;
	[tilespmem:v3+s0+$0x1A00 ss:$0x1] =	vst.idx.msk $0xffff, v13  }
0x109: {  	v7 =	vmul.f32 $3.200000000e+01, v7;
	v9 =	vld.idx.msk [tilespmem:v3+s0+$0x1A10 ss:$0x1], $0xffff;
	[tilespmem:v3+s0+$0x1E10 ss:$0x1] =	vst.idx.msk $0xffff, v14  }
0x10a: {  	v49 =	vld.idx.msk [tilespmem:v3+s31+$0x660 ss:$0x1], $0xffff;
	[tilespmem:v3+s0+$0x210 ss:$0x1] =	vst.idx.msk $0xffff, v4;
	v4 =	vmul.f32 $3.200000000e+01, v10  }
0x10b: {  	v12 =	vmul.f32 $3.200000000e+01, v43;
	[tilespmem:v3+s31+$0xA50 ss:$0x1] =	vst.idx.msk $0xffff, v7;
	v10 =	vld.idx.msk [tilespmem:v3+s0+$0x1E20 ss:$0x1], $0xffff  }
0x10c: {  	v11 =	vmul.f32 $3.200000000e+01, v11;
	v7 =	vld.idx.msk [tilespmem:v3+s0+$0x220 ss:$0x1], $0xffff;
	[tilespmem:v3+s0+$0x610 ss:$0x1] =	vst.idx.msk $0xffff, v4  }
0x10d: {  	v8 =	vmul.f32 $3.200000000e+01, v8;
	v4 =	vld.idx.msk [tilespmem:v3+s31+$0xA60 ss:$0x1], $0xffff;
	[tilespmem:v3+s31+$0xE50 ss:$0x1] =	vst.idx.msk $0xffff, v12  }
0x10e: {  	v5 =	vmul.f32 $3.200000000e+01, v5;
	v50 =	vld.idx.msk [tilespmem:v3+s0+$0x620 ss:$0x1], $0xffff;
	[tilespmem:v3+s0+$0xA10 ss:$0x1] =	vst.idx.msk $0xffff, v11  }
0x10f: {  	v15 =	vmul.f32 $3.200000000e+01, v45;
	v11 =	vld.idx.msk [tilespmem:v3+s31+$0xE60 ss:$0x1], $0xffff;
	[tilespmem:v3+s31+$0x1250 ss:$0x1] =	vst.idx.msk $0xffff, v8  }
0x110: {  	v6 =	vmul.f32 $3.200000000e+01, v6;
	v8 =	vld.idx.msk [tilespmem:v3+s0+$0xA20 ss:$0x1], $0xffff;
	[tilespmem:v3+s0+$0xE10 ss:$0x1] =	vst.idx.msk $0xffff, v5  }
0x111: {  	v16 =	vmul.f32 $3.200000000e+01, v46;
	v5 =	vld.idx.msk [tilespmem:v3+s31+$0x1260 ss:$0x1], $0xffff;
	[tilespmem:v3+s31+$0x1650 ss:$0x1] =	vst.idx.msk $0xffff, v15  }
0x112: {  	v18 =	vmul.f32 $3.200000000e+01, v18;
	v51 =	vld.idx.msk [tilespmem:v3+s0+$0xE20 ss:$0x1], $0xffff;
	[tilespmem:v3+s0+$0x1210 ss:$0x1] =	vst.idx.msk $0xffff, v6  }
0x113: {  	v52 =	vmul.f32 $3.200000000e+01, v47;
	v6 =	vld.idx.msk [tilespmem:v3+s31+$0x1660 ss:$0x1], $0xffff;
	[tilespmem:v3+s31+$0x1A50 ss:$0x1] =	vst.idx.msk $0xffff, v16  }
0x114: {  	v9 =	vmul.f32 $3.200000000e+01, v9;
	v53 =	vld.idx.msk [tilespmem:v3+s0+$0x1220 ss:$0x1], $0xffff;
	[tilespmem:v3+s0+$0x1610 ss:$0x1] =	vst.idx.msk $0xffff, v18  }
0x115: {  	v13 =	vmul.f32 $3.200000000e+01, v48;
	v54 =	vld.idx.msk [tilespmem:v3+s31+$0x1A60 ss:$0x1], $0xffff;
	[tilespmem:v3+s31+$0x1E60 ss:$0x1] =	vst.idx.msk $0xffff, v52  }
0x116: {  	v55 =	vld.idx.msk [tilespmem:v3+s0+$0x1620 ss:$0x1], $0xffff;
	[tilespmem:v3+s0+$0x1A10 ss:$0x1] =	vst.idx.msk $0xffff, v9;
	v9 =	vmul.f32 $3.200000000e+01, v10  }
0x117: {  	v7 =	vmul.f32 $3.200000000e+01, v7;
	[tilespmem:v3+s31+$0x260 ss:$0x1] =	vst.idx.msk $0xffff, v13  }
0x118: {  	v10 =	vld.idx.msk [tilespmem:v3+s0+$0x1A20 ss:$0x1], $0xffff;
	[tilespmem:v3+s0+$0x1E20 ss:$0x1] =	vst.idx.msk $0xffff, v9;
	v9 =	vmul.f32 $3.200000000e+01, v49  }
0x119: {  	v13 =	vld.idx.msk [tilespmem:v3+s31+$0x1E70 ss:$0x1], $0xffff;
	[tilespmem:v3+s0+$0x220 ss:$0x1] =	vst.idx.msk $0xffff, v7;
	v7 =	vmul.f32 $3.200000000e+01, v50  }
0x11a: {  	v4 =	vmul.f32 $3.200000000e+01, v4;
	v56 =	vld.idx.msk [tilespmem:v3+s0+$0x1E30 ss:$0x1], $0xffff;
	[tilespmem:v3+s31+$0x660 ss:$0x1] =	vst.idx.msk $0xffff, v9  }
0x11b: {  	v9 =	vld.idx.msk [tilespmem:v3+s0+$0x230 ss:$0x1], $0xffff;
	[tilespmem:v3+s0+$0x620 ss:$0x1] =	vst.idx.msk $0xffff, v7;
	v7 =	vmul.f32 $3.200000000e+01, v8  }
0x11c: {  	v8 =	vmul.f32 $3.200000000e+01, v11;
	[tilespmem:v3+s31+$0xA60 ss:$0x1] =	vst.idx.msk $0xffff, v4  }
0x11d: {  	v4 =	vld.idx.msk [tilespmem:v3+s0+$0x630 ss:$0x1], $0xffff;
	[tilespmem:v3+s0+$0xA20 ss:$0x1] =	vst.idx.msk $0xffff, v7;
	v7 =	vmul.f32 $3.200000000e+01, v51  }
0x11e: {  	v5 =	vmul.f32 $3.200000000e+01, v5;
	[tilespmem:v3+s31+$0xE60 ss:$0x1] =	vst.idx.msk $0xffff, v8  }
0x11f: {  	v8 =	vld.idx.msk [tilespmem:v3+s0+$0xA30 ss:$0x1], $0xffff;
	[tilespmem:v3+s0+$0xE20 ss:$0x1] =	vst.idx.msk $0xffff, v7;
	v7 =	vmul.f32 $3.200000000e+01, v53  }
0x120: {  	v6 =	vmul.f32 $3.200000000e+01, v6;
	[tilespmem:v3+s31+$0x1260 ss:$0x1] =	vst.idx.msk $0xffff, v5  }
0x121: {  	v5 =	vld.idx.msk [tilespmem:v3+s0+$0xE30 ss:$0x1], $0xffff;
	[tilespmem:v3+s0+$0x1220 ss:$0x1] =	vst.idx.msk $0xffff, v7;
	v7 =	vmul.f32 $3.200000000e+01, v55  }
0x122: {  	v11 =	vmul.f32 $3.200000000e+01, v54;
	[tilespmem:v3+s31+$0x1660 ss:$0x1] =	vst.idx.msk $0xffff, v6  }
0x123: {  	v6 =	vld.idx.msk [tilespmem:v3+s0+$0x1230 ss:$0x1], $0xffff;
	[tilespmem:v3+s0+$0x1620 ss:$0x1] =	vst.idx.msk $0xffff, v7;
	v7 =	vmul.f32 $3.200000000e+01, v10;
	v10 =	vmul.f32 $3.200000000e+01, v13  }
0x124: {  	[tilespmem:v3+s31+$0x1A60 ss:$0x1] =	vst.idx.msk $0xffff, v11  }
0x125: {  	v11 =	vld.idx.msk [tilespmem:v3+s0+$0x1630 ss:$0x1], $0xffff;
	[tilespmem:v3+s31+$0x1E70 ss:$0x1] =	vst.idx.msk $0xffff, v10  }
0x126: {  	[tilespmem:v3+s0+$0x1A20 ss:$0x1] =	vst.idx.msk $0xffff, v7;
	v7 =	vmul.f32 $3.200000000e+01, v56;
	v57 =	vld.idx.msk [tilespmem:v3+s31+$0x270 ss:$0x1], $0xffff  }
0x127: {  	v9 =	vmul.f32 $3.200000000e+01, v9  }
0x128: {  	v10 =	vld.idx.msk [tilespmem:v3+s0+$0x1A30 ss:$0x1], $0xffff;
	[tilespmem:v3+s0+$0x1E30 ss:$0x1] =	vst.idx.msk $0xffff, v7  }
0x129: {  	v4 =	vmul.f32 $3.200000000e+01, v4;
	[tilespmem:v3+s0+$0x230 ss:$0x1] =	vst.idx.msk $0xffff, v9  }
0x12a: {  	v7 =	vld.idx.msk [tilespmem:v3+s0+$0x1E40 ss:$0x1], $0xffff  }
0x12b: {  	v9 =	vld.idx.msk [tilespmem:v3+s0+$0x240 ss:$0x1], $0xffff;
	[tilespmem:v3+s0+$0x630 ss:$0x1] =	vst.idx.msk $0xffff, v4;
	v4 =	vmul.f32 $3.200000000e+01, v57  }
0x12c: {  	v8 =	vmul.f32 $3.200000000e+01, v8  }
0x12d: {  	v58 =	vld.idx.msk [tilespmem:v3+s0+$0x640 ss:$0x1], $0xffff;
	[tilespmem:v3+s31+$0x270 ss:$0x1] =	vst.idx.msk $0xffff, v4  }
0x12e: {  	[tilespmem:v3+s0+$0xA30 ss:$0x1] =	vst.idx.msk $0xffff, v8;
	v8 =	vld.idx.msk [tilespmem:v3+s31+$0x670 ss:$0x1], $0xffff;
	_ =	sdelay $0x1  }
0x12f: {  	v5 =	vmul.f32 $3.200000000e+01, v5  }
0x130: {  	v6 =	vmul.f32 $3.200000000e+01, v6  }
0x131: {  	v11 =	vmul.f32 $3.200000000e+01, v11;
	v4 =	vld.idx.msk [tilespmem:v3+s0+$0xA40 ss:$0x1], $0xffff;
	[tilespmem:v3+s0+$0xE30 ss:$0x1] =	vst.idx.msk $0xffff, v5  }
0x132: {  	v5 =	vld.idx.msk [tilespmem:v3+s0+$0xE40 ss:$0x1], $0xffff;
	[tilespmem:v3+s0+$0x1230 ss:$0x1] =	vst.idx.msk $0xffff, v6;
	v8 =	vmul.f32 $3.200000000e+01, v8  }
0x133: {  	v10 =	vmul.f32 $3.200000000e+01, v10;
	v6 =	vld.idx.msk [tilespmem:v3+s0+$0x1240 ss:$0x1], $0xffff;
	[tilespmem:v3+s0+$0x1630 ss:$0x1] =	vst.idx.msk $0xffff, v11  }
0x134: {  	v11 =	vld.idx.msk [tilespmem:v3+s0+$0x1640 ss:$0x1], $0xffff;
	[tilespmem:v3+s31+$0x670 ss:$0x1] =	vst.idx.msk $0xffff, v8  }
0x135: {  	v7 =	vmul.f32 $3.200000000e+01, v7;
	[tilespmem:v3+s0+$0x1A30 ss:$0x1] =	vst.idx.msk $0xffff, v10;
	v10 =	vld.idx.msk [tilespmem:v3+s31+$0xA70 ss:$0x1], $0xffff  }
0x136: {  	v8 =	vmul.f32 $3.200000000e+01, v9  }
0x137: {  	v9 =	vld.idx.msk [tilespmem:v3+s0+$0x1A40 ss:$0x1], $0xffff;
	[tilespmem:v3+s0+$0x1E40 ss:$0x1] =	vst.idx.msk $0xffff, v7  }
0x138: {  	v7 =	vmul.f32 $3.200000000e+01, v58;
	[tilespmem:v3+s0+$0x240 ss:$0x1] =	vst.idx.msk $0xffff, v8  }
0x139: {  	v8 =	vld.idx.msk [tilespmem:v3+s0+$0x1E50 ss:$0x1], $0xffff  }
0x13a: {  	v59 =	vld.idx.msk [tilespmem:v3+s0+$0x250 ss:$0x1], $0xffff;
	[tilespmem:v3+s0+$0x640 ss:$0x1] =	vst.idx.msk $0xffff, v7;
	v7 =	vmul.f32 $3.200000000e+01, v10;
	_ =	sdelay $0x1  }
0x13b: {  	[tilespmem:v3+s31+$0xA70 ss:$0x1] =	vst.idx.msk $0xffff, v7  }
0x13c: {  	v7 =	vld.idx.msk [tilespmem:v3+s31+$0xE70 ss:$0x1], $0xffff  }
0x13d: {  	v4 =	vmul.f32 $3.200000000e+01, v4  }
0x13e: {  	v5 =	vmul.f32 $3.200000000e+01, v5  }
0x13f: {  	v6 =	vmul.f32 $3.200000000e+01, v6;
	v10 =	vld.idx.msk [tilespmem:v3+s0+$0x650 ss:$0x1], $0xffff;
	[tilespmem:v3+s0+$0xA40 ss:$0x1] =	vst.idx.msk $0xffff, v4  }
0x140: {  	v11 =	vmul.f32 $3.200000000e+01, v11;
	v4 =	vld.idx.msk [tilespmem:v3+s0+$0xA50 ss:$0x1], $0xffff;
	[tilespmem:v3+s0+$0xE40 ss:$0x1] =	vst.idx.msk $0xffff, v5  }
0x141: {  	v5 =	vld.idx.msk [tilespmem:v3+s0+$0xE50 ss:$0x1], $0xffff;
	[tilespmem:v3+s0+$0x1240 ss:$0x1] =	vst.idx.msk $0xffff, v6;
	v7 =	vmul.f32 $3.200000000e+01, v7  }
0x142: {  	v9 =	vmul.f32 $3.200000000e+01, v9;
	v6 =	vld.idx.msk [tilespmem:v3+s0+$0x1250 ss:$0x1], $0xffff;
	[tilespmem:v3+s0+$0x1640 ss:$0x1] =	vst.idx.msk $0xffff, v11  }
0x143: {  	v11 =	vld.idx.msk [tilespmem:v3+s0+$0x1650 ss:$0x1], $0xffff;
	[tilespmem:v3+s31+$0xE70 ss:$0x1] =	vst.idx.msk $0xffff, v7  }
0x144: {  	v8 =	vmul.f32 $3.200000000e+01, v8;
	[tilespmem:v3+s0+$0x1A40 ss:$0x1] =	vst.idx.msk $0xffff, v9;
	v9 =	vld.idx.msk [tilespmem:v3+s31+$0x1270 ss:$0x1], $0xffff  }
0x145: {  	v7 =	vmul.f32 $3.200000000e+01, v59  }
0x146: {  	v60 =	vld.idx.msk [tilespmem:v3+s0+$0x1A50 ss:$0x1], $0xffff;
	[tilespmem:v3+s0+$0x1E50 ss:$0x1] =	vst.idx.msk $0xffff, v8  }
0x147: {  	[tilespmem:v3+s0+$0x250 ss:$0x1] =	vst.idx.msk $0xffff, v7;
	v7 =	vmul.f32 $3.200000000e+01, v10  }
0x148: {  	v10 =	vld.idx.msk [tilespmem:v3+s0+$0x1E60 ss:$0x1], $0xffff  }
0x149: {  	v61 =	vld.idx.msk [tilespmem:v3+s0+$0x260 ss:$0x1], $0xffff;
	[tilespmem:v3+s0+$0x650 ss:$0x1] =	vst.idx.msk $0xffff, v7;
	v7 =	vmul.f32 $3.200000000e+01, v9  }
0x14a: {  	v4 =	vmul.f32 $3.200000000e+01, v4  }
0x14b: {  	v62 =	vld.idx.msk [tilespmem:v3+s0+$0x660 ss:$0x1], $0xffff;
	[tilespmem:v3+s31+$0x1270 ss:$0x1] =	vst.idx.msk $0xffff, v7  }
0x14c: {  	[tilespmem:v3+s0+$0xA50 ss:$0x1] =	vst.idx.msk $0xffff, v4;
	v4 =	vld.idx.msk [tilespmem:v3+s31+$0x1670 ss:$0x1], $0xffff  }
0x14d: {  	v5 =	vmul.f32 $3.200000000e+01, v5  }
0x14e: {  	v6 =	vmul.f32 $3.200000000e+01, v6  }
0x14f: {  	v9 =	vld.idx.msk [tilespmem:v3+s0+$0xA60 ss:$0x1], $0xffff;
	[tilespmem:v3+s0+$0xE50 ss:$0x1] =	vst.idx.msk $0xffff, v5;
	v5 =	vmul.f32 $3.200000000e+01, v11  }
0x150: {  	v8 =	vld.idx.msk [tilespmem:v3+s0+$0xE60 ss:$0x1], $0xffff;
	[tilespmem:v3+s0+$0x1250 ss:$0x1] =	vst.idx.msk $0xffff, v6;
	v6 =	vmul.f32 $3.200000000e+01, v60  }
0x151: {  	v7 =	vld.idx.msk [tilespmem:v3+s0+$0x1260 ss:$0x1], $0xffff;
	[tilespmem:v3+s0+$0x1650 ss:$0x1] =	vst.idx.msk $0xffff, v5;
	v4 =	vmul.f32 $3.200000000e+01, v4  }
0x152: {  	v63 =	vmul.f32 $3.200000000e+01, v10;
	v5 =	vld.idx.msk [tilespmem:v3+s0+$0x1660 ss:$0x1], $0xffff;
	[tilespmem:v3+s0+$0x1A50 ss:$0x1] =	vst.idx.msk $0xffff, v6  }
0x153: {  	s14 =	simm.s32 $0x800;
	s2 =	simm.s32 $0x100;
	v10 =	vmul.f32 $3.200000000e+01, v61;
	v6 =	vld.idx.msk [tilespmem:v3+s0+$0x1A60 ss:$0x1], $0xffff;
	[tilespmem:v3+s31+$0x1670 ss:$0x1] =	vst.idx.msk $0xffff, v4  }
0x154: {  	s13 =	sand.u32 $0x2000, s14;
	s10 =	simm.s32 $0xC00;
	s14 =	sand.u32 $0x380, s2;
	v11 =	vmul.f32 $3.200000000e+01, v62;
	[tilespmem:v3+s0+$0x1E60 ss:$0x1] =	vst.idx.msk $0xffff, v63;
	v4 =	vld.idx.msk [tilespmem:v3+s31+$0x1A70 ss:$0x1], $0xffff  }
.LBB2_3:
0x155: {  	p1 =	sne.s32 s10, $0x3C00;
	s13 =	sor.u32 s14, s13;
	[tilespmem:v3+s0+$0x260 ss:$0x1] =	vst.idx.msk $0xffff, v10;
	v9 =	vmul.f32 $3.200000000e+01, v9;
	v10 =	vld.idx.msk [tilespmem:v3+s0+$0x1E70 ss:$0x1], $0xffff  }
0x156: {  	v8 =	vmul.f32 $3.200000000e+01, v8;
	v12 =	vld.idx.msk [tilespmem:v3+s13+$0x1E00 ss:$0x1], $0xffff;
	[tilespmem:v3+s0+$0x660 ss:$0x1] =	vst.idx.msk $0xffff, v11  }
0x157: {  	v7 =	vmul.f32 $3.200000000e+01, v7;
	v11 =	vld.idx.msk [tilespmem:v3+s13+$0x200 ss:$0x1], $0xffff;
	[tilespmem:v3+s0+$0xA60 ss:$0x1] =	vst.idx.msk $0xffff, v9  }
0x158: {  	v5 =	vmul.f32 $3.200000000e+01, v5;
	v9 =	vld.idx.msk [tilespmem:v3+s13+$0x600 ss:$0x1], $0xffff;
	[tilespmem:v3+s0+$0xE60 ss:$0x1] =	vst.idx.msk $0xffff, v8  }
0x159: {  	v6 =	vmul.f32 $3.200000000e+01, v6;
	v8 =	vld.idx.msk [tilespmem:v3+s13+$0xA00 ss:$0x1], $0xffff;
	[tilespmem:v3+s0+$0x1260 ss:$0x1] =	vst.idx.msk $0xffff, v7  }
0x15a: {  	v4 =	vmul.f32 $3.200000000e+01, v4;
	v7 =	vld.idx.msk [tilespmem:v3+s13+$0xE00 ss:$0x1], $0xffff;
	[tilespmem:v3+s0+$0x1660 ss:$0x1] =	vst.idx.msk $0xffff, v5  }
0x15b: {  	v5 =	vld.idx.msk [tilespmem:v3+s13+$0x1200 ss:$0x1], $0xffff;
	[tilespmem:v3+s0+$0x1A60 ss:$0x1] =	vst.idx.msk $0xffff, v6;
	v6 =	vmul.f32 $3.200000000e+01, v10  }
0x15c: {  	v12 =	vmul.f32 $3.200000000e+01, v12;
	v10 =	vld.idx.msk [tilespmem:v3+s13+$0x1600 ss:$0x1], $0xffff;
	[tilespmem:v3+s31+$0x1A70 ss:$0x1] =	vst.idx.msk $0xffff, v4;
	s31 =	smov.u32 s0;
	s0 =	smov.u32 s13  }
0x15d: {  	v4 =	vmul.f32 $3.200000000e+01, v11;
	v11 =	vld.idx.msk [tilespmem:v3+s0+$0x1A00 ss:$0x1], $0xffff;
	[tilespmem:v3+s31+$0x1E70 ss:$0x1] =	vst.idx.msk $0xffff, v6  }
0x15e: {  	v6 =	vmul.f32 $3.200000000e+01, v9;
	[tilespmem:v3+s0+$0x1E00 ss:$0x1] =	vst.idx.msk $0xffff, v12;
	v9 =	vld.idx.msk [tilespmem:v3+s31+$0x270 ss:$0x1], $0xffff  }
0x15f: {  	[tilespmem:v3+s0+$0x200 ss:$0x1] =	vst.idx.msk $0xffff, v4;
	v4 =	vmul.f32 $3.200000000e+01, v8;
	v8 =	vld.idx.msk [tilespmem:v3+s0+$0x1E10 ss:$0x1], $0xffff  }
0x160: {  	v12 =	vld.idx.msk [tilespmem:v3+s0+$0x210 ss:$0x1], $0xffff;
	[tilespmem:v3+s0+$0x600 ss:$0x1] =	vst.idx.msk $0xffff, v6;
	v6 =	vmul.f32 $3.200000000e+01, v7  }
0x161: {  	v7 =	vld.idx.msk [tilespmem:v3+s0+$0x610 ss:$0x1], $0xffff;
	[tilespmem:v3+s0+$0xA00 ss:$0x1] =	vst.idx.msk $0xffff, v4;
	v4 =	vmul.f32 $3.200000000e+01, v5  }
0x162: {  	v5 =	vld.idx.msk [tilespmem:v3+s0+$0xA10 ss:$0x1], $0xffff;
	[tilespmem:v3+s0+$0xE00 ss:$0x1] =	vst.idx.msk $0xffff, v6;
	v6 =	vmul.f32 $3.200000000e+01, v10  }
0x163: {  	v10 =	vld.idx.msk [tilespmem:v3+s0+$0xE10 ss:$0x1], $0xffff;
	[tilespmem:v3+s0+$0x1200 ss:$0x1] =	vst.idx.msk $0xffff, v4;
	v4 =	vmul.f32 $3.200000000e+01, v11  }
0x164: {  	v11 =	vld.idx.msk [tilespmem:v3+s0+$0x1210 ss:$0x1], $0xffff;
	[tilespmem:v3+s0+$0x1600 ss:$0x1] =	vst.idx.msk $0xffff, v6;
	v6 =	vmul.f32 $3.200000000e+01, v9  }
0x165: {  	v9 =	vld.idx.msk [tilespmem:v3+s0+$0x1610 ss:$0x1], $0xffff;
	[tilespmem:v3+s0+$0x1A00 ss:$0x1] =	vst.idx.msk $0xffff, v4;
	v4 =	vmul.f32 $3.200000000e+01, v8  }
0x166: {  	v8 =	vmul.f32 $3.200000000e+01, v12;
	v12 =	vld.idx.msk [tilespmem:v3+s0+$0x1A10 ss:$0x1], $0xffff;
	[tilespmem:v3+s31+$0x270 ss:$0x1] =	vst.idx.msk $0xffff, v6  }
0x167: {  	v6 =	vmul.f32 $3.200000000e+01, v7;
	[tilespmem:v3+s0+$0x1E10 ss:$0x1] =	vst.idx.msk $0xffff, v4;
	v4 =	vld.idx.msk [tilespmem:v3+s31+$0x670 ss:$0x1], $0xffff  }
0x168: {  	v5 =	vmul.f32 $3.200000000e+01, v5;
	[tilespmem:v3+s0+$0x210 ss:$0x1] =	vst.idx.msk $0xffff, v8;
	v7 =	vld.idx.msk [tilespmem:v3+s0+$0x1E20 ss:$0x1], $0xffff  }
0x169: {  	v8 =	vld.idx.msk [tilespmem:v3+s0+$0x220 ss:$0x1], $0xffff;
	[tilespmem:v3+s0+$0x610 ss:$0x1] =	vst.idx.msk $0xffff, v6;
	v6 =	vmul.f32 $3.200000000e+01, v10  }
0x16a: {  	v10 =	vld.idx.msk [tilespmem:v3+s0+$0x620 ss:$0x1], $0xffff;
	[tilespmem:v3+s0+$0xA10 ss:$0x1] =	vst.idx.msk $0xffff, v5;
	v5 =	vmul.f32 $3.200000000e+01, v11  }
0x16b: {  	v11 =	vld.idx.msk [tilespmem:v3+s0+$0xA20 ss:$0x1], $0xffff;
	[tilespmem:v3+s0+$0xE10 ss:$0x1] =	vst.idx.msk $0xffff, v6;
	v6 =	vmul.f32 $3.200000000e+01, v9  }
0x16c: {  	v9 =	vld.idx.msk [tilespmem:v3+s0+$0xE20 ss:$0x1], $0xffff;
	[tilespmem:v3+s0+$0x1210 ss:$0x1] =	vst.idx.msk $0xffff, v5;
	v5 =	vmul.f32 $3.200000000e+01, v12  }
0x16d: {  	v4 =	vmul.f32 $3.200000000e+01, v4;
	v12 =	vld.idx.msk [tilespmem:v3+s0+$0x1220 ss:$0x1], $0xffff;
	[tilespmem:v3+s0+$0x1610 ss:$0x1] =	vst.idx.msk $0xffff, v6  }
0x16e: {  	v6 =	vld.idx.msk [tilespmem:v3+s0+$0x1620 ss:$0x1], $0xffff;
	[tilespmem:v3+s0+$0x1A10 ss:$0x1] =	vst.idx.msk $0xffff, v5;
	v5 =	vmul.f32 $3.200000000e+01, v7  }
0x16f: {  	v7 =	vmul.f32 $3.200000000e+01, v8;
	v8 =	vld.idx.msk [tilespmem:v3+s0+$0x1A20 ss:$0x1], $0xffff;
	[tilespmem:v3+s31+$0x670 ss:$0x1] =	vst.idx.msk $0xffff, v4  }
0x170: {  	v4 =	vmul.f32 $3.200000000e+01, v10;
	[tilespmem:v3+s0+$0x1E20 ss:$0x1] =	vst.idx.msk $0xffff, v5;
	v5 =	vld.idx.msk [tilespmem:v3+s31+$0xA70 ss:$0x1], $0xffff  }
0x171: {  	[tilespmem:v3+s0+$0x220 ss:$0x1] =	vst.idx.msk $0xffff, v7;
	v7 =	vmul.f32 $3.200000000e+01, v11;
	v10 =	vld.idx.msk [tilespmem:v3+s0+$0x1E30 ss:$0x1], $0xffff  }
0x172: {  	v11 =	vld.idx.msk [tilespmem:v3+s0+$0x230 ss:$0x1], $0xffff;
	[tilespmem:v3+s0+$0x620 ss:$0x1] =	vst.idx.msk $0xffff, v4;
	v4 =	vmul.f32 $3.200000000e+01, v9  }
0x173: {  	v9 =	vld.idx.msk [tilespmem:v3+s0+$0x630 ss:$0x1], $0xffff;
	[tilespmem:v3+s0+$0xA20 ss:$0x1] =	vst.idx.msk $0xffff, v7;
	v7 =	vmul.f32 $3.200000000e+01, v12  }
0x174: {  	v12 =	vld.idx.msk [tilespmem:v3+s0+$0xA30 ss:$0x1], $0xffff;
	[tilespmem:v3+s0+$0xE20 ss:$0x1] =	vst.idx.msk $0xffff, v4;
	v4 =	vmul.f32 $3.200000000e+01, v6  }
0x175: {  	v6 =	vld.idx.msk [tilespmem:v3+s0+$0xE30 ss:$0x1], $0xffff;
	[tilespmem:v3+s0+$0x1220 ss:$0x1] =	vst.idx.msk $0xffff, v7;
	v7 =	vmul.f32 $3.200000000e+01, v8  }
0x176: {  	v8 =	vld.idx.msk [tilespmem:v3+s0+$0x1230 ss:$0x1], $0xffff;
	[tilespmem:v3+s0+$0x1620 ss:$0x1] =	vst.idx.msk $0xffff, v4;
	v4 =	vmul.f32 $3.200000000e+01, v5  }
0x177: {  	v5 =	vld.idx.msk [tilespmem:v3+s0+$0x1630 ss:$0x1], $0xffff;
	[tilespmem:v3+s0+$0x1A20 ss:$0x1] =	vst.idx.msk $0xffff, v7;
	v7 =	vmul.f32 $3.200000000e+01, v10  }
0x178: {  	v10 =	vmul.f32 $3.200000000e+01, v11;
	v11 =	vld.idx.msk [tilespmem:v3+s0+$0x1A30 ss:$0x1], $0xffff;
	[tilespmem:v3+s31+$0xA70 ss:$0x1] =	vst.idx.msk $0xffff, v4  }
0x179: {  	v4 =	vmul.f32 $3.200000000e+01, v9;
	[tilespmem:v3+s0+$0x1E30 ss:$0x1] =	vst.idx.msk $0xffff, v7;
	v7 =	vld.idx.msk [tilespmem:v3+s31+$0xE70 ss:$0x1], $0xffff  }
0x17a: {  	v9 =	vmul.f32 $3.200000000e+01, v12;
	[tilespmem:v3+s0+$0x230 ss:$0x1] =	vst.idx.msk $0xffff, v10;
	v10 =	vld.idx.msk [tilespmem:v3+s0+$0x1E40 ss:$0x1], $0xffff  }
0x17b: {  	v12 =	vld.idx.msk [tilespmem:v3+s0+$0x240 ss:$0x1], $0xffff;
	[tilespmem:v3+s0+$0x630 ss:$0x1] =	vst.idx.msk $0xffff, v4;
	v4 =	vmul.f32 $3.200000000e+01, v6  }
0x17c: {  	v8 =	vmul.f32 $3.200000000e+01, v8;
	v6 =	vld.idx.msk [tilespmem:v3+s0+$0x640 ss:$0x1], $0xffff;
	[tilespmem:v3+s0+$0xA30 ss:$0x1] =	vst.idx.msk $0xffff, v9  }
0x17d: {  	v9 =	vld.idx.msk [tilespmem:v3+s0+$0xA40 ss:$0x1], $0xffff;
	[tilespmem:v3+s0+$0xE30 ss:$0x1] =	vst.idx.msk $0xffff, v4;
	v4 =	vmul.f32 $3.200000000e+01, v5  }
0x17e: {  	v5 =	vld.idx.msk [tilespmem:v3+s0+$0xE40 ss:$0x1], $0xffff;
	[tilespmem:v3+s0+$0x1230 ss:$0x1] =	vst.idx.msk $0xffff, v8;
	v8 =	vmul.f32 $3.200000000e+01, v11  }
0x17f: {  	v11 =	vld.idx.msk [tilespmem:v3+s0+$0x1240 ss:$0x1], $0xffff;
	[tilespmem:v3+s0+$0x1630 ss:$0x1] =	vst.idx.msk $0xffff, v4;
	v4 =	vmul.f32 $3.200000000e+01, v7  }
0x180: {  	v7 =	vld.idx.msk [tilespmem:v3+s0+$0x1640 ss:$0x1], $0xffff;
	[tilespmem:v3+s0+$0x1A30 ss:$0x1] =	vst.idx.msk $0xffff, v8;
	v8 =	vmul.f32 $3.200000000e+01, v10  }
0x181: {  	v10 =	vmul.f32 $3.200000000e+01, v12;
	v12 =	vld.idx.msk [tilespmem:v3+s0+$0x1A40 ss:$0x1], $0xffff;
	[tilespmem:v3+s31+$0xE70 ss:$0x1] =	vst.idx.msk $0xffff, v4  }
0x182: {  	v4 =	vmul.f32 $3.200000000e+01, v6;
	[tilespmem:v3+s0+$0x1E40 ss:$0x1] =	vst.idx.msk $0xffff, v8;
	v6 =	vld.idx.msk [tilespmem:v3+s31+$0x1270 ss:$0x1], $0xffff  }
0x183: {  	v8 =	vmul.f32 $3.200000000e+01, v9;
	[tilespmem:v3+s0+$0x240 ss:$0x1] =	vst.idx.msk $0xffff, v10;
	v9 =	vld.idx.msk [tilespmem:v3+s0+$0x1E50 ss:$0x1], $0xffff  }
0x184: {  	v10 =	vld.idx.msk [tilespmem:v3+s0+$0x250 ss:$0x1], $0xffff;
	[tilespmem:v3+s0+$0x640 ss:$0x1] =	vst.idx.msk $0xffff, v4;
	v4 =	vmul.f32 $3.200000000e+01, v5  }
0x185: {  	v5 =	vld.idx.msk [tilespmem:v3+s0+$0x650 ss:$0x1], $0xffff;
	[tilespmem:v3+s0+$0xA40 ss:$0x1] =	vst.idx.msk $0xffff, v8;
	v8 =	vmul.f32 $3.200000000e+01, v11  }
0x186: {  	v11 =	vld.idx.msk [tilespmem:v3+s0+$0xA50 ss:$0x1], $0xffff;
	[tilespmem:v3+s0+$0xE40 ss:$0x1] =	vst.idx.msk $0xffff, v4;
	v4 =	vmul.f32 $3.200000000e+01, v7  }
0x187: {  	v7 =	vld.idx.msk [tilespmem:v3+s0+$0xE50 ss:$0x1], $0xffff;
	[tilespmem:v3+s0+$0x1240 ss:$0x1] =	vst.idx.msk $0xffff, v8;
	v8 =	vmul.f32 $3.200000000e+01, v12  }
0x188: {  	v12 =	vld.idx.msk [tilespmem:v3+s0+$0x1250 ss:$0x1], $0xffff;
	[tilespmem:v3+s0+$0x1640 ss:$0x1] =	vst.idx.msk $0xffff, v4;
	v4 =	vmul.f32 $3.200000000e+01, v6  }
0x189: {  	v6 =	vld.idx.msk [tilespmem:v3+s0+$0x1650 ss:$0x1], $0xffff;
	[tilespmem:v3+s0+$0x1A40 ss:$0x1] =	vst.idx.msk $0xffff, v8;
	v8 =	vmul.f32 $3.200000000e+01, v9  }
0x18a: {  	v9 =	vmul.f32 $3.200000000e+01, v10;
	v10 =	vld.idx.msk [tilespmem:v3+s0+$0x1A50 ss:$0x1], $0xffff;
	[tilespmem:v3+s31+$0x1270 ss:$0x1] =	vst.idx.msk $0xffff, v4  }
0x18b: {  	v4 =	vmul.f32 $3.200000000e+01, v5;
	[tilespmem:v3+s0+$0x1E50 ss:$0x1] =	vst.idx.msk $0xffff, v8;
	v5 =	vld.idx.msk [tilespmem:v3+s31+$0x1670 ss:$0x1], $0xffff  }
0x18c: {  	v8 =	vmul.f32 $3.200000000e+01, v11;
	[tilespmem:v3+s0+$0x250 ss:$0x1] =	vst.idx.msk $0xffff, v9;
	v11 =	vld.idx.msk [tilespmem:v3+s0+$0x1E60 ss:$0x1], $0xffff  }
0x18d: {  	v13 =	vld.idx.msk [tilespmem:v3+s0+$0x260 ss:$0x1], $0xffff;
	[tilespmem:v3+s0+$0x650 ss:$0x1] =	vst.idx.msk $0xffff, v4;
	v4 =	vmul.f32 $3.200000000e+01, v7  }
0x18e: {  	v7 =	vmul.f32 $3.200000000e+01, v12;
	v14 =	vld.idx.msk [tilespmem:v3+s0+$0x660 ss:$0x1], $0xffff;
	[tilespmem:v3+s0+$0xA50 ss:$0x1] =	vst.idx.msk $0xffff, v8  }
0x18f: {  	v9 =	vld.idx.msk [tilespmem:v3+s0+$0xA60 ss:$0x1], $0xffff;
	[tilespmem:v3+s0+$0xE50 ss:$0x1] =	vst.idx.msk $0xffff, v4;
	v4 =	vmul.f32 $3.200000000e+01, v6  }
.Ltmp0:
0x190: {  	v6 =	vmul.f32 $3.200000000e+01, v10;
	v8 =	vld.idx.msk [tilespmem:v3+s0+$0xE60 ss:$0x1], $0xffff;
	[tilespmem:v3+s0+$0x1250 ss:$0x1] =	vst.idx.msk $0xffff, v7;
	(pc) =	sbr.rel @p1 .LBB2_3-.Ltmp0, $4  }
0x191: {  	v7 =	vld.idx.msk [tilespmem:v3+s0+$0x1260 ss:$0x1], $0xffff;
	[tilespmem:v3+s0+$0x1650 ss:$0x1] =	vst.idx.msk $0xffff, v4;
	v4 =	vmul.f32 $3.200000000e+01, v5  }
0x192: {  	v12 =	vmul.f32 $3.200000000e+01, v11;
	v5 =	vld.idx.msk [tilespmem:v3+s0+$0x1660 ss:$0x1], $0xffff;
	[tilespmem:v3+s0+$0x1A50 ss:$0x1] =	vst.idx.msk $0xffff, v6  }
0x193: {  	s2 =	sadd.s32 $0x80, s2;
	v10 =	vmul.f32 $3.200000000e+01, v13;
	v6 =	vld.idx.msk [tilespmem:v3+s0+$0x1A60 ss:$0x1], $0xffff;
	[tilespmem:v3+s31+$0x1670 ss:$0x1] =	vst.idx.msk $0xffff, v4  }
0x194: {  	s14 =	sand.u32 $0x380, s2;
	s13 =	sand.u32 $0x2000, s10;
	s10 =	sadd.s32 $0x400, s10;
	v11 =	vmul.f32 $3.200000000e+01, v14;
	[tilespmem:v3+s0+$0x1E60 ss:$0x1] =	vst.idx.msk $0xffff, v12;
	v4 =	vld.idx.msk [tilespmem:v3+s31+$0x1A70 ss:$0x1], $0xffff  }
0x195: {  	_ =	sdelay $0x2  }
0x196: {  	s2 =	sor.u32 s14, s13  }
0x197: {  	v12 =	vld.idx.msk [tilespmem:v3+s2+$0x1E00 ss:$0x1], $0xffff  }
0x198: {  	v13 =	vld.idx.msk [tilespmem:v3+s2+$0x200 ss:$0x1], $0xffff  }
0x199: {  	v14 =	vld.idx.msk [tilespmem:v3+s2+$0x600 ss:$0x1], $0xffff  }
0x19a: {  	v15 =	vld.idx.msk [tilespmem:v3+s2+$0xA00 ss:$0x1], $0xffff  }
0x19b: {  	v16 =	vld.idx.msk [tilespmem:v3+s2+$0xE00 ss:$0x1], $0xffff  }
0x19c: {  	v17 =	vld.idx.msk [tilespmem:v3+s2+$0x1200 ss:$0x1], $0xffff;
	v12 =	vmul.f32 $3.200000000e+01, v12  }
0x19d: {  	[tilespmem:v3+s0+$0x260 ss:$0x1] =	vst.idx.msk $0xffff, v10;
	v18 =	vld.idx.msk [tilespmem:v3+s2+$0x1600 ss:$0x1], $0xffff;
	v13 =	vmul.f32 $3.200000000e+01, v13  }
0x19e: {  	v19 =	vld.idx.msk [tilespmem:v3+s2+$0x1A00 ss:$0x1], $0xffff;
	[tilespmem:v3+s2+$0x1E00 ss:$0x1] =	vst.idx.msk $0xffff, v12  }
0x19f: {  	v29 =	vld.idx.msk [tilespmem:v3+s0+$0x1E70 ss:$0x1], $0xffff;
	v27 =	vmul.f32 $3.200000000e+01, v14;
	[tilespmem:v3+s2+$0x200 ss:$0x1] =	vst.idx.msk $0xffff, v13  }
0x1a0: {  	[tilespmem:v3+s0+$0x660 ss:$0x1] =	vst.idx.msk $0xffff, v11;
	v15 =	vmul.f32 $3.200000000e+01, v15;
	v13 =	vld.idx.msk [tilespmem:v3+s2+$0x1E10 ss:$0x1], $0xffff  }
0x1a1: {  	v16 =	vmul.f32 $3.200000000e+01, v16;
	v28 =	vld.idx.msk [tilespmem:v3+s2+$0x210 ss:$0x1], $0xffff;
	[tilespmem:v3+s2+$0x600 ss:$0x1] =	vst.idx.msk $0xffff, v27  }
0x1a2: {  	v17 =	vmul.f32 $3.200000000e+01, v17;
	v12 =	vld.idx.msk [tilespmem:v3+s2+$0x610 ss:$0x1], $0xffff;
	[tilespmem:v3+s2+$0xA00 ss:$0x1] =	vst.idx.msk $0xffff, v15  }
0x1a3: {  	v18 =	vmul.f32 $3.200000000e+01, v18;
	v15 =	vld.idx.msk [tilespmem:v3+s2+$0xA10 ss:$0x1], $0xffff;
	[tilespmem:v3+s2+$0xE00 ss:$0x1] =	vst.idx.msk $0xffff, v16  }
0x1a4: {  	v19 =	vmul.f32 $3.200000000e+01, v19;
	v16 =	vld.idx.msk [tilespmem:v3+s2+$0xE10 ss:$0x1], $0xffff;
	[tilespmem:v3+s2+$0x1200 ss:$0x1] =	vst.idx.msk $0xffff, v17  }
0x1a5: {  	v17 =	vld.idx.msk [tilespmem:v3+s2+$0x1210 ss:$0x1], $0xffff;
	[tilespmem:v3+s2+$0x1600 ss:$0x1] =	vst.idx.msk $0xffff, v18;
	v13 =	vmul.f32 $3.200000000e+01, v13  }
0x1a6: {  	v18 =	vld.idx.msk [tilespmem:v3+s2+$0x1610 ss:$0x1], $0xffff;
	[tilespmem:v3+s2+$0x1A00 ss:$0x1] =	vst.idx.msk $0xffff, v19;
	v14 =	vmul.f32 $3.200000000e+01, v28  }
0x1a7: {  	v9 =	vmul.f32 $3.200000000e+01, v9;
	v19 =	vld.idx.msk [tilespmem:v3+s2+$0x1A10 ss:$0x1], $0xffff;
	[tilespmem:v3+s2+$0x1E10 ss:$0x1] =	vst.idx.msk $0xffff, v13  }
0x1a8: {  	v12 =	vmul.f32 $3.200000000e+01, v12;
	[tilespmem:v3+s2+$0x210 ss:$0x1] =	vst.idx.msk $0xffff, v14  }
0x1a9: {  	[tilespmem:v3+s0+$0xA60 ss:$0x1] =	vst.idx.msk $0xffff, v9;
	v15 =	vmul.f32 $3.200000000e+01, v15;
	v13 =	vld.idx.msk [tilespmem:v3+s2+$0x1E20 ss:$0x1], $0xffff  }
0x1aa: {  	v16 =	vmul.f32 $3.200000000e+01, v16;
	v14 =	vld.idx.msk [tilespmem:v3+s2+$0x220 ss:$0x1], $0xffff;
	[tilespmem:v3+s2+$0x610 ss:$0x1] =	vst.idx.msk $0xffff, v12  }
0x1ab: {  	v17 =	vmul.f32 $3.200000000e+01, v17;
	v12 =	vld.idx.msk [tilespmem:v3+s2+$0x620 ss:$0x1], $0xffff;
	[tilespmem:v3+s2+$0xA10 ss:$0x1] =	vst.idx.msk $0xffff, v15  }
0x1ac: {  	v18 =	vmul.f32 $3.200000000e+01, v18;
	v15 =	vld.idx.msk [tilespmem:v3+s2+$0xA20 ss:$0x1], $0xffff;
	[tilespmem:v3+s2+$0xE10 ss:$0x1] =	vst.idx.msk $0xffff, v16  }
0x1ad: {  	v19 =	vmul.f32 $3.200000000e+01, v19;
	v16 =	vld.idx.msk [tilespmem:v3+s2+$0xE20 ss:$0x1], $0xffff;
	[tilespmem:v3+s2+$0x1210 ss:$0x1] =	vst.idx.msk $0xffff, v17  }
0x1ae: {  	v17 =	vld.idx.msk [tilespmem:v3+s2+$0x1220 ss:$0x1], $0xffff;
	[tilespmem:v3+s2+$0x1610 ss:$0x1] =	vst.idx.msk $0xffff, v18;
	v13 =	vmul.f32 $3.200000000e+01, v13  }
0x1af: {  	v18 =	vld.idx.msk [tilespmem:v3+s2+$0x1620 ss:$0x1], $0xffff;
	[tilespmem:v3+s2+$0x1A10 ss:$0x1] =	vst.idx.msk $0xffff, v19;
	v14 =	vmul.f32 $3.200000000e+01, v14  }
0x1b0: {  	v8 =	vmul.f32 $3.200000000e+01, v8;
	v19 =	vld.idx.msk [tilespmem:v3+s2+$0x1A20 ss:$0x1], $0xffff;
	[tilespmem:v3+s2+$0x1E20 ss:$0x1] =	vst.idx.msk $0xffff, v13  }
0x1b1: {  	v12 =	vmul.f32 $3.200000000e+01, v12;
	[tilespmem:v3+s2+$0x220 ss:$0x1] =	vst.idx.msk $0xffff, v14  }
0x1b2: {  	[tilespmem:v3+s0+$0xE60 ss:$0x1] =	vst.idx.msk $0xffff, v8;
	v15 =	vmul.f32 $3.200000000e+01, v15;
	v13 =	vld.idx.msk [tilespmem:v3+s2+$0x1E30 ss:$0x1], $0xffff  }
0x1b3: {  	v16 =	vmul.f32 $3.200000000e+01, v16;
	v14 =	vld.idx.msk [tilespmem:v3+s2+$0x230 ss:$0x1], $0xffff;
	[tilespmem:v3+s2+$0x620 ss:$0x1] =	vst.idx.msk $0xffff, v12  }
0x1b4: {  	v17 =	vmul.f32 $3.200000000e+01, v17;
	v12 =	vld.idx.msk [tilespmem:v3+s2+$0x630 ss:$0x1], $0xffff;
	[tilespmem:v3+s2+$0xA20 ss:$0x1] =	vst.idx.msk $0xffff, v15  }
0x1b5: {  	v18 =	vmul.f32 $3.200000000e+01, v18;
	v15 =	vld.idx.msk [tilespmem:v3+s2+$0xA30 ss:$0x1], $0xffff;
	[tilespmem:v3+s2+$0xE20 ss:$0x1] =	vst.idx.msk $0xffff, v16  }
0x1b6: {  	v19 =	vmul.f32 $3.200000000e+01, v19;
	v16 =	vld.idx.msk [tilespmem:v3+s2+$0xE30 ss:$0x1], $0xffff;
	[tilespmem:v3+s2+$0x1220 ss:$0x1] =	vst.idx.msk $0xffff, v17  }
0x1b7: {  	v17 =	vld.idx.msk [tilespmem:v3+s2+$0x1230 ss:$0x1], $0xffff;
	[tilespmem:v3+s2+$0x1620 ss:$0x1] =	vst.idx.msk $0xffff, v18;
	v13 =	vmul.f32 $3.200000000e+01, v13  }
0x1b8: {  	v18 =	vld.idx.msk [tilespmem:v3+s2+$0x1630 ss:$0x1], $0xffff;
	[tilespmem:v3+s2+$0x1A20 ss:$0x1] =	vst.idx.msk $0xffff, v19;
	v14 =	vmul.f32 $3.200000000e+01, v14  }
0x1b9: {  	v7 =	vmul.f32 $3.200000000e+01, v7;
	v19 =	vld.idx.msk [tilespmem:v3+s2+$0x1A30 ss:$0x1], $0xffff;
	[tilespmem:v3+s2+$0x1E30 ss:$0x1] =	vst.idx.msk $0xffff, v13  }
0x1ba: {  	v12 =	vmul.f32 $3.200000000e+01, v12;
	[tilespmem:v3+s2+$0x230 ss:$0x1] =	vst.idx.msk $0xffff, v14  }
0x1bb: {  	[tilespmem:v3+s0+$0x1260 ss:$0x1] =	vst.idx.msk $0xffff, v7;
	v15 =	vmul.f32 $3.200000000e+01, v15;
	v13 =	vld.idx.msk [tilespmem:v3+s2+$0x1E40 ss:$0x1], $0xffff  }
0x1bc: {  	v16 =	vmul.f32 $3.200000000e+01, v16;
	v14 =	vld.idx.msk [tilespmem:v3+s2+$0x240 ss:$0x1], $0xffff;
	[tilespmem:v3+s2+$0x630 ss:$0x1] =	vst.idx.msk $0xffff, v12  }
0x1bd: {  	v17 =	vmul.f32 $3.200000000e+01, v17;
	v12 =	vld.idx.msk [tilespmem:v3+s2+$0x640 ss:$0x1], $0xffff;
	[tilespmem:v3+s2+$0xA30 ss:$0x1] =	vst.idx.msk $0xffff, v15  }
0x1be: {  	v18 =	vmul.f32 $3.200000000e+01, v18;
	v15 =	vld.idx.msk [tilespmem:v3+s2+$0xA40 ss:$0x1], $0xffff;
	[tilespmem:v3+s2+$0xE30 ss:$0x1] =	vst.idx.msk $0xffff, v16  }
0x1bf: {  	v19 =	vmul.f32 $3.200000000e+01, v19;
	v16 =	vld.idx.msk [tilespmem:v3+s2+$0xE40 ss:$0x1], $0xffff;
	[tilespmem:v3+s2+$0x1230 ss:$0x1] =	vst.idx.msk $0xffff, v17  }
0x1c0: {  	v17 =	vld.idx.msk [tilespmem:v3+s2+$0x1240 ss:$0x1], $0xffff;
	[tilespmem:v3+s2+$0x1630 ss:$0x1] =	vst.idx.msk $0xffff, v18;
	v13 =	vmul.f32 $3.200000000e+01, v13  }
0x1c1: {  	v18 =	vld.idx.msk [tilespmem:v3+s2+$0x1640 ss:$0x1], $0xffff;
	[tilespmem:v3+s2+$0x1A30 ss:$0x1] =	vst.idx.msk $0xffff, v19;
	v14 =	vmul.f32 $3.200000000e+01, v14  }
0x1c2: {  	v5 =	vmul.f32 $3.200000000e+01, v5;
	v19 =	vld.idx.msk [tilespmem:v3+s2+$0x1A40 ss:$0x1], $0xffff;
	[tilespmem:v3+s2+$0x1E40 ss:$0x1] =	vst.idx.msk $0xffff, v13  }
0x1c3: {  	v12 =	vmul.f32 $3.200000000e+01, v12;
	[tilespmem:v3+s2+$0x240 ss:$0x1] =	vst.idx.msk $0xffff, v14  }
0x1c4: {  	[tilespmem:v3+s0+$0x1660 ss:$0x1] =	vst.idx.msk $0xffff, v5;
	v15 =	vmul.f32 $3.200000000e+01, v15;
	v13 =	vld.idx.msk [tilespmem:v3+s2+$0x1E50 ss:$0x1], $0xffff  }
0x1c5: {  	v16 =	vmul.f32 $3.200000000e+01, v16;
	v14 =	vld.idx.msk [tilespmem:v3+s2+$0x250 ss:$0x1], $0xffff;
	[tilespmem:v3+s2+$0x640 ss:$0x1] =	vst.idx.msk $0xffff, v12  }
0x1c6: {  	v17 =	vmul.f32 $3.200000000e+01, v17;
	v12 =	vld.idx.msk [tilespmem:v3+s2+$0x650 ss:$0x1], $0xffff;
	[tilespmem:v3+s2+$0xA40 ss:$0x1] =	vst.idx.msk $0xffff, v15  }
0x1c7: {  	v18 =	vmul.f32 $3.200000000e+01, v18;
	v15 =	vld.idx.msk [tilespmem:v3+s2+$0xA50 ss:$0x1], $0xffff;
	[tilespmem:v3+s2+$0xE40 ss:$0x1] =	vst.idx.msk $0xffff, v16  }
0x1c8: {  	v19 =	vmul.f32 $3.200000000e+01, v19;
	v16 =	vld.idx.msk [tilespmem:v3+s2+$0xE50 ss:$0x1], $0xffff;
	[tilespmem:v3+s2+$0x1240 ss:$0x1] =	vst.idx.msk $0xffff, v17  }
0x1c9: {  	v17 =	vld.idx.msk [tilespmem:v3+s2+$0x1250 ss:$0x1], $0xffff;
	[tilespmem:v3+s2+$0x1640 ss:$0x1] =	vst.idx.msk $0xffff, v18;
	v13 =	vmul.f32 $3.200000000e+01, v13  }
0x1ca: {  	v18 =	vld.idx.msk [tilespmem:v3+s2+$0x1650 ss:$0x1], $0xffff;
	[tilespmem:v3+s2+$0x1A40 ss:$0x1] =	vst.idx.msk $0xffff, v19;
	v14 =	vmul.f32 $3.200000000e+01, v14  }
0x1cb: {  	v6 =	vmul.f32 $3.200000000e+01, v6;
	v19 =	vld.idx.msk [tilespmem:v3+s2+$0x1A50 ss:$0x1], $0xffff;
	[tilespmem:v3+s2+$0x1E50 ss:$0x1] =	vst.idx.msk $0xffff, v13  }
0x1cc: {  	v12 =	vmul.f32 $3.200000000e+01, v12;
	[tilespmem:v3+s2+$0x250 ss:$0x1] =	vst.idx.msk $0xffff, v14  }
0x1cd: {  	[tilespmem:v3+s0+$0x1A60 ss:$0x1] =	vst.idx.msk $0xffff, v6;
	v30 =	vmul.f32 $3.200000000e+01, v15;
	v13 =	vld.idx.msk [tilespmem:v3+s2+$0x1E60 ss:$0x1], $0xffff  }
0x1ce: {  	v31 =	vmul.f32 $3.200000000e+01, v16;
	v10 =	vld.idx.msk [tilespmem:v3+s2+$0x260 ss:$0x1], $0xffff;
	[tilespmem:v3+s2+$0x650 ss:$0x1] =	vst.idx.msk $0xffff, v12  }
0x1cf: {  	v32 =	vmul.f32 $3.200000000e+01, v17;
	v11 =	vld.idx.msk [tilespmem:v3+s2+$0x660 ss:$0x1], $0xffff;
	[tilespmem:v3+s2+$0xA50 ss:$0x1] =	vst.idx.msk $0xffff, v30  }
0x1d0: {  	v33 =	vmul.f32 $3.200000000e+01, v18;
	v9 =	vld.idx.msk [tilespmem:v3+s2+$0xA60 ss:$0x1], $0xffff;
	[tilespmem:v3+s2+$0xE50 ss:$0x1] =	vst.idx.msk $0xffff, v31  }
0x1d1: {  	v34 =	vmul.f32 $3.200000000e+01, v19;
	v8 =	vld.idx.msk [tilespmem:v3+s2+$0xE60 ss:$0x1], $0xffff;
	[tilespmem:v3+s2+$0x1250 ss:$0x1] =	vst.idx.msk $0xffff, v32  }
0x1d2: {  	v7 =	vld.idx.msk [tilespmem:v3+s2+$0x1260 ss:$0x1], $0xffff;
	[tilespmem:v3+s2+$0x1650 ss:$0x1] =	vst.idx.msk $0xffff, v33;
	v13 =	vmul.f32 $3.200000000e+01, v13  }
0x1d3: {  	v5 =	vld.idx.msk [tilespmem:v3+s2+$0x1660 ss:$0x1], $0xffff;
	[tilespmem:v3+s2+$0x1A50 ss:$0x1] =	vst.idx.msk $0xffff, v34;
	v6 =	vmul.f32 $3.200000000e+01, v10  }
0x1d4: {  	v12 =	vmul.f32 $3.200000000e+01, v29;
	v10 =	vld.idx.msk [tilespmem:v3+s2+$0x1A60 ss:$0x1], $0xffff;
	[tilespmem:v3+s2+$0x1E60 ss:$0x1] =	vst.idx.msk $0xffff, v13  }
0x1d5: {  	v11 =	vmul.f32 $3.200000000e+01, v11;
	[tilespmem:v3+s2+$0x260 ss:$0x1] =	vst.idx.msk $0xffff, v6  }
0x1d6: {  	[tilespmem:v3+s0+$0x1E70 ss:$0x1] =	vst.idx.msk $0xffff, v12;
	v6 =	vmul.f32 $3.200000000e+01, v9;
	v9 =	vld.idx.msk [tilespmem:v3+s2+$0x1E70 ss:$0x1], $0xffff  }
0x1d7: {  	v8 =	vmul.f32 $3.200000000e+01, v8;
	[tilespmem:v3+s2+$0x660 ss:$0x1] =	vst.idx.msk $0xffff, v11  }
0x1d8: {  	[tilespmem:v3+s2+$0xA60 ss:$0x1] =	vst.idx.msk $0xffff, v6;
	v6 =	vmul.f32 $3.200000000e+01, v7  }
0x1d9: {  	v5 =	vmul.f32 $3.200000000e+01, v5;
	[tilespmem:v3+s2+$0xE60 ss:$0x1] =	vst.idx.msk $0xffff, v8  }
0x1da: {  	[tilespmem:v3+s2+$0x1260 ss:$0x1] =	vst.idx.msk $0xffff, v6;
	v6 =	vmul.f32 $3.200000000e+01, v10  }
0x1db: {  	[tilespmem:v3+s2+$0x1660 ss:$0x1] =	vst.idx.msk $0xffff, v5;
	v5 =	vmul.f32 $3.200000000e+01, v9  }
0x1dc: {  	[tilespmem:v3+s2+$0x1A60 ss:$0x1] =	vst.idx.msk $0xffff, v6  }
0x1dd: {  	v6 =	vld.idx.msk [tilespmem:v3+s0+$0x270 ss:$0x1], $0xffff;
	[tilespmem:v3+s2+$0x1E70 ss:$0x1] =	vst.idx.msk $0xffff, v5  }
0x1de: {  	v5 =	vld.idx.msk [tilespmem:v3+s2+$0x270 ss:$0x1], $0xffff;
	_ =	sdelay $0x3  }
0x1df: {  	v6 =	vmul.f32 $3.200000000e+01, v6  }
0x1e0: {  	v5 =	vmul.f32 $3.200000000e+01, v5  }
0x1e1: {  	[tilespmem:v3+s0+$0x270 ss:$0x1] =	vst.idx.msk $0xffff, v6  }
0x1e2: {  	v6 =	vld.idx.msk [tilespmem:v3+s0+$0x670 ss:$0x1], $0xffff;
	[tilespmem:v3+s2+$0x270 ss:$0x1] =	vst.idx.msk $0xffff, v5  }
0x1e3: {  	v5 =	vld.idx.msk [tilespmem:v3+s2+$0x670 ss:$0x1], $0xffff;
	_ =	sdelay $0x3  }
0x1e4: {  	v6 =	vmul.f32 $3.200000000e+01, v6  }
0x1e5: {  	v5 =	vmul.f32 $3.200000000e+01, v5  }
0x1e6: {  	[tilespmem:v3+s0+$0x670 ss:$0x1] =	vst.idx.msk $0xffff, v6  }
0x1e7: {  	v6 =	vld.idx.msk [tilespmem:v3+s0+$0xA70 ss:$0x1], $0xffff;
	[tilespmem:v3+s2+$0x670 ss:$0x1] =	vst.idx.msk $0xffff, v5  }
0x1e8: {  	v5 =	vld.idx.msk [tilespmem:v3+s2+$0xA70 ss:$0x1], $0xffff;
	_ =	sdelay $0x3  }
0x1e9: {  	v6 =	vmul.f32 $3.200000000e+01, v6  }
0x1ea: {  	v5 =	vmul.f32 $3.200000000e+01, v5  }
0x1eb: {  	[tilespmem:v3+s0+$0xA70 ss:$0x1] =	vst.idx.msk $0xffff, v6  }
0x1ec: {  	v6 =	vld.idx.msk [tilespmem:v3+s0+$0xE70 ss:$0x1], $0xffff;
	[tilespmem:v3+s2+$0xA70 ss:$0x1] =	vst.idx.msk $0xffff, v5  }
0x1ed: {  	v5 =	vld.idx.msk [tilespmem:v3+s2+$0xE70 ss:$0x1], $0xffff;
	_ =	sdelay $0x3  }
0x1ee: {  	v6 =	vmul.f32 $3.200000000e+01, v6  }
0x1ef: {  	v5 =	vmul.f32 $3.200000000e+01, v5  }
0x1f0: {  	[tilespmem:v3+s0+$0xE70 ss:$0x1] =	vst.idx.msk $0xffff, v6  }
0x1f1: {  	v6 =	vld.idx.msk [tilespmem:v3+s0+$0x1270 ss:$0x1], $0xffff;
	[tilespmem:v3+s2+$0xE70 ss:$0x1] =	vst.idx.msk $0xffff, v5  }
0x1f2: {  	v5 =	vld.idx.msk [tilespmem:v3+s2+$0x1270 ss:$0x1], $0xffff;
	_ =	sdelay $0x3  }
0x1f3: {  	v6 =	vmul.f32 $3.200000000e+01, v6  }
0x1f4: {  	v5 =	vmul.f32 $3.200000000e+01, v5  }
0x1f5: {  	[tilespmem:v3+s0+$0x1270 ss:$0x1] =	vst.idx.msk $0xffff, v6  }
0x1f6: {  	v6 =	vld.idx.msk [tilespmem:v3+s0+$0x1670 ss:$0x1], $0xffff;
	[tilespmem:v3+s2+$0x1270 ss:$0x1] =	vst.idx.msk $0xffff, v5  }
0x1f7: {  	v5 =	vld.idx.msk [tilespmem:v3+s2+$0x1670 ss:$0x1], $0xffff;
	_ =	sdelay $0x3  }
0x1f8: {  	v6 =	vmul.f32 $3.200000000e+01, v6  }
0x1f9: {  	v5 =	vmul.f32 $3.200000000e+01, v5  }
0x1fa: {  	[tilespmem:v3+s0+$0x1670 ss:$0x1] =	vst.idx.msk $0xffff, v6  }
0x1fb: {  	v6 =	vld.idx.msk [tilespmem:v3+s0+$0x1A70 ss:$0x1], $0xffff;
	[tilespmem:v3+s2+$0x1670 ss:$0x1] =	vst.idx.msk $0xffff, v5  }
0x1fc: {  	v5 =	vld.idx.msk [tilespmem:v3+s2+$0x1A70 ss:$0x1], $0xffff;
	_ =	sdelay $0x2  }
0x1fd: {  	s10 =	sadd.s32 @!p0 $0x7, s28;
	v4 =	vmul.f32 $3.200000000e+01, v4  }
0x1fe: {  	s13 =	smulhi.u32 @!p0 $0x92492493, s10;
	v6 =	vmul.f32 $3.200000000e+01, v6  }
0x1ff: {  	s14 =	sshll.u32 s26, $0xC;
	[tilespmem:v3+s31+$0x1A70 ss:$0x1] =	vst.idx.msk $0xffff, v4;
	v4 =	vmul.f32 $3.200000000e+01, v5  }
0x200: {  	s14 =	sadd.s32 s14, s8;
	s13 =	sshrl.u32 @!p0 s13, $0x2;
	[tilespmem:v3+s0+$0x1A70 ss:$0x1] =	vst.idx.msk $0xffff, v6  }
0x201: {  	s13 =	smul.u32 @!p0 $0x7, s13;
	s0 =	sadd.s32 $0x200, s30;
	[tilespmem:v3+s2+$0x1A70 ss:$0x1] =	vst.idx.msk $0xffff, v4;
	s2 =	sadd.s32 $0x8, s29  }
0x202: {  	[hbm4b:s14+s3] =	stream.linear.scatter [tilespmem:s0], [sflag:s2], $0x4000, $0x38;
	[tilespmem:$0x1C200] =	vst v63  }
0x203: {  	s0 =	ssub.s32 @!p0 s10, s13  }
0x204: {  	s2 =	sor.u32 @!p0 $0x8, s0  }
0x205: {  	_ =	swait.ge @!p0 [sflag:s2], $0x4000  }
0x206: {  	s10 =	sshll.u32 @!p0 s10, $0x4;
	[sflag:s2] =	ssyncset.done @!p0 $0x0  }
0x207: {  	[sflag:s2] =	ssyncadd.s32 @!p0 $0xFFFFC000;
	s2 =	sand.u32 @!p0 $0x3FFFFFF0, s10  }
0x208: {  	v3 =	vld @!p0 [tilespmem:s2+$0x0];
	_ =	sdelay $0x4  }
0x209: {  	v4 =	vshll.u32 @!p0 v3, $0x3  }
0x20a: {  	v5 =	vlaneseq.u32 @!p0;
	v3 =	vand.u32 @!p0 $0x7, v3;
	v4 =	vand.u32 @!p0 $0xFFFFFFC0, v4  }
0x20b: {  	v6 =	vshrl.u32 @!p0 v5, $0x3;
	v3 =	vor.u32 @!p0 v3, v4;
	v4 =	vand.u32 @!p0 $0x7, v5  }
0x20c: {  	v6 =	vmul.u32 @!p0 $0x8, v6;
	v4 =	vperm.xlane @!p0 v3, v4;
	_ =	sdelay $0x1  }
0x20d: {  	v4 =	vadd.s32 @!p0 v6, v4;
	_ =	sdelay $0x2  }
0x20e: {  	s2 =	sshll.u32 @!p0 s0, $0xE  }
0x20f: {  	s13 =	simm.s32 @!p0 $0x0;
	s0 =	sadd.s32 @!p0 $0x1, s0;
	s10 =	sor.u32 @!p0 $0x200, s2  }
0x210: {  	v5 =	vor.u32 @!p0 $0x8, v5;
	[tilespmem:s10], [sflag:s0] =	stream.indirect_vreg.gather @!p0 [hbm4b:s1+s13], $0x80, v4, vm1, $0xb8;
	[tilespmem:$0x1C200] =	vst v63  }
0x211: {  	v3 =	vperm.xlane @!p0 v3, v5;
	s10 =	sor.u32 @!p0 $0xA00, s2  }
0x212: {  	[tilespmem:s10], [sflag:s0] =	stream.indirect_vreg.gather @!p0 [hbm4b:s5+s13], $0x80, v4, vm1, $0xb8;
	[tilespmem:$0x1C200] =	vst v63  }
0x213: {  	s28 =	sor.u32 $0x1, s28;
	v3 =	vadd.s32 @!p0 v6, v3;
	s10 =	sor.u32 @!p0 $0x1200, s2  }
0x214: {  	[tilespmem:s10], [sflag:s0] =	stream.indirect_vreg.gather @!p0 [hbm4b:s6+s13], $0x80, v4, vm1, $0xb8;
	[tilespmem:$0x1C200] =	vst v63  }
0x215: {  	s14 =	sor.u32 @!p0 $0x1A00, s2;
	s10 =	smulhi.u32 $0x92492493, s28  }
0x216: {  	[tilespmem:s14], [sflag:s0] =	stream.indirect_vreg.gather @!p0 [hbm4b:s7+s13], $0x80, v4, vm1, $0xb8;
	[tilespmem:$0x1C200] =	vst v63  }
0x217: {  	s10 =	sshrl.u32 s10, $0x2;
	s14 =	sor.u32 @!p0 $0x2200, s2  }
0x218: {  	[tilespmem:s14], [sflag:s0] =	stream.indirect_vreg.gather @!p0 [hbm4b:s1+s13], $0x80, v3, vm1, $0xb8;
	[tilespmem:$0x1C200] =	vst v63  }
0x219: {  	s10 =	smul.u32 $0x7, s10;
	s14 =	sor.u32 @!p0 $0x2A00, s2  }
0x21a: {  	[tilespmem:s14], [sflag:s0] =	stream.indirect_vreg.gather @!p0 [hbm4b:s5+s13], $0x80, v3, vm1, $0xb8;
	[tilespmem:$0x1C200] =	vst v63  }
0x21b: {  	s29 =	ssub.s32 s28, s10;
	s10 =	sor.u32 @!p0 $0x3200, s2  }
0x21c: {  	[tilespmem:s10], [sflag:s0] =	stream.indirect_vreg.gather @!p0 [hbm4b:s6+s13], $0x80, v3, vm1, $0xb8;
	[tilespmem:$0x1C200] =	vst v63  }
0x21d: {  	s2 =	sor.u32 @!p0 $0x3A00, s2;
	s30 =	sshll.u32 s29, $0xE  }
0x21e: {  	[tilespmem:s2], [sflag:s0] =	stream.indirect_vreg.gather @!p0 [hbm4b:s7+s13], $0x80, v3, vm1, $0xb8;
	v3 =	vmov s30;
	[tilespmem:$0x1C200] =	vst v63  }
0x21f: {  	s10 =	sadd.s32 $0x1, s29  }
0x220: {  	s13 =	simm.s32 $0x0;
	_ =	swait.ge [sflag:s10], $0x4000  }
0x221: {  	s14 =	sand.u32 $0x2000, s13;
	s2 =	sand.u32 $0x380, s13;
	[sflag:s10] =	ssyncset.done $0x0  }
0x222: {  	s31 =	sor.u32 s2, s14;
	[sflag:s10] =	ssyncadd.s32 $0xFFFFC000  }
0x223: {  	v4 =	vld.idx.msk [tilespmem:v3+s31+$0x1E00 ss:$0x1], $0xffff  }
0x224: {  	v5 =	vld.idx.msk [tilespmem:v3+s31+$0x200 ss:$0x1], $0xffff  }
0x225: {  	v6 =	vld.idx.msk [tilespmem:v3+s31+$0x600 ss:$0x1], $0xffff  }
0x226: {  	v7 =	vld.idx.msk [tilespmem:v3+s31+$0xA00 ss:$0x1], $0xffff  }
0x227: {  	v8 =	vld.idx.msk [tilespmem:v3+s31+$0xE00 ss:$0x1], $0xffff  }
0x228: {  	s13 =	simm.s32 $0x80;
	s10 =	simm.s32 $0x400;
	v9 =	vld.idx.msk [tilespmem:v3+s31+$0x1200 ss:$0x1], $0xffff  }
0x229: {  	s2 =	sand.u32 $0x380, s13;
	s0 =	sand.u32 $0x2000, s10;
	v10 =	vld.idx.msk [tilespmem:v3+s31+$0x1600 ss:$0x1], $0xffff  }
0x22a: {  	v11 =	vld.idx.msk [tilespmem:v3+s31+$0x1A00 ss:$0x1], $0xffff;
	s0 =	sor.u32 s2, s0;
	v4 =	vmul.f32 $3.200000000e+01, v4  }
0x22b: {  	v35 =	vld.idx.msk [tilespmem:v3+s0+$0x1E00 ss:$0x1], $0xffff;
	v5 =	vmul.f32 $3.200000000e+01, v5  }
0x22c: {  	v36 =	vld.idx.msk [tilespmem:v3+s0+$0x200 ss:$0x1], $0xffff;
	[tilespmem:v3+s31+$0x1E00 ss:$0x1] =	vst.idx.msk $0xffff, v4  }
0x22d: {  	v37 =	vld.idx.msk [tilespmem:v3+s0+$0x600 ss:$0x1], $0xffff;
	v4 =	vmul.f32 $3.200000000e+01, v6;
	[tilespmem:v3+s31+$0x200 ss:$0x1] =	vst.idx.msk $0xffff, v5  }
0x22e: {  	v7 =	vmul.f32 $3.200000000e+01, v7;
	v5 =	vld.idx.msk [tilespmem:v3+s31+$0x1E10 ss:$0x1], $0xffff  }
0x22f: {  	v8 =	vmul.f32 $3.200000000e+01, v8;
	v6 =	vld.idx.msk [tilespmem:v3+s31+$0x210 ss:$0x1], $0xffff;
	[tilespmem:v3+s31+$0x600 ss:$0x1] =	vst.idx.msk $0xffff, v4  }
0x230: {  	v9 =	vmul.f32 $3.200000000e+01, v9;
	v4 =	vld.idx.msk [tilespmem:v3+s31+$0x610 ss:$0x1], $0xffff;
	[tilespmem:v3+s31+$0xA00 ss:$0x1] =	vst.idx.msk $0xffff, v7  }
0x231: {  	v10 =	vmul.f32 $3.200000000e+01, v10;
	v7 =	vld.idx.msk [tilespmem:v3+s31+$0xA10 ss:$0x1], $0xffff;
	[tilespmem:v3+s31+$0xE00 ss:$0x1] =	vst.idx.msk $0xffff, v8  }
0x232: {  	v11 =	vmul.f32 $3.200000000e+01, v11;
	v8 =	vld.idx.msk [tilespmem:v3+s31+$0xE10 ss:$0x1], $0xffff;
	[tilespmem:v3+s31+$0x1200 ss:$0x1] =	vst.idx.msk $0xffff, v9  }
0x233: {  	v9 =	vld.idx.msk [tilespmem:v3+s31+$0x1210 ss:$0x1], $0xffff;
	[tilespmem:v3+s31+$0x1600 ss:$0x1] =	vst.idx.msk $0xffff, v10;
	v5 =	vmul.f32 $3.200000000e+01, v5  }
0x234: {  	v10 =	vld.idx.msk [tilespmem:v3+s31+$0x1610 ss:$0x1], $0xffff;
	[tilespmem:v3+s31+$0x1A00 ss:$0x1] =	vst.idx.msk $0xffff, v11;
	v6 =	vmul.f32 $3.200000000e+01, v6  }
0x235: {  	v11 =	vld.idx.msk [tilespmem:v3+s31+$0x1A10 ss:$0x1], $0xffff;
	[tilespmem:v3+s31+$0x1E10 ss:$0x1] =	vst.idx.msk $0xffff, v5  }
0x236: {  	v38 =	vld.idx.msk [tilespmem:v3+s0+$0xA00 ss:$0x1], $0xffff;
	v4 =	vmul.f32 $3.200000000e+01, v4;
	[tilespmem:v3+s31+$0x210 ss:$0x1] =	vst.idx.msk $0xffff, v6  }
0x237: {  	v7 =	vmul.f32 $3.200000000e+01, v7;
	v5 =	vld.idx.msk [tilespmem:v3+s31+$0x1E20 ss:$0x1], $0xffff  }
0x238: {  	v8 =	vmul.f32 $3.200000000e+01, v8;
	v6 =	vld.idx.msk [tilespmem:v3+s31+$0x220 ss:$0x1], $0xffff;
	[tilespmem:v3+s31+$0x610 ss:$0x1] =	vst.idx.msk $0xffff, v4  }
0x239: {  	v9 =	vmul.f32 $3.200000000e+01, v9;
	v4 =	vld.idx.msk [tilespmem:v3+s31+$0x620 ss:$0x1], $0xffff;
	[tilespmem:v3+s31+$0xA10 ss:$0x1] =	vst.idx.msk $0xffff, v7  }
0x23a: {  	v10 =	vmul.f32 $3.200000000e+01, v10;
	v7 =	vld.idx.msk [tilespmem:v3+s31+$0xA20 ss:$0x1], $0xffff;
	[tilespmem:v3+s31+$0xE10 ss:$0x1] =	vst.idx.msk $0xffff, v8  }
0x23b: {  	v11 =	vmul.f32 $3.200000000e+01, v11;
	v8 =	vld.idx.msk [tilespmem:v3+s31+$0xE20 ss:$0x1], $0xffff;
	[tilespmem:v3+s31+$0x1210 ss:$0x1] =	vst.idx.msk $0xffff, v9  }
0x23c: {  	v9 =	vld.idx.msk [tilespmem:v3+s31+$0x1220 ss:$0x1], $0xffff;
	[tilespmem:v3+s31+$0x1610 ss:$0x1] =	vst.idx.msk $0xffff, v10;
	v5 =	vmul.f32 $3.200000000e+01, v5  }
0x23d: {  	v10 =	vld.idx.msk [tilespmem:v3+s31+$0x1620 ss:$0x1], $0xffff;
	[tilespmem:v3+s31+$0x1A10 ss:$0x1] =	vst.idx.msk $0xffff, v11;
	v6 =	vmul.f32 $3.200000000e+01, v6  }
0x23e: {  	v11 =	vld.idx.msk [tilespmem:v3+s31+$0x1A20 ss:$0x1], $0xffff;
	[tilespmem:v3+s31+$0x1E20 ss:$0x1] =	vst.idx.msk $0xffff, v5  }
0x23f: {  	v39 =	vld.idx.msk [tilespmem:v3+s0+$0xE00 ss:$0x1], $0xffff;
	v4 =	vmul.f32 $3.200000000e+01, v4;
	[tilespmem:v3+s31+$0x220 ss:$0x1] =	vst.idx.msk $0xffff, v6  }
0x240: {  	v7 =	vmul.f32 $3.200000000e+01, v7;
	v5 =	vld.idx.msk [tilespmem:v3+s31+$0x1E30 ss:$0x1], $0xffff  }
0x241: {  	v8 =	vmul.f32 $3.200000000e+01, v8;
	v6 =	vld.idx.msk [tilespmem:v3+s31+$0x230 ss:$0x1], $0xffff;
	[tilespmem:v3+s31+$0x620 ss:$0x1] =	vst.idx.msk $0xffff, v4  }
0x242: {  	v9 =	vmul.f32 $3.200000000e+01, v9;
	v4 =	vld.idx.msk [tilespmem:v3+s31+$0x630 ss:$0x1], $0xffff;
	[tilespmem:v3+s31+$0xA20 ss:$0x1] =	vst.idx.msk $0xffff, v7  }
0x243: {  	v10 =	vmul.f32 $3.200000000e+01, v10;
	v7 =	vld.idx.msk [tilespmem:v3+s31+$0xA30 ss:$0x1], $0xffff;
	[tilespmem:v3+s31+$0xE20 ss:$0x1] =	vst.idx.msk $0xffff, v8  }
0x244: {  	v11 =	vmul.f32 $3.200000000e+01, v11;
	v8 =	vld.idx.msk [tilespmem:v3+s31+$0xE30 ss:$0x1], $0xffff;
	[tilespmem:v3+s31+$0x1220 ss:$0x1] =	vst.idx.msk $0xffff, v9  }
0x245: {  	v9 =	vld.idx.msk [tilespmem:v3+s31+$0x1230 ss:$0x1], $0xffff;
	[tilespmem:v3+s31+$0x1620 ss:$0x1] =	vst.idx.msk $0xffff, v10;
	v5 =	vmul.f32 $3.200000000e+01, v5  }
0x246: {  	v10 =	vld.idx.msk [tilespmem:v3+s31+$0x1630 ss:$0x1], $0xffff;
	[tilespmem:v3+s31+$0x1A20 ss:$0x1] =	vst.idx.msk $0xffff, v11;
	v6 =	vmul.f32 $3.200000000e+01, v6  }
0x247: {  	v11 =	vld.idx.msk [tilespmem:v3+s31+$0x1A30 ss:$0x1], $0xffff;
	[tilespmem:v3+s31+$0x1E30 ss:$0x1] =	vst.idx.msk $0xffff, v5  }
0x248: {  	v40 =	vld.idx.msk [tilespmem:v3+s0+$0x1200 ss:$0x1], $0xffff;
	v4 =	vmul.f32 $3.200000000e+01, v4;
	[tilespmem:v3+s31+$0x230 ss:$0x1] =	vst.idx.msk $0xffff, v6  }
0x249: {  	v7 =	vmul.f32 $3.200000000e+01, v7;
	v5 =	vld.idx.msk [tilespmem:v3+s31+$0x1E40 ss:$0x1], $0xffff  }
0x24a: {  	v8 =	vmul.f32 $3.200000000e+01, v8;
	v6 =	vld.idx.msk [tilespmem:v3+s31+$0x240 ss:$0x1], $0xffff;
	[tilespmem:v3+s31+$0x630 ss:$0x1] =	vst.idx.msk $0xffff, v4  }
0x24b: {  	v9 =	vmul.f32 $3.200000000e+01, v9;
	v4 =	vld.idx.msk [tilespmem:v3+s31+$0x640 ss:$0x1], $0xffff;
	[tilespmem:v3+s31+$0xA30 ss:$0x1] =	vst.idx.msk $0xffff, v7  }
0x24c: {  	v10 =	vmul.f32 $3.200000000e+01, v10;
	v7 =	vld.idx.msk [tilespmem:v3+s31+$0xA40 ss:$0x1], $0xffff;
	[tilespmem:v3+s31+$0xE30 ss:$0x1] =	vst.idx.msk $0xffff, v8  }
0x24d: {  	v11 =	vmul.f32 $3.200000000e+01, v11;
	v8 =	vld.idx.msk [tilespmem:v3+s31+$0xE40 ss:$0x1], $0xffff;
	[tilespmem:v3+s31+$0x1230 ss:$0x1] =	vst.idx.msk $0xffff, v9  }
0x24e: {  	v9 =	vld.idx.msk [tilespmem:v3+s31+$0x1240 ss:$0x1], $0xffff;
	[tilespmem:v3+s31+$0x1630 ss:$0x1] =	vst.idx.msk $0xffff, v10;
	v5 =	vmul.f32 $3.200000000e+01, v5  }
0x24f: {  	v10 =	vld.idx.msk [tilespmem:v3+s31+$0x1640 ss:$0x1], $0xffff;
	[tilespmem:v3+s31+$0x1A30 ss:$0x1] =	vst.idx.msk $0xffff, v11;
	v6 =	vmul.f32 $3.200000000e+01, v6  }
0x250: {  	v11 =	vld.idx.msk [tilespmem:v3+s31+$0x1A40 ss:$0x1], $0xffff;
	[tilespmem:v3+s31+$0x1E40 ss:$0x1] =	vst.idx.msk $0xffff, v5  }
0x251: {  	v41 =	vld.idx.msk [tilespmem:v3+s0+$0x1600 ss:$0x1], $0xffff;
	v4 =	vmul.f32 $3.200000000e+01, v4;
	[tilespmem:v3+s31+$0x240 ss:$0x1] =	vst.idx.msk $0xffff, v6  }
0x252: {  	v7 =	vmul.f32 $3.200000000e+01, v7;
	v5 =	vld.idx.msk [tilespmem:v3+s31+$0x1E50 ss:$0x1], $0xffff  }
0x253: {  	v8 =	vmul.f32 $3.200000000e+01, v8;
	v6 =	vld.idx.msk [tilespmem:v3+s31+$0x250 ss:$0x1], $0xffff;
	[tilespmem:v3+s31+$0x640 ss:$0x1] =	vst.idx.msk $0xffff, v4  }
0x254: {  	v12 =	vmul.f32 $3.200000000e+01, v35;
	v4 =	vld.idx.msk [tilespmem:v3+s31+$0x650 ss:$0x1], $0xffff;
	[tilespmem:v3+s31+$0xA40 ss:$0x1] =	vst.idx.msk $0xffff, v7  }
0x255: {  	v7 =	vld.idx.msk [tilespmem:v3+s31+$0xA50 ss:$0x1], $0xffff;
	[tilespmem:v3+s31+$0xE40 ss:$0x1] =	vst.idx.msk $0xffff, v8;
	v8 =	vmul.f32 $3.200000000e+01, v36  }
0x256: {  	v42 =	vld.idx.msk [tilespmem:v3+s0+$0x1A00 ss:$0x1], $0xffff;
	[tilespmem:v3+s0+$0x1E00 ss:$0x1] =	vst.idx.msk $0xffff, v12;
	v9 =	vmul.f32 $3.200000000e+01, v9  }
0x257: {  	v43 =	vld.idx.msk [tilespmem:v3+s31+$0xE50 ss:$0x1], $0xffff;
	[tilespmem:v3+s0+$0x200 ss:$0x1] =	vst.idx.msk $0xffff, v8;
	v8 =	vmul.f32 $3.200000000e+01, v37  }
0x258: {  	v10 =	vmul.f32 $3.200000000e+01, v10;
	[tilespmem:v3+s31+$0x1240 ss:$0x1] =	vst.idx.msk $0xffff, v9;
	v44 =	vld.idx.msk [tilespmem:v3+s0+$0x1E10 ss:$0x1], $0xffff  }
0x259: {  	v15 =	vmul.f32 $3.200000000e+01, v38;
	v9 =	vld.idx.msk [tilespmem:v3+s0+$0x210 ss:$0x1], $0xffff;
	[tilespmem:v3+s0+$0x600 ss:$0x1] =	vst.idx.msk $0xffff, v8  }
0x25a: {  	v11 =	vmul.f32 $3.200000000e+01, v11;
	v8 =	vld.idx.msk [tilespmem:v3+s31+$0x1250 ss:$0x1], $0xffff;
	[tilespmem:v3+s31+$0x1640 ss:$0x1] =	vst.idx.msk $0xffff, v10  }
0x25b: {  	v16 =	vmul.f32 $3.200000000e+01, v39;
	v10 =	vld.idx.msk [tilespmem:v3+s0+$0x610 ss:$0x1], $0xffff;
	[tilespmem:v3+s0+$0xA00 ss:$0x1] =	vst.idx.msk $0xffff, v15  }
0x25c: {  	v5 =	vmul.f32 $3.200000000e+01, v5;
	v45 =	vld.idx.msk [tilespmem:v3+s31+$0x1650 ss:$0x1], $0xffff;
	[tilespmem:v3+s31+$0x1A40 ss:$0x1] =	vst.idx.msk $0xffff, v11  }
0x25d: {  	v17 =	vmul.f32 $3.200000000e+01, v40;
	v11 =	vld.idx.msk [tilespmem:v3+s0+$0xA10 ss:$0x1], $0xffff;
	[tilespmem:v3+s0+$0xE00 ss:$0x1] =	vst.idx.msk $0xffff, v16  }
0x25e: {  	v6 =	vmul.f32 $3.200000000e+01, v6;
	v46 =	vld.idx.msk [tilespmem:v3+s31+$0x1A50 ss:$0x1], $0xffff;
	[tilespmem:v3+s31+$0x1E50 ss:$0x1] =	vst.idx.msk $0xffff, v5  }
0x25f: {  	v18 =	vmul.f32 $3.200000000e+01, v41;
	v5 =	vld.idx.msk [tilespmem:v3+s0+$0xE10 ss:$0x1], $0xffff;
	[tilespmem:v3+s0+$0x1200 ss:$0x1] =	vst.idx.msk $0xffff, v17  }
0x260: {  	v4 =	vmul.f32 $3.200000000e+01, v4;
	[tilespmem:v3+s31+$0x250 ss:$0x1] =	vst.idx.msk $0xffff, v6;
	v6 =	vld.idx.msk [tilespmem:v3+s0+$0x1210 ss:$0x1], $0xffff  }
0x261: {  	v13 =	vmul.f32 $3.200000000e+01, v42;
	v47 =	vld.idx.msk [tilespmem:v3+s31+$0x1E60 ss:$0x1], $0xffff;
	[tilespmem:v3+s0+$0x1600 ss:$0x1] =	vst.idx.msk $0xffff, v18  }
0x262: {  	v48 =	vld.idx.msk [tilespmem:v3+s31+$0x260 ss:$0x1], $0xffff;
	v14 =	vmul.f32 $3.200000000e+01, v44;
	[tilespmem:v3+s31+$0x650 ss:$0x1] =	vst.idx.msk $0xffff, v4  }
0x263: {  	v4 =	vmul.f32 $3.200000000e+01, v9;
	v18 =	vld.idx.msk [tilespmem:v3+s0+$0x1610 ss:$0x1], $0xffff;
	[tilespmem:v3+s0+$0x1A00 ss:$0x1] =	vst.idx.msk $0xffff, v13  }
0x264: {  	v7 =	vmul.f32 $3.200000000e+01, v7;
	v9 =	vld.idx.msk [tilespmem:v3+s0+$0x1A10 ss:$0x1], $0xffff;
	[tilespmem:v3+s0+$0x1E10 ss:$0x1] =	vst.idx.msk $0xffff, v14  }
0x265: {  	v49 =	vld.idx.msk [tilespmem:v3+s31+$0x660 ss:$0x1], $0xffff;
	[tilespmem:v3+s0+$0x210 ss:$0x1] =	vst.idx.msk $0xffff, v4;
	v4 =	vmul.f32 $3.200000000e+01, v10  }
0x266: {  	v12 =	vmul.f32 $3.200000000e+01, v43;
	[tilespmem:v3+s31+$0xA50 ss:$0x1] =	vst.idx.msk $0xffff, v7;
	v10 =	vld.idx.msk [tilespmem:v3+s0+$0x1E20 ss:$0x1], $0xffff  }
0x267: {  	v11 =	vmul.f32 $3.200000000e+01, v11;
	v7 =	vld.idx.msk [tilespmem:v3+s0+$0x220 ss:$0x1], $0xffff;
	[tilespmem:v3+s0+$0x610 ss:$0x1] =	vst.idx.msk $0xffff, v4  }
0x268: {  	v8 =	vmul.f32 $3.200000000e+01, v8;
	v4 =	vld.idx.msk [tilespmem:v3+s31+$0xA60 ss:$0x1], $0xffff;
	[tilespmem:v3+s31+$0xE50 ss:$0x1] =	vst.idx.msk $0xffff, v12  }
0x269: {  	v5 =	vmul.f32 $3.200000000e+01, v5;
	v50 =	vld.idx.msk [tilespmem:v3+s0+$0x620 ss:$0x1], $0xffff;
	[tilespmem:v3+s0+$0xA10 ss:$0x1] =	vst.idx.msk $0xffff, v11  }
0x26a: {  	v15 =	vmul.f32 $3.200000000e+01, v45;
	v11 =	vld.idx.msk [tilespmem:v3+s31+$0xE60 ss:$0x1], $0xffff;
	[tilespmem:v3+s31+$0x1250 ss:$0x1] =	vst.idx.msk $0xffff, v8  }
0x26b: {  	v6 =	vmul.f32 $3.200000000e+01, v6;
	v8 =	vld.idx.msk [tilespmem:v3+s0+$0xA20 ss:$0x1], $0xffff;
	[tilespmem:v3+s0+$0xE10 ss:$0x1] =	vst.idx.msk $0xffff, v5  }
0x26c: {  	v16 =	vmul.f32 $3.200000000e+01, v46;
	v5 =	vld.idx.msk [tilespmem:v3+s31+$0x1260 ss:$0x1], $0xffff;
	[tilespmem:v3+s31+$0x1650 ss:$0x1] =	vst.idx.msk $0xffff, v15  }
0x26d: {  	v18 =	vmul.f32 $3.200000000e+01, v18;
	v51 =	vld.idx.msk [tilespmem:v3+s0+$0xE20 ss:$0x1], $0xffff;
	[tilespmem:v3+s0+$0x1210 ss:$0x1] =	vst.idx.msk $0xffff, v6  }
0x26e: {  	v52 =	vmul.f32 $3.200000000e+01, v47;
	v6 =	vld.idx.msk [tilespmem:v3+s31+$0x1660 ss:$0x1], $0xffff;
	[tilespmem:v3+s31+$0x1A50 ss:$0x1] =	vst.idx.msk $0xffff, v16  }
0x26f: {  	v9 =	vmul.f32 $3.200000000e+01, v9;
	v53 =	vld.idx.msk [tilespmem:v3+s0+$0x1220 ss:$0x1], $0xffff;
	[tilespmem:v3+s0+$0x1610 ss:$0x1] =	vst.idx.msk $0xffff, v18  }
0x270: {  	v13 =	vmul.f32 $3.200000000e+01, v48;
	v54 =	vld.idx.msk [tilespmem:v3+s31+$0x1A60 ss:$0x1], $0xffff;
	[tilespmem:v3+s31+$0x1E60 ss:$0x1] =	vst.idx.msk $0xffff, v52  }
0x271: {  	v55 =	vld.idx.msk [tilespmem:v3+s0+$0x1620 ss:$0x1], $0xffff;
	[tilespmem:v3+s0+$0x1A10 ss:$0x1] =	vst.idx.msk $0xffff, v9;
	v9 =	vmul.f32 $3.200000000e+01, v10  }
0x272: {  	v7 =	vmul.f32 $3.200000000e+01, v7;
	[tilespmem:v3+s31+$0x260 ss:$0x1] =	vst.idx.msk $0xffff, v13  }
0x273: {  	v10 =	vld.idx.msk [tilespmem:v3+s0+$0x1A20 ss:$0x1], $0xffff;
	[tilespmem:v3+s0+$0x1E20 ss:$0x1] =	vst.idx.msk $0xffff, v9;
	v9 =	vmul.f32 $3.200000000e+01, v49  }
0x274: {  	v13 =	vld.idx.msk [tilespmem:v3+s31+$0x1E70 ss:$0x1], $0xffff;
	[tilespmem:v3+s0+$0x220 ss:$0x1] =	vst.idx.msk $0xffff, v7;
	v7 =	vmul.f32 $3.200000000e+01, v50  }
0x275: {  	v4 =	vmul.f32 $3.200000000e+01, v4;
	v56 =	vld.idx.msk [tilespmem:v3+s0+$0x1E30 ss:$0x1], $0xffff;
	[tilespmem:v3+s31+$0x660 ss:$0x1] =	vst.idx.msk $0xffff, v9  }
0x276: {  	v9 =	vld.idx.msk [tilespmem:v3+s0+$0x230 ss:$0x1], $0xffff;
	[tilespmem:v3+s0+$0x620 ss:$0x1] =	vst.idx.msk $0xffff, v7;
	v7 =	vmul.f32 $3.200000000e+01, v8  }
0x277: {  	v8 =	vmul.f32 $3.200000000e+01, v11;
	[tilespmem:v3+s31+$0xA60 ss:$0x1] =	vst.idx.msk $0xffff, v4  }
0x278: {  	v4 =	vld.idx.msk [tilespmem:v3+s0+$0x630 ss:$0x1], $0xffff;
	[tilespmem:v3+s0+$0xA20 ss:$0x1] =	vst.idx.msk $0xffff, v7;
	v7 =	vmul.f32 $3.200000000e+01, v51  }
0x279: {  	v5 =	vmul.f32 $3.200000000e+01, v5;
	[tilespmem:v3+s31+$0xE60 ss:$0x1] =	vst.idx.msk $0xffff, v8  }
0x27a: {  	v8 =	vld.idx.msk [tilespmem:v3+s0+$0xA30 ss:$0x1], $0xffff;
	[tilespmem:v3+s0+$0xE20 ss:$0x1] =	vst.idx.msk $0xffff, v7;
	v7 =	vmul.f32 $3.200000000e+01, v53  }
0x27b: {  	v6 =	vmul.f32 $3.200000000e+01, v6;
	[tilespmem:v3+s31+$0x1260 ss:$0x1] =	vst.idx.msk $0xffff, v5  }
0x27c: {  	v5 =	vld.idx.msk [tilespmem:v3+s0+$0xE30 ss:$0x1], $0xffff;
	[tilespmem:v3+s0+$0x1220 ss:$0x1] =	vst.idx.msk $0xffff, v7;
	v7 =	vmul.f32 $3.200000000e+01, v55  }
0x27d: {  	v11 =	vmul.f32 $3.200000000e+01, v54;
	[tilespmem:v3+s31+$0x1660 ss:$0x1] =	vst.idx.msk $0xffff, v6  }
0x27e: {  	v6 =	vld.idx.msk [tilespmem:v3+s0+$0x1230 ss:$0x1], $0xffff;
	[tilespmem:v3+s0+$0x1620 ss:$0x1] =	vst.idx.msk $0xffff, v7;
	v7 =	vmul.f32 $3.200000000e+01, v10;
	v10 =	vmul.f32 $3.200000000e+01, v13  }
0x27f: {  	[tilespmem:v3+s31+$0x1A60 ss:$0x1] =	vst.idx.msk $0xffff, v11  }
0x280: {  	v11 =	vld.idx.msk [tilespmem:v3+s0+$0x1630 ss:$0x1], $0xffff;
	[tilespmem:v3+s31+$0x1E70 ss:$0x1] =	vst.idx.msk $0xffff, v10  }
0x281: {  	[tilespmem:v3+s0+$0x1A20 ss:$0x1] =	vst.idx.msk $0xffff, v7;
	v7 =	vmul.f32 $3.200000000e+01, v56;
	v57 =	vld.idx.msk [tilespmem:v3+s31+$0x270 ss:$0x1], $0xffff  }
0x282: {  	v9 =	vmul.f32 $3.200000000e+01, v9  }
0x283: {  	v10 =	vld.idx.msk [tilespmem:v3+s0+$0x1A30 ss:$0x1], $0xffff;
	[tilespmem:v3+s0+$0x1E30 ss:$0x1] =	vst.idx.msk $0xffff, v7  }
0x284: {  	v4 =	vmul.f32 $3.200000000e+01, v4;
	[tilespmem:v3+s0+$0x230 ss:$0x1] =	vst.idx.msk $0xffff, v9  }
0x285: {  	v7 =	vld.idx.msk [tilespmem:v3+s0+$0x1E40 ss:$0x1], $0xffff  }
0x286: {  	v9 =	vld.idx.msk [tilespmem:v3+s0+$0x240 ss:$0x1], $0xffff;
	[tilespmem:v3+s0+$0x630 ss:$0x1] =	vst.idx.msk $0xffff, v4;
	v4 =	vmul.f32 $3.200000000e+01, v57  }
0x287: {  	v8 =	vmul.f32 $3.200000000e+01, v8  }
0x288: {  	v58 =	vld.idx.msk [tilespmem:v3+s0+$0x640 ss:$0x1], $0xffff;
	[tilespmem:v3+s31+$0x270 ss:$0x1] =	vst.idx.msk $0xffff, v4  }
0x289: {  	[tilespmem:v3+s0+$0xA30 ss:$0x1] =	vst.idx.msk $0xffff, v8;
	v8 =	vld.idx.msk [tilespmem:v3+s31+$0x670 ss:$0x1], $0xffff;
	_ =	sdelay $0x1  }
0x28a: {  	v5 =	vmul.f32 $3.200000000e+01, v5  }
0x28b: {  	v6 =	vmul.f32 $3.200000000e+01, v6  }
0x28c: {  	v11 =	vmul.f32 $3.200000000e+01, v11;
	v4 =	vld.idx.msk [tilespmem:v3+s0+$0xA40 ss:$0x1], $0xffff;
	[tilespmem:v3+s0+$0xE30 ss:$0x1] =	vst.idx.msk $0xffff, v5  }
0x28d: {  	v5 =	vld.idx.msk [tilespmem:v3+s0+$0xE40 ss:$0x1], $0xffff;
	[tilespmem:v3+s0+$0x1230 ss:$0x1] =	vst.idx.msk $0xffff, v6;
	v8 =	vmul.f32 $3.200000000e+01, v8  }
0x28e: {  	v10 =	vmul.f32 $3.200000000e+01, v10;
	v6 =	vld.idx.msk [tilespmem:v3+s0+$0x1240 ss:$0x1], $0xffff;
	[tilespmem:v3+s0+$0x1630 ss:$0x1] =	vst.idx.msk $0xffff, v11  }
0x28f: {  	v11 =	vld.idx.msk [tilespmem:v3+s0+$0x1640 ss:$0x1], $0xffff;
	[tilespmem:v3+s31+$0x670 ss:$0x1] =	vst.idx.msk $0xffff, v8  }
0x290: {  	v7 =	vmul.f32 $3.200000000e+01, v7;
	[tilespmem:v3+s0+$0x1A30 ss:$0x1] =	vst.idx.msk $0xffff, v10;
	v10 =	vld.idx.msk [tilespmem:v3+s31+$0xA70 ss:$0x1], $0xffff  }
0x291: {  	v8 =	vmul.f32 $3.200000000e+01, v9  }
0x292: {  	v9 =	vld.idx.msk [tilespmem:v3+s0+$0x1A40 ss:$0x1], $0xffff;
	[tilespmem:v3+s0+$0x1E40 ss:$0x1] =	vst.idx.msk $0xffff, v7  }
0x293: {  	v7 =	vmul.f32 $3.200000000e+01, v58;
	[tilespmem:v3+s0+$0x240 ss:$0x1] =	vst.idx.msk $0xffff, v8  }
0x294: {  	v8 =	vld.idx.msk [tilespmem:v3+s0+$0x1E50 ss:$0x1], $0xffff  }
0x295: {  	v59 =	vld.idx.msk [tilespmem:v3+s0+$0x250 ss:$0x1], $0xffff;
	[tilespmem:v3+s0+$0x640 ss:$0x1] =	vst.idx.msk $0xffff, v7;
	v7 =	vmul.f32 $3.200000000e+01, v10;
	_ =	sdelay $0x1  }
0x296: {  	[tilespmem:v3+s31+$0xA70 ss:$0x1] =	vst.idx.msk $0xffff, v7  }
0x297: {  	v7 =	vld.idx.msk [tilespmem:v3+s31+$0xE70 ss:$0x1], $0xffff  }
0x298: {  	v4 =	vmul.f32 $3.200000000e+01, v4  }
0x299: {  	v5 =	vmul.f32 $3.200000000e+01, v5  }
0x29a: {  	v6 =	vmul.f32 $3.200000000e+01, v6;
	v10 =	vld.idx.msk [tilespmem:v3+s0+$0x650 ss:$0x1], $0xffff;
	[tilespmem:v3+s0+$0xA40 ss:$0x1] =	vst.idx.msk $0xffff, v4  }
0x29b: {  	v11 =	vmul.f32 $3.200000000e+01, v11;
	v4 =	vld.idx.msk [tilespmem:v3+s0+$0xA50 ss:$0x1], $0xffff;
	[tilespmem:v3+s0+$0xE40 ss:$0x1] =	vst.idx.msk $0xffff, v5  }
0x29c: {  	v5 =	vld.idx.msk [tilespmem:v3+s0+$0xE50 ss:$0x1], $0xffff;
	[tilespmem:v3+s0+$0x1240 ss:$0x1] =	vst.idx.msk $0xffff, v6;
	v7 =	vmul.f32 $3.200000000e+01, v7  }
0x29d: {  	v9 =	vmul.f32 $3.200000000e+01, v9;
	v6 =	vld.idx.msk [tilespmem:v3+s0+$0x1250 ss:$0x1], $0xffff;
	[tilespmem:v3+s0+$0x1640 ss:$0x1] =	vst.idx.msk $0xffff, v11  }
0x29e: {  	v11 =	vld.idx.msk [tilespmem:v3+s0+$0x1650 ss:$0x1], $0xffff;
	[tilespmem:v3+s31+$0xE70 ss:$0x1] =	vst.idx.msk $0xffff, v7  }
0x29f: {  	v8 =	vmul.f32 $3.200000000e+01, v8;
	[tilespmem:v3+s0+$0x1A40 ss:$0x1] =	vst.idx.msk $0xffff, v9;
	v9 =	vld.idx.msk [tilespmem:v3+s31+$0x1270 ss:$0x1], $0xffff  }
0x2a0: {  	v7 =	vmul.f32 $3.200000000e+01, v59  }
0x2a1: {  	v60 =	vld.idx.msk [tilespmem:v3+s0+$0x1A50 ss:$0x1], $0xffff;
	[tilespmem:v3+s0+$0x1E50 ss:$0x1] =	vst.idx.msk $0xffff, v8  }
0x2a2: {  	[tilespmem:v3+s0+$0x250 ss:$0x1] =	vst.idx.msk $0xffff, v7;
	v7 =	vmul.f32 $3.200000000e+01, v10  }
0x2a3: {  	v10 =	vld.idx.msk [tilespmem:v3+s0+$0x1E60 ss:$0x1], $0xffff  }
0x2a4: {  	v61 =	vld.idx.msk [tilespmem:v3+s0+$0x260 ss:$0x1], $0xffff;
	[tilespmem:v3+s0+$0x650 ss:$0x1] =	vst.idx.msk $0xffff, v7;
	v7 =	vmul.f32 $3.200000000e+01, v9  }
0x2a5: {  	v4 =	vmul.f32 $3.200000000e+01, v4  }
0x2a6: {  	v62 =	vld.idx.msk [tilespmem:v3+s0+$0x660 ss:$0x1], $0xffff;
	[tilespmem:v3+s31+$0x1270 ss:$0x1] =	vst.idx.msk $0xffff, v7  }
0x2a7: {  	[tilespmem:v3+s0+$0xA50 ss:$0x1] =	vst.idx.msk $0xffff, v4;
	v4 =	vld.idx.msk [tilespmem:v3+s31+$0x1670 ss:$0x1], $0xffff  }
0x2a8: {  	v5 =	vmul.f32 $3.200000000e+01, v5  }
0x2a9: {  	v6 =	vmul.f32 $3.200000000e+01, v6  }
0x2aa: {  	v9 =	vld.idx.msk [tilespmem:v3+s0+$0xA60 ss:$0x1], $0xffff;
	[tilespmem:v3+s0+$0xE50 ss:$0x1] =	vst.idx.msk $0xffff, v5;
	v5 =	vmul.f32 $3.200000000e+01, v11  }
0x2ab: {  	v8 =	vld.idx.msk [tilespmem:v3+s0+$0xE60 ss:$0x1], $0xffff;
	[tilespmem:v3+s0+$0x1250 ss:$0x1] =	vst.idx.msk $0xffff, v6;
	v6 =	vmul.f32 $3.200000000e+01, v60  }
0x2ac: {  	v7 =	vld.idx.msk [tilespmem:v3+s0+$0x1260 ss:$0x1], $0xffff;
	[tilespmem:v3+s0+$0x1650 ss:$0x1] =	vst.idx.msk $0xffff, v5;
	v4 =	vmul.f32 $3.200000000e+01, v4  }
0x2ad: {  	v63 =	vmul.f32 $3.200000000e+01, v10;
	v5 =	vld.idx.msk [tilespmem:v3+s0+$0x1660 ss:$0x1], $0xffff;
	[tilespmem:v3+s0+$0x1A50 ss:$0x1] =	vst.idx.msk $0xffff, v6  }
0x2ae: {  	s14 =	simm.s32 $0x800;
	s2 =	simm.s32 $0x100;
	v10 =	vmul.f32 $3.200000000e+01, v61;
	v6 =	vld.idx.msk [tilespmem:v3+s0+$0x1A60 ss:$0x1], $0xffff;
	[tilespmem:v3+s31+$0x1670 ss:$0x1] =	vst.idx.msk $0xffff, v4  }
0x2af: {  	s13 =	sand.u32 $0x2000, s14;
	s10 =	simm.s32 $0xC00;
	s14 =	sand.u32 $0x380, s2;
	v11 =	vmul.f32 $3.200000000e+01, v62;
	[tilespmem:v3+s0+$0x1E60 ss:$0x1] =	vst.idx.msk $0xffff, v63;
	v4 =	vld.idx.msk [tilespmem:v3+s31+$0x1A70 ss:$0x1], $0xffff  }
.LBB2_5:
0x2b0: {  	p0 =	sne.s32 s10, $0x3C00;
	s13 =	sor.u32 s14, s13;
	[tilespmem:v3+s0+$0x260 ss:$0x1] =	vst.idx.msk $0xffff, v10;
	v9 =	vmul.f32 $3.200000000e+01, v9;
	v10 =	vld.idx.msk [tilespmem:v3+s0+$0x1E70 ss:$0x1], $0xffff  }
0x2b1: {  	v8 =	vmul.f32 $3.200000000e+01, v8;
	v12 =	vld.idx.msk [tilespmem:v3+s13+$0x1E00 ss:$0x1], $0xffff;
	[tilespmem:v3+s0+$0x660 ss:$0x1] =	vst.idx.msk $0xffff, v11  }
0x2b2: {  	v7 =	vmul.f32 $3.200000000e+01, v7;
	v11 =	vld.idx.msk [tilespmem:v3+s13+$0x200 ss:$0x1], $0xffff;
	[tilespmem:v3+s0+$0xA60 ss:$0x1] =	vst.idx.msk $0xffff, v9  }
0x2b3: {  	v5 =	vmul.f32 $3.200000000e+01, v5;
	v9 =	vld.idx.msk [tilespmem:v3+s13+$0x600 ss:$0x1], $0xffff;
	[tilespmem:v3+s0+$0xE60 ss:$0x1] =	vst.idx.msk $0xffff, v8  }
0x2b4: {  	v6 =	vmul.f32 $3.200000000e+01, v6;
	v8 =	vld.idx.msk [tilespmem:v3+s13+$0xA00 ss:$0x1], $0xffff;
	[tilespmem:v3+s0+$0x1260 ss:$0x1] =	vst.idx.msk $0xffff, v7  }
0x2b5: {  	v4 =	vmul.f32 $3.200000000e+01, v4;
	v7 =	vld.idx.msk [tilespmem:v3+s13+$0xE00 ss:$0x1], $0xffff;
	[tilespmem:v3+s0+$0x1660 ss:$0x1] =	vst.idx.msk $0xffff, v5  }
0x2b6: {  	v5 =	vld.idx.msk [tilespmem:v3+s13+$0x1200 ss:$0x1], $0xffff;
	[tilespmem:v3+s0+$0x1A60 ss:$0x1] =	vst.idx.msk $0xffff, v6;
	v6 =	vmul.f32 $3.200000000e+01, v10  }
0x2b7: {  	v12 =	vmul.f32 $3.200000000e+01, v12;
	v10 =	vld.idx.msk [tilespmem:v3+s13+$0x1600 ss:$0x1], $0xffff;
	[tilespmem:v3+s31+$0x1A70 ss:$0x1] =	vst.idx.msk $0xffff, v4;
	s31 =	smov.u32 s0;
	s0 =	smov.u32 s13  }
0x2b8: {  	v4 =	vmul.f32 $3.200000000e+01, v11;
	v11 =	vld.idx.msk [tilespmem:v3+s0+$0x1A00 ss:$0x1], $0xffff;
	[tilespmem:v3+s31+$0x1E70 ss:$0x1] =	vst.idx.msk $0xffff, v6  }
0x2b9: {  	v6 =	vmul.f32 $3.200000000e+01, v9;
	[tilespmem:v3+s0+$0x1E00 ss:$0x1] =	vst.idx.msk $0xffff, v12;
	v9 =	vld.idx.msk [tilespmem:v3+s31+$0x270 ss:$0x1], $0xffff  }
0x2ba: {  	[tilespmem:v3+s0+$0x200 ss:$0x1] =	vst.idx.msk $0xffff, v4;
	v4 =	vmul.f32 $3.200000000e+01, v8;
	v8 =	vld.idx.msk [tilespmem:v3+s0+$0x1E10 ss:$0x1], $0xffff  }
0x2bb: {  	v12 =	vld.idx.msk [tilespmem:v3+s0+$0x210 ss:$0x1], $0xffff;
	[tilespmem:v3+s0+$0x600 ss:$0x1] =	vst.idx.msk $0xffff, v6;
	v6 =	vmul.f32 $3.200000000e+01, v7  }
0x2bc: {  	v7 =	vld.idx.msk [tilespmem:v3+s0+$0x610 ss:$0x1], $0xffff;
	[tilespmem:v3+s0+$0xA00 ss:$0x1] =	vst.idx.msk $0xffff, v4;
	v4 =	vmul.f32 $3.200000000e+01, v5  }
0x2bd: {  	v5 =	vld.idx.msk [tilespmem:v3+s0+$0xA10 ss:$0x1], $0xffff;
	[tilespmem:v3+s0+$0xE00 ss:$0x1] =	vst.idx.msk $0xffff, v6;
	v6 =	vmul.f32 $3.200000000e+01, v10  }
0x2be: {  	v10 =	vld.idx.msk [tilespmem:v3+s0+$0xE10 ss:$0x1], $0xffff;
	[tilespmem:v3+s0+$0x1200 ss:$0x1] =	vst.idx.msk $0xffff, v4;
	v4 =	vmul.f32 $3.200000000e+01, v11  }
0x2bf: {  	v11 =	vld.idx.msk [tilespmem:v3+s0+$0x1210 ss:$0x1], $0xffff;
	[tilespmem:v3+s0+$0x1600 ss:$0x1] =	vst.idx.msk $0xffff, v6;
	v6 =	vmul.f32 $3.200000000e+01, v9  }
0x2c0: {  	v9 =	vld.idx.msk [tilespmem:v3+s0+$0x1610 ss:$0x1], $0xffff;
	[tilespmem:v3+s0+$0x1A00 ss:$0x1] =	vst.idx.msk $0xffff, v4;
	v4 =	vmul.f32 $3.200000000e+01, v8  }
0x2c1: {  	v8 =	vmul.f32 $3.200000000e+01, v12;
	v12 =	vld.idx.msk [tilespmem:v3+s0+$0x1A10 ss:$0x1], $0xffff;
	[tilespmem:v3+s31+$0x270 ss:$0x1] =	vst.idx.msk $0xffff, v6  }
0x2c2: {  	v6 =	vmul.f32 $3.200000000e+01, v7;
	[tilespmem:v3+s0+$0x1E10 ss:$0x1] =	vst.idx.msk $0xffff, v4;
	v4 =	vld.idx.msk [tilespmem:v3+s31+$0x670 ss:$0x1], $0xffff  }
0x2c3: {  	v5 =	vmul.f32 $3.200000000e+01, v5;
	[tilespmem:v3+s0+$0x210 ss:$0x1] =	vst.idx.msk $0xffff, v8;
	v7 =	vld.idx.msk [tilespmem:v3+s0+$0x1E20 ss:$0x1], $0xffff  }
0x2c4: {  	v8 =	vld.idx.msk [tilespmem:v3+s0+$0x220 ss:$0x1], $0xffff;
	[tilespmem:v3+s0+$0x610 ss:$0x1] =	vst.idx.msk $0xffff, v6;
	v6 =	vmul.f32 $3.200000000e+01, v10  }
0x2c5: {  	v10 =	vld.idx.msk [tilespmem:v3+s0+$0x620 ss:$0x1], $0xffff;
	[tilespmem:v3+s0+$0xA10 ss:$0x1] =	vst.idx.msk $0xffff, v5;
	v5 =	vmul.f32 $3.200000000e+01, v11  }
0x2c6: {  	v11 =	vld.idx.msk [tilespmem:v3+s0+$0xA20 ss:$0x1], $0xffff;
	[tilespmem:v3+s0+$0xE10 ss:$0x1] =	vst.idx.msk $0xffff, v6;
	v6 =	vmul.f32 $3.200000000e+01, v9  }
0x2c7: {  	v9 =	vld.idx.msk [tilespmem:v3+s0+$0xE20 ss:$0x1], $0xffff;
	[tilespmem:v3+s0+$0x1210 ss:$0x1] =	vst.idx.msk $0xffff, v5;
	v5 =	vmul.f32 $3.200000000e+01, v12  }
0x2c8: {  	v4 =	vmul.f32 $3.200000000e+01, v4;
	v12 =	vld.idx.msk [tilespmem:v3+s0+$0x1220 ss:$0x1], $0xffff;
	[tilespmem:v3+s0+$0x1610 ss:$0x1] =	vst.idx.msk $0xffff, v6  }
0x2c9: {  	v6 =	vld.idx.msk [tilespmem:v3+s0+$0x1620 ss:$0x1], $0xffff;
	[tilespmem:v3+s0+$0x1A10 ss:$0x1] =	vst.idx.msk $0xffff, v5;
	v5 =	vmul.f32 $3.200000000e+01, v7  }
0x2ca: {  	v7 =	vmul.f32 $3.200000000e+01, v8;
	v8 =	vld.idx.msk [tilespmem:v3+s0+$0x1A20 ss:$0x1], $0xffff;
	[tilespmem:v3+s31+$0x670 ss:$0x1] =	vst.idx.msk $0xffff, v4  }
0x2cb: {  	v4 =	vmul.f32 $3.200000000e+01, v10;
	[tilespmem:v3+s0+$0x1E20 ss:$0x1] =	vst.idx.msk $0xffff, v5;
	v5 =	vld.idx.msk [tilespmem:v3+s31+$0xA70 ss:$0x1], $0xffff  }
0x2cc: {  	[tilespmem:v3+s0+$0x220 ss:$0x1] =	vst.idx.msk $0xffff, v7;
	v7 =	vmul.f32 $3.200000000e+01, v11;
	v10 =	vld.idx.msk [tilespmem:v3+s0+$0x1E30 ss:$0x1], $0xffff  }
0x2cd: {  	v11 =	vld.idx.msk [tilespmem:v3+s0+$0x230 ss:$0x1], $0xffff;
	[tilespmem:v3+s0+$0x620 ss:$0x1] =	vst.idx.msk $0xffff, v4;
	v4 =	vmul.f32 $3.200000000e+01, v9  }
0x2ce: {  	v9 =	vld.idx.msk [tilespmem:v3+s0+$0x630 ss:$0x1], $0xffff;
	[tilespmem:v3+s0+$0xA20 ss:$0x1] =	vst.idx.msk $0xffff, v7;
	v7 =	vmul.f32 $3.200000000e+01, v12  }
0x2cf: {  	v12 =	vld.idx.msk [tilespmem:v3+s0+$0xA30 ss:$0x1], $0xffff;
	[tilespmem:v3+s0+$0xE20 ss:$0x1] =	vst.idx.msk $0xffff, v4;
	v4 =	vmul.f32 $3.200000000e+01, v6  }
0x2d0: {  	v6 =	vld.idx.msk [tilespmem:v3+s0+$0xE30 ss:$0x1], $0xffff;
	[tilespmem:v3+s0+$0x1220 ss:$0x1] =	vst.idx.msk $0xffff, v7;
	v7 =	vmul.f32 $3.200000000e+01, v8  }
0x2d1: {  	v8 =	vld.idx.msk [tilespmem:v3+s0+$0x1230 ss:$0x1], $0xffff;
	[tilespmem:v3+s0+$0x1620 ss:$0x1] =	vst.idx.msk $0xffff, v4;
	v4 =	vmul.f32 $3.200000000e+01, v5  }
0x2d2: {  	v5 =	vld.idx.msk [tilespmem:v3+s0+$0x1630 ss:$0x1], $0xffff;
	[tilespmem:v3+s0+$0x1A20 ss:$0x1] =	vst.idx.msk $0xffff, v7;
	v7 =	vmul.f32 $3.200000000e+01, v10  }
0x2d3: {  	v10 =	vmul.f32 $3.200000000e+01, v11;
	v11 =	vld.idx.msk [tilespmem:v3+s0+$0x1A30 ss:$0x1], $0xffff;
	[tilespmem:v3+s31+$0xA70 ss:$0x1] =	vst.idx.msk $0xffff, v4  }
0x2d4: {  	v4 =	vmul.f32 $3.200000000e+01, v9;
	[tilespmem:v3+s0+$0x1E30 ss:$0x1] =	vst.idx.msk $0xffff, v7;
	v7 =	vld.idx.msk [tilespmem:v3+s31+$0xE70 ss:$0x1], $0xffff  }
0x2d5: {  	v9 =	vmul.f32 $3.200000000e+01, v12;
	[tilespmem:v3+s0+$0x230 ss:$0x1] =	vst.idx.msk $0xffff, v10;
	v10 =	vld.idx.msk [tilespmem:v3+s0+$0x1E40 ss:$0x1], $0xffff  }
0x2d6: {  	v12 =	vld.idx.msk [tilespmem:v3+s0+$0x240 ss:$0x1], $0xffff;
	[tilespmem:v3+s0+$0x630 ss:$0x1] =	vst.idx.msk $0xffff, v4;
	v4 =	vmul.f32 $3.200000000e+01, v6  }
0x2d7: {  	v8 =	vmul.f32 $3.200000000e+01, v8;
	v6 =	vld.idx.msk [tilespmem:v3+s0+$0x640 ss:$0x1], $0xffff;
	[tilespmem:v3+s0+$0xA30 ss:$0x1] =	vst.idx.msk $0xffff, v9  }
0x2d8: {  	v9 =	vld.idx.msk [tilespmem:v3+s0+$0xA40 ss:$0x1], $0xffff;
	[tilespmem:v3+s0+$0xE30 ss:$0x1] =	vst.idx.msk $0xffff, v4;
	v4 =	vmul.f32 $3.200000000e+01, v5  }
0x2d9: {  	v5 =	vld.idx.msk [tilespmem:v3+s0+$0xE40 ss:$0x1], $0xffff;
	[tilespmem:v3+s0+$0x1230 ss:$0x1] =	vst.idx.msk $0xffff, v8;
	v8 =	vmul.f32 $3.200000000e+01, v11  }
0x2da: {  	v11 =	vld.idx.msk [tilespmem:v3+s0+$0x1240 ss:$0x1], $0xffff;
	[tilespmem:v3+s0+$0x1630 ss:$0x1] =	vst.idx.msk $0xffff, v4;
	v4 =	vmul.f32 $3.200000000e+01, v7  }
0x2db: {  	v7 =	vld.idx.msk [tilespmem:v3+s0+$0x1640 ss:$0x1], $0xffff;
	[tilespmem:v3+s0+$0x1A30 ss:$0x1] =	vst.idx.msk $0xffff, v8;
	v8 =	vmul.f32 $3.200000000e+01, v10  }
0x2dc: {  	v10 =	vmul.f32 $3.200000000e+01, v12;
	v12 =	vld.idx.msk [tilespmem:v3+s0+$0x1A40 ss:$0x1], $0xffff;
	[tilespmem:v3+s31+$0xE70 ss:$0x1] =	vst.idx.msk $0xffff, v4  }
0x2dd: {  	v4 =	vmul.f32 $3.200000000e+01, v6;
	[tilespmem:v3+s0+$0x1E40 ss:$0x1] =	vst.idx.msk $0xffff, v8;
	v6 =	vld.idx.msk [tilespmem:v3+s31+$0x1270 ss:$0x1], $0xffff  }
0x2de: {  	v8 =	vmul.f32 $3.200000000e+01, v9;
	[tilespmem:v3+s0+$0x240 ss:$0x1] =	vst.idx.msk $0xffff, v10;
	v9 =	vld.idx.msk [tilespmem:v3+s0+$0x1E50 ss:$0x1], $0xffff  }
0x2df: {  	v10 =	vld.idx.msk [tilespmem:v3+s0+$0x250 ss:$0x1], $0xffff;
	[tilespmem:v3+s0+$0x640 ss:$0x1] =	vst.idx.msk $0xffff, v4;
	v4 =	vmul.f32 $3.200000000e+01, v5  }
0x2e0: {  	v5 =	vld.idx.msk [tilespmem:v3+s0+$0x650 ss:$0x1], $0xffff;
	[tilespmem:v3+s0+$0xA40 ss:$0x1] =	vst.idx.msk $0xffff, v8;
	v8 =	vmul.f32 $3.200000000e+01, v11  }
0x2e1: {  	v11 =	vld.idx.msk [tilespmem:v3+s0+$0xA50 ss:$0x1], $0xffff;
	[tilespmem:v3+s0+$0xE40 ss:$0x1] =	vst.idx.msk $0xffff, v4;
	v4 =	vmul.f32 $3.200000000e+01, v7  }
0x2e2: {  	v7 =	vld.idx.msk [tilespmem:v3+s0+$0xE50 ss:$0x1], $0xffff;
	[tilespmem:v3+s0+$0x1240 ss:$0x1] =	vst.idx.msk $0xffff, v8;
	v8 =	vmul.f32 $3.200000000e+01, v12  }
0x2e3: {  	v12 =	vld.idx.msk [tilespmem:v3+s0+$0x1250 ss:$0x1], $0xffff;
	[tilespmem:v3+s0+$0x1640 ss:$0x1] =	vst.idx.msk $0xffff, v4;
	v4 =	vmul.f32 $3.200000000e+01, v6  }
0x2e4: {  	v6 =	vld.idx.msk [tilespmem:v3+s0+$0x1650 ss:$0x1], $0xffff;
	[tilespmem:v3+s0+$0x1A40 ss:$0x1] =	vst.idx.msk $0xffff, v8;
	v8 =	vmul.f32 $3.200000000e+01, v9  }
0x2e5: {  	v9 =	vmul.f32 $3.200000000e+01, v10;
	v10 =	vld.idx.msk [tilespmem:v3+s0+$0x1A50 ss:$0x1], $0xffff;
	[tilespmem:v3+s31+$0x1270 ss:$0x1] =	vst.idx.msk $0xffff, v4  }
0x2e6: {  	v4 =	vmul.f32 $3.200000000e+01, v5;
	[tilespmem:v3+s0+$0x1E50 ss:$0x1] =	vst.idx.msk $0xffff, v8;
	v5 =	vld.idx.msk [tilespmem:v3+s31+$0x1670 ss:$0x1], $0xffff  }
0x2e7: {  	v8 =	vmul.f32 $3.200000000e+01, v11;
	[tilespmem:v3+s0+$0x250 ss:$0x1] =	vst.idx.msk $0xffff, v9;
	v11 =	vld.idx.msk [tilespmem:v3+s0+$0x1E60 ss:$0x1], $0xffff  }
0x2e8: {  	v13 =	vld.idx.msk [tilespmem:v3+s0+$0x260 ss:$0x1], $0xffff;
	[tilespmem:v3+s0+$0x650 ss:$0x1] =	vst.idx.msk $0xffff, v4;
	v4 =	vmul.f32 $3.200000000e+01, v7  }
0x2e9: {  	v7 =	vmul.f32 $3.200000000e+01, v12;
	v14 =	vld.idx.msk [tilespmem:v3+s0+$0x660 ss:$0x1], $0xffff;
	[tilespmem:v3+s0+$0xA50 ss:$0x1] =	vst.idx.msk $0xffff, v8  }
0x2ea: {  	v9 =	vld.idx.msk [tilespmem:v3+s0+$0xA60 ss:$0x1], $0xffff;
	[tilespmem:v3+s0+$0xE50 ss:$0x1] =	vst.idx.msk $0xffff, v4;
	v4 =	vmul.f32 $3.200000000e+01, v6  }
.Ltmp1:
0x2eb: {  	v6 =	vmul.f32 $3.200000000e+01, v10;
	v8 =	vld.idx.msk [tilespmem:v3+s0+$0xE60 ss:$0x1], $0xffff;
	[tilespmem:v3+s0+$0x1250 ss:$0x1] =	vst.idx.msk $0xffff, v7;
	(pc) =	sbr.rel @p0 .LBB2_5-.Ltmp1, $4  }
0x2ec: {  	v7 =	vld.idx.msk [tilespmem:v3+s0+$0x1260 ss:$0x1], $0xffff;
	[tilespmem:v3+s0+$0x1650 ss:$0x1] =	vst.idx.msk $0xffff, v4;
	v4 =	vmul.f32 $3.200000000e+01, v5  }
0x2ed: {  	v12 =	vmul.f32 $3.200000000e+01, v11;
	v5 =	vld.idx.msk [tilespmem:v3+s0+$0x1660 ss:$0x1], $0xffff;
	[tilespmem:v3+s0+$0x1A50 ss:$0x1] =	vst.idx.msk $0xffff, v6  }
0x2ee: {  	s2 =	sadd.s32 $0x80, s2;
	v10 =	vmul.f32 $3.200000000e+01, v13;
	v6 =	vld.idx.msk [tilespmem:v3+s0+$0x1A60 ss:$0x1], $0xffff;
	[tilespmem:v3+s31+$0x1670 ss:$0x1] =	vst.idx.msk $0xffff, v4  }
0x2ef: {  	s14 =	sand.u32 $0x380, s2;
	s13 =	sand.u32 $0x2000, s10;
	s10 =	sadd.s32 $0x400, s10;
	v11 =	vmul.f32 $3.200000000e+01, v14;
	[tilespmem:v3+s0+$0x1E60 ss:$0x1] =	vst.idx.msk $0xffff, v12;
	v4 =	vld.idx.msk [tilespmem:v3+s31+$0x1A70 ss:$0x1], $0xffff  }
0x2f0: {  	_ =	sdelay $0x2  }
0x2f1: {  	s2 =	sor.u32 s14, s13  }
0x2f2: {  	v12 =	vld.idx.msk [tilespmem:v3+s2+$0x1E00 ss:$0x1], $0xffff  }
0x2f3: {  	v13 =	vld.idx.msk [tilespmem:v3+s2+$0x200 ss:$0x1], $0xffff  }
0x2f4: {  	v14 =	vld.idx.msk [tilespmem:v3+s2+$0x600 ss:$0x1], $0xffff  }
0x2f5: {  	v15 =	vld.idx.msk [tilespmem:v3+s2+$0xA00 ss:$0x1], $0xffff  }
0x2f6: {  	v16 =	vld.idx.msk [tilespmem:v3+s2+$0xE00 ss:$0x1], $0xffff  }
0x2f7: {  	v17 =	vld.idx.msk [tilespmem:v3+s2+$0x1200 ss:$0x1], $0xffff;
	v12 =	vmul.f32 $3.200000000e+01, v12  }
0x2f8: {  	[tilespmem:v3+s0+$0x260 ss:$0x1] =	vst.idx.msk $0xffff, v10;
	v18 =	vld.idx.msk [tilespmem:v3+s2+$0x1600 ss:$0x1], $0xffff;
	v13 =	vmul.f32 $3.200000000e+01, v13  }
0x2f9: {  	v19 =	vld.idx.msk [tilespmem:v3+s2+$0x1A00 ss:$0x1], $0xffff;
	[tilespmem:v3+s2+$0x1E00 ss:$0x1] =	vst.idx.msk $0xffff, v12  }
0x2fa: {  	v44 =	vld.idx.msk [tilespmem:v3+s0+$0x1E70 ss:$0x1], $0xffff;
	v41 =	vmul.f32 $3.200000000e+01, v14;
	[tilespmem:v3+s2+$0x200 ss:$0x1] =	vst.idx.msk $0xffff, v13  }
0x2fb: {  	[tilespmem:v3+s0+$0x660 ss:$0x1] =	vst.idx.msk $0xffff, v11;
	v15 =	vmul.f32 $3.200000000e+01, v15;
	v13 =	vld.idx.msk [tilespmem:v3+s2+$0x1E10 ss:$0x1], $0xffff  }
0x2fc: {  	v16 =	vmul.f32 $3.200000000e+01, v16;
	v42 =	vld.idx.msk [tilespmem:v3+s2+$0x210 ss:$0x1], $0xffff;
	[tilespmem:v3+s2+$0x600 ss:$0x1] =	vst.idx.msk $0xffff, v41  }
0x2fd: {  	v17 =	vmul.f32 $3.200000000e+01, v17;
	v12 =	vld.idx.msk [tilespmem:v3+s2+$0x610 ss:$0x1], $0xffff;
	[tilespmem:v3+s2+$0xA00 ss:$0x1] =	vst.idx.msk $0xffff, v15  }
0x2fe: {  	v18 =	vmul.f32 $3.200000000e+01, v18;
	v15 =	vld.idx.msk [tilespmem:v3+s2+$0xA10 ss:$0x1], $0xffff;
	[tilespmem:v3+s2+$0xE00 ss:$0x1] =	vst.idx.msk $0xffff, v16  }
0x2ff: {  	v19 =	vmul.f32 $3.200000000e+01, v19;
	v16 =	vld.idx.msk [tilespmem:v3+s2+$0xE10 ss:$0x1], $0xffff;
	[tilespmem:v3+s2+$0x1200 ss:$0x1] =	vst.idx.msk $0xffff, v17  }
0x300: {  	v17 =	vld.idx.msk [tilespmem:v3+s2+$0x1210 ss:$0x1], $0xffff;
	[tilespmem:v3+s2+$0x1600 ss:$0x1] =	vst.idx.msk $0xffff, v18;
	v13 =	vmul.f32 $3.200000000e+01, v13  }
0x301: {  	v18 =	vld.idx.msk [tilespmem:v3+s2+$0x1610 ss:$0x1], $0xffff;
	[tilespmem:v3+s2+$0x1A00 ss:$0x1] =	vst.idx.msk $0xffff, v19;
	v14 =	vmul.f32 $3.200000000e+01, v42  }
0x302: {  	v9 =	vmul.f32 $3.200000000e+01, v9;
	v19 =	vld.idx.msk [tilespmem:v3+s2+$0x1A10 ss:$0x1], $0xffff;
	[tilespmem:v3+s2+$0x1E10 ss:$0x1] =	vst.idx.msk $0xffff, v13  }
0x303: {  	v12 =	vmul.f32 $3.200000000e+01, v12;
	[tilespmem:v3+s2+$0x210 ss:$0x1] =	vst.idx.msk $0xffff, v14  }
0x304: {  	[tilespmem:v3+s0+$0xA60 ss:$0x1] =	vst.idx.msk $0xffff, v9;
	v15 =	vmul.f32 $3.200000000e+01, v15;
	v13 =	vld.idx.msk [tilespmem:v3+s2+$0x1E20 ss:$0x1], $0xffff  }
0x305: {  	v16 =	vmul.f32 $3.200000000e+01, v16;
	v14 =	vld.idx.msk [tilespmem:v3+s2+$0x220 ss:$0x1], $0xffff;
	[tilespmem:v3+s2+$0x610 ss:$0x1] =	vst.idx.msk $0xffff, v12  }
0x306: {  	v17 =	vmul.f32 $3.200000000e+01, v17;
	v12 =	vld.idx.msk [tilespmem:v3+s2+$0x620 ss:$0x1], $0xffff;
	[tilespmem:v3+s2+$0xA10 ss:$0x1] =	vst.idx.msk $0xffff, v15  }
0x307: {  	v18 =	vmul.f32 $3.200000000e+01, v18;
	v15 =	vld.idx.msk [tilespmem:v3+s2+$0xA20 ss:$0x1], $0xffff;
	[tilespmem:v3+s2+$0xE10 ss:$0x1] =	vst.idx.msk $0xffff, v16  }
0x308: {  	v19 =	vmul.f32 $3.200000000e+01, v19;
	v16 =	vld.idx.msk [tilespmem:v3+s2+$0xE20 ss:$0x1], $0xffff;
	[tilespmem:v3+s2+$0x1210 ss:$0x1] =	vst.idx.msk $0xffff, v17  }
0x309: {  	v17 =	vld.idx.msk [tilespmem:v3+s2+$0x1220 ss:$0x1], $0xffff;
	[tilespmem:v3+s2+$0x1610 ss:$0x1] =	vst.idx.msk $0xffff, v18;
	v13 =	vmul.f32 $3.200000000e+01, v13  }
0x30a: {  	v18 =	vld.idx.msk [tilespmem:v3+s2+$0x1620 ss:$0x1], $0xffff;
	[tilespmem:v3+s2+$0x1A10 ss:$0x1] =	vst.idx.msk $0xffff, v19;
	v14 =	vmul.f32 $3.200000000e+01, v14  }
0x30b: {  	v8 =	vmul.f32 $3.200000000e+01, v8;
	v19 =	vld.idx.msk [tilespmem:v3+s2+$0x1A20 ss:$0x1], $0xffff;
	[tilespmem:v3+s2+$0x1E20 ss:$0x1] =	vst.idx.msk $0xffff, v13  }
0x30c: {  	v12 =	vmul.f32 $3.200000000e+01, v12;
	[tilespmem:v3+s2+$0x220 ss:$0x1] =	vst.idx.msk $0xffff, v14  }
0x30d: {  	[tilespmem:v3+s0+$0xE60 ss:$0x1] =	vst.idx.msk $0xffff, v8;
	v15 =	vmul.f32 $3.200000000e+01, v15;
	v13 =	vld.idx.msk [tilespmem:v3+s2+$0x1E30 ss:$0x1], $0xffff  }
0x30e: {  	v16 =	vmul.f32 $3.200000000e+01, v16;
	v14 =	vld.idx.msk [tilespmem:v3+s2+$0x230 ss:$0x1], $0xffff;
	[tilespmem:v3+s2+$0x620 ss:$0x1] =	vst.idx.msk $0xffff, v12  }
0x30f: {  	v17 =	vmul.f32 $3.200000000e+01, v17;
	v12 =	vld.idx.msk [tilespmem:v3+s2+$0x630 ss:$0x1], $0xffff;
	[tilespmem:v3+s2+$0xA20 ss:$0x1] =	vst.idx.msk $0xffff, v15  }
0x310: {  	v18 =	vmul.f32 $3.200000000e+01, v18;
	v15 =	vld.idx.msk [tilespmem:v3+s2+$0xA30 ss:$0x1], $0xffff;
	[tilespmem:v3+s2+$0xE20 ss:$0x1] =	vst.idx.msk $0xffff, v16  }
0x311: {  	v19 =	vmul.f32 $3.200000000e+01, v19;
	v16 =	vld.idx.msk [tilespmem:v3+s2+$0xE30 ss:$0x1], $0xffff;
	[tilespmem:v3+s2+$0x1220 ss:$0x1] =	vst.idx.msk $0xffff, v17  }
0x312: {  	v17 =	vld.idx.msk [tilespmem:v3+s2+$0x1230 ss:$0x1], $0xffff;
	[tilespmem:v3+s2+$0x1620 ss:$0x1] =	vst.idx.msk $0xffff, v18;
	v13 =	vmul.f32 $3.200000000e+01, v13  }
0x313: {  	v18 =	vld.idx.msk [tilespmem:v3+s2+$0x1630 ss:$0x1], $0xffff;
	[tilespmem:v3+s2+$0x1A20 ss:$0x1] =	vst.idx.msk $0xffff, v19;
	v14 =	vmul.f32 $3.200000000e+01, v14  }
0x314: {  	v7 =	vmul.f32 $3.200000000e+01, v7;
	v19 =	vld.idx.msk [tilespmem:v3+s2+$0x1A30 ss:$0x1], $0xffff;
	[tilespmem:v3+s2+$0x1E30 ss:$0x1] =	vst.idx.msk $0xffff, v13  }
0x315: {  	v12 =	vmul.f32 $3.200000000e+01, v12;
	[tilespmem:v3+s2+$0x230 ss:$0x1] =	vst.idx.msk $0xffff, v14  }
0x316: {  	[tilespmem:v3+s0+$0x1260 ss:$0x1] =	vst.idx.msk $0xffff, v7;
	v15 =	vmul.f32 $3.200000000e+01, v15;
	v13 =	vld.idx.msk [tilespmem:v3+s2+$0x1E40 ss:$0x1], $0xffff  }
0x317: {  	v16 =	vmul.f32 $3.200000000e+01, v16;
	v14 =	vld.idx.msk [tilespmem:v3+s2+$0x240 ss:$0x1], $0xffff;
	[tilespmem:v3+s2+$0x630 ss:$0x1] =	vst.idx.msk $0xffff, v12  }
0x318: {  	v17 =	vmul.f32 $3.200000000e+01, v17;
	v12 =	vld.idx.msk [tilespmem:v3+s2+$0x640 ss:$0x1], $0xffff;
	[tilespmem:v3+s2+$0xA30 ss:$0x1] =	vst.idx.msk $0xffff, v15  }
0x319: {  	v18 =	vmul.f32 $3.200000000e+01, v18;
	v15 =	vld.idx.msk [tilespmem:v3+s2+$0xA40 ss:$0x1], $0xffff;
	[tilespmem:v3+s2+$0xE30 ss:$0x1] =	vst.idx.msk $0xffff, v16  }
0x31a: {  	v19 =	vmul.f32 $3.200000000e+01, v19;
	v16 =	vld.idx.msk [tilespmem:v3+s2+$0xE40 ss:$0x1], $0xffff;
	[tilespmem:v3+s2+$0x1230 ss:$0x1] =	vst.idx.msk $0xffff, v17  }
0x31b: {  	v17 =	vld.idx.msk [tilespmem:v3+s2+$0x1240 ss:$0x1], $0xffff;
	[tilespmem:v3+s2+$0x1630 ss:$0x1] =	vst.idx.msk $0xffff, v18;
	v13 =	vmul.f32 $3.200000000e+01, v13  }
0x31c: {  	v18 =	vld.idx.msk [tilespmem:v3+s2+$0x1640 ss:$0x1], $0xffff;
	[tilespmem:v3+s2+$0x1A30 ss:$0x1] =	vst.idx.msk $0xffff, v19;
	v14 =	vmul.f32 $3.200000000e+01, v14  }
0x31d: {  	v5 =	vmul.f32 $3.200000000e+01, v5;
	v19 =	vld.idx.msk [tilespmem:v3+s2+$0x1A40 ss:$0x1], $0xffff;
	[tilespmem:v3+s2+$0x1E40 ss:$0x1] =	vst.idx.msk $0xffff, v13  }
0x31e: {  	v12 =	vmul.f32 $3.200000000e+01, v12;
	[tilespmem:v3+s2+$0x240 ss:$0x1] =	vst.idx.msk $0xffff, v14  }
0x31f: {  	[tilespmem:v3+s0+$0x1660 ss:$0x1] =	vst.idx.msk $0xffff, v5;
	v15 =	vmul.f32 $3.200000000e+01, v15;
	v13 =	vld.idx.msk [tilespmem:v3+s2+$0x1E50 ss:$0x1], $0xffff  }
0x320: {  	v16 =	vmul.f32 $3.200000000e+01, v16;
	v14 =	vld.idx.msk [tilespmem:v3+s2+$0x250 ss:$0x1], $0xffff;
	[tilespmem:v3+s2+$0x640 ss:$0x1] =	vst.idx.msk $0xffff, v12  }
0x321: {  	v17 =	vmul.f32 $3.200000000e+01, v17;
	v12 =	vld.idx.msk [tilespmem:v3+s2+$0x650 ss:$0x1], $0xffff;
	[tilespmem:v3+s2+$0xA40 ss:$0x1] =	vst.idx.msk $0xffff, v15  }
0x322: {  	v18 =	vmul.f32 $3.200000000e+01, v18;
	v15 =	vld.idx.msk [tilespmem:v3+s2+$0xA50 ss:$0x1], $0xffff;
	[tilespmem:v3+s2+$0xE40 ss:$0x1] =	vst.idx.msk $0xffff, v16  }
0x323: {  	v19 =	vmul.f32 $3.200000000e+01, v19;
	v16 =	vld.idx.msk [tilespmem:v3+s2+$0xE50 ss:$0x1], $0xffff;
	[tilespmem:v3+s2+$0x1240 ss:$0x1] =	vst.idx.msk $0xffff, v17  }
0x324: {  	v17 =	vld.idx.msk [tilespmem:v3+s2+$0x1250 ss:$0x1], $0xffff;
	[tilespmem:v3+s2+$0x1640 ss:$0x1] =	vst.idx.msk $0xffff, v18;
	v13 =	vmul.f32 $3.200000000e+01, v13  }
0x325: {  	v18 =	vld.idx.msk [tilespmem:v3+s2+$0x1650 ss:$0x1], $0xffff;
	[tilespmem:v3+s2+$0x1A40 ss:$0x1] =	vst.idx.msk $0xffff, v19;
	v14 =	vmul.f32 $3.200000000e+01, v14  }
0x326: {  	v6 =	vmul.f32 $3.200000000e+01, v6;
	v19 =	vld.idx.msk [tilespmem:v3+s2+$0x1A50 ss:$0x1], $0xffff;
	[tilespmem:v3+s2+$0x1E50 ss:$0x1] =	vst.idx.msk $0xffff, v13  }
0x327: {  	v12 =	vmul.f32 $3.200000000e+01, v12;
	[tilespmem:v3+s2+$0x250 ss:$0x1] =	vst.idx.msk $0xffff, v14  }
0x328: {  	[tilespmem:v3+s0+$0x1A60 ss:$0x1] =	vst.idx.msk $0xffff, v6;
	v45 =	vmul.f32 $3.200000000e+01, v15;
	v13 =	vld.idx.msk [tilespmem:v3+s2+$0x1E60 ss:$0x1], $0xffff  }
0x329: {  	v47 =	vmul.f32 $3.200000000e+01, v16;
	v43 =	vld.idx.msk [tilespmem:v3+s2+$0x260 ss:$0x1], $0xffff;
	[tilespmem:v3+s2+$0x650 ss:$0x1] =	vst.idx.msk $0xffff, v12  }
0x32a: {  	v49 =	vmul.f32 $3.200000000e+01, v17;
	v46 =	vld.idx.msk [tilespmem:v3+s2+$0x660 ss:$0x1], $0xffff;
	[tilespmem:v3+s2+$0xA50 ss:$0x1] =	vst.idx.msk $0xffff, v45  }
0x32b: {  	v51 =	vmul.f32 $3.200000000e+01, v18;
	v48 =	vld.idx.msk [tilespmem:v3+s2+$0xA60 ss:$0x1], $0xffff;
	[tilespmem:v3+s2+$0xE50 ss:$0x1] =	vst.idx.msk $0xffff, v47  }
0x32c: {  	v53 =	vmul.f32 $3.200000000e+01, v19;
	v50 =	vld.idx.msk [tilespmem:v3+s2+$0xE60 ss:$0x1], $0xffff;
	[tilespmem:v3+s2+$0x1250 ss:$0x1] =	vst.idx.msk $0xffff, v49  }
0x32d: {  	v52 =	vld.idx.msk [tilespmem:v3+s2+$0x1260 ss:$0x1], $0xffff;
	[tilespmem:v3+s2+$0x1650 ss:$0x1] =	vst.idx.msk $0xffff, v51;
	v13 =	vmul.f32 $3.200000000e+01, v13  }
0x32e: {  	v54 =	vld.idx.msk [tilespmem:v3+s2+$0x1660 ss:$0x1], $0xffff;
	[tilespmem:v3+s2+$0x1A50 ss:$0x1] =	vst.idx.msk $0xffff, v53;
	v55 =	vmul.f32 $3.200000000e+01, v43  }
0x32f: {  	v12 =	vmul.f32 $3.200000000e+01, v44;
	v56 =	vld.idx.msk [tilespmem:v3+s2+$0x1A60 ss:$0x1], $0xffff;
	[tilespmem:v3+s2+$0x1E60 ss:$0x1] =	vst.idx.msk $0xffff, v13  }
0x330: {  	v11 =	vmul.f32 $3.200000000e+01, v46;
	[tilespmem:v3+s2+$0x260 ss:$0x1] =	vst.idx.msk $0xffff, v55  }
0x331: {  	[tilespmem:v3+s0+$0x1E70 ss:$0x1] =	vst.idx.msk $0xffff, v12;
	v57 =	vmul.f32 $3.200000000e+01, v48;
	v58 =	vld.idx.msk [tilespmem:v3+s2+$0x1E70 ss:$0x1], $0xffff  }
0x332: {  	v8 =	vmul.f32 $3.200000000e+01, v50;
	[tilespmem:v3+s2+$0x660 ss:$0x1] =	vst.idx.msk $0xffff, v11  }
0x333: {  	v59 =	vmul.f32 $3.200000000e+01, v52;
	[tilespmem:v3+s2+$0xA60 ss:$0x1] =	vst.idx.msk $0xffff, v57  }
0x334: {  	v5 =	vmul.f32 $3.200000000e+01, v54;
	[tilespmem:v3+s2+$0xE60 ss:$0x1] =	vst.idx.msk $0xffff, v8  }
0x335: {  	v60 =	vmul.f32 $3.200000000e+01, v56;
	[tilespmem:v3+s2+$0x1260 ss:$0x1] =	vst.idx.msk $0xffff, v59  }
0x336: {  	[tilespmem:v3+s2+$0x1660 ss:$0x1] =	vst.idx.msk $0xffff, v5;
	v61 =	vmul.f32 $3.200000000e+01, v58  }
0x337: {  	[tilespmem:v3+s2+$0x1A60 ss:$0x1] =	vst.idx.msk $0xffff, v60  }
0x338: {  	v62 =	vld.idx.msk [tilespmem:v3+s0+$0x270 ss:$0x1], $0xffff;
	[tilespmem:v3+s2+$0x1E70 ss:$0x1] =	vst.idx.msk $0xffff, v61  }
0x339: {  	v5 =	vld.idx.msk [tilespmem:v3+s2+$0x270 ss:$0x1], $0xffff;
	_ =	sdelay $0x3  }
0x33a: {  	v6 =	vmul.f32 $3.200000000e+01, v62  }
0x33b: {  	v5 =	vmul.f32 $3.200000000e+01, v5  }
0x33c: {  	[tilespmem:v3+s0+$0x270 ss:$0x1] =	vst.idx.msk $0xffff, v6  }
0x33d: {  	v6 =	vld.idx.msk [tilespmem:v3+s0+$0x670 ss:$0x1], $0xffff;
	[tilespmem:v3+s2+$0x270 ss:$0x1] =	vst.idx.msk $0xffff, v5  }
0x33e: {  	v5 =	vld.idx.msk [tilespmem:v3+s2+$0x670 ss:$0x1], $0xffff;
	_ =	sdelay $0x3  }
0x33f: {  	v6 =	vmul.f32 $3.200000000e+01, v6  }
0x340: {  	v5 =	vmul.f32 $3.200000000e+01, v5  }
0x341: {  	[tilespmem:v3+s0+$0x670 ss:$0x1] =	vst.idx.msk $0xffff, v6  }
0x342: {  	v6 =	vld.idx.msk [tilespmem:v3+s0+$0xA70 ss:$0x1], $0xffff;
	[tilespmem:v3+s2+$0x670 ss:$0x1] =	vst.idx.msk $0xffff, v5  }
0x343: {  	v5 =	vld.idx.msk [tilespmem:v3+s2+$0xA70 ss:$0x1], $0xffff;
	_ =	sdelay $0x3  }
0x344: {  	v6 =	vmul.f32 $3.200000000e+01, v6  }
0x345: {  	v5 =	vmul.f32 $3.200000000e+01, v5  }
0x346: {  	[tilespmem:v3+s0+$0xA70 ss:$0x1] =	vst.idx.msk $0xffff, v6  }
0x347: {  	v6 =	vld.idx.msk [tilespmem:v3+s0+$0xE70 ss:$0x1], $0xffff;
	[tilespmem:v3+s2+$0xA70 ss:$0x1] =	vst.idx.msk $0xffff, v5  }
0x348: {  	v5 =	vld.idx.msk [tilespmem:v3+s2+$0xE70 ss:$0x1], $0xffff;
	_ =	sdelay $0x3  }
0x349: {  	v6 =	vmul.f32 $3.200000000e+01, v6  }
0x34a: {  	v5 =	vmul.f32 $3.200000000e+01, v5  }
0x34b: {  	[tilespmem:v3+s0+$0xE70 ss:$0x1] =	vst.idx.msk $0xffff, v6  }
0x34c: {  	v6 =	vld.idx.msk [tilespmem:v3+s0+$0x1270 ss:$0x1], $0xffff;
	[tilespmem:v3+s2+$0xE70 ss:$0x1] =	vst.idx.msk $0xffff, v5  }
0x34d: {  	v5 =	vld.idx.msk [tilespmem:v3+s2+$0x1270 ss:$0x1], $0xffff;
	_ =	sdelay $0x3  }
0x34e: {  	v6 =	vmul.f32 $3.200000000e+01, v6  }
0x34f: {  	v5 =	vmul.f32 $3.200000000e+01, v5  }
0x350: {  	[tilespmem:v3+s0+$0x1270 ss:$0x1] =	vst.idx.msk $0xffff, v6  }
0x351: {  	v6 =	vld.idx.msk [tilespmem:v3+s0+$0x1670 ss:$0x1], $0xffff;
	[tilespmem:v3+s2+$0x1270 ss:$0x1] =	vst.idx.msk $0xffff, v5  }
0x352: {  	v5 =	vld.idx.msk [tilespmem:v3+s2+$0x1670 ss:$0x1], $0xffff;
	_ =	sdelay $0x3  }
0x353: {  	v6 =	vmul.f32 $3.200000000e+01, v6  }
0x354: {  	v5 =	vmul.f32 $3.200000000e+01, v5  }
0x355: {  	[tilespmem:v3+s0+$0x1670 ss:$0x1] =	vst.idx.msk $0xffff, v6  }
0x356: {  	v6 =	vld.idx.msk [tilespmem:v3+s0+$0x1A70 ss:$0x1], $0xffff;
	[tilespmem:v3+s2+$0x1670 ss:$0x1] =	vst.idx.msk $0xffff, v5  }
0x357: {  	v5 =	vld.idx.msk [tilespmem:v3+s2+$0x1A70 ss:$0x1], $0xffff;
	_ =	sdelay $0x1  }
0x358: {  	s26 =	sadd.s32 $0x1, s26  }
0x359: {  	p0 =	sne.s32 s26, $0x10;
	v4 =	vmul.f32 $3.200000000e+01, v4  }
.Ltmp2:
0x35a: {  	v6 =	vmul.f32 $3.200000000e+01, v6;
	(pc) =	sbr.rel @p0 .LBB2_2-.Ltmp2, $4  }
0x35b: {  	[tilespmem:v3+s31+$0x1A70 ss:$0x1] =	vst.idx.msk $0xffff, v4;
	v63 =	vmul.f32 $3.200000000e+01, v5  }
0x35c: {  	s28 =	sshll.u32 s28, $0xB;
	[tilespmem:v3+s0+$0x1A70 ss:$0x1] =	vst.idx.msk $0xffff, v6  }
0x35d: {  	s10 =	sadd.s32 $0x8, s29;
	s31 =	sadd.s32 $0x200, s30;
	s0 =	sadd.s32 s28, s8;
	[tilespmem:v3+s2+$0x1A70 ss:$0x1] =	vst.idx.msk $0xffff, v63  }
0x35e: {  	[hbm4b:s0+s3] =	stream.linear.scatter [tilespmem:s31], [sflag:s10], $0x4000, $0x38;
	[tilespmem:$0x1C200] =	vst v63  }
0x35f: {  	_ =	swait.ge [sflag:s18], $0x4000  }
0x360: {  	[sflag:s18] =	ssyncset.done $0x0  }
0x361: {  	[sflag:s18] =	ssyncadd.s32 $0xFFFFC000  }
0x362: {  	_ =	swait.ge [sflag:s19], $0x4000  }
0x363: {  	[sflag:s19] =	ssyncset.done $0x0  }
0x364: {  	[sflag:s19] =	ssyncadd.s32 $0xFFFFC000  }
0x365: {  	_ =	swait.ge [sflag:s20], $0x4000  }
0x366: {  	[sflag:s20] =	ssyncset.done $0x0  }
0x367: {  	[sflag:s20] =	ssyncadd.s32 $0xFFFFC000  }
0x368: {  	_ =	swait.ge [sflag:s21], $0x4000  }
0x369: {  	[sflag:s21] =	ssyncset.done $0x0  }
0x36a: {  	[sflag:s21] =	ssyncadd.s32 $0xFFFFC000  }
0x36b: {  	_ =	swait.ge [sflag:s22], $0x4000  }
0x36c: {  	[sflag:s22] =	ssyncset.done $0x0  }
0x36d: {  	s25 =	sadd.s32 $0x1, s25;
	[sflag:s22] =	ssyncadd.s32 $0xFFFFC000  }
0x36e: {  	p0 =	sne.s32 s25, s9;
	_ =	swait.ge [sflag:s23], $0x4000  }
.Ltmp3:
0x36f: {  	[sflag:s23] =	ssyncset.done $0x0;
	(pc) =	sbr.rel @p0 .LBB2_1-.Ltmp3, $4  }
0x370: {  	[sflag:s23] =	ssyncadd.s32 $0xFFFFC000  }
0x371: {  	_ =	swait.ge [sflag:s24], $0x4000  }
0x372: {  	[sflag:s24] =	ssyncset.done $0x0  }
0x373: {  	[sflag:s24] =	ssyncadd.s32 $0xFFFFC000  }
0x374: {  	_ =	sfence.sel $0x180000  }
0x375: {  	[bflag:$0x0] =	sbarrier.arrive $0xFFFF  }
0x376: {  	_ =	strace $0x90000047  }
0x377: {  	s0 =	stileid.u32;
	[bflag:$0x2] =	sbarrier.arrive $0xFFFF  }
0x378: {  	p0 =	sne.s32 s0, $0x0;
	s0 =	rddreg [dreg:$0x3]  }
0x379: {  	s0 =	sadd.s32 @!p0 $0x100000, s0  }
0x37a: {  	[sflag:s0] =	ssyncadd.tile.s32 @!p0 $0x1;
	_ =	shalt  }
.Lfunc_end2:
_tile_overlayer_lowered:
.L_overlay_start_2:
0x37b: {  	(tag) =	ssettag $0x2  }
0x37c: {  	s0 =	rddreg [dreg:$0x0];
	s2 =	stileid.u32  }
0x37d: {  	s1 =	rddreg [dreg:$0x1];
	p0 =	sne.s32 s2, $0x0  }
0x37e: {  	s3 =	rddreg [dreg:$0x2];
	[bflag:$0x3] =	sbarrier.arrive $0xFFFF;
	s2 =	simm.s32 @!p0 $0x1C0F  }
0x37f: {  	[timem:s3], [sflag:s2] =	dma.local @!p0 [hbm:s0], s1  }
0x380: {  	s0 =	simm.s32 @!p0 $0xF  }
0x381: {  	_ =	swait.ge @!p0 [sflag:s0], s1  }
0x382: {  	s1 =	ssub.s32 @!p0 $0x0, s1;
	[sflag:s0] =	ssyncset.done @!p0 $0x0  }
0x383: {  	[sflag:s0] =	ssyncadd.s32 @!p0 s1  }
0x384: {  	[bflag:$0x3] =	sbarrier.arrive $0xFFFF  }
0x385: {  	_ =	shalt  }

</sc_bundles>
